<compile_context>
chip_gen: v7x
topology: tpu7x:2x2x1
jax: 0.10.2.dev20260603
libtpu: 0.0.44.dev20260713+nightly
codegen_flags: <defaults>
</compile_context>

<pallas_src>
import functools

import jax
import jax.numpy as jnp
from jax import lax
from jax.experimental import pallas as pl
from jax.experimental.pallas import tpu as pltpu
from jax.experimental.pallas import tpu_sc as plsc

N = 10000
D = 128
K = 16
M = K + 1
REG = 0.05
ITERS = 3
BN = 200

NC, NS = 2, 16
NW = NC * NS
NPAD = 10240
NTOT = K * NPAD
ROWS_W = NTOT // NW
CHUNK = 80
CH_W = ROWS_W // CHUNK
NB = 8


def _gather_body(x_hbm, idx_hbm, out_hbm, idx_v, *scr):
    bufs = scr[:NB]
    gsems = scr[NB:2 * NB]
    ssems = scr[2 * NB:3 * NB]
    wid = lax.axis_index("c") * NS + lax.axis_index("s")
    rbase = wid * ROWS_W
    pltpu.sync_copy(idx_hbm.at[wid], idx_v)

    def g(j):
        return pltpu.make_async_copy(
            x_hbm.at[idx_v.at[j]], bufs[j % NB], gsems[j % NB])

    def s(j):
        return pltpu.make_async_copy(
            bufs[j % NB], out_hbm.at[pl.ds(rbase + j * CHUNK, CHUNK)],
            ssems[j % NB])

    for j in range(NB):
        g(j).start()
    for j in range(CH_W):
        g(j).wait()
        s(j).start()
        if j >= 1 and j - 1 + NB < CH_W:
            s(j - 1).wait()
            g(j - 1 + NB).start()
    for j in range(max(0, CH_W - NB), CH_W):
        s(j).wait()


@functools.cache
def _sc_gather():
    return pl.kernel(
        _gather_body,
        mesh=plsc.VectorSubcoreMesh(core_axis_name="c", subcore_axis_name="s"),
        out_type=jax.ShapeDtypeStruct((NTOT, D), jnp.float32),
        scratch_types=(
            [pltpu.VMEM((CH_W, CHUNK), jnp.int32)]
            + [pltpu.VMEM((CHUNK, D), jnp.float32) for _ in range(NB)]
            + [pltpu.SemaphoreType.DMA for _ in range(2 * NB)]
        ),
    )


def _sinkhorn_body(p_ref, x_ref, cost_ref, out_ref):
    P = jnp.concatenate([p_ref[...].reshape(K * BN, D), x_ref[...]], axis=0)
    Km = jnp.exp(cost_ref[...] * (-1.0 / REG))
    r = jnp.sum(Km, axis=1)
    inv_m = jnp.float32(1.0 / M)

    def bary(Ktu):
        Ktu = jnp.maximum(Ktu, 1e-30)
        logsum = jnp.sum(jnp.log(Ktu).reshape(M, BN, D), axis=0)
        b = jnp.exp(logsum * inv_m)
        b_rows = jnp.broadcast_to(b[None, :, :], (M, BN, D)).reshape(M * BN, D)
        return b, b_rows / Ktu

    Kms = Km * (1.0 / r)[:, None]
    b, v = bary(jnp.dot(P, Kms, preferred_element_type=jnp.float32))
    for it in range(1, ITERS):
        Kv = jnp.maximum(jnp.dot(v, Km.T, preferred_element_type=jnp.float32), 1e-30)
        u = P / Kv
        Ktu = jnp.dot(u, Km, preferred_element_type=jnp.float32)
        if it < ITERS - 1:
            b, v = bary(Ktu)
        else:
            b, _ = bary(Ktu)
    out_ref[...] = b / jnp.maximum(jnp.sum(b, axis=1, keepdims=True), 1e-30)


def _sinkhorn_tc(p_mm, x, cost):
    grid = N // BN
    return pl.pallas_call(
        _sinkhorn_body,
        grid=(grid,),
        in_specs=[
            pl.BlockSpec((K, BN, D), lambda i: (0, i, 0)),
            pl.BlockSpec((BN, D), lambda i: (i, 0)),
            pl.BlockSpec((D, D), lambda i: (0, 0)),
        ],
        out_specs=pl.BlockSpec((BN, D), lambda i: (i, 0)),
        out_shape=jax.ShapeDtypeStruct((N, D), jnp.float32),
    )(p_mm, x, cost)


@jax.jit
def kernel(trans_X, costMatrix, neigh_idx):
    idx = neigh_idx.astype(jnp.int32)
    idx_mm = jnp.pad(idx.T, ((0, 0), (0, NPAD - N)))
    idx3d = idx_mm.reshape(NW, CH_W, CHUNK)
    p_flat = _sc_gather()(trans_X, idx3d)
    p_mm = p_flat.reshape(K, NPAD, D)
    return _sinkhorn_tc(p_mm, trans_X, costMatrix)

# --- scband reference (transcript-rebuilt; emitter-appended) ---
"""Pipeline reference for scband-wgcn-layer-41566693491077 (READ-ONLY COPY).

The authoritative reference and input builder live on the scoring server;
editing this copy changes nothing except your own understanding.
"""

import jax, jax.numpy as jnp
import numpy as np

N = 10000      # n_nodes
D = 128        # support size of each per-node distribution (d_feat)
K = 16         # fixed neighbor count (avg_degree); degree with self-loop = K+1
H = 1          # number of barycenter propagation steps (init arg h)
REG = 0.05     # entropic regularization for Sinkhorn barycenter
ITERS = 3      # Sinkhorn iterations inside barycenter.compute


def setup_inputs(seed: int = 0) -> dict:
    key = jax.random.key(seed)
    k1, k2, k3 = jax.random.split(key, 3)
    x = jax.random.uniform(k1, (N, D), dtype=jnp.float32) + 1e-3
    trans_X = x / jnp.sum(x, axis=1, keepdims=True)  # rows are distributions (GMM weights)
    neigh_idx = jax.random.randint(k2, (N, K), 0, N, dtype=jnp.int64)  # adj_list as fixed-degree neighbor table
    c = jax.random.uniform(k3, (D, D), dtype=jnp.float32)
    costMatrix = 0.5 * (c + c.T)
    costMatrix = costMatrix.at[jnp.diag_indices(D)].set(0.0)
    return {"trans_X": trans_X, "costMatrix": costMatrix, "neigh_idx": neigh_idx}


def _sinkhorn_barycenter(P, Kmat, w, iters):
    # P: [n, d, m] -- m input distributions (columns, matching input_gmm.T) per node
    # Kmat: [d, d] Gibbs kernel exp(-C/reg); w: [m] barycentric weights
    v = jnp.ones_like(P)
    b = jnp.mean(P, axis=2, keepdims=True)
    for _ in range(iters):
        Kv = jnp.einsum('de,nem->ndm', Kmat, v)
        u = P / jnp.clip(Kv, 1e-30, None)
        Ktu = jnp.einsum('ed,nem->ndm', Kmat, u)
        logKtu = jnp.log(jnp.clip(Ktu, 1e-30, None))
        b = jnp.exp(jnp.sum(w[None, None, :] * logKtu, axis=2, keepdims=True))
        v = b / jnp.clip(Ktu, 1e-30, None)
    return b[..., 0]


def reference(trans_X, costMatrix, neigh_idx):
    Kmat = jnp.exp(-costMatrix / REG)
    w = jnp.full((K + 1,), 1.0 / (K + 1), dtype=jnp.float32)  # bary_weight == 'uniform'
    x = trans_X
    for _ in range(H):
        neigh = x[neigh_idx]                      # gather neighbor distributions [N, K, D]
        selfx = x[:, None, :]                     # append self (neighs_list.append(j))
        P = jnp.concatenate([neigh, selfx], axis=1)   # [N, K+1, D]
        P = jnp.transpose(P, (0, 2, 1))           # input_gmm.T per node -> [N, D, K+1]
        x = _sinkhorn_barycenter(P, Kmat, w, ITERS)
        x = x / jnp.clip(jnp.sum(x, axis=1, keepdims=True), 1e-30, None)
    return x

if __name__ == "__main__":
    import jax
    _d = setup_inputs()
    print(jax.jit(kernel)(*tuple(_d.values())))

</pallas_src>

<mosaic_0001>
#map = affine_map<(d0, d1) -> (0, 0)>
#map1 = affine_map<(d0, d1) -> (0, 0, 0)>
module attributes {stable_mosaic.version = 14 : i64} {
  func.func @_gather_body(%arg0: i32, %arg1: i32, %arg2: memref<10000x128xf32, #tpu.memory_space<hbm>>, %arg3: memref<32x64x80xi32, #tpu.memory_space<hbm>>, %arg4: memref<163840x128xf32, #tpu.memory_space<hbm>>, %arg5: memref<64x80xi32, #tpu.memory_space<vmem>>, %arg6: memref<80x128xf32, #tpu.memory_space<vmem>>, %arg7: memref<80x128xf32, #tpu.memory_space<vmem>>, %arg8: memref<80x128xf32, #tpu.memory_space<vmem>>, %arg9: memref<80x128xf32, #tpu.memory_space<vmem>>, %arg10: memref<80x128xf32, #tpu.memory_space<vmem>>, %arg11: memref<80x128xf32, #tpu.memory_space<vmem>>, %arg12: memref<80x128xf32, #tpu.memory_space<vmem>>, %arg13: memref<80x128xf32, #tpu.memory_space<vmem>>, %arg14: memref<!tpu.dma_semaphore, #tpu.memory_space<semaphore_mem>>, %arg15: memref<!tpu.dma_semaphore, #tpu.memory_space<semaphore_mem>>, %arg16: memref<!tpu.dma_semaphore, #tpu.memory_space<semaphore_mem>>, %arg17: memref<!tpu.dma_semaphore, #tpu.memory_space<semaphore_mem>>, %arg18: memref<!tpu.dma_semaphore, #tpu.memory_space<semaphore_mem>>, %arg19: memref<!tpu.dma_semaphore, #tpu.memory_space<semaphore_mem>>, %arg20: memref<!tpu.dma_semaphore, #tpu.memory_space<semaphore_mem>>, %arg21: memref<!tpu.dma_semaphore, #tpu.memory_space<semaphore_mem>>, %arg22: memref<!tpu.dma_semaphore, #tpu.memory_space<semaphore_mem>>, %arg23: memref<!tpu.dma_semaphore, #tpu.memory_space<semaphore_mem>>, %arg24: memref<!tpu.dma_semaphore, #tpu.memory_space<semaphore_mem>>, %arg25: memref<!tpu.dma_semaphore, #tpu.memory_space<semaphore_mem>>, %arg26: memref<!tpu.dma_semaphore, #tpu.memory_space<semaphore_mem>>, %arg27: memref<!tpu.dma_semaphore, #tpu.memory_space<semaphore_mem>>, %arg28: memref<!tpu.dma_semaphore, #tpu.memory_space<semaphore_mem>>, %arg29: memref<!tpu.dma_semaphore, #tpu.memory_space<semaphore_mem>>) attributes {dimension_semantics = [#tpu.dimension_semantics<core_parallel>, #tpu.dimension_semantics<subcore_parallel>], iteration_bounds = array<i64: 2, 16>, scalar_prefetch = 0 : i64, scratch_operands = 25 : i64, tpu.core_type = #tpu.core_type<sc_vector_subcore>, window_params = [{transform_indices = #map}, {transform_indices = #map1}, {transform_indices = #map}]} {
    %mul3A = arith.constant 16 : i32
    %mul3A_0 = arith.muli %arg0, %mul3A : i32
    %add3A = arith.addi %mul3A_0, %arg1 : i32
    %mul3A_1 = arith.constant 5120 : i32
    %mul3A_2 = arith.muli %add3A, %mul3A_1 : i32
    "tpu.region"() ({
      %run_scoped3A = tpu.sem_alloc : memref<!tpu.dma_semaphore, #tpu.memory_space<semaphore_mem>>
      %dma_start3A_1665 = arith.constant 0 : i32
      %dma_start3A_1666 = arith.constant 0 : i32
      %dma_start3A_1667 = tpu.memref_slice %arg3[%add3A, %dma_start3A_1665, %dma_start3A_1666] : memref<32x64x80xi32, #tpu.memory_space<hbm>> -> memref<1x64x80xi32, #tpu.memory_space<hbm>>
      %dma_start3A_1668 = tpu.memref_squeeze %dma_start3A_1667 : memref<1x64x80xi32, #tpu.memory_space<hbm>> -> memref<64x80xi32, #tpu.memory_space<hbm>>
      %dma_start3A_1669 = arith.constant 0 : i32
      %dma_start3A_1670 = arith.constant 0 : i32
      %dma_start3A_1671 = tpu.memref_slice %arg3[%add3A, %dma_start3A_1669, %dma_start3A_1670] : memref<32x64x80xi32, #tpu.memory_space<hbm>> -> memref<1x64x80xi32, #tpu.memory_space<hbm>>
      %dma_start3A_1672 = tpu.memref_squeeze %dma_start3A_1671 : memref<1x64x80xi32, #tpu.memory_space<hbm>> -> memref<64x80xi32, #tpu.memory_space<hbm>>
      tpu.enqueue_dma source(%dma_start3A_1672 : memref<64x80xi32, #tpu.memory_space<hbm>>) target(%arg5 : memref<64x80xi32, #tpu.memory_space<vmem>>) target_semaphore(%run_scoped3A : memref<!tpu.dma_semaphore, #tpu.memory_space<semaphore_mem>>)
      %dma_wait3A_1673 = arith.constant 0 : i32
      %dma_wait3A_1674 = arith.constant 0 : i32
      %dma_wait3A_1675 = tpu.memref_slice %arg3[%add3A, %dma_wait3A_1673, %dma_wait3A_1674] : memref<32x64x80xi32, #tpu.memory_space<hbm>> -> memref<1x64x80xi32, #tpu.memory_space<hbm>>
      %dma_wait3A_1676 = tpu.memref_squeeze %dma_wait3A_1675 : memref<1x64x80xi32, #tpu.memory_space<hbm>> -> memref<64x80xi32, #tpu.memory_space<hbm>>
      %dma_wait3A_1677 = arith.constant 0 : i32
      %dma_wait3A_1678 = arith.constant 0 : i32
      %dma_wait3A_1679 = tpu.memref_slice %arg3[%add3A, %dma_wait3A_1677, %dma_wait3A_1678] : memref<32x64x80xi32, #tpu.memory_space<hbm>> -> memref<1x64x80xi32, #tpu.memory_space<hbm>>
      %dma_wait3A_1680 = tpu.memref_squeeze %dma_wait3A_1679 : memref<1x64x80xi32, #tpu.memory_space<hbm>> -> memref<64x80xi32, #tpu.memory_space<hbm>>
      tpu.wait_dma2 semaphore(%run_scoped3A : memref<!tpu.dma_semaphore, #tpu.memory_space<semaphore_mem>>) src(%dma_wait3A_1680 : memref<64x80xi32, #tpu.memory_space<hbm>>) dst(%arg5 : memref<64x80xi32, #tpu.memory_space<vmem>>)
      tpu.yield
    }) : () -> ()
    %dma_start3A = arith.constant 0 : i32
    %dma_start3A_3 = arith.constant 0 : i32
    %dma_start3A_4 = tpu.memref_slice %arg5[%dma_start3A, %dma_start3A_3] : memref<64x80xi32, #tpu.memory_space<vmem>> -> memref<1x80xi32, #tpu.memory_space<vmem>>
    %dma_start3A_5 = tpu.memref_squeeze %dma_start3A_4 : memref<1x80xi32, #tpu.memory_space<vmem>> -> memref<80xi32, #tpu.memory_space<vmem>>
    %dma_start3A_6 = arith.constant 0 : i32
    %dma_start3A_7 = arith.constant 0 : i32
    %dma_start3A_8 = tpu.memref_slice %arg2[%dma_start3A_6, %dma_start3A_7] : memref<10000x128xf32, #tpu.memory_space<hbm>> -> memref<10000x128xf32, #tpu.memory_space<hbm>>
    tpu.enqueue_indirect_dma source(%dma_start3A_8 : memref<10000x128xf32, #tpu.memory_space<hbm>>) target(%arg6 : memref<80x128xf32, #tpu.memory_space<vmem>>) offsets(%dma_start3A_5 : memref<80xi32, #tpu.memory_space<vmem>>) semaphore(%arg14 : memref<!tpu.dma_semaphore, #tpu.memory_space<semaphore_mem>>)
    %dma_start3A_9 = arith.constant 1 : i32
    %dma_start3A_10 = arith.constant 0 : i32
    %dma_start3A_11 = tpu.memref_slice %arg5[%dma_start3A_9, %dma_start3A_10] : memref<64x80xi32, #tpu.memory_space<vmem>> -> memref<1x80xi32, #tpu.memory_space<vmem>>
    %dma_start3A_12 = tpu.memref_squeeze %dma_start3A_11 : memref<1x80xi32, #tpu.memory_space<vmem>> -> memref<80xi32, #tpu.memory_space<vmem>>
    %dma_start3A_13 = arith.constant 0 : i32
    %dma_start3A_14 = arith.constant 0 : i32
    %dma_start3A_15 = tpu.memref_slice %arg2[%dma_start3A_13, %dma_start3A_14] : memref<10000x128xf32, #tpu.memory_space<hbm>> -> memref<10000x128xf32, #tpu.memory_space<hbm>>
    tpu.enqueue_indirect_dma source(%dma_start3A_15 : memref<10000x128xf32, #tpu.memory_space<hbm>>) target(%arg7 : memref<80x128xf32, #tpu.memory_space<vmem>>) offsets(%dma_start3A_12 : memref<80xi32, #tpu.memory_space<vmem>>) semaphore(%arg15 : memref<!tpu.dma_semaphore, #tpu.memory_space<semaphore_mem>>)
    %dma_start3A_16 = arith.constant 2 : i32
    %dma_start3A_17 = arith.constant 0 : i32
    %dma_start3A_18 = tpu.memref_slice %arg5[%dma_start3A_16, %dma_start3A_17] : memref<64x80xi32, #tpu.memory_space<vmem>> -> memref<1x80xi32, #tpu.memory_space<vmem>>
    %dma_start3A_19 = tpu.memref_squeeze %dma_start3A_18 : memref<1x80xi32, #tpu.memory_space<vmem>> -> memref<80xi32, #tpu.memory_space<vmem>>
    %dma_start3A_20 = arith.constant 0 : i32
    %dma_start3A_21 = arith.constant 0 : i32
    %dma_start3A_22 = tpu.memref_slice %arg2[%dma_start3A_20, %dma_start3A_21] : memref<10000x128xf32, #tpu.memory_space<hbm>> -> memref<10000x128xf32, #tpu.memory_space<hbm>>
    tpu.enqueue_indirect_dma source(%dma_start3A_22 : memref<10000x128xf32, #tpu.memory_space<hbm>>) target(%arg8 : memref<80x128xf32, #tpu.memory_space<vmem>>) offsets(%dma_start3A_19 : memref<80xi32, #tpu.memory_space<vmem>>) semaphore(%arg16 : memref<!tpu.dma_semaphore, #tpu.memory_space<semaphore_mem>>)
    %dma_start3A_23 = arith.constant 3 : i32
    %dma_start3A_24 = arith.constant 0 : i32
    %dma_start3A_25 = tpu.memref_slice %arg5[%dma_start3A_23, %dma_start3A_24] : memref<64x80xi32, #tpu.memory_space<vmem>> -> memref<1x80xi32, #tpu.memory_space<vmem>>
    %dma_start3A_26 = tpu.memref_squeeze %dma_start3A_25 : memref<1x80xi32, #tpu.memory_space<vmem>> -> memref<80xi32, #tpu.memory_space<vmem>>
    %dma_start3A_27 = arith.constant 0 : i32
    %dma_start3A_28 = arith.constant 0 : i32
    %dma_start3A_29 = tpu.memref_slice %arg2[%dma_start3A_27, %dma_start3A_28] : memref<10000x128xf32, #tpu.memory_space<hbm>> -> memref<10000x128xf32, #tpu.memory_space<hbm>>
    tpu.enqueue_indirect_dma source(%dma_start3A_29 : memref<10000x128xf32, #tpu.memory_space<hbm>>) target(%arg9 : memref<80x128xf32, #tpu.memory_space<vmem>>) offsets(%dma_start3A_26 : memref<80xi32, #tpu.memory_space<vmem>>) semaphore(%arg17 : memref<!tpu.dma_semaphore, #tpu.memory_space<semaphore_mem>>)
    %dma_start3A_30 = arith.constant 4 : i32
    %dma_start3A_31 = arith.constant 0 : i32
    %dma_start3A_32 = tpu.memref_slice %arg5[%dma_start3A_30, %dma_start3A_31] : memref<64x80xi32, #tpu.memory_space<vmem>> -> memref<1x80xi32, #tpu.memory_space<vmem>>
    %dma_start3A_33 = tpu.memref_squeeze %dma_start3A_32 : memref<1x80xi32, #tpu.memory_space<vmem>> -> memref<80xi32, #tpu.memory_space<vmem>>
    %dma_start3A_34 = arith.constant 0 : i32
    %dma_start3A_35 = arith.constant 0 : i32
    %dma_start3A_36 = tpu.memref_slice %arg2[%dma_start3A_34, %dma_start3A_35] : memref<10000x128xf32, #tpu.memory_space<hbm>> -> memref<10000x128xf32, #tpu.memory_space<hbm>>
    tpu.enqueue_indirect_dma source(%dma_start3A_36 : memref<10000x128xf32, #tpu.memory_space<hbm>>) target(%arg10 : memref<80x128xf32, #tpu.memory_space<vmem>>) offsets(%dma_start3A_33 : memref<80xi32, #tpu.memory_space<vmem>>) semaphore(%arg18 : memref<!tpu.dma_semaphore, #tpu.memory_space<semaphore_mem>>)
    %dma_start3A_37 = arith.constant 5 : i32
    %dma_start3A_38 = arith.constant 0 : i32
    %dma_start3A_39 = tpu.memref_slice %arg5[%dma_start3A_37, %dma_start3A_38] : memref<64x80xi32, #tpu.memory_space<vmem>> -> memref<1x80xi32, #tpu.memory_space<vmem>>
    %dma_start3A_40 = tpu.memref_squeeze %dma_start3A_39 : memref<1x80xi32, #tpu.memory_space<vmem>> -> memref<80xi32, #tpu.memory_space<vmem>>
    %dma_start3A_41 = arith.constant 0 : i32
    %dma_start3A_42 = arith.constant 0 : i32
    %dma_start3A_43 = tpu.memref_slice %arg2[%dma_start3A_41, %dma_start3A_42] : memref<10000x128xf32, #tpu.memory_space<hbm>> -> memref<10000x128xf32, #tpu.memory_space<hbm>>
    tpu.enqueue_indirect_dma source(%dma_start3A_43 : memref<10000x128xf32, #tpu.memory_space<hbm>>) target(%arg11 : memref<80x128xf32, #tpu.memory_space<vmem>>) offsets(%dma_start3A_40 : memref<80xi32, #tpu.memory_space<vmem>>) semaphore(%arg19 : memref<!tpu.dma_semaphore, #tpu.memory_space<semaphore_mem>>)
    %dma_start3A_44 = arith.constant 6 : i32
    %dma_start3A_45 = arith.constant 0 : i32
    %dma_start3A_46 = tpu.memref_slice %arg5[%dma_start3A_44, %dma_start3A_45] : memref<64x80xi32, #tpu.memory_space<vmem>> -> memref<1x80xi32, #tpu.memory_space<vmem>>
    %dma_start3A_47 = tpu.memref_squeeze %dma_start3A_46 : memref<1x80xi32, #tpu.memory_space<vmem>> -> memref<80xi32, #tpu.memory_space<vmem>>
    %dma_start3A_48 = arith.constant 0 : i32
    %dma_start3A_49 = arith.constant 0 : i32
    %dma_start3A_50 = tpu.memref_slice %arg2[%dma_start3A_48, %dma_start3A_49] : memref<10000x128xf32, #tpu.memory_space<hbm>> -> memref<10000x128xf32, #tpu.memory_space<hbm>>
    tpu.enqueue_indirect_dma source(%dma_start3A_50 : memref<10000x128xf32, #tpu.memory_space<hbm>>) target(%arg12 : memref<80x128xf32, #tpu.memory_space<vmem>>) offsets(%dma_start3A_47 : memref<80xi32, #tpu.memory_space<vmem>>) semaphore(%arg20 : memref<!tpu.dma_semaphore, #tpu.memory_space<semaphore_mem>>)
    %dma_start3A_51 = arith.constant 7 : i32
    %dma_start3A_52 = arith.constant 0 : i32
    %dma_start3A_53 = tpu.memref_slice %arg5[%dma_start3A_51, %dma_start3A_52] : memref<64x80xi32, #tpu.memory_space<vmem>> -> memref<1x80xi32, #tpu.memory_space<vmem>>
    %dma_start3A_54 = tpu.memref_squeeze %dma_start3A_53 : memref<1x80xi32, #tpu.memory_space<vmem>> -> memref<80xi32, #tpu.memory_space<vmem>>
    %dma_start3A_55 = arith.constant 0 : i32
    %dma_start3A_56 = arith.constant 0 : i32
    %dma_start3A_57 = tpu.memref_slice %arg2[%dma_start3A_55, %dma_start3A_56] : memref<10000x128xf32, #tpu.memory_space<hbm>> -> memref<10000x128xf32, #tpu.memory_space<hbm>>
    tpu.enqueue_indirect_dma source(%dma_start3A_57 : memref<10000x128xf32, #tpu.memory_space<hbm>>) target(%arg13 : memref<80x128xf32, #tpu.memory_space<vmem>>) offsets(%dma_start3A_54 : memref<80xi32, #tpu.memory_space<vmem>>) semaphore(%arg21 : memref<!tpu.dma_semaphore, #tpu.memory_space<semaphore_mem>>)
    %dma_wait3A = arith.constant 0 : i32
    %dma_wait3A_58 = arith.constant 0 : i32
    %dma_wait3A_59 = tpu.memref_slice %arg5[%dma_wait3A, %dma_wait3A_58] : memref<64x80xi32, #tpu.memory_space<vmem>> -> memref<1x80xi32, #tpu.memory_space<vmem>>
    %dma_wait3A_60 = tpu.memref_squeeze %dma_wait3A_59 : memref<1x80xi32, #tpu.memory_space<vmem>> -> memref<80xi32, #tpu.memory_space<vmem>>
    %dma_wait3A_61 = arith.constant 0 : i32
    %dma_wait3A_62 = arith.constant 0 : i32
    %dma_wait3A_63 = tpu.memref_slice %arg2[%dma_wait3A_61, %dma_wait3A_62] : memref<10000x128xf32, #tpu.memory_space<hbm>> -> memref<10000x128xf32, #tpu.memory_space<hbm>>
    tpu.wait_indirect_dma semaphore(%arg14 : memref<!tpu.dma_semaphore, #tpu.memory_space<semaphore_mem>>) src(%dma_wait3A_63 : memref<10000x128xf32, #tpu.memory_space<hbm>>) dst(%arg6 : memref<80x128xf32, #tpu.memory_space<vmem>>)
    %add3A_64 = arith.constant 0 : i32
    %add3A_65 = arith.addi %mul3A_2, %add3A_64 : i32
    %dma_start3A_66 = arith.constant 0 : i32
    %dma_start3A_67 = tpu.memref_slice %arg4[%add3A_65, %dma_start3A_66] : memref<163840x128xf32, #tpu.memory_space<hbm>> -> memref<80x128xf32, #tpu.memory_space<hbm>>
    %dma_start3A_68 = arith.constant 0 : i32
    %dma_start3A_69 = tpu.memref_slice %arg4[%add3A_65, %dma_start3A_68] : memref<163840x128xf32, #tpu.memory_space<hbm>> -> memref<80x128xf32, #tpu.memory_space<hbm>>
    tpu.enqueue_dma source(%arg6 : memref<80x128xf32, #tpu.memory_space<vmem>>) target(%dma_start3A_69 : memref<80x128xf32, #tpu.memory_space<hbm>>) target_semaphore(%arg22 : memref<!tpu.dma_semaphore, #tpu.memory_space<semaphore_mem>>)
    %dma_wait3A_70 = arith.constant 1 : i32
    %dma_wait3A_71 = arith.constant 0 : i32
    %dma_wait3A_72 = tpu.memref_slice %arg5[%dma_wait3A_70, %dma_wait3A_71] : memref<64x80xi32, #tpu.memory_space<vmem>> -> memref<1x80xi32, #tpu.memory_space<vmem>>
    %dma_wait3A_73 = tpu.memref_squeeze %dma_wait3A_72 : memref<1x80xi32, #tpu.memory_space<vmem>> -> memref<80xi32, #tpu.memory_space<vmem>>
    %dma_wait3A_74 = arith.constant 0 : i32
    %dma_wait3A_75 = arith.constant 0 : i32
    %dma_wait3A_76 = tpu.memref_slice %arg2[%dma_wait3A_74, %dma_wait3A_75] : memref<10000x128xf32, #tpu.memory_space<hbm>> -> memref<10000x128xf32, #tpu.memory_space<hbm>>
    tpu.wait_indirect_dma semaphore(%arg15 : memref<!tpu.dma_semaphore, #tpu.memory_space<semaphore_mem>>) src(%dma_wait3A_76 : memref<10000x128xf32, #tpu.memory_space<hbm>>) dst(%arg7 : memref<80x128xf32, #tpu.memory_space<vmem>>)
    %add3A_77 = arith.constant 80 : i32
    %add3A_78 = arith.addi %mul3A_2, %add3A_77 : i32
    %dma_start3A_79 = arith.constant 0 : i32
    %dma_start3A_80 = tpu.memref_slice %arg4[%add3A_78, %dma_start3A_79] : memref<163840x128xf32, #tpu.memory_space<hbm>> -> memref<80x128xf32, #tpu.memory_space<hbm>>
    %dma_start3A_81 = arith.constant 0 : i32
    %dma_start3A_82 = tpu.memref_slice %arg4[%add3A_78, %dma_start3A_81] : memref<163840x128xf32, #tpu.memory_space<hbm>> -> memref<80x128xf32, #tpu.memory_space<hbm>>
    tpu.enqueue_dma source(%arg7 : memref<80x128xf32, #tpu.memory_space<vmem>>) target(%dma_start3A_82 : memref<80x128xf32, #tpu.memory_space<hbm>>) target_semaphore(%arg23 : memref<!tpu.dma_semaphore, #tpu.memory_space<semaphore_mem>>)
    %add3A_83 = arith.constant 0 : i32
    %add3A_84 = arith.addi %mul3A_2, %add3A_83 : i32
    %dma_wait3A_85 = arith.constant 0 : i32
    %dma_wait3A_86 = tpu.memref_slice %arg4[%add3A_84, %dma_wait3A_85] : memref<163840x128xf32, #tpu.memory_space<hbm>> -> memref<80x128xf32, #tpu.memory_space<hbm>>
    %dma_wait3A_87 = arith.constant 0 : i32
    %dma_wait3A_88 = tpu.memref_slice %arg4[%add3A_84, %dma_wait3A_87] : memref<163840x128xf32, #tpu.memory_space<hbm>> -> memref<80x128xf32, #tpu.memory_space<hbm>>
    tpu.wait_dma2 semaphore(%arg22 : memref<!tpu.dma_semaphore, #tpu.memory_space<semaphore_mem>>) src(%arg6 : memref<80x128xf32, #tpu.memory_space<vmem>>) dst(%dma_wait3A_88 : memref<80x128xf32, #tpu.memory_space<hbm>>)
    %dma_start3A_89 = arith.constant 8 : i32
    %dma_start3A_90 = arith.constant 0 : i32
    %dma_start3A_91 = tpu.memref_slice %arg5[%dma_start3A_89, %dma_start3A_90] : memref<64x80xi32, #tpu.memory_space<vmem>> -> memref<1x80xi32, #tpu.memory_space<vmem>>
    %dma_start3A_92 = tpu.memref_squeeze %dma_start3A_91 : memref<1x80xi32, #tpu.memory_space<vmem>> -> memref<80xi32, #tpu.memory_space<vmem>>
    %dma_start3A_93 = arith.constant 0 : i32
    %dma_start3A_94 = arith.constant 0 : i32
    %dma_start3A_95 = tpu.memref_slice %arg2[%dma_start3A_93, %dma_start3A_94] : memref<10000x128xf32, #tpu.memory_space<hbm>> -> memref<10000x128xf32, #tpu.memory_space<hbm>>
    tpu.enqueue_indirect_dma source(%dma_start3A_95 : memref<10000x128xf32, #tpu.memory_space<hbm>>) target(%arg6 : memref<80x128xf32, #tpu.memory_space<vmem>>) offsets(%dma_start3A_92 : memref<80xi32, #tpu.memory_space<vmem>>) semaphore(%arg14 : memref<!tpu.dma_semaphore, #tpu.memory_space<semaphore_mem>>)
    %dma_wait3A_96 = arith.constant 2 : i32
    %dma_wait3A_97 = arith.constant 0 : i32
    %dma_wait3A_98 = tpu.memref_slice %arg5[%dma_wait3A_96, %dma_wait3A_97] : memref<64x80xi32, #tpu.memory_space<vmem>> -> memref<1x80xi32, #tpu.memory_space<vmem>>
    %dma_wait3A_99 = tpu.memref_squeeze %dma_wait3A_98 : memref<1x80xi32, #tpu.memory_space<vmem>> -> memref<80xi32, #tpu.memory_space<vmem>>
    %dma_wait3A_100 = arith.constant 0 : i32
    %dma_wait3A_101 = arith.constant 0 : i32
    %dma_wait3A_102 = tpu.memref_slice %arg2[%dma_wait3A_100, %dma_wait3A_101] : memref<10000x128xf32, #tpu.memory_space<hbm>> -> memref<10000x128xf32, #tpu.memory_space<hbm>>
    tpu.wait_indirect_dma semaphore(%arg16 : memref<!tpu.dma_semaphore, #tpu.memory_space<semaphore_mem>>) src(%dma_wait3A_102 : memref<10000x128xf32, #tpu.memory_space<hbm>>) dst(%arg8 : memref<80x128xf32, #tpu.memory_space<vmem>>)
    %add3A_103 = arith.constant 160 : i32
    %add3A_104 = arith.addi %mul3A_2, %add3A_103 : i32
    %dma_start3A_105 = arith.constant 0 : i32
    %dma_start3A_106 = tpu.memref_slice %arg4[%add3A_104, %dma_start3A_105] : memref<163840x128xf32, #tpu.memory_space<hbm>> -> memref<80x128xf32, #tpu.memory_space<hbm>>
    %dma_start3A_107 = arith.constant 0 : i32
    %dma_start3A_108 = tpu.memref_slice %arg4[%add3A_104, %dma_start3A_107] : memref<163840x128xf32, #tpu.memory_space<hbm>> -> memref<80x128xf32, #tpu.memory_space<hbm>>
    tpu.enqueue_dma source(%arg8 : memref<80x128xf32, #tpu.memory_space<vmem>>) target(%dma_start3A_108 : memref<80x128xf32, #tpu.memory_space<hbm>>) target_semaphore(%arg24 : memref<!tpu.dma_semaphore, #tpu.memory_space<semaphore_mem>>)
    %add3A_109 = arith.constant 80 : i32
    %add3A_110 = arith.addi %mul3A_2, %add3A_109 : i32
    %dma_wait3A_111 = arith.constant 0 : i32
    %dma_wait3A_112 = tpu.memref_slice %arg4[%add3A_110, %dma_wait3A_111] : memref<163840x128xf32, #tpu.memory_space<hbm>> -> memref<80x128xf32, #tpu.memory_space<hbm>>
    %dma_wait3A_113 = arith.constant 0 : i32
    %dma_wait3A_114 = tpu.memref_slice %arg4[%add3A_110, %dma_wait3A_113] : memref<163840x128xf32, #tpu.memory_space<hbm>> -> memref<80x128xf32, #tpu.memory_space<hbm>>
    tpu.wait_dma2 semaphore(%arg23 : memref<!tpu.dma_semaphore, #tpu.memory_space<semaphore_mem>>) src(%arg7 : memref<80x128xf32, #tpu.memory_space<vmem>>) dst(%dma_wait3A_114 : memref<80x128xf32, #tpu.memory_space<hbm>>)
    %dma_start3A_115 = arith.constant 9 : i32
    %dma_start3A_116 = arith.constant 0 : i32
    %dma_start3A_117 = tpu.memref_slice %arg5[%dma_start3A_115, %dma_start3A_116] : memref<64x80xi32, #tpu.memory_space<vmem>> -> memref<1x80xi32, #tpu.memory_space<vmem>>
    %dma_start3A_118 = tpu.memref_squeeze %dma_start3A_117 : memref<1x80xi32, #tpu.memory_space<vmem>> -> memref<80xi32, #tpu.memory_space<vmem>>
    %dma_start3A_119 = arith.constant 0 : i32
    %dma_start3A_120 = arith.constant 0 : i32
    %dma_start3A_121 = tpu.memref_slice %arg2[%dma_start3A_119, %dma_start3A_120] : memref<10000x128xf32, #tpu.memory_space<hbm>> -> memref<10000x128xf32, #tpu.memory_space<hbm>>
    tpu.enqueue_indirect_dma source(%dma_start3A_121 : memref<10000x128xf32, #tpu.memory_space<hbm>>) target(%arg7 : memref<80x128xf32, #tpu.memory_space<vmem>>) offsets(%dma_start3A_118 : memref<80xi32, #tpu.memory_space<vmem>>) semaphore(%arg15 : memref<!tpu.dma_semaphore, #tpu.memory_space<semaphore_mem>>)
    %dma_wait3A_122 = arith.constant 3 : i32
    %dma_wait3A_123 = arith.constant 0 : i32
    %dma_wait3A_124 = tpu.memref_slice %arg5[%dma_wait3A_122, %dma_wait3A_123] : memref<64x80xi32, #tpu.memory_space<vmem>> -> memref<1x80xi32, #tpu.memory_space<vmem>>
    %dma_wait3A_125 = tpu.memref_squeeze %dma_wait3A_124 : memref<1x80xi32, #tpu.memory_space<vmem>> -> memref<80xi32, #tpu.memory_space<vmem>>
    %dma_wait3A_126 = arith.constant 0 : i32
    %dma_wait3A_127 = arith.constant 0 : i32
    %dma_wait3A_128 = tpu.memref_slice %arg2[%dma_wait3A_126, %dma_wait3A_127] : memref<10000x128xf32, #tpu.memory_space<hbm>> -> memref<10000x128xf32, #tpu.memory_space<hbm>>
    tpu.wait_indirect_dma semaphore(%arg17 : memref<!tpu.dma_semaphore, #tpu.memory_space<semaphore_mem>>) src(%dma_wait3A_128 : memref<10000x128xf32, #tpu.memory_space<hbm>>) dst(%arg9 : memref<80x128xf32, #tpu.memory_space<vmem>>)
    %add3A_129 = arith.constant 240 : i32
    %add3A_130 = arith.addi %mul3A_2, %add3A_129 : i32
    %dma_start3A_131 = arith.constant 0 : i32
    %dma_start3A_132 = tpu.memref_slice %arg4[%add3A_130, %dma_start3A_131] : memref<163840x128xf32, #tpu.memory_space<hbm>> -> memref<80x128xf32, #tpu.memory_space<hbm>>
    %dma_start3A_133 = arith.constant 0 : i32
    %dma_start3A_134 = tpu.memref_slice %arg4[%add3A_130, %dma_start3A_133] : memref<163840x128xf32, #tpu.memory_space<hbm>> -> memref<80x128xf32, #tpu.memory_space<hbm>>
    tpu.enqueue_dma source(%arg9 : memref<80x128xf32, #tpu.memory_space<vmem>>) target(%dma_start3A_134 : memref<80x128xf32, #tpu.memory_space<hbm>>) target_semaphore(%arg25 : memref<!tpu.dma_semaphore, #tpu.memory_space<semaphore_mem>>)
    %add3A_135 = arith.constant 160 : i32
    %add3A_136 = arith.addi %mul3A_2, %add3A_135 : i32
    %dma_wait3A_137 = arith.constant 0 : i32
    %dma_wait3A_138 = tpu.memref_slice %arg4[%add3A_136, %dma_wait3A_137] : memref<163840x128xf32, #tpu.memory_space<hbm>> -> memref<80x128xf32, #tpu.memory_space<hbm>>
    %dma_wait3A_139 = arith.constant 0 : i32
    %dma_wait3A_140 = tpu.memref_slice %arg4[%add3A_136, %dma_wait3A_139] : memref<163840x128xf32, #tpu.memory_space<hbm>> -> memref<80x128xf32, #tpu.memory_space<hbm>>
    tpu.wait_dma2 semaphore(%arg24 : memref<!tpu.dma_semaphore, #tpu.memory_space<semaphore_mem>>) src(%arg8 : memref<80x128xf32, #tpu.memory_space<vmem>>) dst(%dma_wait3A_140 : memref<80x128xf32, #tpu.memory_space<hbm>>)
    %dma_start3A_141 = arith.constant 10 : i32
    %dma_start3A_142 = arith.constant 0 : i32
    %dma_start3A_143 = tpu.memref_slice %arg5[%dma_start3A_141, %dma_start3A_142] : memref<64x80xi32, #tpu.memory_space<vmem>> -> memref<1x80xi32, #tpu.memory_space<vmem>>
    %dma_start3A_144 = tpu.memref_squeeze %dma_start3A_143 : memref<1x80xi32, #tpu.memory_space<vmem>> -> memref<80xi32, #tpu.memory_space<vmem>>
    %dma_start3A_145 = arith.constant 0 : i32
    %dma_start3A_146 = arith.constant 0 : i32
    %dma_start3A_147 = tpu.memref_slice %arg2[%dma_start3A_145, %dma_start3A_146] : memref<10000x128xf32, #tpu.memory_space<hbm>> -> memref<10000x128xf32, #tpu.memory_space<hbm>>
    tpu.enqueue_indirect_dma source(%dma_start3A_147 : memref<10000x128xf32, #tpu.memory_space<hbm>>) target(%arg8 : memref<80x128xf32, #tpu.memory_space<vmem>>) offsets(%dma_start3A_144 : memref<80xi32, #tpu.memory_space<vmem>>) semaphore(%arg16 : memref<!tpu.dma_semaphore, #tpu.memory_space<semaphore_mem>>)
    %dma_wait3A_148 = arith.constant 4 : i32
    %dma_wait3A_149 = arith.constant 0 : i32
    %dma_wait3A_150 = tpu.memref_slice %arg5[%dma_wait3A_148, %dma_wait3A_149] : memref<64x80xi32, #tpu.memory_space<vmem>> -> memref<1x80xi32, #tpu.memory_space<vmem>>
    %dma_wait3A_151 = tpu.memref_squeeze %dma_wait3A_150 : memref<1x80xi32, #tpu.memory_space<vmem>> -> memref<80xi32, #tpu.memory_space<vmem>>
    %dma_wait3A_152 = arith.constant 0 : i32
    %dma_wait3A_153 = arith.constant 0 : i32
    %dma_wait3A_154 = tpu.memref_slice %arg2[%dma_wait3A_152, %dma_wait3A_153] : memref<10000x128xf32, #tpu.memory_space<hbm>> -> memref<10000x128xf32, #tpu.memory_space<hbm>>
    tpu.wait_indirect_dma semaphore(%arg18 : memref<!tpu.dma_semaphore, #tpu.memory_space<semaphore_mem>>) src(%dma_wait3A_154 : memref<10000x128xf32, #tpu.memory_space<hbm>>) dst(%arg10 : memref<80x128xf32, #tpu.memory_space<vmem>>)
    %add3A_155 = arith.constant 320 : i32
    %add3A_156 = arith.addi %mul3A_2, %add3A_155 : i32
    %dma_start3A_157 = arith.constant 0 : i32
    %dma_start3A_158 = tpu.memref_slice %arg4[%add3A_156, %dma_start3A_157] : memref<163840x128xf32, #tpu.memory_space<hbm>> -> memref<80x128xf32, #tpu.memory_space<hbm>>
    %dma_start3A_159 = arith.constant 0 : i32
    %dma_start3A_160 = tpu.memref_slice %arg4[%add3A_156, %dma_start3A_159] : memref<163840x128xf32, #tpu.memory_space<hbm>> -> memref<80x128xf32, #tpu.memory_space<hbm>>
    tpu.enqueue_dma source(%arg10 : memref<80x128xf32, #tpu.memory_space<vmem>>) target(%dma_start3A_160 : memref<80x128xf32, #tpu.memory_space<hbm>>) target_semaphore(%arg26 : memref<!tpu.dma_semaphore, #tpu.memory_space<semaphore_mem>>)
    %add3A_161 = arith.constant 240 : i32
    %add3A_162 = arith.addi %mul3A_2, %add3A_161 : i32
    %dma_wait3A_163 = arith.constant 0 : i32
    %dma_wait3A_164 = tpu.memref_slice %arg4[%add3A_162, %dma_wait3A_163] : memref<163840x128xf32, #tpu.memory_space<hbm>> -> memref<80x128xf32, #tpu.memory_space<hbm>>
    %dma_wait3A_165 = arith.constant 0 : i32
    %dma_wait3A_166 = tpu.memref_slice %arg4[%add3A_162, %dma_wait3A_165] : memref<163840x128xf32, #tpu.memory_space<hbm>> -> memref<80x128xf32, #tpu.memory_space<hbm>>
    tpu.wait_dma2 semaphore(%arg25 : memref<!tpu.dma_semaphore, #tpu.memory_space<semaphore_mem>>) src(%arg9 : memref<80x128xf32, #tpu.memory_space<vmem>>) dst(%dma_wait3A_166 : memref<80x128xf32, #tpu.memory_space<hbm>>)
    %dma_start3A_167 = arith.constant 11 : i32
    %dma_start3A_168 = arith.constant 0 : i32
    %dma_start3A_169 = tpu.memref_slice %arg5[%dma_start3A_167, %dma_start3A_168] : memref<64x80xi32, #tpu.memory_space<vmem>> -> memref<1x80xi32, #tpu.memory_space<vmem>>
    %dma_start3A_170 = tpu.memref_squeeze %dma_start3A_169 : memref<1x80xi32, #tpu.memory_space<vmem>> -> memref<80xi32, #tpu.memory_space<vmem>>
    %dma_start3A_171 = arith.constant 0 : i32
    %dma_start3A_172 = arith.constant 0 : i32
    %dma_start3A_173 = tpu.memref_slice %arg2[%dma_start3A_171, %dma_start3A_172] : memref<10000x128xf32, #tpu.memory_space<hbm>> -> memref<10000x128xf32, #tpu.memory_space<hbm>>
    tpu.enqueue_indirect_dma source(%dma_start3A_173 : memref<10000x128xf32, #tpu.memory_space<hbm>>) target(%arg9 : memref<80x128xf32, #tpu.memory_space<vmem>>) offsets(%dma_start3A_170 : memref<80xi32, #tpu.memory_space<vmem>>) semaphore(%arg17 : memref<!tpu.dma_semaphore, #tpu.memory_space<semaphore_mem>>)
    %dma_wait3A_174 = arith.constant 5 : i32
    %dma_wait3A_175 = arith.constant 0 : i32
    %dma_wait3A_176 = tpu.memref_slice %arg5[%dma_wait3A_174, %dma_wait3A_175] : memref<64x80xi32, #tpu.memory_space<vmem>> -> memref<1x80xi32, #tpu.memory_space<vmem>>
    %dma_wait3A_177 = tpu.memref_squeeze %dma_wait3A_176 : memref<1x80xi32, #tpu.memory_space<vmem>> -> memref<80xi32, #tpu.memory_space<vmem>>
    %dma_wait3A_178 = arith.constant 0 : i32
    %dma_wait3A_179 = arith.constant 0 : i32
    %dma_wait3A_180 = tpu.memref_slice %arg2[%dma_wait3A_178, %dma_wait3A_179] : memref<10000x128xf32, #tpu.memory_space<hbm>> -> memref<10000x128xf32, #tpu.memory_space<hbm>>
    tpu.wait_indirect_dma semaphore(%arg19 : memref<!tpu.dma_semaphore, #tpu.memory_space<semaphore_mem>>) src(%dma_wait3A_180 : memref<10000x128xf32, #tpu.memory_space<hbm>>) dst(%arg11 : memref<80x128xf32, #tpu.memory_space<vmem>>)
    %add3A_181 = arith.constant 400 : i32
    %add3A_182 = arith.addi %mul3A_2, %add3A_181 : i32
    %dma_start3A_183 = arith.constant 0 : i32
    %dma_start3A_184 = tpu.memref_slice %arg4[%add3A_182, %dma_start3A_183] : memref<163840x128xf32, #tpu.memory_space<hbm>> -> memref<80x128xf32, #tpu.memory_space<hbm>>
    %dma_start3A_185 = arith.constant 0 : i32
    %dma_start3A_186 = tpu.memref_slice %arg4[%add3A_182, %dma_start3A_185] : memref<163840x128xf32, #tpu.memory_space<hbm>> -> memref<80x128xf32, #tpu.memory_space<hbm>>
    tpu.enqueue_dma source(%arg11 : memref<80x128xf32, #tpu.memory_space<vmem>>) target(%dma_start3A_186 : memref<80x128xf32, #tpu.memory_space<hbm>>) target_semaphore(%arg27 : memref<!tpu.dma_semaphore, #tpu.memory_space<semaphore_mem>>)
    %add3A_187 = arith.constant 320 : i32
    %add3A_188 = arith.addi %mul3A_2, %add3A_187 : i32
    %dma_wait3A_189 = arith.constant 0 : i32
    %dma_wait3A_190 = tpu.memref_slice %arg4[%add3A_188, %dma_wait3A_189] : memref<163840x128xf32, #tpu.memory_space<hbm>> -> memref<80x128xf32, #tpu.memory_space<hbm>>
    %dma_wait3A_191 = arith.constant 0 : i32
    %dma_wait3A_192 = tpu.memref_slice %arg4[%add3A_188, %dma_wait3A_191] : memref<163840x128xf32, #tpu.memory_space<hbm>> -> memref<80x128xf32, #tpu.memory_space<hbm>>
    tpu.wait_dma2 semaphore(%arg26 : memref<!tpu.dma_semaphore, #tpu.memory_space<semaphore_mem>>) src(%arg10 : memref<80x128xf32, #tpu.memory_space<vmem>>) dst(%dma_wait3A_192 : memref<80x128xf32, #tpu.memory_space<hbm>>)
    %dma_start3A_193 = arith.constant 12 : i32
    %dma_start3A_194 = arith.constant 0 : i32
    %dma_start3A_195 = tpu.memref_slice %arg5[%dma_start3A_193, %dma_start3A_194] : memref<64x80xi32, #tpu.memory_space<vmem>> -> memref<1x80xi32, #tpu.memory_space<vmem>>
    %dma_start3A_196 = tpu.memref_squeeze %dma_start3A_195 : memref<1x80xi32, #tpu.memory_space<vmem>> -> memref<80xi32, #tpu.memory_space<vmem>>
    %dma_start3A_197 = arith.constant 0 : i32
    %dma_start3A_198 = arith.constant 0 : i32
    %dma_start3A_199 = tpu.memref_slice %arg2[%dma_start3A_197, %dma_start3A_198] : memref<10000x128xf32, #tpu.memory_space<hbm>> -> memref<10000x128xf32, #tpu.memory_space<hbm>>
    tpu.enqueue_indirect_dma source(%dma_start3A_199 : memref<10000x128xf32, #tpu.memory_space<hbm>>) target(%arg10 : memref<80x128xf32, #tpu.memory_space<vmem>>) offsets(%dma_start3A_196 : memref<80xi32, #tpu.memory_space<vmem>>) semaphore(%arg18 : memref<!tpu.dma_semaphore, #tpu.memory_space<semaphore_mem>>)
    %dma_wait3A_200 = arith.constant 6 : i32
    %dma_wait3A_201 = arith.constant 0 : i32
    %dma_wait3A_202 = tpu.memref_slice %arg5[%dma_wait3A_200, %dma_wait3A_201] : memref<64x80xi32, #tpu.memory_space<vmem>> -> memref<1x80xi32, #tpu.memory_space<vmem>>
    %dma_wait3A_203 = tpu.memref_squeeze %dma_wait3A_202 : memref<1x80xi32, #tpu.memory_space<vmem>> -> memref<80xi32, #tpu.memory_space<vmem>>
    %dma_wait3A_204 = arith.constant 0 : i32
    %dma_wait3A_205 = arith.constant 0 : i32
    %dma_wait3A_206 = tpu.memref_slice %arg2[%dma_wait3A_204, %dma_wait3A_205] : memref<10000x128xf32, #tpu.memory_space<hbm>> -> memref<10000x128xf32, #tpu.memory_space<hbm>>
    tpu.wait_indirect_dma semaphore(%arg20 : memref<!tpu.dma_semaphore, #tpu.memory_space<semaphore_mem>>) src(%dma_wait3A_206 : memref<10000x128xf32, #tpu.memory_space<hbm>>) dst(%arg12 : memref<80x128xf32, #tpu.memory_space<vmem>>)
    %add3A_207 = arith.constant 480 : i32
    %add3A_208 = arith.addi %mul3A_2, %add3A_207 : i32
    %dma_start3A_209 = arith.constant 0 : i32
    %dma_start3A_210 = tpu.memref_slice %arg4[%add3A_208, %dma_start3A_209] : memref<163840x128xf32, #tpu.memory_space<hbm>> -> memref<80x128xf32, #tpu.memory_space<hbm>>
    %dma_start3A_211 = arith.constant 0 : i32
    %dma_start3A_212 = tpu.memref_slice %arg4[%add3A_208, %dma_start3A_211] : memref<163840x128xf32, #tpu.memory_space<hbm>> -> memref<80x128xf32, #tpu.memory_space<hbm>>
    tpu.enqueue_dma source(%arg12 : memref<80x128xf32, #tpu.memory_space<vmem>>) target(%dma_start3A_212 : memref<80x128xf32, #tpu.memory_space<hbm>>) target_semaphore(%arg28 : memref<!tpu.dma_semaphore, #tpu.memory_space<semaphore_mem>>)
    %add3A_213 = arith.constant 400 : i32
    %add3A_214 = arith.addi %mul3A_2, %add3A_213 : i32
    %dma_wait3A_215 = arith.constant 0 : i32
    %dma_wait3A_216 = tpu.memref_slice %arg4[%add3A_214, %dma_wait3A_215] : memref<163840x128xf32, #tpu.memory_space<hbm>> -> memref<80x128xf32, #tpu.memory_space<hbm>>
    %dma_wait3A_217 = arith.constant 0 : i32
    %dma_wait3A_218 = tpu.memref_slice %arg4[%add3A_214, %dma_wait3A_217] : memref<163840x128xf32, #tpu.memory_space<hbm>> -> memref<80x128xf32, #tpu.memory_space<hbm>>
    tpu.wait_dma2 semaphore(%arg27 : memref<!tpu.dma_semaphore, #tpu.memory_space<semaphore_mem>>) src(%arg11 : memref<80x128xf32, #tpu.memory_space<vmem>>) dst(%dma_wait3A_218 : memref<80x128xf32, #tpu.memory_space<hbm>>)
    %dma_start3A_219 = arith.constant 13 : i32
    %dma_start3A_220 = arith.constant 0 : i32
    %dma_start3A_221 = tpu.memref_slice %arg5[%dma_start3A_219, %dma_start3A_220] : memref<64x80xi32, #tpu.memory_space<vmem>> -> memref<1x80xi32, #tpu.memory_space<vmem>>
    %dma_start3A_222 = tpu.memref_squeeze %dma_start3A_221 : memref<1x80xi32, #tpu.memory_space<vmem>> -> memref<80xi32, #tpu.memory_space<vmem>>
    %dma_start3A_223 = arith.constant 0 : i32
    %dma_start3A_224 = arith.constant 0 : i32
    %dma_start3A_225 = tpu.memref_slice %arg2[%dma_start3A_223, %dma_start3A_224] : memref<10000x128xf32, #tpu.memory_space<hbm>> -> memref<10000x128xf32, #tpu.memory_space<hbm>>
    tpu.enqueue_indirect_dma source(%dma_start3A_225 : memref<10000x128xf32, #tpu.memory_space<hbm>>) target(%arg11 : memref<80x128xf32, #tpu.memory_space<vmem>>) offsets(%dma_start3A_222 : memref<80xi32, #tpu.memory_space<vmem>>) semaphore(%arg19 : memref<!tpu.dma_semaphore, #tpu.memory_space<semaphore_mem>>)
    %dma_wait3A_226 = arith.constant 7 : i32
    %dma_wait3A_227 = arith.constant 0 : i32
    %dma_wait3A_228 = tpu.memref_slice %arg5[%dma_wait3A_226, %dma_wait3A_227] : memref<64x80xi32, #tpu.memory_space<vmem>> -> memref<1x80xi32, #tpu.memory_space<vmem>>
    %dma_wait3A_229 = tpu.memref_squeeze %dma_wait3A_228 : memref<1x80xi32, #tpu.memory_space<vmem>> -> memref<80xi32, #tpu.memory_space<vmem>>
    %dma_wait3A_230 = arith.constant 0 : i32
    %dma_wait3A_231 = arith.constant 0 : i32
    %dma_wait3A_232 = tpu.memref_slice %arg2[%dma_wait3A_230, %dma_wait3A_231] : memref<10000x128xf32, #tpu.memory_space<hbm>> -> memref<10000x128xf32, #tpu.memory_space<hbm>>
    tpu.wait_indirect_dma semaphore(%arg21 : memref<!tpu.dma_semaphore, #tpu.memory_space<semaphore_mem>>) src(%dma_wait3A_232 : memref<10000x128xf32, #tpu.memory_space<hbm>>) dst(%arg13 : memref<80x128xf32, #tpu.memory_space<vmem>>)
    %add3A_233 = arith.constant 560 : i32
    %add3A_234 = arith.addi %mul3A_2, %add3A_233 : i32
    %dma_start3A_235 = arith.constant 0 : i32
    %dma_start3A_236 = tpu.memref_slice %arg4[%add3A_234, %dma_start3A_235] : memref<163840x128xf32, #tpu.memory_space<hbm>> -> memref<80x128xf32, #tpu.memory_space<hbm>>
    %dma_start3A_237 = arith.constant 0 : i32
    %dma_start3A_238 = tpu.memref_slice %arg4[%add3A_234, %dma_start3A_237] : memref<163840x128xf32, #tpu.memory_space<hbm>> -> memref<80x128xf32, #tpu.memory_space<hbm>>
    tpu.enqueue_dma source(%arg13 : memref<80x128xf32, #tpu.memory_space<vmem>>) target(%dma_start3A_238 : memref<80x128xf32, #tpu.memory_space<hbm>>) target_semaphore(%arg29 : memref<!tpu.dma_semaphore, #tpu.memory_space<semaphore_mem>>)
    %add3A_239 = arith.constant 480 : i32
    %add3A_240 = arith.addi %mul3A_2, %add3A_239 : i32
    %dma_wait3A_241 = arith.constant 0 : i32
    %dma_wait3A_242 = tpu.memref_slice %arg4[%add3A_240, %dma_wait3A_241] : memref<163840x128xf32, #tpu.memory_space<hbm>> -> memref<80x128xf32, #tpu.memory_space<hbm>>
    %dma_wait3A_243 = arith.constant 0 : i32
    %dma_wait3A_244 = tpu.memref_slice %arg4[%add3A_240, %dma_wait3A_243] : memref<163840x128xf32, #tpu.memory_space<hbm>> -> memref<80x128xf32, #tpu.memory_space<hbm>>
    tpu.wait_dma2 semaphore(%arg28 : memref<!tpu.dma_semaphore, #tpu.memory_space<semaphore_mem>>) src(%arg12 : memref<80x128xf32, #tpu.memory_space<vmem>>) dst(%dma_wait3A_244 : memref<80x128xf32, #tpu.memory_space<hbm>>)
    %dma_start3A_245 = arith.constant 14 : i32
    %dma_start3A_246 = arith.constant 0 : i32
    %dma_start3A_247 = tpu.memref_slice %arg5[%dma_start3A_245, %dma_start3A_246] : memref<64x80xi32, #tpu.memory_space<vmem>> -> memref<1x80xi32, #tpu.memory_space<vmem>>
    %dma_start3A_248 = tpu.memref_squeeze %dma_start3A_247 : memref<1x80xi32, #tpu.memory_space<vmem>> -> memref<80xi32, #tpu.memory_space<vmem>>
    %dma_start3A_249 = arith.constant 0 : i32
    %dma_start3A_250 = arith.constant 0 : i32
    %dma_start3A_251 = tpu.memref_slice %arg2[%dma_start3A_249, %dma_start3A_250] : memref<10000x128xf32, #tpu.memory_space<hbm>> -> memref<10000x128xf32, #tpu.memory_space<hbm>>
    tpu.enqueue_indirect_dma source(%dma_start3A_251 : memref<10000x128xf32, #tpu.memory_space<hbm>>) target(%arg12 : memref<80x128xf32, #tpu.memory_space<vmem>>) offsets(%dma_start3A_248 : memref<80xi32, #tpu.memory_space<vmem>>) semaphore(%arg20 : memref<!tpu.dma_semaphore, #tpu.memory_space<semaphore_mem>>)
    %dma_wait3A_252 = arith.constant 8 : i32
    %dma_wait3A_253 = arith.constant 0 : i32
    %dma_wait3A_254 = tpu.memref_slice %arg5[%dma_wait3A_252, %dma_wait3A_253] : memref<64x80xi32, #tpu.memory_space<vmem>> -> memref<1x80xi32, #tpu.memory_space<vmem>>
    %dma_wait3A_255 = tpu.memref_squeeze %dma_wait3A_254 : memref<1x80xi32, #tpu.memory_space<vmem>> -> memref<80xi32, #tpu.memory_space<vmem>>
    %dma_wait3A_256 = arith.constant 0 : i32
    %dma_wait3A_257 = arith.constant 0 : i32
    %dma_wait3A_258 = tpu.memref_slice %arg2[%dma_wait3A_256, %dma_wait3A_257] : memref<10000x128xf32, #tpu.memory_space<hbm>> -> memref<10000x128xf32, #tpu.memory_space<hbm>>
    tpu.wait_indirect_dma semaphore(%arg14 : memref<!tpu.dma_semaphore, #tpu.memory_space<semaphore_mem>>) src(%dma_wait3A_258 : memref<10000x128xf32, #tpu.memory_space<hbm>>) dst(%arg6 : memref<80x128xf32, #tpu.memory_space<vmem>>)
    %add3A_259 = arith.constant 640 : i32
    %add3A_260 = arith.addi %mul3A_2, %add3A_259 : i32
    %dma_start3A_261 = arith.constant 0 : i32
    %dma_start3A_262 = tpu.memref_slice %arg4[%add3A_260, %dma_start3A_261] : memref<163840x128xf32, #tpu.memory_space<hbm>> -> memref<80x128xf32, #tpu.memory_space<hbm>>
    %dma_start3A_263 = arith.constant 0 : i32
    %dma_start3A_264 = tpu.memref_slice %arg4[%add3A_260, %dma_start3A_263] : memref<163840x128xf32, #tpu.memory_space<hbm>> -> memref<80x128xf32, #tpu.memory_space<hbm>>
    tpu.enqueue_dma source(%arg6 : memref<80x128xf32, #tpu.memory_space<vmem>>) target(%dma_start3A_264 : memref<80x128xf32, #tpu.memory_space<hbm>>) target_semaphore(%arg22 : memref<!tpu.dma_semaphore, #tpu.memory_space<semaphore_mem>>)
    %add3A_265 = arith.constant 560 : i32
    %add3A_266 = arith.addi %mul3A_2, %add3A_265 : i32
    %dma_wait3A_267 = arith.constant 0 : i32
    %dma_wait3A_268 = tpu.memref_slice %arg4[%add3A_266, %dma_wait3A_267] : memref<163840x128xf32, #tpu.memory_space<hbm>> -> memref<80x128xf32, #tpu.memory_space<hbm>>
    %dma_wait3A_269 = arith.constant 0 : i32
    %dma_wait3A_270 = tpu.memref_slice %arg4[%add3A_266, %dma_wait3A_269] : memref<163840x128xf32, #tpu.memory_space<hbm>> -> memref<80x128xf32, #tpu.memory_space<hbm>>
    tpu.wait_dma2 semaphore(%arg29 : memref<!tpu.dma_semaphore, #tpu.memory_space<semaphore_mem>>) src(%arg13 : memref<80x128xf32, #tpu.memory_space<vmem>>) dst(%dma_wait3A_270 : memref<80x128xf32, #tpu.memory_space<hbm>>)
    %dma_start3A_271 = arith.constant 15 : i32
    %dma_start3A_272 = arith.constant 0 : i32
    %dma_start3A_273 = tpu.memref_slice %arg5[%dma_start3A_271, %dma_start3A_272] : memref<64x80xi32, #tpu.memory_space<vmem>> -> memref<1x80xi32, #tpu.memory_space<vmem>>
    %dma_start3A_274 = tpu.memref_squeeze %dma_start3A_273 : memref<1x80xi32, #tpu.memory_space<vmem>> -> memref<80xi32, #tpu.memory_space<vmem>>
    %dma_start3A_275 = arith.constant 0 : i32
    %dma_start3A_276 = arith.constant 0 : i32
    %dma_start3A_277 = tpu.memref_slice %arg2[%dma_start3A_275, %dma_start3A_276] : memref<10000x128xf32, #tpu.memory_space<hbm>> -> memref<10000x128xf32, #tpu.memory_space<hbm>>
    tpu.enqueue_indirect_dma source(%dma_start3A_277 : memref<10000x128xf32, #tpu.memory_space<hbm>>) target(%arg13 : memref<80x128xf32, #tpu.memory_space<vmem>>) offsets(%dma_start3A_274 : memref<80xi32, #tpu.memory_space<vmem>>) semaphore(%arg21 : memref<!tpu.dma_semaphore, #tpu.memory_space<semaphore_mem>>)
    %dma_wait3A_278 = arith.constant 9 : i32
    %dma_wait3A_279 = arith.constant 0 : i32
    %dma_wait3A_280 = tpu.memref_slice %arg5[%dma_wait3A_278, %dma_wait3A_279] : memref<64x80xi32, #tpu.memory_space<vmem>> -> memref<1x80xi32, #tpu.memory_space<vmem>>
    %dma_wait3A_281 = tpu.memref_squeeze %dma_wait3A_280 : memref<1x80xi32, #tpu.memory_space<vmem>> -> memref<80xi32, #tpu.memory_space<vmem>>
    %dma_wait3A_282 = arith.constant 0 : i32
    %dma_wait3A_283 = arith.constant 0 : i32
    %dma_wait3A_284 = tpu.memref_slice %arg2[%dma_wait3A_282, %dma_wait3A_283] : memref<10000x128xf32, #tpu.memory_space<hbm>> -> memref<10000x128xf32, #tpu.memory_space<hbm>>
    tpu.wait_indirect_dma semaphore(%arg15 : memref<!tpu.dma_semaphore, #tpu.memory_space<semaphore_mem>>) src(%dma_wait3A_284 : memref<10000x128xf32, #tpu.memory_space<hbm>>) dst(%arg7 : memref<80x128xf32, #tpu.memory_space<vmem>>)
    %add3A_285 = arith.constant 720 : i32
    %add3A_286 = arith.addi %mul3A_2, %add3A_285 : i32
    %dma_start3A_287 = arith.constant 0 : i32
    %dma_start3A_288 = tpu.memref_slice %arg4[%add3A_286, %dma_start3A_287] : memref<163840x128xf32, #tpu.memory_space<hbm>> -> memref<80x128xf32, #tpu.memory_space<hbm>>
    %dma_start3A_289 = arith.constant 0 : i32
    %dma_start3A_290 = tpu.memref_slice %arg4[%add3A_286, %dma_start3A_289] : memref<163840x128xf32, #tpu.memory_space<hbm>> -> memref<80x128xf32, #tpu.memory_space<hbm>>
    tpu.enqueue_dma source(%arg7 : memref<80x128xf32, #tpu.memory_space<vmem>>) target(%dma_start3A_290 : memref<80x128xf32, #tpu.memory_space<hbm>>) target_semaphore(%arg23 : memref<!tpu.dma_semaphore, #tpu.memory_space<semaphore_mem>>)
    %add3A_291 = arith.constant 640 : i32
    %add3A_292 = arith.addi %mul3A_2, %add3A_291 : i32
    %dma_wait3A_293 = arith.constant 0 : i32
    %dma_wait3A_294 = tpu.memref_slice %arg4[%add3A_292, %dma_wait3A_293] : memref<163840x128xf32, #tpu.memory_space<hbm>> -> memref<80x128xf32, #tpu.memory_space<hbm>>
    %dma_wait3A_295 = arith.constant 0 : i32
    %dma_wait3A_296 = tpu.memref_slice %arg4[%add3A_292, %dma_wait3A_295] : memref<163840x128xf32, #tpu.memory_space<hbm>> -> memref<80x128xf32, #tpu.memory_space<hbm>>
    tpu.wait_dma2 semaphore(%arg22 : memref<!tpu.dma_semaphore, #tpu.memory_space<semaphore_mem>>) src(%arg6 : memref<80x128xf32, #tpu.memory_space<vmem>>) dst(%dma_wait3A_296 : memref<80x128xf32, #tpu.memory_space<hbm>>)
    %dma_start3A_297 = arith.constant 16 : i32
    %dma_start3A_298 = arith.constant 0 : i32
    %dma_start3A_299 = tpu.memref_slice %arg5[%dma_start3A_297, %dma_start3A_298] : memref<64x80xi32, #tpu.memory_space<vmem>> -> memref<1x80xi32, #tpu.memory_space<vmem>>
    %dma_start3A_300 = tpu.memref_squeeze %dma_start3A_299 : memref<1x80xi32, #tpu.memory_space<vmem>> -> memref<80xi32, #tpu.memory_space<vmem>>
    %dma_start3A_301 = arith.constant 0 : i32
    %dma_start3A_302 = arith.constant 0 : i32
    %dma_start3A_303 = tpu.memref_slice %arg2[%dma_start3A_301, %dma_start3A_302] : memref<10000x128xf32, #tpu.memory_space<hbm>> -> memref<10000x128xf32, #tpu.memory_space<hbm>>
    tpu.enqueue_indirect_dma source(%dma_start3A_303 : memref<10000x128xf32, #tpu.memory_space<hbm>>) target(%arg6 : memref<80x128xf32, #tpu.memory_space<vmem>>) offsets(%dma_start3A_300 : memref<80xi32, #tpu.memory_space<vmem>>) semaphore(%arg14 : memref<!tpu.dma_semaphore, #tpu.memory_space<semaphore_mem>>)
    %dma_wait3A_304 = arith.constant 10 : i32
    %dma_wait3A_305 = arith.constant 0 : i32
    %dma_wait3A_306 = tpu.memref_slice %arg5[%dma_wait3A_304, %dma_wait3A_305] : memref<64x80xi32, #tpu.memory_space<vmem>> -> memref<1x80xi32, #tpu.memory_space<vmem>>
    %dma_wait3A_307 = tpu.memref_squeeze %dma_wait3A_306 : memref<1x80xi32, #tpu.memory_space<vmem>> -> memref<80xi32, #tpu.memory_space<vmem>>
    %dma_wait3A_308 = arith.constant 0 : i32
    %dma_wait3A_309 = arith.constant 0 : i32
    %dma_wait3A_310 = tpu.memref_slice %arg2[%dma_wait3A_308, %dma_wait3A_309] : memref<10000x128xf32, #tpu.memory_space<hbm>> -> memref<10000x128xf32, #tpu.memory_space<hbm>>
    tpu.wait_indirect_dma semaphore(%arg16 : memref<!tpu.dma_semaphore, #tpu.memory_space<semaphore_mem>>) src(%dma_wait3A_310 : memref<10000x128xf32, #tpu.memory_space<hbm>>) dst(%arg8 : memref<80x128xf32, #tpu.memory_space<vmem>>)
    %add3A_311 = arith.constant 800 : i32
    %add3A_312 = arith.addi %mul3A_2, %add3A_311 : i32
    %dma_start3A_313 = arith.constant 0 : i32
    %dma_start3A_314 = tpu.memref_slice %arg4[%add3A_312, %dma_start3A_313] : memref<163840x128xf32, #tpu.memory_space<hbm>> -> memref<80x128xf32, #tpu.memory_space<hbm>>
    %dma_start3A_315 = arith.constant 0 : i32
    %dma_start3A_316 = tpu.memref_slice %arg4[%add3A_312, %dma_start3A_315] : memref<163840x128xf32, #tpu.memory_space<hbm>> -> memref<80x128xf32, #tpu.memory_space<hbm>>
    tpu.enqueue_dma source(%arg8 : memref<80x128xf32, #tpu.memory_space<vmem>>) target(%dma_start3A_316 : memref<80x128xf32, #tpu.memory_space<hbm>>) target_semaphore(%arg24 : memref<!tpu.dma_semaphore, #tpu.memory_space<semaphore_mem>>)
    %add3A_317 = arith.constant 720 : i32
    %add3A_318 = arith.addi %mul3A_2, %add3A_317 : i32
    %dma_wait3A_319 = arith.constant 0 : i32
    %dma_wait3A_320 = tpu.memref_slice %arg4[%add3A_318, %dma_wait3A_319] : memref<163840x128xf32, #tpu.memory_space<hbm>> -> memref<80x128xf32, #tpu.memory_space<hbm>>
    %dma_wait3A_321 = arith.constant 0 : i32
    %dma_wait3A_322 = tpu.memref_slice %arg4[%add3A_318, %dma_wait3A_321] : memref<163840x128xf32, #tpu.memory_space<hbm>> -> memref<80x128xf32, #tpu.memory_space<hbm>>
    tpu.wait_dma2 semaphore(%arg23 : memref<!tpu.dma_semaphore, #tpu.memory_space<semaphore_mem>>) src(%arg7 : memref<80x128xf32, #tpu.memory_space<vmem>>) dst(%dma_wait3A_322 : memref<80x128xf32, #tpu.memory_space<hbm>>)
    %dma_start3A_323 = arith.constant 17 : i32
    %dma_start3A_324 = arith.constant 0 : i32
    %dma_start3A_325 = tpu.memref_slice %arg5[%dma_start3A_323, %dma_start3A_324] : memref<64x80xi32, #tpu.memory_space<vmem>> -> memref<1x80xi32, #tpu.memory_space<vmem>>
    %dma_start3A_326 = tpu.memref_squeeze %dma_start3A_325 : memref<1x80xi32, #tpu.memory_space<vmem>> -> memref<80xi32, #tpu.memory_space<vmem>>
    %dma_start3A_327 = arith.constant 0 : i32
    %dma_start3A_328 = arith.constant 0 : i32
    %dma_start3A_329 = tpu.memref_slice %arg2[%dma_start3A_327, %dma_start3A_328] : memref<10000x128xf32, #tpu.memory_space<hbm>> -> memref<10000x128xf32, #tpu.memory_space<hbm>>
    tpu.enqueue_indirect_dma source(%dma_start3A_329 : memref<10000x128xf32, #tpu.memory_space<hbm>>) target(%arg7 : memref<80x128xf32, #tpu.memory_space<vmem>>) offsets(%dma_start3A_326 : memref<80xi32, #tpu.memory_space<vmem>>) semaphore(%arg15 : memref<!tpu.dma_semaphore, #tpu.memory_space<semaphore_mem>>)
    %dma_wait3A_330 = arith.constant 11 : i32
    %dma_wait3A_331 = arith.constant 0 : i32
    %dma_wait3A_332 = tpu.memref_slice %arg5[%dma_wait3A_330, %dma_wait3A_331] : memref<64x80xi32, #tpu.memory_space<vmem>> -> memref<1x80xi32, #tpu.memory_space<vmem>>
    %dma_wait3A_333 = tpu.memref_squeeze %dma_wait3A_332 : memref<1x80xi32, #tpu.memory_space<vmem>> -> memref<80xi32, #tpu.memory_space<vmem>>
    %dma_wait3A_334 = arith.constant 0 : i32
    %dma_wait3A_335 = arith.constant 0 : i32
    %dma_wait3A_336 = tpu.memref_slice %arg2[%dma_wait3A_334, %dma_wait3A_335] : memref<10000x128xf32, #tpu.memory_space<hbm>> -> memref<10000x128xf32, #tpu.memory_space<hbm>>
    tpu.wait_indirect_dma semaphore(%arg17 : memref<!tpu.dma_semaphore, #tpu.memory_space<semaphore_mem>>) src(%dma_wait3A_336 : memref<10000x128xf32, #tpu.memory_space<hbm>>) dst(%arg9 : memref<80x128xf32, #tpu.memory_space<vmem>>)
    %add3A_337 = arith.constant 880 : i32
    %add3A_338 = arith.addi %mul3A_2, %add3A_337 : i32
    %dma_start3A_339 = arith.constant 0 : i32
    %dma_start3A_340 = tpu.memref_slice %arg4[%add3A_338, %dma_start3A_339] : memref<163840x128xf32, #tpu.memory_space<hbm>> -> memref<80x128xf32, #tpu.memory_space<hbm>>
    %dma_start3A_341 = arith.constant 0 : i32
    %dma_start3A_342 = tpu.memref_slice %arg4[%add3A_338, %dma_start3A_341] : memref<163840x128xf32, #tpu.memory_space<hbm>> -> memref<80x128xf32, #tpu.memory_space<hbm>>
    tpu.enqueue_dma source(%arg9 : memref<80x128xf32, #tpu.memory_space<vmem>>) target(%dma_start3A_342 : memref<80x128xf32, #tpu.memory_space<hbm>>) target_semaphore(%arg25 : memref<!tpu.dma_semaphore, #tpu.memory_space<semaphore_mem>>)
    %add3A_343 = arith.constant 800 : i32
    %add3A_344 = arith.addi %mul3A_2, %add3A_343 : i32
    %dma_wait3A_345 = arith.constant 0 : i32
    %dma_wait3A_346 = tpu.memref_slice %arg4[%add3A_344, %dma_wait3A_345] : memref<163840x128xf32, #tpu.memory_space<hbm>> -> memref<80x128xf32, #tpu.memory_space<hbm>>
    %dma_wait3A_347 = arith.constant 0 : i32
    %dma_wait3A_348 = tpu.memref_slice %arg4[%add3A_344, %dma_wait3A_347] : memref<163840x128xf32, #tpu.memory_space<hbm>> -> memref<80x128xf32, #tpu.memory_space<hbm>>
    tpu.wait_dma2 semaphore(%arg24 : memref<!tpu.dma_semaphore, #tpu.memory_space<semaphore_mem>>) src(%arg8 : memref<80x128xf32, #tpu.memory_space<vmem>>) dst(%dma_wait3A_348 : memref<80x128xf32, #tpu.memory_space<hbm>>)
    %dma_start3A_349 = arith.constant 18 : i32
    %dma_start3A_350 = arith.constant 0 : i32
    %dma_start3A_351 = tpu.memref_slice %arg5[%dma_start3A_349, %dma_start3A_350] : memref<64x80xi32, #tpu.memory_space<vmem>> -> memref<1x80xi32, #tpu.memory_space<vmem>>
    %dma_start3A_352 = tpu.memref_squeeze %dma_start3A_351 : memref<1x80xi32, #tpu.memory_space<vmem>> -> memref<80xi32, #tpu.memory_space<vmem>>
    %dma_start3A_353 = arith.constant 0 : i32
    %dma_start3A_354 = arith.constant 0 : i32
    %dma_start3A_355 = tpu.memref_slice %arg2[%dma_start3A_353, %dma_start3A_354] : memref<10000x128xf32, #tpu.memory_space<hbm>> -> memref<10000x128xf32, #tpu.memory_space<hbm>>
    tpu.enqueue_indirect_dma source(%dma_start3A_355 : memref<10000x128xf32, #tpu.memory_space<hbm>>) target(%arg8 : memref<80x128xf32, #tpu.memory_space<vmem>>) offsets(%dma_start3A_352 : memref<80xi32, #tpu.memory_space<vmem>>) semaphore(%arg16 : memref<!tpu.dma_semaphore, #tpu.memory_space<semaphore_mem>>)
    %dma_wait3A_356 = arith.constant 12 : i32
    %dma_wait3A_357 = arith.constant 0 : i32
    %dma_wait3A_358 = tpu.memref_slice %arg5[%dma_wait3A_356, %dma_wait3A_357] : memref<64x80xi32, #tpu.memory_space<vmem>> -> memref<1x80xi32, #tpu.memory_space<vmem>>
    %dma_wait3A_359 = tpu.memref_squeeze %dma_wait3A_358 : memref<1x80xi32, #tpu.memory_space<vmem>> -> memref<80xi32, #tpu.memory_space<vmem>>
    %dma_wait3A_360 = arith.constant 0 : i32
    %dma_wait3A_361 = arith.constant 0 : i32
    %dma_wait3A_362 = tpu.memref_slice %arg2[%dma_wait3A_360, %dma_wait3A_361] : memref<10000x128xf32, #tpu.memory_space<hbm>> -> memref<10000x128xf32, #tpu.memory_space<hbm>>
    tpu.wait_indirect_dma semaphore(%arg18 : memref<!tpu.dma_semaphore, #tpu.memory_space<semaphore_mem>>) src(%dma_wait3A_362 : memref<10000x128xf32, #tpu.memory_space<hbm>>) dst(%arg10 : memref<80x128xf32, #tpu.memory_space<vmem>>)
    %add3A_363 = arith.constant 960 : i32
    %add3A_364 = arith.addi %mul3A_2, %add3A_363 : i32
    %dma_start3A_365 = arith.constant 0 : i32
    %dma_start3A_366 = tpu.memref_slice %arg4[%add3A_364, %dma_start3A_365] : memref<163840x128xf32, #tpu.memory_space<hbm>> -> memref<80x128xf32, #tpu.memory_space<hbm>>
    %dma_start3A_367 = arith.constant 0 : i32
    %dma_start3A_368 = tpu.memref_slice %arg4[%add3A_364, %dma_start3A_367] : memref<163840x128xf32, #tpu.memory_space<hbm>> -> memref<80x128xf32, #tpu.memory_space<hbm>>
    tpu.enqueue_dma source(%arg10 : memref<80x128xf32, #tpu.memory_space<vmem>>) target(%dma_start3A_368 : memref<80x128xf32, #tpu.memory_space<hbm>>) target_semaphore(%arg26 : memref<!tpu.dma_semaphore, #tpu.memory_space<semaphore_mem>>)
    %add3A_369 = arith.constant 880 : i32
    %add3A_370 = arith.addi %mul3A_2, %add3A_369 : i32
    %dma_wait3A_371 = arith.constant 0 : i32
    %dma_wait3A_372 = tpu.memref_slice %arg4[%add3A_370, %dma_wait3A_371] : memref<163840x128xf32, #tpu.memory_space<hbm>> -> memref<80x128xf32, #tpu.memory_space<hbm>>
    %dma_wait3A_373 = arith.constant 0 : i32
    %dma_wait3A_374 = tpu.memref_slice %arg4[%add3A_370, %dma_wait3A_373] : memref<163840x128xf32, #tpu.memory_space<hbm>> -> memref<80x128xf32, #tpu.memory_space<hbm>>
    tpu.wait_dma2 semaphore(%arg25 : memref<!tpu.dma_semaphore, #tpu.memory_space<semaphore_mem>>) src(%arg9 : memref<80x128xf32, #tpu.memory_space<vmem>>) dst(%dma_wait3A_374 : memref<80x128xf32, #tpu.memory_space<hbm>>)
    %dma_start3A_375 = arith.constant 19 : i32
    %dma_start3A_376 = arith.constant 0 : i32
    %dma_start3A_377 = tpu.memref_slice %arg5[%dma_start3A_375, %dma_start3A_376] : memref<64x80xi32, #tpu.memory_space<vmem>> -> memref<1x80xi32, #tpu.memory_space<vmem>>
    %dma_start3A_378 = tpu.memref_squeeze %dma_start3A_377 : memref<1x80xi32, #tpu.memory_space<vmem>> -> memref<80xi32, #tpu.memory_space<vmem>>
    %dma_start3A_379 = arith.constant 0 : i32
    %dma_start3A_380 = arith.constant 0 : i32
    %dma_start3A_381 = tpu.memref_slice %arg2[%dma_start3A_379, %dma_start3A_380] : memref<10000x128xf32, #tpu.memory_space<hbm>> -> memref<10000x128xf32, #tpu.memory_space<hbm>>
    tpu.enqueue_indirect_dma source(%dma_start3A_381 : memref<10000x128xf32, #tpu.memory_space<hbm>>) target(%arg9 : memref<80x128xf32, #tpu.memory_space<vmem>>) offsets(%dma_start3A_378 : memref<80xi32, #tpu.memory_space<vmem>>) semaphore(%arg17 : memref<!tpu.dma_semaphore, #tpu.memory_space<semaphore_mem>>)
    %dma_wait3A_382 = arith.constant 13 : i32
    %dma_wait3A_383 = arith.constant 0 : i32
    %dma_wait3A_384 = tpu.memref_slice %arg5[%dma_wait3A_382, %dma_wait3A_383] : memref<64x80xi32, #tpu.memory_space<vmem>> -> memref<1x80xi32, #tpu.memory_space<vmem>>
    %dma_wait3A_385 = tpu.memref_squeeze %dma_wait3A_384 : memref<1x80xi32, #tpu.memory_space<vmem>> -> memref<80xi32, #tpu.memory_space<vmem>>
    %dma_wait3A_386 = arith.constant 0 : i32
    %dma_wait3A_387 = arith.constant 0 : i32
    %dma_wait3A_388 = tpu.memref_slice %arg2[%dma_wait3A_386, %dma_wait3A_387] : memref<10000x128xf32, #tpu.memory_space<hbm>> -> memref<10000x128xf32, #tpu.memory_space<hbm>>
    tpu.wait_indirect_dma semaphore(%arg19 : memref<!tpu.dma_semaphore, #tpu.memory_space<semaphore_mem>>) src(%dma_wait3A_388 : memref<10000x128xf32, #tpu.memory_space<hbm>>) dst(%arg11 : memref<80x128xf32, #tpu.memory_space<vmem>>)
    %add3A_389 = arith.constant 1040 : i32
    %add3A_390 = arith.addi %mul3A_2, %add3A_389 : i32
    %dma_start3A_391 = arith.constant 0 : i32
    %dma_start3A_392 = tpu.memref_slice %arg4[%add3A_390, %dma_start3A_391] : memref<163840x128xf32, #tpu.memory_space<hbm>> -> memref<80x128xf32, #tpu.memory_space<hbm>>
    %dma_start3A_393 = arith.constant 0 : i32
    %dma_start3A_394 = tpu.memref_slice %arg4[%add3A_390, %dma_start3A_393] : memref<163840x128xf32, #tpu.memory_space<hbm>> -> memref<80x128xf32, #tpu.memory_space<hbm>>
    tpu.enqueue_dma source(%arg11 : memref<80x128xf32, #tpu.memory_space<vmem>>) target(%dma_start3A_394 : memref<80x128xf32, #tpu.memory_space<hbm>>) target_semaphore(%arg27 : memref<!tpu.dma_semaphore, #tpu.memory_space<semaphore_mem>>)
    %add3A_395 = arith.constant 960 : i32
    %add3A_396 = arith.addi %mul3A_2, %add3A_395 : i32
    %dma_wait3A_397 = arith.constant 0 : i32
    %dma_wait3A_398 = tpu.memref_slice %arg4[%add3A_396, %dma_wait3A_397] : memref<163840x128xf32, #tpu.memory_space<hbm>> -> memref<80x128xf32, #tpu.memory_space<hbm>>
    %dma_wait3A_399 = arith.constant 0 : i32
    %dma_wait3A_400 = tpu.memref_slice %arg4[%add3A_396, %dma_wait3A_399] : memref<163840x128xf32, #tpu.memory_space<hbm>> -> memref<80x128xf32, #tpu.memory_space<hbm>>
    tpu.wait_dma2 semaphore(%arg26 : memref<!tpu.dma_semaphore, #tpu.memory_space<semaphore_mem>>) src(%arg10 : memref<80x128xf32, #tpu.memory_space<vmem>>) dst(%dma_wait3A_400 : memref<80x128xf32, #tpu.memory_space<hbm>>)
    %dma_start3A_401 = arith.constant 20 : i32
    %dma_start3A_402 = arith.constant 0 : i32
    %dma_start3A_403 = tpu.memref_slice %arg5[%dma_start3A_401, %dma_start3A_402] : memref<64x80xi32, #tpu.memory_space<vmem>> -> memref<1x80xi32, #tpu.memory_space<vmem>>
    %dma_start3A_404 = tpu.memref_squeeze %dma_start3A_403 : memref<1x80xi32, #tpu.memory_space<vmem>> -> memref<80xi32, #tpu.memory_space<vmem>>
    %dma_start3A_405 = arith.constant 0 : i32
    %dma_start3A_406 = arith.constant 0 : i32
    %dma_start3A_407 = tpu.memref_slice %arg2[%dma_start3A_405, %dma_start3A_406] : memref<10000x128xf32, #tpu.memory_space<hbm>> -> memref<10000x128xf32, #tpu.memory_space<hbm>>
    tpu.enqueue_indirect_dma source(%dma_start3A_407 : memref<10000x128xf32, #tpu.memory_space<hbm>>) target(%arg10 : memref<80x128xf32, #tpu.memory_space<vmem>>) offsets(%dma_start3A_404 : memref<80xi32, #tpu.memory_space<vmem>>) semaphore(%arg18 : memref<!tpu.dma_semaphore, #tpu.memory_space<semaphore_mem>>)
    %dma_wait3A_408 = arith.constant 14 : i32
    %dma_wait3A_409 = arith.constant 0 : i32
    %dma_wait3A_410 = tpu.memref_slice %arg5[%dma_wait3A_408, %dma_wait3A_409] : memref<64x80xi32, #tpu.memory_space<vmem>> -> memref<1x80xi32, #tpu.memory_space<vmem>>
    %dma_wait3A_411 = tpu.memref_squeeze %dma_wait3A_410 : memref<1x80xi32, #tpu.memory_space<vmem>> -> memref<80xi32, #tpu.memory_space<vmem>>
    %dma_wait3A_412 = arith.constant 0 : i32
    %dma_wait3A_413 = arith.constant 0 : i32
    %dma_wait3A_414 = tpu.memref_slice %arg2[%dma_wait3A_412, %dma_wait3A_413] : memref<10000x128xf32, #tpu.memory_space<hbm>> -> memref<10000x128xf32, #tpu.memory_space<hbm>>
    tpu.wait_indirect_dma semaphore(%arg20 : memref<!tpu.dma_semaphore, #tpu.memory_space<semaphore_mem>>) src(%dma_wait3A_414 : memref<10000x128xf32, #tpu.memory_space<hbm>>) dst(%arg12 : memref<80x128xf32, #tpu.memory_space<vmem>>)
    %add3A_415 = arith.constant 1120 : i32
    %add3A_416 = arith.addi %mul3A_2, %add3A_415 : i32
    %dma_start3A_417 = arith.constant 0 : i32
    %dma_start3A_418 = tpu.memref_slice %arg4[%add3A_416, %dma_start3A_417] : memref<163840x128xf32, #tpu.memory_space<hbm>> -> memref<80x128xf32, #tpu.memory_space<hbm>>
    %dma_start3A_419 = arith.constant 0 : i32
    %dma_start3A_420 = tpu.memref_slice %arg4[%add3A_416, %dma_start3A_419] : memref<163840x128xf32, #tpu.memory_space<hbm>> -> memref<80x128xf32, #tpu.memory_space<hbm>>
    tpu.enqueue_dma source(%arg12 : memref<80x128xf32, #tpu.memory_space<vmem>>) target(%dma_start3A_420 : memref<80x128xf32, #tpu.memory_space<hbm>>) target_semaphore(%arg28 : memref<!tpu.dma_semaphore, #tpu.memory_space<semaphore_mem>>)
    %add3A_421 = arith.constant 1040 : i32
    %add3A_422 = arith.addi %mul3A_2, %add3A_421 : i32
    %dma_wait3A_423 = arith.constant 0 : i32
    %dma_wait3A_424 = tpu.memref_slice %arg4[%add3A_422, %dma_wait3A_423] : memref<163840x128xf32, #tpu.memory_space<hbm>> -> memref<80x128xf32, #tpu.memory_space<hbm>>
    %dma_wait3A_425 = arith.constant 0 : i32
    %dma_wait3A_426 = tpu.memref_slice %arg4[%add3A_422, %dma_wait3A_425] : memref<163840x128xf32, #tpu.memory_space<hbm>> -> memref<80x128xf32, #tpu.memory_space<hbm>>
    tpu.wait_dma2 semaphore(%arg27 : memref<!tpu.dma_semaphore, #tpu.memory_space<semaphore_mem>>) src(%arg11 : memref<80x128xf32, #tpu.memory_space<vmem>>) dst(%dma_wait3A_426 : memref<80x128xf32, #tpu.memory_space<hbm>>)
    %dma_start3A_427 = arith.constant 21 : i32
    %dma_start3A_428 = arith.constant 0 : i32
    %dma_start3A_429 = tpu.memref_slice %arg5[%dma_start3A_427, %dma_start3A_428] : memref<64x80xi32, #tpu.memory_space<vmem>> -> memref<1x80xi32, #tpu.memory_space<vmem>>
    %dma_start3A_430 = tpu.memref_squeeze %dma_start3A_429 : memref<1x80xi32, #tpu.memory_space<vmem>> -> memref<80xi32, #tpu.memory_space<vmem>>
    %dma_start3A_431 = arith.constant 0 : i32
    %dma_start3A_432 = arith.constant 0 : i32
    %dma_start3A_433 = tpu.memref_slice %arg2[%dma_start3A_431, %dma_start3A_432] : memref<10000x128xf32, #tpu.memory_space<hbm>> -> memref<10000x128xf32, #tpu.memory_space<hbm>>
    tpu.enqueue_indirect_dma source(%dma_start3A_433 : memref<10000x128xf32, #tpu.memory_space<hbm>>) target(%arg11 : memref<80x128xf32, #tpu.memory_space<vmem>>) offsets(%dma_start3A_430 : memref<80xi32, #tpu.memory_space<vmem>>) semaphore(%arg19 : memref<!tpu.dma_semaphore, #tpu.memory_space<semaphore_mem>>)
    %dma_wait3A_434 = arith.constant 15 : i32
    %dma_wait3A_435 = arith.constant 0 : i32
    %dma_wait3A_436 = tpu.memref_slice %arg5[%dma_wait3A_434, %dma_wait3A_435] : memref<64x80xi32, #tpu.memory_space<vmem>> -> memref<1x80xi32, #tpu.memory_space<vmem>>
    %dma_wait3A_437 = tpu.memref_squeeze %dma_wait3A_436 : memref<1x80xi32, #tpu.memory_space<vmem>> -> memref<80xi32, #tpu.memory_space<vmem>>
    %dma_wait3A_438 = arith.constant 0 : i32
    %dma_wait3A_439 = arith.constant 0 : i32
    %dma_wait3A_440 = tpu.memref_slice %arg2[%dma_wait3A_438, %dma_wait3A_439] : memref<10000x128xf32, #tpu.memory_space<hbm>> -> memref<10000x128xf32, #tpu.memory_space<hbm>>
    tpu.wait_indirect_dma semaphore(%arg21 : memref<!tpu.dma_semaphore, #tpu.memory_space<semaphore_mem>>) src(%dma_wait3A_440 : memref<10000x128xf32, #tpu.memory_space<hbm>>) dst(%arg13 : memref<80x128xf32, #tpu.memory_space<vmem>>)
    %add3A_441 = arith.constant 1200 : i32
    %add3A_442 = arith.addi %mul3A_2, %add3A_441 : i32
    %dma_start3A_443 = arith.constant 0 : i32
    %dma_start3A_444 = tpu.memref_slice %arg4[%add3A_442, %dma_start3A_443] : memref<163840x128xf32, #tpu.memory_space<hbm>> -> memref<80x128xf32, #tpu.memory_space<hbm>>
    %dma_start3A_445 = arith.constant 0 : i32
    %dma_start3A_446 = tpu.memref_slice %arg4[%add3A_442, %dma_start3A_445] : memref<163840x128xf32, #tpu.memory_space<hbm>> -> memref<80x128xf32, #tpu.memory_space<hbm>>
    tpu.enqueue_dma source(%arg13 : memref<80x128xf32, #tpu.memory_space<vmem>>) target(%dma_start3A_446 : memref<80x128xf32, #tpu.memory_space<hbm>>) target_semaphore(%arg29 : memref<!tpu.dma_semaphore, #tpu.memory_space<semaphore_mem>>)
    %add3A_447 = arith.constant 1120 : i32
    %add3A_448 = arith.addi %mul3A_2, %add3A_447 : i32
    %dma_wait3A_449 = arith.constant 0 : i32
    %dma_wait3A_450 = tpu.memref_slice %arg4[%add3A_448, %dma_wait3A_449] : memref<163840x128xf32, #tpu.memory_space<hbm>> -> memref<80x128xf32, #tpu.memory_space<hbm>>
    %dma_wait3A_451 = arith.constant 0 : i32
    %dma_wait3A_452 = tpu.memref_slice %arg4[%add3A_448, %dma_wait3A_451] : memref<163840x128xf32, #tpu.memory_space<hbm>> -> memref<80x128xf32, #tpu.memory_space<hbm>>
    tpu.wait_dma2 semaphore(%arg28 : memref<!tpu.dma_semaphore, #tpu.memory_space<semaphore_mem>>) src(%arg12 : memref<80x128xf32, #tpu.memory_space<vmem>>) dst(%dma_wait3A_452 : memref<80x128xf32, #tpu.memory_space<hbm>>)
    %dma_start3A_453 = arith.constant 22 : i32
    %dma_start3A_454 = arith.constant 0 : i32
    %dma_start3A_455 = tpu.memref_slice %arg5[%dma_start3A_453, %dma_start3A_454] : memref<64x80xi32, #tpu.memory_space<vmem>> -> memref<1x80xi32, #tpu.memory_space<vmem>>
    %dma_start3A_456 = tpu.memref_squeeze %dma_start3A_455 : memref<1x80xi32, #tpu.memory_space<vmem>> -> memref<80xi32, #tpu.memory_space<vmem>>
    %dma_start3A_457 = arith.constant 0 : i32
    %dma_start3A_458 = arith.constant 0 : i32
    %dma_start3A_459 = tpu.memref_slice %arg2[%dma_start3A_457, %dma_start3A_458] : memref<10000x128xf32, #tpu.memory_space<hbm>> -> memref<10000x128xf32, #tpu.memory_space<hbm>>
    tpu.enqueue_indirect_dma source(%dma_start3A_459 : memref<10000x128xf32, #tpu.memory_space<hbm>>) target(%arg12 : memref<80x128xf32, #tpu.memory_space<vmem>>) offsets(%dma_start3A_456 : memref<80xi32, #tpu.memory_space<vmem>>) semaphore(%arg20 : memref<!tpu.dma_semaphore, #tpu.memory_space<semaphore_mem>>)
    %dma_wait3A_460 = arith.constant 16 : i32
    %dma_wait3A_461 = arith.constant 0 : i32
    %dma_wait3A_462 = tpu.memref_slice %arg5[%dma_wait3A_460, %dma_wait3A_461] : memref<64x80xi32, #tpu.memory_space<vmem>> -> memref<1x80xi32, #tpu.memory_space<vmem>>
    %dma_wait3A_463 = tpu.memref_squeeze %dma_wait3A_462 : memref<1x80xi32, #tpu.memory_space<vmem>> -> memref<80xi32, #tpu.memory_space<vmem>>
    %dma_wait3A_464 = arith.constant 0 : i32
    %dma_wait3A_465 = arith.constant 0 : i32
    %dma_wait3A_466 = tpu.memref_slice %arg2[%dma_wait3A_464, %dma_wait3A_465] : memref<10000x128xf32, #tpu.memory_space<hbm>> -> memref<10000x128xf32, #tpu.memory_space<hbm>>
    tpu.wait_indirect_dma semaphore(%arg14 : memref<!tpu.dma_semaphore, #tpu.memory_space<semaphore_mem>>) src(%dma_wait3A_466 : memref<10000x128xf32, #tpu.memory_space<hbm>>) dst(%arg6 : memref<80x128xf32, #tpu.memory_space<vmem>>)
    %add3A_467 = arith.constant 1280 : i32
    %add3A_468 = arith.addi %mul3A_2, %add3A_467 : i32
    %dma_start3A_469 = arith.constant 0 : i32
    %dma_start3A_470 = tpu.memref_slice %arg4[%add3A_468, %dma_start3A_469] : memref<163840x128xf32, #tpu.memory_space<hbm>> -> memref<80x128xf32, #tpu.memory_space<hbm>>
    %dma_start3A_471 = arith.constant 0 : i32
    %dma_start3A_472 = tpu.memref_slice %arg4[%add3A_468, %dma_start3A_471] : memref<163840x128xf32, #tpu.memory_space<hbm>> -> memref<80x128xf32, #tpu.memory_space<hbm>>
    tpu.enqueue_dma source(%arg6 : memref<80x128xf32, #tpu.memory_space<vmem>>) target(%dma_start3A_472 : memref<80x128xf32, #tpu.memory_space<hbm>>) target_semaphore(%arg22 : memref<!tpu.dma_semaphore, #tpu.memory_space<semaphore_mem>>)
    %add3A_473 = arith.constant 1200 : i32
    %add3A_474 = arith.addi %mul3A_2, %add3A_473 : i32
    %dma_wait3A_475 = arith.constant 0 : i32
    %dma_wait3A_476 = tpu.memref_slice %arg4[%add3A_474, %dma_wait3A_475] : memref<163840x128xf32, #tpu.memory_space<hbm>> -> memref<80x128xf32, #tpu.memory_space<hbm>>
    %dma_wait3A_477 = arith.constant 0 : i32
    %dma_wait3A_478 = tpu.memref_slice %arg4[%add3A_474, %dma_wait3A_477] : memref<163840x128xf32, #tpu.memory_space<hbm>> -> memref<80x128xf32, #tpu.memory_space<hbm>>
    tpu.wait_dma2 semaphore(%arg29 : memref<!tpu.dma_semaphore, #tpu.memory_space<semaphore_mem>>) src(%arg13 : memref<80x128xf32, #tpu.memory_space<vmem>>) dst(%dma_wait3A_478 : memref<80x128xf32, #tpu.memory_space<hbm>>)
    %dma_start3A_479 = arith.constant 23 : i32
    %dma_start3A_480 = arith.constant 0 : i32
    %dma_start3A_481 = tpu.memref_slice %arg5[%dma_start3A_479, %dma_start3A_480] : memref<64x80xi32, #tpu.memory_space<vmem>> -> memref<1x80xi32, #tpu.memory_space<vmem>>
    %dma_start3A_482 = tpu.memref_squeeze %dma_start3A_481 : memref<1x80xi32, #tpu.memory_space<vmem>> -> memref<80xi32, #tpu.memory_space<vmem>>
    %dma_start3A_483 = arith.constant 0 : i32
    %dma_start3A_484 = arith.constant 0 : i32
    %dma_start3A_485 = tpu.memref_slice %arg2[%dma_start3A_483, %dma_start3A_484] : memref<10000x128xf32, #tpu.memory_space<hbm>> -> memref<10000x128xf32, #tpu.memory_space<hbm>>
    tpu.enqueue_indirect_dma source(%dma_start3A_485 : memref<10000x128xf32, #tpu.memory_space<hbm>>) target(%arg13 : memref<80x128xf32, #tpu.memory_space<vmem>>) offsets(%dma_start3A_482 : memref<80xi32, #tpu.memory_space<vmem>>) semaphore(%arg21 : memref<!tpu.dma_semaphore, #tpu.memory_space<semaphore_mem>>)
    %dma_wait3A_486 = arith.constant 17 : i32
    %dma_wait3A_487 = arith.constant 0 : i32
    %dma_wait3A_488 = tpu.memref_slice %arg5[%dma_wait3A_486, %dma_wait3A_487] : memref<64x80xi32, #tpu.memory_space<vmem>> -> memref<1x80xi32, #tpu.memory_space<vmem>>
    %dma_wait3A_489 = tpu.memref_squeeze %dma_wait3A_488 : memref<1x80xi32, #tpu.memory_space<vmem>> -> memref<80xi32, #tpu.memory_space<vmem>>
    %dma_wait3A_490 = arith.constant 0 : i32
    %dma_wait3A_491 = arith.constant 0 : i32
    %dma_wait3A_492 = tpu.memref_slice %arg2[%dma_wait3A_490, %dma_wait3A_491] : memref<10000x128xf32, #tpu.memory_space<hbm>> -> memref<10000x128xf32, #tpu.memory_space<hbm>>
    tpu.wait_indirect_dma semaphore(%arg15 : memref<!tpu.dma_semaphore, #tpu.memory_space<semaphore_mem>>) src(%dma_wait3A_492 : memref<10000x128xf32, #tpu.memory_space<hbm>>) dst(%arg7 : memref<80x128xf32, #tpu.memory_space<vmem>>)
    %add3A_493 = arith.constant 1360 : i32
    %add3A_494 = arith.addi %mul3A_2, %add3A_493 : i32
    %dma_start3A_495 = arith.constant 0 : i32
    %dma_start3A_496 = tpu.memref_slice %arg4[%add3A_494, %dma_start3A_495] : memref<163840x128xf32, #tpu.memory_space<hbm>> -> memref<80x128xf32, #tpu.memory_space<hbm>>
    %dma_start3A_497 = arith.constant 0 : i32
    %dma_start3A_498 = tpu.memref_slice %arg4[%add3A_494, %dma_start3A_497] : memref<163840x128xf32, #tpu.memory_space<hbm>> -> memref<80x128xf32, #tpu.memory_space<hbm>>
    tpu.enqueue_dma source(%arg7 : memref<80x128xf32, #tpu.memory_space<vmem>>) target(%dma_start3A_498 : memref<80x128xf32, #tpu.memory_space<hbm>>) target_semaphore(%arg23 : memref<!tpu.dma_semaphore, #tpu.memory_space<semaphore_mem>>)
    %add3A_499 = arith.constant 1280 : i32
    %add3A_500 = arith.addi %mul3A_2, %add3A_499 : i32
    %dma_wait3A_501 = arith.constant 0 : i32
    %dma_wait3A_502 = tpu.memref_slice %arg4[%add3A_500, %dma_wait3A_501] : memref<163840x128xf32, #tpu.memory_space<hbm>> -> memref<80x128xf32, #tpu.memory_space<hbm>>
    %dma_wait3A_503 = arith.constant 0 : i32
    %dma_wait3A_504 = tpu.memref_slice %arg4[%add3A_500, %dma_wait3A_503] : memref<163840x128xf32, #tpu.memory_space<hbm>> -> memref<80x128xf32, #tpu.memory_space<hbm>>
    tpu.wait_dma2 semaphore(%arg22 : memref<!tpu.dma_semaphore, #tpu.memory_space<semaphore_mem>>) src(%arg6 : memref<80x128xf32, #tpu.memory_space<vmem>>) dst(%dma_wait3A_504 : memref<80x128xf32, #tpu.memory_space<hbm>>)
    %dma_start3A_505 = arith.constant 24 : i32
    %dma_start3A_506 = arith.constant 0 : i32
    %dma_start3A_507 = tpu.memref_slice %arg5[%dma_start3A_505, %dma_start3A_506] : memref<64x80xi32, #tpu.memory_space<vmem>> -> memref<1x80xi32, #tpu.memory_space<vmem>>
    %dma_start3A_508 = tpu.memref_squeeze %dma_start3A_507 : memref<1x80xi32, #tpu.memory_space<vmem>> -> memref<80xi32, #tpu.memory_space<vmem>>
    %dma_start3A_509 = arith.constant 0 : i32
    %dma_start3A_510 = arith.constant 0 : i32
    %dma_start3A_511 = tpu.memref_slice %arg2[%dma_start3A_509, %dma_start3A_510] : memref<10000x128xf32, #tpu.memory_space<hbm>> -> memref<10000x128xf32, #tpu.memory_space<hbm>>
    tpu.enqueue_indirect_dma source(%dma_start3A_511 : memref<10000x128xf32, #tpu.memory_space<hbm>>) target(%arg6 : memref<80x128xf32, #tpu.memory_space<vmem>>) offsets(%dma_start3A_508 : memref<80xi32, #tpu.memory_space<vmem>>) semaphore(%arg14 : memref<!tpu.dma_semaphore, #tpu.memory_space<semaphore_mem>>)
    %dma_wait3A_512 = arith.constant 18 : i32
    %dma_wait3A_513 = arith.constant 0 : i32
    %dma_wait3A_514 = tpu.memref_slice %arg5[%dma_wait3A_512, %dma_wait3A_513] : memref<64x80xi32, #tpu.memory_space<vmem>> -> memref<1x80xi32, #tpu.memory_space<vmem>>
    %dma_wait3A_515 = tpu.memref_squeeze %dma_wait3A_514 : memref<1x80xi32, #tpu.memory_space<vmem>> -> memref<80xi32, #tpu.memory_space<vmem>>
    %dma_wait3A_516 = arith.constant 0 : i32
    %dma_wait3A_517 = arith.constant 0 : i32
    %dma_wait3A_518 = tpu.memref_slice %arg2[%dma_wait3A_516, %dma_wait3A_517] : memref<10000x128xf32, #tpu.memory_space<hbm>> -> memref<10000x128xf32, #tpu.memory_space<hbm>>
    tpu.wait_indirect_dma semaphore(%arg16 : memref<!tpu.dma_semaphore, #tpu.memory_space<semaphore_mem>>) src(%dma_wait3A_518 : memref<10000x128xf32, #tpu.memory_space<hbm>>) dst(%arg8 : memref<80x128xf32, #tpu.memory_space<vmem>>)
    %add3A_519 = arith.constant 1440 : i32
    %add3A_520 = arith.addi %mul3A_2, %add3A_519 : i32
    %dma_start3A_521 = arith.constant 0 : i32
    %dma_start3A_522 = tpu.memref_slice %arg4[%add3A_520, %dma_start3A_521] : memref<163840x128xf32, #tpu.memory_space<hbm>> -> memref<80x128xf32, #tpu.memory_space<hbm>>
    %dma_start3A_523 = arith.constant 0 : i32
    %dma_start3A_524 = tpu.memref_slice %arg4[%add3A_520, %dma_start3A_523] : memref<163840x128xf32, #tpu.memory_space<hbm>> -> memref<80x128xf32, #tpu.memory_space<hbm>>
    tpu.enqueue_dma source(%arg8 : memref<80x128xf32, #tpu.memory_space<vmem>>) target(%dma_start3A_524 : memref<80x128xf32, #tpu.memory_space<hbm>>) target_semaphore(%arg24 : memref<!tpu.dma_semaphore, #tpu.memory_space<semaphore_mem>>)
    %add3A_525 = arith.constant 1360 : i32
    %add3A_526 = arith.addi %mul3A_2, %add3A_525 : i32
    %dma_wait3A_527 = arith.constant 0 : i32
    %dma_wait3A_528 = tpu.memref_slice %arg4[%add3A_526, %dma_wait3A_527] : memref<163840x128xf32, #tpu.memory_space<hbm>> -> memref<80x128xf32, #tpu.memory_space<hbm>>
    %dma_wait3A_529 = arith.constant 0 : i32
    %dma_wait3A_530 = tpu.memref_slice %arg4[%add3A_526, %dma_wait3A_529] : memref<163840x128xf32, #tpu.memory_space<hbm>> -> memref<80x128xf32, #tpu.memory_space<hbm>>
    tpu.wait_dma2 semaphore(%arg23 : memref<!tpu.dma_semaphore, #tpu.memory_space<semaphore_mem>>) src(%arg7 : memref<80x128xf32, #tpu.memory_space<vmem>>) dst(%dma_wait3A_530 : memref<80x128xf32, #tpu.memory_space<hbm>>)
    %dma_start3A_531 = arith.constant 25 : i32
    %dma_start3A_532 = arith.constant 0 : i32
    %dma_start3A_533 = tpu.memref_slice %arg5[%dma_start3A_531, %dma_start3A_532] : memref<64x80xi32, #tpu.memory_space<vmem>> -> memref<1x80xi32, #tpu.memory_space<vmem>>
    %dma_start3A_534 = tpu.memref_squeeze %dma_start3A_533 : memref<1x80xi32, #tpu.memory_space<vmem>> -> memref<80xi32, #tpu.memory_space<vmem>>
    %dma_start3A_535 = arith.constant 0 : i32
    %dma_start3A_536 = arith.constant 0 : i32
    %dma_start3A_537 = tpu.memref_slice %arg2[%dma_start3A_535, %dma_start3A_536] : memref<10000x128xf32, #tpu.memory_space<hbm>> -> memref<10000x128xf32, #tpu.memory_space<hbm>>
    tpu.enqueue_indirect_dma source(%dma_start3A_537 : memref<10000x128xf32, #tpu.memory_space<hbm>>) target(%arg7 : memref<80x128xf32, #tpu.memory_space<vmem>>) offsets(%dma_start3A_534 : memref<80xi32, #tpu.memory_space<vmem>>) semaphore(%arg15 : memref<!tpu.dma_semaphore, #tpu.memory_space<semaphore_mem>>)
    %dma_wait3A_538 = arith.constant 19 : i32
    %dma_wait3A_539 = arith.constant 0 : i32
    %dma_wait3A_540 = tpu.memref_slice %arg5[%dma_wait3A_538, %dma_wait3A_539] : memref<64x80xi32, #tpu.memory_space<vmem>> -> memref<1x80xi32, #tpu.memory_space<vmem>>
    %dma_wait3A_541 = tpu.memref_squeeze %dma_wait3A_540 : memref<1x80xi32, #tpu.memory_space<vmem>> -> memref<80xi32, #tpu.memory_space<vmem>>
    %dma_wait3A_542 = arith.constant 0 : i32
    %dma_wait3A_543 = arith.constant 0 : i32
    %dma_wait3A_544 = tpu.memref_slice %arg2[%dma_wait3A_542, %dma_wait3A_543] : memref<10000x128xf32, #tpu.memory_space<hbm>> -> memref<10000x128xf32, #tpu.memory_space<hbm>>
    tpu.wait_indirect_dma semaphore(%arg17 : memref<!tpu.dma_semaphore, #tpu.memory_space<semaphore_mem>>) src(%dma_wait3A_544 : memref<10000x128xf32, #tpu.memory_space<hbm>>) dst(%arg9 : memref<80x128xf32, #tpu.memory_space<vmem>>)
    %add3A_545 = arith.constant 1520 : i32
    %add3A_546 = arith.addi %mul3A_2, %add3A_545 : i32
    %dma_start3A_547 = arith.constant 0 : i32
    %dma_start3A_548 = tpu.memref_slice %arg4[%add3A_546, %dma_start3A_547] : memref<163840x128xf32, #tpu.memory_space<hbm>> -> memref<80x128xf32, #tpu.memory_space<hbm>>
    %dma_start3A_549 = arith.constant 0 : i32
    %dma_start3A_550 = tpu.memref_slice %arg4[%add3A_546, %dma_start3A_549] : memref<163840x128xf32, #tpu.memory_space<hbm>> -> memref<80x128xf32, #tpu.memory_space<hbm>>
    tpu.enqueue_dma source(%arg9 : memref<80x128xf32, #tpu.memory_space<vmem>>) target(%dma_start3A_550 : memref<80x128xf32, #tpu.memory_space<hbm>>) target_semaphore(%arg25 : memref<!tpu.dma_semaphore, #tpu.memory_space<semaphore_mem>>)
    %add3A_551 = arith.constant 1440 : i32
    %add3A_552 = arith.addi %mul3A_2, %add3A_551 : i32
    %dma_wait3A_553 = arith.constant 0 : i32
    %dma_wait3A_554 = tpu.memref_slice %arg4[%add3A_552, %dma_wait3A_553] : memref<163840x128xf32, #tpu.memory_space<hbm>> -> memref<80x128xf32, #tpu.memory_space<hbm>>
    %dma_wait3A_555 = arith.constant 0 : i32
    %dma_wait3A_556 = tpu.memref_slice %arg4[%add3A_552, %dma_wait3A_555] : memref<163840x128xf32, #tpu.memory_space<hbm>> -> memref<80x128xf32, #tpu.memory_space<hbm>>
    tpu.wait_dma2 semaphore(%arg24 : memref<!tpu.dma_semaphore, #tpu.memory_space<semaphore_mem>>) src(%arg8 : memref<80x128xf32, #tpu.memory_space<vmem>>) dst(%dma_wait3A_556 : memref<80x128xf32, #tpu.memory_space<hbm>>)
    %dma_start3A_557 = arith.constant 26 : i32
    %dma_start3A_558 = arith.constant 0 : i32
    %dma_start3A_559 = tpu.memref_slice %arg5[%dma_start3A_557, %dma_start3A_558] : memref<64x80xi32, #tpu.memory_space<vmem>> -> memref<1x80xi32, #tpu.memory_space<vmem>>
    %dma_start3A_560 = tpu.memref_squeeze %dma_start3A_559 : memref<1x80xi32, #tpu.memory_space<vmem>> -> memref<80xi32, #tpu.memory_space<vmem>>
    %dma_start3A_561 = arith.constant 0 : i32
    %dma_start3A_562 = arith.constant 0 : i32
    %dma_start3A_563 = tpu.memref_slice %arg2[%dma_start3A_561, %dma_start3A_562] : memref<10000x128xf32, #tpu.memory_space<hbm>> -> memref<10000x128xf32, #tpu.memory_space<hbm>>
    tpu.enqueue_indirect_dma source(%dma_start3A_563 : memref<10000x128xf32, #tpu.memory_space<hbm>>) target(%arg8 : memref<80x128xf32, #tpu.memory_space<vmem>>) offsets(%dma_start3A_560 : memref<80xi32, #tpu.memory_space<vmem>>) semaphore(%arg16 : memref<!tpu.dma_semaphore, #tpu.memory_space<semaphore_mem>>)
    %dma_wait3A_564 = arith.constant 20 : i32
    %dma_wait3A_565 = arith.constant 0 : i32
    %dma_wait3A_566 = tpu.memref_slice %arg5[%dma_wait3A_564, %dma_wait3A_565] : memref<64x80xi32, #tpu.memory_space<vmem>> -> memref<1x80xi32, #tpu.memory_space<vmem>>
    %dma_wait3A_567 = tpu.memref_squeeze %dma_wait3A_566 : memref<1x80xi32, #tpu.memory_space<vmem>> -> memref<80xi32, #tpu.memory_space<vmem>>
    %dma_wait3A_568 = arith.constant 0 : i32
    %dma_wait3A_569 = arith.constant 0 : i32
    %dma_wait3A_570 = tpu.memref_slice %arg2[%dma_wait3A_568, %dma_wait3A_569] : memref<10000x128xf32, #tpu.memory_space<hbm>> -> memref<10000x128xf32, #tpu.memory_space<hbm>>
    tpu.wait_indirect_dma semaphore(%arg18 : memref<!tpu.dma_semaphore, #tpu.memory_space<semaphore_mem>>) src(%dma_wait3A_570 : memref<10000x128xf32, #tpu.memory_space<hbm>>) dst(%arg10 : memref<80x128xf32, #tpu.memory_space<vmem>>)
    %add3A_571 = arith.constant 1600 : i32
    %add3A_572 = arith.addi %mul3A_2, %add3A_571 : i32
    %dma_start3A_573 = arith.constant 0 : i32
    %dma_start3A_574 = tpu.memref_slice %arg4[%add3A_572, %dma_start3A_573] : memref<163840x128xf32, #tpu.memory_space<hbm>> -> memref<80x128xf32, #tpu.memory_space<hbm>>
    %dma_start3A_575 = arith.constant 0 : i32
    %dma_start3A_576 = tpu.memref_slice %arg4[%add3A_572, %dma_start3A_575] : memref<163840x128xf32, #tpu.memory_space<hbm>> -> memref<80x128xf32, #tpu.memory_space<hbm>>
    tpu.enqueue_dma source(%arg10 : memref<80x128xf32, #tpu.memory_space<vmem>>) target(%dma_start3A_576 : memref<80x128xf32, #tpu.memory_space<hbm>>) target_semaphore(%arg26 : memref<!tpu.dma_semaphore, #tpu.memory_space<semaphore_mem>>)
    %add3A_577 = arith.constant 1520 : i32
    %add3A_578 = arith.addi %mul3A_2, %add3A_577 : i32
    %dma_wait3A_579 = arith.constant 0 : i32
    %dma_wait3A_580 = tpu.memref_slice %arg4[%add3A_578, %dma_wait3A_579] : memref<163840x128xf32, #tpu.memory_space<hbm>> -> memref<80x128xf32, #tpu.memory_space<hbm>>
    %dma_wait3A_581 = arith.constant 0 : i32
    %dma_wait3A_582 = tpu.memref_slice %arg4[%add3A_578, %dma_wait3A_581] : memref<163840x128xf32, #tpu.memory_space<hbm>> -> memref<80x128xf32, #tpu.memory_space<hbm>>
    tpu.wait_dma2 semaphore(%arg25 : memref<!tpu.dma_semaphore, #tpu.memory_space<semaphore_mem>>) src(%arg9 : memref<80x128xf32, #tpu.memory_space<vmem>>) dst(%dma_wait3A_582 : memref<80x128xf32, #tpu.memory_space<hbm>>)
    %dma_start3A_583 = arith.constant 27 : i32
    %dma_start3A_584 = arith.constant 0 : i32
    %dma_start3A_585 = tpu.memref_slice %arg5[%dma_start3A_583, %dma_start3A_584] : memref<64x80xi32, #tpu.memory_space<vmem>> -> memref<1x80xi32, #tpu.memory_space<vmem>>
    %dma_start3A_586 = tpu.memref_squeeze %dma_start3A_585 : memref<1x80xi32, #tpu.memory_space<vmem>> -> memref<80xi32, #tpu.memory_space<vmem>>
    %dma_start3A_587 = arith.constant 0 : i32
    %dma_start3A_588 = arith.constant 0 : i32
    %dma_start3A_589 = tpu.memref_slice %arg2[%dma_start3A_587, %dma_start3A_588] : memref<10000x128xf32, #tpu.memory_space<hbm>> -> memref<10000x128xf32, #tpu.memory_space<hbm>>
    tpu.enqueue_indirect_dma source(%dma_start3A_589 : memref<10000x128xf32, #tpu.memory_space<hbm>>) target(%arg9 : memref<80x128xf32, #tpu.memory_space<vmem>>) offsets(%dma_start3A_586 : memref<80xi32, #tpu.memory_space<vmem>>) semaphore(%arg17 : memref<!tpu.dma_semaphore, #tpu.memory_space<semaphore_mem>>)
    %dma_wait3A_590 = arith.constant 21 : i32
    %dma_wait3A_591 = arith.constant 0 : i32
    %dma_wait3A_592 = tpu.memref_slice %arg5[%dma_wait3A_590, %dma_wait3A_591] : memref<64x80xi32, #tpu.memory_space<vmem>> -> memref<1x80xi32, #tpu.memory_space<vmem>>
    %dma_wait3A_593 = tpu.memref_squeeze %dma_wait3A_592 : memref<1x80xi32, #tpu.memory_space<vmem>> -> memref<80xi32, #tpu.memory_space<vmem>>
    %dma_wait3A_594 = arith.constant 0 : i32
    %dma_wait3A_595 = arith.constant 0 : i32
    %dma_wait3A_596 = tpu.memref_slice %arg2[%dma_wait3A_594, %dma_wait3A_595] : memref<10000x128xf32, #tpu.memory_space<hbm>> -> memref<10000x128xf32, #tpu.memory_space<hbm>>
    tpu.wait_indirect_dma semaphore(%arg19 : memref<!tpu.dma_semaphore, #tpu.memory_space<semaphore_mem>>) src(%dma_wait3A_596 : memref<10000x128xf32, #tpu.memory_space<hbm>>) dst(%arg11 : memref<80x128xf32, #tpu.memory_space<vmem>>)
    %add3A_597 = arith.constant 1680 : i32
    %add3A_598 = arith.addi %mul3A_2, %add3A_597 : i32
    %dma_start3A_599 = arith.constant 0 : i32
    %dma_start3A_600 = tpu.memref_slice %arg4[%add3A_598, %dma_start3A_599] : memref<163840x128xf32, #tpu.memory_space<hbm>> -> memref<80x128xf32, #tpu.memory_space<hbm>>
    %dma_start3A_601 = arith.constant 0 : i32
    %dma_start3A_602 = tpu.memref_slice %arg4[%add3A_598, %dma_start3A_601] : memref<163840x128xf32, #tpu.memory_space<hbm>> -> memref<80x128xf32, #tpu.memory_space<hbm>>
    tpu.enqueue_dma source(%arg11 : memref<80x128xf32, #tpu.memory_space<vmem>>) target(%dma_start3A_602 : memref<80x128xf32, #tpu.memory_space<hbm>>) target_semaphore(%arg27 : memref<!tpu.dma_semaphore, #tpu.memory_space<semaphore_mem>>)
    %add3A_603 = arith.constant 1600 : i32
    %add3A_604 = arith.addi %mul3A_2, %add3A_603 : i32
    %dma_wait3A_605 = arith.constant 0 : i32
    %dma_wait3A_606 = tpu.memref_slice %arg4[%add3A_604, %dma_wait3A_605] : memref<163840x128xf32, #tpu.memory_space<hbm>> -> memref<80x128xf32, #tpu.memory_space<hbm>>
    %dma_wait3A_607 = arith.constant 0 : i32
    %dma_wait3A_608 = tpu.memref_slice %arg4[%add3A_604, %dma_wait3A_607] : memref<163840x128xf32, #tpu.memory_space<hbm>> -> memref<80x128xf32, #tpu.memory_space<hbm>>
    tpu.wait_dma2 semaphore(%arg26 : memref<!tpu.dma_semaphore, #tpu.memory_space<semaphore_mem>>) src(%arg10 : memref<80x128xf32, #tpu.memory_space<vmem>>) dst(%dma_wait3A_608 : memref<80x128xf32, #tpu.memory_space<hbm>>)
    %dma_start3A_609 = arith.constant 28 : i32
    %dma_start3A_610 = arith.constant 0 : i32
    %dma_start3A_611 = tpu.memref_slice %arg5[%dma_start3A_609, %dma_start3A_610] : memref<64x80xi32, #tpu.memory_space<vmem>> -> memref<1x80xi32, #tpu.memory_space<vmem>>
    %dma_start3A_612 = tpu.memref_squeeze %dma_start3A_611 : memref<1x80xi32, #tpu.memory_space<vmem>> -> memref<80xi32, #tpu.memory_space<vmem>>
    %dma_start3A_613 = arith.constant 0 : i32
    %dma_start3A_614 = arith.constant 0 : i32
    %dma_start3A_615 = tpu.memref_slice %arg2[%dma_start3A_613, %dma_start3A_614] : memref<10000x128xf32, #tpu.memory_space<hbm>> -> memref<10000x128xf32, #tpu.memory_space<hbm>>
    tpu.enqueue_indirect_dma source(%dma_start3A_615 : memref<10000x128xf32, #tpu.memory_space<hbm>>) target(%arg10 : memref<80x128xf32, #tpu.memory_space<vmem>>) offsets(%dma_start3A_612 : memref<80xi32, #tpu.memory_space<vmem>>) semaphore(%arg18 : memref<!tpu.dma_semaphore, #tpu.memory_space<semaphore_mem>>)
    %dma_wait3A_616 = arith.constant 22 : i32
    %dma_wait3A_617 = arith.constant 0 : i32
    %dma_wait3A_618 = tpu.memref_slice %arg5[%dma_wait3A_616, %dma_wait3A_617] : memref<64x80xi32, #tpu.memory_space<vmem>> -> memref<1x80xi32, #tpu.memory_space<vmem>>
    %dma_wait3A_619 = tpu.memref_squeeze %dma_wait3A_618 : memref<1x80xi32, #tpu.memory_space<vmem>> -> memref<80xi32, #tpu.memory_space<vmem>>
    %dma_wait3A_620 = arith.constant 0 : i32
    %dma_wait3A_621 = arith.constant 0 : i32
    %dma_wait3A_622 = tpu.memref_slice %arg2[%dma_wait3A_620, %dma_wait3A_621] : memref<10000x128xf32, #tpu.memory_space<hbm>> -> memref<10000x128xf32, #tpu.memory_space<hbm>>
    tpu.wait_indirect_dma semaphore(%arg20 : memref<!tpu.dma_semaphore, #tpu.memory_space<semaphore_mem>>) src(%dma_wait3A_622 : memref<10000x128xf32, #tpu.memory_space<hbm>>) dst(%arg12 : memref<80x128xf32, #tpu.memory_space<vmem>>)
    %add3A_623 = arith.constant 1760 : i32
    %add3A_624 = arith.addi %mul3A_2, %add3A_623 : i32
    %dma_start3A_625 = arith.constant 0 : i32
    %dma_start3A_626 = tpu.memref_slice %arg4[%add3A_624, %dma_start3A_625] : memref<163840x128xf32, #tpu.memory_space<hbm>> -> memref<80x128xf32, #tpu.memory_space<hbm>>
    %dma_start3A_627 = arith.constant 0 : i32
    %dma_start3A_628 = tpu.memref_slice %arg4[%add3A_624, %dma_start3A_627] : memref<163840x128xf32, #tpu.memory_space<hbm>> -> memref<80x128xf32, #tpu.memory_space<hbm>>
    tpu.enqueue_dma source(%arg12 : memref<80x128xf32, #tpu.memory_space<vmem>>) target(%dma_start3A_628 : memref<80x128xf32, #tpu.memory_space<hbm>>) target_semaphore(%arg28 : memref<!tpu.dma_semaphore, #tpu.memory_space<semaphore_mem>>)
    %add3A_629 = arith.constant 1680 : i32
    %add3A_630 = arith.addi %mul3A_2, %add3A_629 : i32
    %dma_wait3A_631 = arith.constant 0 : i32
    %dma_wait3A_632 = tpu.memref_slice %arg4[%add3A_630, %dma_wait3A_631] : memref<163840x128xf32, #tpu.memory_space<hbm>> -> memref<80x128xf32, #tpu.memory_space<hbm>>
    %dma_wait3A_633 = arith.constant 0 : i32
    %dma_wait3A_634 = tpu.memref_slice %arg4[%add3A_630, %dma_wait3A_633] : memref<163840x128xf32, #tpu.memory_space<hbm>> -> memref<80x128xf32, #tpu.memory_space<hbm>>
    tpu.wait_dma2 semaphore(%arg27 : memref<!tpu.dma_semaphore, #tpu.memory_space<semaphore_mem>>) src(%arg11 : memref<80x128xf32, #tpu.memory_space<vmem>>) dst(%dma_wait3A_634 : memref<80x128xf32, #tpu.memory_space<hbm>>)
    %dma_start3A_635 = arith.constant 29 : i32
    %dma_start3A_636 = arith.constant 0 : i32
    %dma_start3A_637 = tpu.memref_slice %arg5[%dma_start3A_635, %dma_start3A_636] : memref<64x80xi32, #tpu.memory_space<vmem>> -> memref<1x80xi32, #tpu.memory_space<vmem>>
    %dma_start3A_638 = tpu.memref_squeeze %dma_start3A_637 : memref<1x80xi32, #tpu.memory_space<vmem>> -> memref<80xi32, #tpu.memory_space<vmem>>
    %dma_start3A_639 = arith.constant 0 : i32
    %dma_start3A_640 = arith.constant 0 : i32
    %dma_start3A_641 = tpu.memref_slice %arg2[%dma_start3A_639, %dma_start3A_640] : memref<10000x128xf32, #tpu.memory_space<hbm>> -> memref<10000x128xf32, #tpu.memory_space<hbm>>
    tpu.enqueue_indirect_dma source(%dma_start3A_641 : memref<10000x128xf32, #tpu.memory_space<hbm>>) target(%arg11 : memref<80x128xf32, #tpu.memory_space<vmem>>) offsets(%dma_start3A_638 : memref<80xi32, #tpu.memory_space<vmem>>) semaphore(%arg19 : memref<!tpu.dma_semaphore, #tpu.memory_space<semaphore_mem>>)
    %dma_wait3A_642 = arith.constant 23 : i32
    %dma_wait3A_643 = arith.constant 0 : i32
    %dma_wait3A_644 = tpu.memref_slice %arg5[%dma_wait3A_642, %dma_wait3A_643] : memref<64x80xi32, #tpu.memory_space<vmem>> -> memref<1x80xi32, #tpu.memory_space<vmem>>
    %dma_wait3A_645 = tpu.memref_squeeze %dma_wait3A_644 : memref<1x80xi32, #tpu.memory_space<vmem>> -> memref<80xi32, #tpu.memory_space<vmem>>
    %dma_wait3A_646 = arith.constant 0 : i32
    %dma_wait3A_647 = arith.constant 0 : i32
    %dma_wait3A_648 = tpu.memref_slice %arg2[%dma_wait3A_646, %dma_wait3A_647] : memref<10000x128xf32, #tpu.memory_space<hbm>> -> memref<10000x128xf32, #tpu.memory_space<hbm>>
    tpu.wait_indirect_dma semaphore(%arg21 : memref<!tpu.dma_semaphore, #tpu.memory_space<semaphore_mem>>) src(%dma_wait3A_648 : memref<10000x128xf32, #tpu.memory_space<hbm>>) dst(%arg13 : memref<80x128xf32, #tpu.memory_space<vmem>>)
    %add3A_649 = arith.constant 1840 : i32
    %add3A_650 = arith.addi %mul3A_2, %add3A_649 : i32
    %dma_start3A_651 = arith.constant 0 : i32
    %dma_start3A_652 = tpu.memref_slice %arg4[%add3A_650, %dma_start3A_651] : memref<163840x128xf32, #tpu.memory_space<hbm>> -> memref<80x128xf32, #tpu.memory_space<hbm>>
    %dma_start3A_653 = arith.constant 0 : i32
    %dma_start3A_654 = tpu.memref_slice %arg4[%add3A_650, %dma_start3A_653] : memref<163840x128xf32, #tpu.memory_space<hbm>> -> memref<80x128xf32, #tpu.memory_space<hbm>>
    tpu.enqueue_dma source(%arg13 : memref<80x128xf32, #tpu.memory_space<vmem>>) target(%dma_start3A_654 : memref<80x128xf32, #tpu.memory_space<hbm>>) target_semaphore(%arg29 : memref<!tpu.dma_semaphore, #tpu.memory_space<semaphore_mem>>)
    %add3A_655 = arith.constant 1760 : i32
    %add3A_656 = arith.addi %mul3A_2, %add3A_655 : i32
    %dma_wait3A_657 = arith.constant 0 : i32
    %dma_wait3A_658 = tpu.memref_slice %arg4[%add3A_656, %dma_wait3A_657] : memref<163840x128xf32, #tpu.memory_space<hbm>> -> memref<80x128xf32, #tpu.memory_space<hbm>>
    %dma_wait3A_659 = arith.constant 0 : i32
    %dma_wait3A_660 = tpu.memref_slice %arg4[%add3A_656, %dma_wait3A_659] : memref<163840x128xf32, #tpu.memory_space<hbm>> -> memref<80x128xf32, #tpu.memory_space<hbm>>
    tpu.wait_dma2 semaphore(%arg28 : memref<!tpu.dma_semaphore, #tpu.memory_space<semaphore_mem>>) src(%arg12 : memref<80x128xf32, #tpu.memory_space<vmem>>) dst(%dma_wait3A_660 : memref<80x128xf32, #tpu.memory_space<hbm>>)
    %dma_start3A_661 = arith.constant 30 : i32
    %dma_start3A_662 = arith.constant 0 : i32
    %dma_start3A_663 = tpu.memref_slice %arg5[%dma_start3A_661, %dma_start3A_662] : memref<64x80xi32, #tpu.memory_space<vmem>> -> memref<1x80xi32, #tpu.memory_space<vmem>>
    %dma_start3A_664 = tpu.memref_squeeze %dma_start3A_663 : memref<1x80xi32, #tpu.memory_space<vmem>> -> memref<80xi32, #tpu.memory_space<vmem>>
    %dma_start3A_665 = arith.constant 0 : i32
    %dma_start3A_666 = arith.constant 0 : i32
    %dma_start3A_667 = tpu.memref_slice %arg2[%dma_start3A_665, %dma_start3A_666] : memref<10000x128xf32, #tpu.memory_space<hbm>> -> memref<10000x128xf32, #tpu.memory_space<hbm>>
    tpu.enqueue_indirect_dma source(%dma_start3A_667 : memref<10000x128xf32, #tpu.memory_space<hbm>>) target(%arg12 : memref<80x128xf32, #tpu.memory_space<vmem>>) offsets(%dma_start3A_664 : memref<80xi32, #tpu.memory_space<vmem>>) semaphore(%arg20 : memref<!tpu.dma_semaphore, #tpu.memory_space<semaphore_mem>>)
    %dma_wait3A_668 = arith.constant 24 : i32
    %dma_wait3A_669 = arith.constant 0 : i32
    %dma_wait3A_670 = tpu.memref_slice %arg5[%dma_wait3A_668, %dma_wait3A_669] : memref<64x80xi32, #tpu.memory_space<vmem>> -> memref<1x80xi32, #tpu.memory_space<vmem>>
    %dma_wait3A_671 = tpu.memref_squeeze %dma_wait3A_670 : memref<1x80xi32, #tpu.memory_space<vmem>> -> memref<80xi32, #tpu.memory_space<vmem>>
    %dma_wait3A_672 = arith.constant 0 : i32
    %dma_wait3A_673 = arith.constant 0 : i32
    %dma_wait3A_674 = tpu.memref_slice %arg2[%dma_wait3A_672, %dma_wait3A_673] : memref<10000x128xf32, #tpu.memory_space<hbm>> -> memref<10000x128xf32, #tpu.memory_space<hbm>>
    tpu.wait_indirect_dma semaphore(%arg14 : memref<!tpu.dma_semaphore, #tpu.memory_space<semaphore_mem>>) src(%dma_wait3A_674 : memref<10000x128xf32, #tpu.memory_space<hbm>>) dst(%arg6 : memref<80x128xf32, #tpu.memory_space<vmem>>)
    %add3A_675 = arith.constant 1920 : i32
    %add3A_676 = arith.addi %mul3A_2, %add3A_675 : i32
    %dma_start3A_677 = arith.constant 0 : i32
    %dma_start3A_678 = tpu.memref_slice %arg4[%add3A_676, %dma_start3A_677] : memref<163840x128xf32, #tpu.memory_space<hbm>> -> memref<80x128xf32, #tpu.memory_space<hbm>>
    %dma_start3A_679 = arith.constant 0 : i32
    %dma_start3A_680 = tpu.memref_slice %arg4[%add3A_676, %dma_start3A_679] : memref<163840x128xf32, #tpu.memory_space<hbm>> -> memref<80x128xf32, #tpu.memory_space<hbm>>
    tpu.enqueue_dma source(%arg6 : memref<80x128xf32, #tpu.memory_space<vmem>>) target(%dma_start3A_680 : memref<80x128xf32, #tpu.memory_space<hbm>>) target_semaphore(%arg22 : memref<!tpu.dma_semaphore, #tpu.memory_space<semaphore_mem>>)
    %add3A_681 = arith.constant 1840 : i32
    %add3A_682 = arith.addi %mul3A_2, %add3A_681 : i32
    %dma_wait3A_683 = arith.constant 0 : i32
    %dma_wait3A_684 = tpu.memref_slice %arg4[%add3A_682, %dma_wait3A_683] : memref<163840x128xf32, #tpu.memory_space<hbm>> -> memref<80x128xf32, #tpu.memory_space<hbm>>
    %dma_wait3A_685 = arith.constant 0 : i32
    %dma_wait3A_686 = tpu.memref_slice %arg4[%add3A_682, %dma_wait3A_685] : memref<163840x128xf32, #tpu.memory_space<hbm>> -> memref<80x128xf32, #tpu.memory_space<hbm>>
    tpu.wait_dma2 semaphore(%arg29 : memref<!tpu.dma_semaphore, #tpu.memory_space<semaphore_mem>>) src(%arg13 : memref<80x128xf32, #tpu.memory_space<vmem>>) dst(%dma_wait3A_686 : memref<80x128xf32, #tpu.memory_space<hbm>>)
    %dma_start3A_687 = arith.constant 31 : i32
    %dma_start3A_688 = arith.constant 0 : i32
    %dma_start3A_689 = tpu.memref_slice %arg5[%dma_start3A_687, %dma_start3A_688] : memref<64x80xi32, #tpu.memory_space<vmem>> -> memref<1x80xi32, #tpu.memory_space<vmem>>
    %dma_start3A_690 = tpu.memref_squeeze %dma_start3A_689 : memref<1x80xi32, #tpu.memory_space<vmem>> -> memref<80xi32, #tpu.memory_space<vmem>>
    %dma_start3A_691 = arith.constant 0 : i32
    %dma_start3A_692 = arith.constant 0 : i32
    %dma_start3A_693 = tpu.memref_slice %arg2[%dma_start3A_691, %dma_start3A_692] : memref<10000x128xf32, #tpu.memory_space<hbm>> -> memref<10000x128xf32, #tpu.memory_space<hbm>>
    tpu.enqueue_indirect_dma source(%dma_start3A_693 : memref<10000x128xf32, #tpu.memory_space<hbm>>) target(%arg13 : memref<80x128xf32, #tpu.memory_space<vmem>>) offsets(%dma_start3A_690 : memref<80xi32, #tpu.memory_space<vmem>>) semaphore(%arg21 : memref<!tpu.dma_semaphore, #tpu.memory_space<semaphore_mem>>)
    %dma_wait3A_694 = arith.constant 25 : i32
    %dma_wait3A_695 = arith.constant 0 : i32
    %dma_wait3A_696 = tpu.memref_slice %arg5[%dma_wait3A_694, %dma_wait3A_695] : memref<64x80xi32, #tpu.memory_space<vmem>> -> memref<1x80xi32, #tpu.memory_space<vmem>>
    %dma_wait3A_697 = tpu.memref_squeeze %dma_wait3A_696 : memref<1x80xi32, #tpu.memory_space<vmem>> -> memref<80xi32, #tpu.memory_space<vmem>>
    %dma_wait3A_698 = arith.constant 0 : i32
    %dma_wait3A_699 = arith.constant 0 : i32
    %dma_wait3A_700 = tpu.memref_slice %arg2[%dma_wait3A_698, %dma_wait3A_699] : memref<10000x128xf32, #tpu.memory_space<hbm>> -> memref<10000x128xf32, #tpu.memory_space<hbm>>
    tpu.wait_indirect_dma semaphore(%arg15 : memref<!tpu.dma_semaphore, #tpu.memory_space<semaphore_mem>>) src(%dma_wait3A_700 : memref<10000x128xf32, #tpu.memory_space<hbm>>) dst(%arg7 : memref<80x128xf32, #tpu.memory_space<vmem>>)
    %add3A_701 = arith.constant 2000 : i32
    %add3A_702 = arith.addi %mul3A_2, %add3A_701 : i32
    %dma_start3A_703 = arith.constant 0 : i32
    %dma_start3A_704 = tpu.memref_slice %arg4[%add3A_702, %dma_start3A_703] : memref<163840x128xf32, #tpu.memory_space<hbm>> -> memref<80x128xf32, #tpu.memory_space<hbm>>
    %dma_start3A_705 = arith.constant 0 : i32
    %dma_start3A_706 = tpu.memref_slice %arg4[%add3A_702, %dma_start3A_705] : memref<163840x128xf32, #tpu.memory_space<hbm>> -> memref<80x128xf32, #tpu.memory_space<hbm>>
    tpu.enqueue_dma source(%arg7 : memref<80x128xf32, #tpu.memory_space<vmem>>) target(%dma_start3A_706 : memref<80x128xf32, #tpu.memory_space<hbm>>) target_semaphore(%arg23 : memref<!tpu.dma_semaphore, #tpu.memory_space<semaphore_mem>>)
    %add3A_707 = arith.constant 1920 : i32
    %add3A_708 = arith.addi %mul3A_2, %add3A_707 : i32
    %dma_wait3A_709 = arith.constant 0 : i32
    %dma_wait3A_710 = tpu.memref_slice %arg4[%add3A_708, %dma_wait3A_709] : memref<163840x128xf32, #tpu.memory_space<hbm>> -> memref<80x128xf32, #tpu.memory_space<hbm>>
    %dma_wait3A_711 = arith.constant 0 : i32
    %dma_wait3A_712 = tpu.memref_slice %arg4[%add3A_708, %dma_wait3A_711] : memref<163840x128xf32, #tpu.memory_space<hbm>> -> memref<80x128xf32, #tpu.memory_space<hbm>>
    tpu.wait_dma2 semaphore(%arg22 : memref<!tpu.dma_semaphore, #tpu.memory_space<semaphore_mem>>) src(%arg6 : memref<80x128xf32, #tpu.memory_space<vmem>>) dst(%dma_wait3A_712 : memref<80x128xf32, #tpu.memory_space<hbm>>)
    %dma_start3A_713 = arith.constant 32 : i32
    %dma_start3A_714 = arith.constant 0 : i32
    %dma_start3A_715 = tpu.memref_slice %arg5[%dma_start3A_713, %dma_start3A_714] : memref<64x80xi32, #tpu.memory_space<vmem>> -> memref<1x80xi32, #tpu.memory_space<vmem>>
    %dma_start3A_716 = tpu.memref_squeeze %dma_start3A_715 : memref<1x80xi32, #tpu.memory_space<vmem>> -> memref<80xi32, #tpu.memory_space<vmem>>
    %dma_start3A_717 = arith.constant 0 : i32
    %dma_start3A_718 = arith.constant 0 : i32
    %dma_start3A_719 = tpu.memref_slice %arg2[%dma_start3A_717, %dma_start3A_718] : memref<10000x128xf32, #tpu.memory_space<hbm>> -> memref<10000x128xf32, #tpu.memory_space<hbm>>
    tpu.enqueue_indirect_dma source(%dma_start3A_719 : memref<10000x128xf32, #tpu.memory_space<hbm>>) target(%arg6 : memref<80x128xf32, #tpu.memory_space<vmem>>) offsets(%dma_start3A_716 : memref<80xi32, #tpu.memory_space<vmem>>) semaphore(%arg14 : memref<!tpu.dma_semaphore, #tpu.memory_space<semaphore_mem>>)
    %dma_wait3A_720 = arith.constant 26 : i32
    %dma_wait3A_721 = arith.constant 0 : i32
    %dma_wait3A_722 = tpu.memref_slice %arg5[%dma_wait3A_720, %dma_wait3A_721] : memref<64x80xi32, #tpu.memory_space<vmem>> -> memref<1x80xi32, #tpu.memory_space<vmem>>
    %dma_wait3A_723 = tpu.memref_squeeze %dma_wait3A_722 : memref<1x80xi32, #tpu.memory_space<vmem>> -> memref<80xi32, #tpu.memory_space<vmem>>
    %dma_wait3A_724 = arith.constant 0 : i32
    %dma_wait3A_725 = arith.constant 0 : i32
    %dma_wait3A_726 = tpu.memref_slice %arg2[%dma_wait3A_724, %dma_wait3A_725] : memref<10000x128xf32, #tpu.memory_space<hbm>> -> memref<10000x128xf32, #tpu.memory_space<hbm>>
    tpu.wait_indirect_dma semaphore(%arg16 : memref<!tpu.dma_semaphore, #tpu.memory_space<semaphore_mem>>) src(%dma_wait3A_726 : memref<10000x128xf32, #tpu.memory_space<hbm>>) dst(%arg8 : memref<80x128xf32, #tpu.memory_space<vmem>>)
    %add3A_727 = arith.constant 2080 : i32
    %add3A_728 = arith.addi %mul3A_2, %add3A_727 : i32
    %dma_start3A_729 = arith.constant 0 : i32
    %dma_start3A_730 = tpu.memref_slice %arg4[%add3A_728, %dma_start3A_729] : memref<163840x128xf32, #tpu.memory_space<hbm>> -> memref<80x128xf32, #tpu.memory_space<hbm>>
    %dma_start3A_731 = arith.constant 0 : i32
    %dma_start3A_732 = tpu.memref_slice %arg4[%add3A_728, %dma_start3A_731] : memref<163840x128xf32, #tpu.memory_space<hbm>> -> memref<80x128xf32, #tpu.memory_space<hbm>>
    tpu.enqueue_dma source(%arg8 : memref<80x128xf32, #tpu.memory_space<vmem>>) target(%dma_start3A_732 : memref<80x128xf32, #tpu.memory_space<hbm>>) target_semaphore(%arg24 : memref<!tpu.dma_semaphore, #tpu.memory_space<semaphore_mem>>)
    %add3A_733 = arith.constant 2000 : i32
    %add3A_734 = arith.addi %mul3A_2, %add3A_733 : i32
    %dma_wait3A_735 = arith.constant 0 : i32
    %dma_wait3A_736 = tpu.memref_slice %arg4[%add3A_734, %dma_wait3A_735] : memref<163840x128xf32, #tpu.memory_space<hbm>> -> memref<80x128xf32, #tpu.memory_space<hbm>>
    %dma_wait3A_737 = arith.constant 0 : i32
    %dma_wait3A_738 = tpu.memref_slice %arg4[%add3A_734, %dma_wait3A_737] : memref<163840x128xf32, #tpu.memory_space<hbm>> -> memref<80x128xf32, #tpu.memory_space<hbm>>
    tpu.wait_dma2 semaphore(%arg23 : memref<!tpu.dma_semaphore, #tpu.memory_space<semaphore_mem>>) src(%arg7 : memref<80x128xf32, #tpu.memory_space<vmem>>) dst(%dma_wait3A_738 : memref<80x128xf32, #tpu.memory_space<hbm>>)
    %dma_start3A_739 = arith.constant 33 : i32
    %dma_start3A_740 = arith.constant 0 : i32
    %dma_start3A_741 = tpu.memref_slice %arg5[%dma_start3A_739, %dma_start3A_740] : memref<64x80xi32, #tpu.memory_space<vmem>> -> memref<1x80xi32, #tpu.memory_space<vmem>>
    %dma_start3A_742 = tpu.memref_squeeze %dma_start3A_741 : memref<1x80xi32, #tpu.memory_space<vmem>> -> memref<80xi32, #tpu.memory_space<vmem>>
    %dma_start3A_743 = arith.constant 0 : i32
    %dma_start3A_744 = arith.constant 0 : i32
    %dma_start3A_745 = tpu.memref_slice %arg2[%dma_start3A_743, %dma_start3A_744] : memref<10000x128xf32, #tpu.memory_space<hbm>> -> memref<10000x128xf32, #tpu.memory_space<hbm>>
    tpu.enqueue_indirect_dma source(%dma_start3A_745 : memref<10000x128xf32, #tpu.memory_space<hbm>>) target(%arg7 : memref<80x128xf32, #tpu.memory_space<vmem>>) offsets(%dma_start3A_742 : memref<80xi32, #tpu.memory_space<vmem>>) semaphore(%arg15 : memref<!tpu.dma_semaphore, #tpu.memory_space<semaphore_mem>>)
    %dma_wait3A_746 = arith.constant 27 : i32
    %dma_wait3A_747 = arith.constant 0 : i32
    %dma_wait3A_748 = tpu.memref_slice %arg5[%dma_wait3A_746, %dma_wait3A_747] : memref<64x80xi32, #tpu.memory_space<vmem>> -> memref<1x80xi32, #tpu.memory_space<vmem>>
    %dma_wait3A_749 = tpu.memref_squeeze %dma_wait3A_748 : memref<1x80xi32, #tpu.memory_space<vmem>> -> memref<80xi32, #tpu.memory_space<vmem>>
    %dma_wait3A_750 = arith.constant 0 : i32
    %dma_wait3A_751 = arith.constant 0 : i32
    %dma_wait3A_752 = tpu.memref_slice %arg2[%dma_wait3A_750, %dma_wait3A_751] : memref<10000x128xf32, #tpu.memory_space<hbm>> -> memref<10000x128xf32, #tpu.memory_space<hbm>>
    tpu.wait_indirect_dma semaphore(%arg17 : memref<!tpu.dma_semaphore, #tpu.memory_space<semaphore_mem>>) src(%dma_wait3A_752 : memref<10000x128xf32, #tpu.memory_space<hbm>>) dst(%arg9 : memref<80x128xf32, #tpu.memory_space<vmem>>)
    %add3A_753 = arith.constant 2160 : i32
    %add3A_754 = arith.addi %mul3A_2, %add3A_753 : i32
    %dma_start3A_755 = arith.constant 0 : i32
    %dma_start3A_756 = tpu.memref_slice %arg4[%add3A_754, %dma_start3A_755] : memref<163840x128xf32, #tpu.memory_space<hbm>> -> memref<80x128xf32, #tpu.memory_space<hbm>>
    %dma_start3A_757 = arith.constant 0 : i32
    %dma_start3A_758 = tpu.memref_slice %arg4[%add3A_754, %dma_start3A_757] : memref<163840x128xf32, #tpu.memory_space<hbm>> -> memref<80x128xf32, #tpu.memory_space<hbm>>
    tpu.enqueue_dma source(%arg9 : memref<80x128xf32, #tpu.memory_space<vmem>>) target(%dma_start3A_758 : memref<80x128xf32, #tpu.memory_space<hbm>>) target_semaphore(%arg25 : memref<!tpu.dma_semaphore, #tpu.memory_space<semaphore_mem>>)
    %add3A_759 = arith.constant 2080 : i32
    %add3A_760 = arith.addi %mul3A_2, %add3A_759 : i32
    %dma_wait3A_761 = arith.constant 0 : i32
    %dma_wait3A_762 = tpu.memref_slice %arg4[%add3A_760, %dma_wait3A_761] : memref<163840x128xf32, #tpu.memory_space<hbm>> -> memref<80x128xf32, #tpu.memory_space<hbm>>
    %dma_wait3A_763 = arith.constant 0 : i32
    %dma_wait3A_764 = tpu.memref_slice %arg4[%add3A_760, %dma_wait3A_763] : memref<163840x128xf32, #tpu.memory_space<hbm>> -> memref<80x128xf32, #tpu.memory_space<hbm>>
    tpu.wait_dma2 semaphore(%arg24 : memref<!tpu.dma_semaphore, #tpu.memory_space<semaphore_mem>>) src(%arg8 : memref<80x128xf32, #tpu.memory_space<vmem>>) dst(%dma_wait3A_764 : memref<80x128xf32, #tpu.memory_space<hbm>>)
    %dma_start3A_765 = arith.constant 34 : i32
    %dma_start3A_766 = arith.constant 0 : i32
    %dma_start3A_767 = tpu.memref_slice %arg5[%dma_start3A_765, %dma_start3A_766] : memref<64x80xi32, #tpu.memory_space<vmem>> -> memref<1x80xi32, #tpu.memory_space<vmem>>
    %dma_start3A_768 = tpu.memref_squeeze %dma_start3A_767 : memref<1x80xi32, #tpu.memory_space<vmem>> -> memref<80xi32, #tpu.memory_space<vmem>>
    %dma_start3A_769 = arith.constant 0 : i32
    %dma_start3A_770 = arith.constant 0 : i32
    %dma_start3A_771 = tpu.memref_slice %arg2[%dma_start3A_769, %dma_start3A_770] : memref<10000x128xf32, #tpu.memory_space<hbm>> -> memref<10000x128xf32, #tpu.memory_space<hbm>>
    tpu.enqueue_indirect_dma source(%dma_start3A_771 : memref<10000x128xf32, #tpu.memory_space<hbm>>) target(%arg8 : memref<80x128xf32, #tpu.memory_space<vmem>>) offsets(%dma_start3A_768 : memref<80xi32, #tpu.memory_space<vmem>>) semaphore(%arg16 : memref<!tpu.dma_semaphore, #tpu.memory_space<semaphore_mem>>)
    %dma_wait3A_772 = arith.constant 28 : i32
    %dma_wait3A_773 = arith.constant 0 : i32
    %dma_wait3A_774 = tpu.memref_slice %arg5[%dma_wait3A_772, %dma_wait3A_773] : memref<64x80xi32, #tpu.memory_space<vmem>> -> memref<1x80xi32, #tpu.memory_space<vmem>>
    %dma_wait3A_775 = tpu.memref_squeeze %dma_wait3A_774 : memref<1x80xi32, #tpu.memory_space<vmem>> -> memref<80xi32, #tpu.memory_space<vmem>>
    %dma_wait3A_776 = arith.constant 0 : i32
    %dma_wait3A_777 = arith.constant 0 : i32
    %dma_wait3A_778 = tpu.memref_slice %arg2[%dma_wait3A_776, %dma_wait3A_777] : memref<10000x128xf32, #tpu.memory_space<hbm>> -> memref<10000x128xf32, #tpu.memory_space<hbm>>
    tpu.wait_indirect_dma semaphore(%arg18 : memref<!tpu.dma_semaphore, #tpu.memory_space<semaphore_mem>>) src(%dma_wait3A_778 : memref<10000x128xf32, #tpu.memory_space<hbm>>) dst(%arg10 : memref<80x128xf32, #tpu.memory_space<vmem>>)
    %add3A_779 = arith.constant 2240 : i32
    %add3A_780 = arith.addi %mul3A_2, %add3A_779 : i32
    %dma_start3A_781 = arith.constant 0 : i32
    %dma_start3A_782 = tpu.memref_slice %arg4[%add3A_780, %dma_start3A_781] : memref<163840x128xf32, #tpu.memory_space<hbm>> -> memref<80x128xf32, #tpu.memory_space<hbm>>
    %dma_start3A_783 = arith.constant 0 : i32
    %dma_start3A_784 = tpu.memref_slice %arg4[%add3A_780, %dma_start3A_783] : memref<163840x128xf32, #tpu.memory_space<hbm>> -> memref<80x128xf32, #tpu.memory_space<hbm>>
    tpu.enqueue_dma source(%arg10 : memref<80x128xf32, #tpu.memory_space<vmem>>) target(%dma_start3A_784 : memref<80x128xf32, #tpu.memory_space<hbm>>) target_semaphore(%arg26 : memref<!tpu.dma_semaphore, #tpu.memory_space<semaphore_mem>>)
    %add3A_785 = arith.constant 2160 : i32
    %add3A_786 = arith.addi %mul3A_2, %add3A_785 : i32
    %dma_wait3A_787 = arith.constant 0 : i32
    %dma_wait3A_788 = tpu.memref_slice %arg4[%add3A_786, %dma_wait3A_787] : memref<163840x128xf32, #tpu.memory_space<hbm>> -> memref<80x128xf32, #tpu.memory_space<hbm>>
    %dma_wait3A_789 = arith.constant 0 : i32
    %dma_wait3A_790 = tpu.memref_slice %arg4[%add3A_786, %dma_wait3A_789] : memref<163840x128xf32, #tpu.memory_space<hbm>> -> memref<80x128xf32, #tpu.memory_space<hbm>>
    tpu.wait_dma2 semaphore(%arg25 : memref<!tpu.dma_semaphore, #tpu.memory_space<semaphore_mem>>) src(%arg9 : memref<80x128xf32, #tpu.memory_space<vmem>>) dst(%dma_wait3A_790 : memref<80x128xf32, #tpu.memory_space<hbm>>)
    %dma_start3A_791 = arith.constant 35 : i32
    %dma_start3A_792 = arith.constant 0 : i32
    %dma_start3A_793 = tpu.memref_slice %arg5[%dma_start3A_791, %dma_start3A_792] : memref<64x80xi32, #tpu.memory_space<vmem>> -> memref<1x80xi32, #tpu.memory_space<vmem>>
    %dma_start3A_794 = tpu.memref_squeeze %dma_start3A_793 : memref<1x80xi32, #tpu.memory_space<vmem>> -> memref<80xi32, #tpu.memory_space<vmem>>
    %dma_start3A_795 = arith.constant 0 : i32
    %dma_start3A_796 = arith.constant 0 : i32
    %dma_start3A_797 = tpu.memref_slice %arg2[%dma_start3A_795, %dma_start3A_796] : memref<10000x128xf32, #tpu.memory_space<hbm>> -> memref<10000x128xf32, #tpu.memory_space<hbm>>
    tpu.enqueue_indirect_dma source(%dma_start3A_797 : memref<10000x128xf32, #tpu.memory_space<hbm>>) target(%arg9 : memref<80x128xf32, #tpu.memory_space<vmem>>) offsets(%dma_start3A_794 : memref<80xi32, #tpu.memory_space<vmem>>) semaphore(%arg17 : memref<!tpu.dma_semaphore, #tpu.memory_space<semaphore_mem>>)
    %dma_wait3A_798 = arith.constant 29 : i32
    %dma_wait3A_799 = arith.constant 0 : i32
    %dma_wait3A_800 = tpu.memref_slice %arg5[%dma_wait3A_798, %dma_wait3A_799] : memref<64x80xi32, #tpu.memory_space<vmem>> -> memref<1x80xi32, #tpu.memory_space<vmem>>
    %dma_wait3A_801 = tpu.memref_squeeze %dma_wait3A_800 : memref<1x80xi32, #tpu.memory_space<vmem>> -> memref<80xi32, #tpu.memory_space<vmem>>
    %dma_wait3A_802 = arith.constant 0 : i32
    %dma_wait3A_803 = arith.constant 0 : i32
    %dma_wait3A_804 = tpu.memref_slice %arg2[%dma_wait3A_802, %dma_wait3A_803] : memref<10000x128xf32, #tpu.memory_space<hbm>> -> memref<10000x128xf32, #tpu.memory_space<hbm>>
    tpu.wait_indirect_dma semaphore(%arg19 : memref<!tpu.dma_semaphore, #tpu.memory_space<semaphore_mem>>) src(%dma_wait3A_804 : memref<10000x128xf32, #tpu.memory_space<hbm>>) dst(%arg11 : memref<80x128xf32, #tpu.memory_space<vmem>>)
    %add3A_805 = arith.constant 2320 : i32
    %add3A_806 = arith.addi %mul3A_2, %add3A_805 : i32
    %dma_start3A_807 = arith.constant 0 : i32
    %dma_start3A_808 = tpu.memref_slice %arg4[%add3A_806, %dma_start3A_807] : memref<163840x128xf32, #tpu.memory_space<hbm>> -> memref<80x128xf32, #tpu.memory_space<hbm>>
    %dma_start3A_809 = arith.constant 0 : i32
    %dma_start3A_810 = tpu.memref_slice %arg4[%add3A_806, %dma_start3A_809] : memref<163840x128xf32, #tpu.memory_space<hbm>> -> memref<80x128xf32, #tpu.memory_space<hbm>>
    tpu.enqueue_dma source(%arg11 : memref<80x128xf32, #tpu.memory_space<vmem>>) target(%dma_start3A_810 : memref<80x128xf32, #tpu.memory_space<hbm>>) target_semaphore(%arg27 : memref<!tpu.dma_semaphore, #tpu.memory_space<semaphore_mem>>)
    %add3A_811 = arith.constant 2240 : i32
    %add3A_812 = arith.addi %mul3A_2, %add3A_811 : i32
    %dma_wait3A_813 = arith.constant 0 : i32
    %dma_wait3A_814 = tpu.memref_slice %arg4[%add3A_812, %dma_wait3A_813] : memref<163840x128xf32, #tpu.memory_space<hbm>> -> memref<80x128xf32, #tpu.memory_space<hbm>>
    %dma_wait3A_815 = arith.constant 0 : i32
    %dma_wait3A_816 = tpu.memref_slice %arg4[%add3A_812, %dma_wait3A_815] : memref<163840x128xf32, #tpu.memory_space<hbm>> -> memref<80x128xf32, #tpu.memory_space<hbm>>
    tpu.wait_dma2 semaphore(%arg26 : memref<!tpu.dma_semaphore, #tpu.memory_space<semaphore_mem>>) src(%arg10 : memref<80x128xf32, #tpu.memory_space<vmem>>) dst(%dma_wait3A_816 : memref<80x128xf32, #tpu.memory_space<hbm>>)
    %dma_start3A_817 = arith.constant 36 : i32
    %dma_start3A_818 = arith.constant 0 : i32
    %dma_start3A_819 = tpu.memref_slice %arg5[%dma_start3A_817, %dma_start3A_818] : memref<64x80xi32, #tpu.memory_space<vmem>> -> memref<1x80xi32, #tpu.memory_space<vmem>>
    %dma_start3A_820 = tpu.memref_squeeze %dma_start3A_819 : memref<1x80xi32, #tpu.memory_space<vmem>> -> memref<80xi32, #tpu.memory_space<vmem>>
    %dma_start3A_821 = arith.constant 0 : i32
    %dma_start3A_822 = arith.constant 0 : i32
    %dma_start3A_823 = tpu.memref_slice %arg2[%dma_start3A_821, %dma_start3A_822] : memref<10000x128xf32, #tpu.memory_space<hbm>> -> memref<10000x128xf32, #tpu.memory_space<hbm>>
    tpu.enqueue_indirect_dma source(%dma_start3A_823 : memref<10000x128xf32, #tpu.memory_space<hbm>>) target(%arg10 : memref<80x128xf32, #tpu.memory_space<vmem>>) offsets(%dma_start3A_820 : memref<80xi32, #tpu.memory_space<vmem>>) semaphore(%arg18 : memref<!tpu.dma_semaphore, #tpu.memory_space<semaphore_mem>>)
    %dma_wait3A_824 = arith.constant 30 : i32
    %dma_wait3A_825 = arith.constant 0 : i32
    %dma_wait3A_826 = tpu.memref_slice %arg5[%dma_wait3A_824, %dma_wait3A_825] : memref<64x80xi32, #tpu.memory_space<vmem>> -> memref<1x80xi32, #tpu.memory_space<vmem>>
    %dma_wait3A_827 = tpu.memref_squeeze %dma_wait3A_826 : memref<1x80xi32, #tpu.memory_space<vmem>> -> memref<80xi32, #tpu.memory_space<vmem>>
    %dma_wait3A_828 = arith.constant 0 : i32
    %dma_wait3A_829 = arith.constant 0 : i32
    %dma_wait3A_830 = tpu.memref_slice %arg2[%dma_wait3A_828, %dma_wait3A_829] : memref<10000x128xf32, #tpu.memory_space<hbm>> -> memref<10000x128xf32, #tpu.memory_space<hbm>>
    tpu.wait_indirect_dma semaphore(%arg20 : memref<!tpu.dma_semaphore, #tpu.memory_space<semaphore_mem>>) src(%dma_wait3A_830 : memref<10000x128xf32, #tpu.memory_space<hbm>>) dst(%arg12 : memref<80x128xf32, #tpu.memory_space<vmem>>)
    %add3A_831 = arith.constant 2400 : i32
    %add3A_832 = arith.addi %mul3A_2, %add3A_831 : i32
    %dma_start3A_833 = arith.constant 0 : i32
    %dma_start3A_834 = tpu.memref_slice %arg4[%add3A_832, %dma_start3A_833] : memref<163840x128xf32, #tpu.memory_space<hbm>> -> memref<80x128xf32, #tpu.memory_space<hbm>>
    %dma_start3A_835 = arith.constant 0 : i32
    %dma_start3A_836 = tpu.memref_slice %arg4[%add3A_832, %dma_start3A_835] : memref<163840x128xf32, #tpu.memory_space<hbm>> -> memref<80x128xf32, #tpu.memory_space<hbm>>
    tpu.enqueue_dma source(%arg12 : memref<80x128xf32, #tpu.memory_space<vmem>>) target(%dma_start3A_836 : memref<80x128xf32, #tpu.memory_space<hbm>>) target_semaphore(%arg28 : memref<!tpu.dma_semaphore, #tpu.memory_space<semaphore_mem>>)
    %add3A_837 = arith.constant 2320 : i32
    %add3A_838 = arith.addi %mul3A_2, %add3A_837 : i32
    %dma_wait3A_839 = arith.constant 0 : i32
    %dma_wait3A_840 = tpu.memref_slice %arg4[%add3A_838, %dma_wait3A_839] : memref<163840x128xf32, #tpu.memory_space<hbm>> -> memref<80x128xf32, #tpu.memory_space<hbm>>
    %dma_wait3A_841 = arith.constant 0 : i32
    %dma_wait3A_842 = tpu.memref_slice %arg4[%add3A_838, %dma_wait3A_841] : memref<163840x128xf32, #tpu.memory_space<hbm>> -> memref<80x128xf32, #tpu.memory_space<hbm>>
    tpu.wait_dma2 semaphore(%arg27 : memref<!tpu.dma_semaphore, #tpu.memory_space<semaphore_mem>>) src(%arg11 : memref<80x128xf32, #tpu.memory_space<vmem>>) dst(%dma_wait3A_842 : memref<80x128xf32, #tpu.memory_space<hbm>>)
    %dma_start3A_843 = arith.constant 37 : i32
    %dma_start3A_844 = arith.constant 0 : i32
    %dma_start3A_845 = tpu.memref_slice %arg5[%dma_start3A_843, %dma_start3A_844] : memref<64x80xi32, #tpu.memory_space<vmem>> -> memref<1x80xi32, #tpu.memory_space<vmem>>
    %dma_start3A_846 = tpu.memref_squeeze %dma_start3A_845 : memref<1x80xi32, #tpu.memory_space<vmem>> -> memref<80xi32, #tpu.memory_space<vmem>>
    %dma_start3A_847 = arith.constant 0 : i32
    %dma_start3A_848 = arith.constant 0 : i32
    %dma_start3A_849 = tpu.memref_slice %arg2[%dma_start3A_847, %dma_start3A_848] : memref<10000x128xf32, #tpu.memory_space<hbm>> -> memref<10000x128xf32, #tpu.memory_space<hbm>>
    tpu.enqueue_indirect_dma source(%dma_start3A_849 : memref<10000x128xf32, #tpu.memory_space<hbm>>) target(%arg11 : memref<80x128xf32, #tpu.memory_space<vmem>>) offsets(%dma_start3A_846 : memref<80xi32, #tpu.memory_space<vmem>>) semaphore(%arg19 : memref<!tpu.dma_semaphore, #tpu.memory_space<semaphore_mem>>)
    %dma_wait3A_850 = arith.constant 31 : i32
    %dma_wait3A_851 = arith.constant 0 : i32
    %dma_wait3A_852 = tpu.memref_slice %arg5[%dma_wait3A_850, %dma_wait3A_851] : memref<64x80xi32, #tpu.memory_space<vmem>> -> memref<1x80xi32, #tpu.memory_space<vmem>>
    %dma_wait3A_853 = tpu.memref_squeeze %dma_wait3A_852 : memref<1x80xi32, #tpu.memory_space<vmem>> -> memref<80xi32, #tpu.memory_space<vmem>>
    %dma_wait3A_854 = arith.constant 0 : i32
    %dma_wait3A_855 = arith.constant 0 : i32
    %dma_wait3A_856 = tpu.memref_slice %arg2[%dma_wait3A_854, %dma_wait3A_855] : memref<10000x128xf32, #tpu.memory_space<hbm>> -> memref<10000x128xf32, #tpu.memory_space<hbm>>
    tpu.wait_indirect_dma semaphore(%arg21 : memref<!tpu.dma_semaphore, #tpu.memory_space<semaphore_mem>>) src(%dma_wait3A_856 : memref<10000x128xf32, #tpu.memory_space<hbm>>) dst(%arg13 : memref<80x128xf32, #tpu.memory_space<vmem>>)
    %add3A_857 = arith.constant 2480 : i32
    %add3A_858 = arith.addi %mul3A_2, %add3A_857 : i32
    %dma_start3A_859 = arith.constant 0 : i32
    %dma_start3A_860 = tpu.memref_slice %arg4[%add3A_858, %dma_start3A_859] : memref<163840x128xf32, #tpu.memory_space<hbm>> -> memref<80x128xf32, #tpu.memory_space<hbm>>
    %dma_start3A_861 = arith.constant 0 : i32
    %dma_start3A_862 = tpu.memref_slice %arg4[%add3A_858, %dma_start3A_861] : memref<163840x128xf32, #tpu.memory_space<hbm>> -> memref<80x128xf32, #tpu.memory_space<hbm>>
    tpu.enqueue_dma source(%arg13 : memref<80x128xf32, #tpu.memory_space<vmem>>) target(%dma_start3A_862 : memref<80x128xf32, #tpu.memory_space<hbm>>) target_semaphore(%arg29 : memref<!tpu.dma_semaphore, #tpu.memory_space<semaphore_mem>>)
    %add3A_863 = arith.constant 2400 : i32
    %add3A_864 = arith.addi %mul3A_2, %add3A_863 : i32
    %dma_wait3A_865 = arith.constant 0 : i32
    %dma_wait3A_866 = tpu.memref_slice %arg4[%add3A_864, %dma_wait3A_865] : memref<163840x128xf32, #tpu.memory_space<hbm>> -> memref<80x128xf32, #tpu.memory_space<hbm>>
    %dma_wait3A_867 = arith.constant 0 : i32
    %dma_wait3A_868 = tpu.memref_slice %arg4[%add3A_864, %dma_wait3A_867] : memref<163840x128xf32, #tpu.memory_space<hbm>> -> memref<80x128xf32, #tpu.memory_space<hbm>>
    tpu.wait_dma2 semaphore(%arg28 : memref<!tpu.dma_semaphore, #tpu.memory_space<semaphore_mem>>) src(%arg12 : memref<80x128xf32, #tpu.memory_space<vmem>>) dst(%dma_wait3A_868 : memref<80x128xf32, #tpu.memory_space<hbm>>)
    %dma_start3A_869 = arith.constant 38 : i32
    %dma_start3A_870 = arith.constant 0 : i32
    %dma_start3A_871 = tpu.memref_slice %arg5[%dma_start3A_869, %dma_start3A_870] : memref<64x80xi32, #tpu.memory_space<vmem>> -> memref<1x80xi32, #tpu.memory_space<vmem>>
    %dma_start3A_872 = tpu.memref_squeeze %dma_start3A_871 : memref<1x80xi32, #tpu.memory_space<vmem>> -> memref<80xi32, #tpu.memory_space<vmem>>
    %dma_start3A_873 = arith.constant 0 : i32
    %dma_start3A_874 = arith.constant 0 : i32
    %dma_start3A_875 = tpu.memref_slice %arg2[%dma_start3A_873, %dma_start3A_874] : memref<10000x128xf32, #tpu.memory_space<hbm>> -> memref<10000x128xf32, #tpu.memory_space<hbm>>
    tpu.enqueue_indirect_dma source(%dma_start3A_875 : memref<10000x128xf32, #tpu.memory_space<hbm>>) target(%arg12 : memref<80x128xf32, #tpu.memory_space<vmem>>) offsets(%dma_start3A_872 : memref<80xi32, #tpu.memory_space<vmem>>) semaphore(%arg20 : memref<!tpu.dma_semaphore, #tpu.memory_space<semaphore_mem>>)
    %dma_wait3A_876 = arith.constant 32 : i32
    %dma_wait3A_877 = arith.constant 0 : i32
    %dma_wait3A_878 = tpu.memref_slice %arg5[%dma_wait3A_876, %dma_wait3A_877] : memref<64x80xi32, #tpu.memory_space<vmem>> -> memref<1x80xi32, #tpu.memory_space<vmem>>
    %dma_wait3A_879 = tpu.memref_squeeze %dma_wait3A_878 : memref<1x80xi32, #tpu.memory_space<vmem>> -> memref<80xi32, #tpu.memory_space<vmem>>
    %dma_wait3A_880 = arith.constant 0 : i32
    %dma_wait3A_881 = arith.constant 0 : i32
    %dma_wait3A_882 = tpu.memref_slice %arg2[%dma_wait3A_880, %dma_wait3A_881] : memref<10000x128xf32, #tpu.memory_space<hbm>> -> memref<10000x128xf32, #tpu.memory_space<hbm>>
    tpu.wait_indirect_dma semaphore(%arg14 : memref<!tpu.dma_semaphore, #tpu.memory_space<semaphore_mem>>) src(%dma_wait3A_882 : memref<10000x128xf32, #tpu.memory_space<hbm>>) dst(%arg6 : memref<80x128xf32, #tpu.memory_space<vmem>>)
    %add3A_883 = arith.constant 2560 : i32
    %add3A_884 = arith.addi %mul3A_2, %add3A_883 : i32
    %dma_start3A_885 = arith.constant 0 : i32
    %dma_start3A_886 = tpu.memref_slice %arg4[%add3A_884, %dma_start3A_885] : memref<163840x128xf32, #tpu.memory_space<hbm>> -> memref<80x128xf32, #tpu.memory_space<hbm>>
    %dma_start3A_887 = arith.constant 0 : i32
    %dma_start3A_888 = tpu.memref_slice %arg4[%add3A_884, %dma_start3A_887] : memref<163840x128xf32, #tpu.memory_space<hbm>> -> memref<80x128xf32, #tpu.memory_space<hbm>>
    tpu.enqueue_dma source(%arg6 : memref<80x128xf32, #tpu.memory_space<vmem>>) target(%dma_start3A_888 : memref<80x128xf32, #tpu.memory_space<hbm>>) target_semaphore(%arg22 : memref<!tpu.dma_semaphore, #tpu.memory_space<semaphore_mem>>)
    %add3A_889 = arith.constant 2480 : i32
    %add3A_890 = arith.addi %mul3A_2, %add3A_889 : i32
    %dma_wait3A_891 = arith.constant 0 : i32
    %dma_wait3A_892 = tpu.memref_slice %arg4[%add3A_890, %dma_wait3A_891] : memref<163840x128xf32, #tpu.memory_space<hbm>> -> memref<80x128xf32, #tpu.memory_space<hbm>>
    %dma_wait3A_893 = arith.constant 0 : i32
    %dma_wait3A_894 = tpu.memref_slice %arg4[%add3A_890, %dma_wait3A_893] : memref<163840x128xf32, #tpu.memory_space<hbm>> -> memref<80x128xf32, #tpu.memory_space<hbm>>
    tpu.wait_dma2 semaphore(%arg29 : memref<!tpu.dma_semaphore, #tpu.memory_space<semaphore_mem>>) src(%arg13 : memref<80x128xf32, #tpu.memory_space<vmem>>) dst(%dma_wait3A_894 : memref<80x128xf32, #tpu.memory_space<hbm>>)
    %dma_start3A_895 = arith.constant 39 : i32
    %dma_start3A_896 = arith.constant 0 : i32
    %dma_start3A_897 = tpu.memref_slice %arg5[%dma_start3A_895, %dma_start3A_896] : memref<64x80xi32, #tpu.memory_space<vmem>> -> memref<1x80xi32, #tpu.memory_space<vmem>>
    %dma_start3A_898 = tpu.memref_squeeze %dma_start3A_897 : memref<1x80xi32, #tpu.memory_space<vmem>> -> memref<80xi32, #tpu.memory_space<vmem>>
    %dma_start3A_899 = arith.constant 0 : i32
    %dma_start3A_900 = arith.constant 0 : i32
    %dma_start3A_901 = tpu.memref_slice %arg2[%dma_start3A_899, %dma_start3A_900] : memref<10000x128xf32, #tpu.memory_space<hbm>> -> memref<10000x128xf32, #tpu.memory_space<hbm>>
    tpu.enqueue_indirect_dma source(%dma_start3A_901 : memref<10000x128xf32, #tpu.memory_space<hbm>>) target(%arg13 : memref<80x128xf32, #tpu.memory_space<vmem>>) offsets(%dma_start3A_898 : memref<80xi32, #tpu.memory_space<vmem>>) semaphore(%arg21 : memref<!tpu.dma_semaphore, #tpu.memory_space<semaphore_mem>>)
    %dma_wait3A_902 = arith.constant 33 : i32
    %dma_wait3A_903 = arith.constant 0 : i32
    %dma_wait3A_904 = tpu.memref_slice %arg5[%dma_wait3A_902, %dma_wait3A_903] : memref<64x80xi32, #tpu.memory_space<vmem>> -> memref<1x80xi32, #tpu.memory_space<vmem>>
    %dma_wait3A_905 = tpu.memref_squeeze %dma_wait3A_904 : memref<1x80xi32, #tpu.memory_space<vmem>> -> memref<80xi32, #tpu.memory_space<vmem>>
    %dma_wait3A_906 = arith.constant 0 : i32
    %dma_wait3A_907 = arith.constant 0 : i32
    %dma_wait3A_908 = tpu.memref_slice %arg2[%dma_wait3A_906, %dma_wait3A_907] : memref<10000x128xf32, #tpu.memory_space<hbm>> -> memref<10000x128xf32, #tpu.memory_space<hbm>>
    tpu.wait_indirect_dma semaphore(%arg15 : memref<!tpu.dma_semaphore, #tpu.memory_space<semaphore_mem>>) src(%dma_wait3A_908 : memref<10000x128xf32, #tpu.memory_space<hbm>>) dst(%arg7 : memref<80x128xf32, #tpu.memory_space<vmem>>)
    %add3A_909 = arith.constant 2640 : i32
    %add3A_910 = arith.addi %mul3A_2, %add3A_909 : i32
    %dma_start3A_911 = arith.constant 0 : i32
    %dma_start3A_912 = tpu.memref_slice %arg4[%add3A_910, %dma_start3A_911] : memref<163840x128xf32, #tpu.memory_space<hbm>> -> memref<80x128xf32, #tpu.memory_space<hbm>>
    %dma_start3A_913 = arith.constant 0 : i32
    %dma_start3A_914 = tpu.memref_slice %arg4[%add3A_910, %dma_start3A_913] : memref<163840x128xf32, #tpu.memory_space<hbm>> -> memref<80x128xf32, #tpu.memory_space<hbm>>
    tpu.enqueue_dma source(%arg7 : memref<80x128xf32, #tpu.memory_space<vmem>>) target(%dma_start3A_914 : memref<80x128xf32, #tpu.memory_space<hbm>>) target_semaphore(%arg23 : memref<!tpu.dma_semaphore, #tpu.memory_space<semaphore_mem>>)
    %add3A_915 = arith.constant 2560 : i32
    %add3A_916 = arith.addi %mul3A_2, %add3A_915 : i32
    %dma_wait3A_917 = arith.constant 0 : i32
    %dma_wait3A_918 = tpu.memref_slice %arg4[%add3A_916, %dma_wait3A_917] : memref<163840x128xf32, #tpu.memory_space<hbm>> -> memref<80x128xf32, #tpu.memory_space<hbm>>
    %dma_wait3A_919 = arith.constant 0 : i32
    %dma_wait3A_920 = tpu.memref_slice %arg4[%add3A_916, %dma_wait3A_919] : memref<163840x128xf32, #tpu.memory_space<hbm>> -> memref<80x128xf32, #tpu.memory_space<hbm>>
    tpu.wait_dma2 semaphore(%arg22 : memref<!tpu.dma_semaphore, #tpu.memory_space<semaphore_mem>>) src(%arg6 : memref<80x128xf32, #tpu.memory_space<vmem>>) dst(%dma_wait3A_920 : memref<80x128xf32, #tpu.memory_space<hbm>>)
    %dma_start3A_921 = arith.constant 40 : i32
    %dma_start3A_922 = arith.constant 0 : i32
    %dma_start3A_923 = tpu.memref_slice %arg5[%dma_start3A_921, %dma_start3A_922] : memref<64x80xi32, #tpu.memory_space<vmem>> -> memref<1x80xi32, #tpu.memory_space<vmem>>
    %dma_start3A_924 = tpu.memref_squeeze %dma_start3A_923 : memref<1x80xi32, #tpu.memory_space<vmem>> -> memref<80xi32, #tpu.memory_space<vmem>>
    %dma_start3A_925 = arith.constant 0 : i32
    %dma_start3A_926 = arith.constant 0 : i32
    %dma_start3A_927 = tpu.memref_slice %arg2[%dma_start3A_925, %dma_start3A_926] : memref<10000x128xf32, #tpu.memory_space<hbm>> -> memref<10000x128xf32, #tpu.memory_space<hbm>>
    tpu.enqueue_indirect_dma source(%dma_start3A_927 : memref<10000x128xf32, #tpu.memory_space<hbm>>) target(%arg6 : memref<80x128xf32, #tpu.memory_space<vmem>>) offsets(%dma_start3A_924 : memref<80xi32, #tpu.memory_space<vmem>>) semaphore(%arg14 : memref<!tpu.dma_semaphore, #tpu.memory_space<semaphore_mem>>)
    %dma_wait3A_928 = arith.constant 34 : i32
    %dma_wait3A_929 = arith.constant 0 : i32
    %dma_wait3A_930 = tpu.memref_slice %arg5[%dma_wait3A_928, %dma_wait3A_929] : memref<64x80xi32, #tpu.memory_space<vmem>> -> memref<1x80xi32, #tpu.memory_space<vmem>>
    %dma_wait3A_931 = tpu.memref_squeeze %dma_wait3A_930 : memref<1x80xi32, #tpu.memory_space<vmem>> -> memref<80xi32, #tpu.memory_space<vmem>>
    %dma_wait3A_932 = arith.constant 0 : i32
    %dma_wait3A_933 = arith.constant 0 : i32
    %dma_wait3A_934 = tpu.memref_slice %arg2[%dma_wait3A_932, %dma_wait3A_933] : memref<10000x128xf32, #tpu.memory_space<hbm>> -> memref<10000x128xf32, #tpu.memory_space<hbm>>
    tpu.wait_indirect_dma semaphore(%arg16 : memref<!tpu.dma_semaphore, #tpu.memory_space<semaphore_mem>>) src(%dma_wait3A_934 : memref<10000x128xf32, #tpu.memory_space<hbm>>) dst(%arg8 : memref<80x128xf32, #tpu.memory_space<vmem>>)
    %add3A_935 = arith.constant 2720 : i32
    %add3A_936 = arith.addi %mul3A_2, %add3A_935 : i32
    %dma_start3A_937 = arith.constant 0 : i32
    %dma_start3A_938 = tpu.memref_slice %arg4[%add3A_936, %dma_start3A_937] : memref<163840x128xf32, #tpu.memory_space<hbm>> -> memref<80x128xf32, #tpu.memory_space<hbm>>
    %dma_start3A_939 = arith.constant 0 : i32
    %dma_start3A_940 = tpu.memref_slice %arg4[%add3A_936, %dma_start3A_939] : memref<163840x128xf32, #tpu.memory_space<hbm>> -> memref<80x128xf32, #tpu.memory_space<hbm>>
    tpu.enqueue_dma source(%arg8 : memref<80x128xf32, #tpu.memory_space<vmem>>) target(%dma_start3A_940 : memref<80x128xf32, #tpu.memory_space<hbm>>) target_semaphore(%arg24 : memref<!tpu.dma_semaphore, #tpu.memory_space<semaphore_mem>>)
    %add3A_941 = arith.constant 2640 : i32
    %add3A_942 = arith.addi %mul3A_2, %add3A_941 : i32
    %dma_wait3A_943 = arith.constant 0 : i32
    %dma_wait3A_944 = tpu.memref_slice %arg4[%add3A_942, %dma_wait3A_943] : memref<163840x128xf32, #tpu.memory_space<hbm>> -> memref<80x128xf32, #tpu.memory_space<hbm>>
    %dma_wait3A_945 = arith.constant 0 : i32
    %dma_wait3A_946 = tpu.memref_slice %arg4[%add3A_942, %dma_wait3A_945] : memref<163840x128xf32, #tpu.memory_space<hbm>> -> memref<80x128xf32, #tpu.memory_space<hbm>>
    tpu.wait_dma2 semaphore(%arg23 : memref<!tpu.dma_semaphore, #tpu.memory_space<semaphore_mem>>) src(%arg7 : memref<80x128xf32, #tpu.memory_space<vmem>>) dst(%dma_wait3A_946 : memref<80x128xf32, #tpu.memory_space<hbm>>)
    %dma_start3A_947 = arith.constant 41 : i32
    %dma_start3A_948 = arith.constant 0 : i32
    %dma_start3A_949 = tpu.memref_slice %arg5[%dma_start3A_947, %dma_start3A_948] : memref<64x80xi32, #tpu.memory_space<vmem>> -> memref<1x80xi32, #tpu.memory_space<vmem>>
    %dma_start3A_950 = tpu.memref_squeeze %dma_start3A_949 : memref<1x80xi32, #tpu.memory_space<vmem>> -> memref<80xi32, #tpu.memory_space<vmem>>
    %dma_start3A_951 = arith.constant 0 : i32
    %dma_start3A_952 = arith.constant 0 : i32
    %dma_start3A_953 = tpu.memref_slice %arg2[%dma_start3A_951, %dma_start3A_952] : memref<10000x128xf32, #tpu.memory_space<hbm>> -> memref<10000x128xf32, #tpu.memory_space<hbm>>
    tpu.enqueue_indirect_dma source(%dma_start3A_953 : memref<10000x128xf32, #tpu.memory_space<hbm>>) target(%arg7 : memref<80x128xf32, #tpu.memory_space<vmem>>) offsets(%dma_start3A_950 : memref<80xi32, #tpu.memory_space<vmem>>) semaphore(%arg15 : memref<!tpu.dma_semaphore, #tpu.memory_space<semaphore_mem>>)
    %dma_wait3A_954 = arith.constant 35 : i32
    %dma_wait3A_955 = arith.constant 0 : i32
    %dma_wait3A_956 = tpu.memref_slice %arg5[%dma_wait3A_954, %dma_wait3A_955] : memref<64x80xi32, #tpu.memory_space<vmem>> -> memref<1x80xi32, #tpu.memory_space<vmem>>
    %dma_wait3A_957 = tpu.memref_squeeze %dma_wait3A_956 : memref<1x80xi32, #tpu.memory_space<vmem>> -> memref<80xi32, #tpu.memory_space<vmem>>
    %dma_wait3A_958 = arith.constant 0 : i32
    %dma_wait3A_959 = arith.constant 0 : i32
    %dma_wait3A_960 = tpu.memref_slice %arg2[%dma_wait3A_958, %dma_wait3A_959] : memref<10000x128xf32, #tpu.memory_space<hbm>> -> memref<10000x128xf32, #tpu.memory_space<hbm>>
    tpu.wait_indirect_dma semaphore(%arg17 : memref<!tpu.dma_semaphore, #tpu.memory_space<semaphore_mem>>) src(%dma_wait3A_960 : memref<10000x128xf32, #tpu.memory_space<hbm>>) dst(%arg9 : memref<80x128xf32, #tpu.memory_space<vmem>>)
    %add3A_961 = arith.constant 2800 : i32
    %add3A_962 = arith.addi %mul3A_2, %add3A_961 : i32
    %dma_start3A_963 = arith.constant 0 : i32
    %dma_start3A_964 = tpu.memref_slice %arg4[%add3A_962, %dma_start3A_963] : memref<163840x128xf32, #tpu.memory_space<hbm>> -> memref<80x128xf32, #tpu.memory_space<hbm>>
    %dma_start3A_965 = arith.constant 0 : i32
    %dma_start3A_966 = tpu.memref_slice %arg4[%add3A_962, %dma_start3A_965] : memref<163840x128xf32, #tpu.memory_space<hbm>> -> memref<80x128xf32, #tpu.memory_space<hbm>>
    tpu.enqueue_dma source(%arg9 : memref<80x128xf32, #tpu.memory_space<vmem>>) target(%dma_start3A_966 : memref<80x128xf32, #tpu.memory_space<hbm>>) target_semaphore(%arg25 : memref<!tpu.dma_semaphore, #tpu.memory_space<semaphore_mem>>)
    %add3A_967 = arith.constant 2720 : i32
    %add3A_968 = arith.addi %mul3A_2, %add3A_967 : i32
    %dma_wait3A_969 = arith.constant 0 : i32
    %dma_wait3A_970 = tpu.memref_slice %arg4[%add3A_968, %dma_wait3A_969] : memref<163840x128xf32, #tpu.memory_space<hbm>> -> memref<80x128xf32, #tpu.memory_space<hbm>>
    %dma_wait3A_971 = arith.constant 0 : i32
    %dma_wait3A_972 = tpu.memref_slice %arg4[%add3A_968, %dma_wait3A_971] : memref<163840x128xf32, #tpu.memory_space<hbm>> -> memref<80x128xf32, #tpu.memory_space<hbm>>
    tpu.wait_dma2 semaphore(%arg24 : memref<!tpu.dma_semaphore, #tpu.memory_space<semaphore_mem>>) src(%arg8 : memref<80x128xf32, #tpu.memory_space<vmem>>) dst(%dma_wait3A_972 : memref<80x128xf32, #tpu.memory_space<hbm>>)
    %dma_start3A_973 = arith.constant 42 : i32
    %dma_start3A_974 = arith.constant 0 : i32
    %dma_start3A_975 = tpu.memref_slice %arg5[%dma_start3A_973, %dma_start3A_974] : memref<64x80xi32, #tpu.memory_space<vmem>> -> memref<1x80xi32, #tpu.memory_space<vmem>>
    %dma_start3A_976 = tpu.memref_squeeze %dma_start3A_975 : memref<1x80xi32, #tpu.memory_space<vmem>> -> memref<80xi32, #tpu.memory_space<vmem>>
    %dma_start3A_977 = arith.constant 0 : i32
    %dma_start3A_978 = arith.constant 0 : i32
    %dma_start3A_979 = tpu.memref_slice %arg2[%dma_start3A_977, %dma_start3A_978] : memref<10000x128xf32, #tpu.memory_space<hbm>> -> memref<10000x128xf32, #tpu.memory_space<hbm>>
    tpu.enqueue_indirect_dma source(%dma_start3A_979 : memref<10000x128xf32, #tpu.memory_space<hbm>>) target(%arg8 : memref<80x128xf32, #tpu.memory_space<vmem>>) offsets(%dma_start3A_976 : memref<80xi32, #tpu.memory_space<vmem>>) semaphore(%arg16 : memref<!tpu.dma_semaphore, #tpu.memory_space<semaphore_mem>>)
    %dma_wait3A_980 = arith.constant 36 : i32
    %dma_wait3A_981 = arith.constant 0 : i32
    %dma_wait3A_982 = tpu.memref_slice %arg5[%dma_wait3A_980, %dma_wait3A_981] : memref<64x80xi32, #tpu.memory_space<vmem>> -> memref<1x80xi32, #tpu.memory_space<vmem>>
    %dma_wait3A_983 = tpu.memref_squeeze %dma_wait3A_982 : memref<1x80xi32, #tpu.memory_space<vmem>> -> memref<80xi32, #tpu.memory_space<vmem>>
    %dma_wait3A_984 = arith.constant 0 : i32
    %dma_wait3A_985 = arith.constant 0 : i32
    %dma_wait3A_986 = tpu.memref_slice %arg2[%dma_wait3A_984, %dma_wait3A_985] : memref<10000x128xf32, #tpu.memory_space<hbm>> -> memref<10000x128xf32, #tpu.memory_space<hbm>>
    tpu.wait_indirect_dma semaphore(%arg18 : memref<!tpu.dma_semaphore, #tpu.memory_space<semaphore_mem>>) src(%dma_wait3A_986 : memref<10000x128xf32, #tpu.memory_space<hbm>>) dst(%arg10 : memref<80x128xf32, #tpu.memory_space<vmem>>)
    %add3A_987 = arith.constant 2880 : i32
    %add3A_988 = arith.addi %mul3A_2, %add3A_987 : i32
    %dma_start3A_989 = arith.constant 0 : i32
    %dma_start3A_990 = tpu.memref_slice %arg4[%add3A_988, %dma_start3A_989] : memref<163840x128xf32, #tpu.memory_space<hbm>> -> memref<80x128xf32, #tpu.memory_space<hbm>>
    %dma_start3A_991 = arith.constant 0 : i32
    %dma_start3A_992 = tpu.memref_slice %arg4[%add3A_988, %dma_start3A_991] : memref<163840x128xf32, #tpu.memory_space<hbm>> -> memref<80x128xf32, #tpu.memory_space<hbm>>
    tpu.enqueue_dma source(%arg10 : memref<80x128xf32, #tpu.memory_space<vmem>>) target(%dma_start3A_992 : memref<80x128xf32, #tpu.memory_space<hbm>>) target_semaphore(%arg26 : memref<!tpu.dma_semaphore, #tpu.memory_space<semaphore_mem>>)
    %add3A_993 = arith.constant 2800 : i32
    %add3A_994 = arith.addi %mul3A_2, %add3A_993 : i32
    %dma_wait3A_995 = arith.constant 0 : i32
    %dma_wait3A_996 = tpu.memref_slice %arg4[%add3A_994, %dma_wait3A_995] : memref<163840x128xf32, #tpu.memory_space<hbm>> -> memref<80x128xf32, #tpu.memory_space<hbm>>
    %dma_wait3A_997 = arith.constant 0 : i32
    %dma_wait3A_998 = tpu.memref_slice %arg4[%add3A_994, %dma_wait3A_997] : memref<163840x128xf32, #tpu.memory_space<hbm>> -> memref<80x128xf32, #tpu.memory_space<hbm>>
    tpu.wait_dma2 semaphore(%arg25 : memref<!tpu.dma_semaphore, #tpu.memory_space<semaphore_mem>>) src(%arg9 : memref<80x128xf32, #tpu.memory_space<vmem>>) dst(%dma_wait3A_998 : memref<80x128xf32, #tpu.memory_space<hbm>>)
    %dma_start3A_999 = arith.constant 43 : i32
    %dma_start3A_1000 = arith.constant 0 : i32
    %dma_start3A_1001 = tpu.memref_slice %arg5[%dma_start3A_999, %dma_start3A_1000] : memref<64x80xi32, #tpu.memory_space<vmem>> -> memref<1x80xi32, #tpu.memory_space<vmem>>
    %dma_start3A_1002 = tpu.memref_squeeze %dma_start3A_1001 : memref<1x80xi32, #tpu.memory_space<vmem>> -> memref<80xi32, #tpu.memory_space<vmem>>
    %dma_start3A_1003 = arith.constant 0 : i32
    %dma_start3A_1004 = arith.constant 0 : i32
    %dma_start3A_1005 = tpu.memref_slice %arg2[%dma_start3A_1003, %dma_start3A_1004] : memref<10000x128xf32, #tpu.memory_space<hbm>> -> memref<10000x128xf32, #tpu.memory_space<hbm>>
    tpu.enqueue_indirect_dma source(%dma_start3A_1005 : memref<10000x128xf32, #tpu.memory_space<hbm>>) target(%arg9 : memref<80x128xf32, #tpu.memory_space<vmem>>) offsets(%dma_start3A_1002 : memref<80xi32, #tpu.memory_space<vmem>>) semaphore(%arg17 : memref<!tpu.dma_semaphore, #tpu.memory_space<semaphore_mem>>)
    %dma_wait3A_1006 = arith.constant 37 : i32
    %dma_wait3A_1007 = arith.constant 0 : i32
    %dma_wait3A_1008 = tpu.memref_slice %arg5[%dma_wait3A_1006, %dma_wait3A_1007] : memref<64x80xi32, #tpu.memory_space<vmem>> -> memref<1x80xi32, #tpu.memory_space<vmem>>
    %dma_wait3A_1009 = tpu.memref_squeeze %dma_wait3A_1008 : memref<1x80xi32, #tpu.memory_space<vmem>> -> memref<80xi32, #tpu.memory_space<vmem>>
    %dma_wait3A_1010 = arith.constant 0 : i32
    %dma_wait3A_1011 = arith.constant 0 : i32
    %dma_wait3A_1012 = tpu.memref_slice %arg2[%dma_wait3A_1010, %dma_wait3A_1011] : memref<10000x128xf32, #tpu.memory_space<hbm>> -> memref<10000x128xf32, #tpu.memory_space<hbm>>
    tpu.wait_indirect_dma semaphore(%arg19 : memref<!tpu.dma_semaphore, #tpu.memory_space<semaphore_mem>>) src(%dma_wait3A_1012 : memref<10000x128xf32, #tpu.memory_space<hbm>>) dst(%arg11 : memref<80x128xf32, #tpu.memory_space<vmem>>)
    %add3A_1013 = arith.constant 2960 : i32
    %add3A_1014 = arith.addi %mul3A_2, %add3A_1013 : i32
    %dma_start3A_1015 = arith.constant 0 : i32
    %dma_start3A_1016 = tpu.memref_slice %arg4[%add3A_1014, %dma_start3A_1015] : memref<163840x128xf32, #tpu.memory_space<hbm>> -> memref<80x128xf32, #tpu.memory_space<hbm>>
    %dma_start3A_1017 = arith.constant 0 : i32
    %dma_start3A_1018 = tpu.memref_slice %arg4[%add3A_1014, %dma_start3A_1017] : memref<163840x128xf32, #tpu.memory_space<hbm>> -> memref<80x128xf32, #tpu.memory_space<hbm>>
    tpu.enqueue_dma source(%arg11 : memref<80x128xf32, #tpu.memory_space<vmem>>) target(%dma_start3A_1018 : memref<80x128xf32, #tpu.memory_space<hbm>>) target_semaphore(%arg27 : memref<!tpu.dma_semaphore, #tpu.memory_space<semaphore_mem>>)
    %add3A_1019 = arith.constant 2880 : i32
    %add3A_1020 = arith.addi %mul3A_2, %add3A_1019 : i32
    %dma_wait3A_1021 = arith.constant 0 : i32
    %dma_wait3A_1022 = tpu.memref_slice %arg4[%add3A_1020, %dma_wait3A_1021] : memref<163840x128xf32, #tpu.memory_space<hbm>> -> memref<80x128xf32, #tpu.memory_space<hbm>>
    %dma_wait3A_1023 = arith.constant 0 : i32
    %dma_wait3A_1024 = tpu.memref_slice %arg4[%add3A_1020, %dma_wait3A_1023] : memref<163840x128xf32, #tpu.memory_space<hbm>> -> memref<80x128xf32, #tpu.memory_space<hbm>>
    tpu.wait_dma2 semaphore(%arg26 : memref<!tpu.dma_semaphore, #tpu.memory_space<semaphore_mem>>) src(%arg10 : memref<80x128xf32, #tpu.memory_space<vmem>>) dst(%dma_wait3A_1024 : memref<80x128xf32, #tpu.memory_space<hbm>>)
    %dma_start3A_1025 = arith.constant 44 : i32
    %dma_start3A_1026 = arith.constant 0 : i32
    %dma_start3A_1027 = tpu.memref_slice %arg5[%dma_start3A_1025, %dma_start3A_1026] : memref<64x80xi32, #tpu.memory_space<vmem>> -> memref<1x80xi32, #tpu.memory_space<vmem>>
    %dma_start3A_1028 = tpu.memref_squeeze %dma_start3A_1027 : memref<1x80xi32, #tpu.memory_space<vmem>> -> memref<80xi32, #tpu.memory_space<vmem>>
    %dma_start3A_1029 = arith.constant 0 : i32
    %dma_start3A_1030 = arith.constant 0 : i32
    %dma_start3A_1031 = tpu.memref_slice %arg2[%dma_start3A_1029, %dma_start3A_1030] : memref<10000x128xf32, #tpu.memory_space<hbm>> -> memref<10000x128xf32, #tpu.memory_space<hbm>>
    tpu.enqueue_indirect_dma source(%dma_start3A_1031 : memref<10000x128xf32, #tpu.memory_space<hbm>>) target(%arg10 : memref<80x128xf32, #tpu.memory_space<vmem>>) offsets(%dma_start3A_1028 : memref<80xi32, #tpu.memory_space<vmem>>) semaphore(%arg18 : memref<!tpu.dma_semaphore, #tpu.memory_space<semaphore_mem>>)
    %dma_wait3A_1032 = arith.constant 38 : i32
    %dma_wait3A_1033 = arith.constant 0 : i32
    %dma_wait3A_1034 = tpu.memref_slice %arg5[%dma_wait3A_1032, %dma_wait3A_1033] : memref<64x80xi32, #tpu.memory_space<vmem>> -> memref<1x80xi32, #tpu.memory_space<vmem>>
    %dma_wait3A_1035 = tpu.memref_squeeze %dma_wait3A_1034 : memref<1x80xi32, #tpu.memory_space<vmem>> -> memref<80xi32, #tpu.memory_space<vmem>>
    %dma_wait3A_1036 = arith.constant 0 : i32
    %dma_wait3A_1037 = arith.constant 0 : i32
    %dma_wait3A_1038 = tpu.memref_slice %arg2[%dma_wait3A_1036, %dma_wait3A_1037] : memref<10000x128xf32, #tpu.memory_space<hbm>> -> memref<10000x128xf32, #tpu.memory_space<hbm>>
    tpu.wait_indirect_dma semaphore(%arg20 : memref<!tpu.dma_semaphore, #tpu.memory_space<semaphore_mem>>) src(%dma_wait3A_1038 : memref<10000x128xf32, #tpu.memory_space<hbm>>) dst(%arg12 : memref<80x128xf32, #tpu.memory_space<vmem>>)
    %add3A_1039 = arith.constant 3040 : i32
    %add3A_1040 = arith.addi %mul3A_2, %add3A_1039 : i32
    %dma_start3A_1041 = arith.constant 0 : i32
    %dma_start3A_1042 = tpu.memref_slice %arg4[%add3A_1040, %dma_start3A_1041] : memref<163840x128xf32, #tpu.memory_space<hbm>> -> memref<80x128xf32, #tpu.memory_space<hbm>>
    %dma_start3A_1043 = arith.constant 0 : i32
    %dma_start3A_1044 = tpu.memref_slice %arg4[%add3A_1040, %dma_start3A_1043] : memref<163840x128xf32, #tpu.memory_space<hbm>> -> memref<80x128xf32, #tpu.memory_space<hbm>>
    tpu.enqueue_dma source(%arg12 : memref<80x128xf32, #tpu.memory_space<vmem>>) target(%dma_start3A_1044 : memref<80x128xf32, #tpu.memory_space<hbm>>) target_semaphore(%arg28 : memref<!tpu.dma_semaphore, #tpu.memory_space<semaphore_mem>>)
    %add3A_1045 = arith.constant 2960 : i32
    %add3A_1046 = arith.addi %mul3A_2, %add3A_1045 : i32
    %dma_wait3A_1047 = arith.constant 0 : i32
    %dma_wait3A_1048 = tpu.memref_slice %arg4[%add3A_1046, %dma_wait3A_1047] : memref<163840x128xf32, #tpu.memory_space<hbm>> -> memref<80x128xf32, #tpu.memory_space<hbm>>
    %dma_wait3A_1049 = arith.constant 0 : i32
    %dma_wait3A_1050 = tpu.memref_slice %arg4[%add3A_1046, %dma_wait3A_1049] : memref<163840x128xf32, #tpu.memory_space<hbm>> -> memref<80x128xf32, #tpu.memory_space<hbm>>
    tpu.wait_dma2 semaphore(%arg27 : memref<!tpu.dma_semaphore, #tpu.memory_space<semaphore_mem>>) src(%arg11 : memref<80x128xf32, #tpu.memory_space<vmem>>) dst(%dma_wait3A_1050 : memref<80x128xf32, #tpu.memory_space<hbm>>)
    %dma_start3A_1051 = arith.constant 45 : i32
    %dma_start3A_1052 = arith.constant 0 : i32
    %dma_start3A_1053 = tpu.memref_slice %arg5[%dma_start3A_1051, %dma_start3A_1052] : memref<64x80xi32, #tpu.memory_space<vmem>> -> memref<1x80xi32, #tpu.memory_space<vmem>>
    %dma_start3A_1054 = tpu.memref_squeeze %dma_start3A_1053 : memref<1x80xi32, #tpu.memory_space<vmem>> -> memref<80xi32, #tpu.memory_space<vmem>>
    %dma_start3A_1055 = arith.constant 0 : i32
    %dma_start3A_1056 = arith.constant 0 : i32
    %dma_start3A_1057 = tpu.memref_slice %arg2[%dma_start3A_1055, %dma_start3A_1056] : memref<10000x128xf32, #tpu.memory_space<hbm>> -> memref<10000x128xf32, #tpu.memory_space<hbm>>
    tpu.enqueue_indirect_dma source(%dma_start3A_1057 : memref<10000x128xf32, #tpu.memory_space<hbm>>) target(%arg11 : memref<80x128xf32, #tpu.memory_space<vmem>>) offsets(%dma_start3A_1054 : memref<80xi32, #tpu.memory_space<vmem>>) semaphore(%arg19 : memref<!tpu.dma_semaphore, #tpu.memory_space<semaphore_mem>>)
    %dma_wait3A_1058 = arith.constant 39 : i32
    %dma_wait3A_1059 = arith.constant 0 : i32
    %dma_wait3A_1060 = tpu.memref_slice %arg5[%dma_wait3A_1058, %dma_wait3A_1059] : memref<64x80xi32, #tpu.memory_space<vmem>> -> memref<1x80xi32, #tpu.memory_space<vmem>>
    %dma_wait3A_1061 = tpu.memref_squeeze %dma_wait3A_1060 : memref<1x80xi32, #tpu.memory_space<vmem>> -> memref<80xi32, #tpu.memory_space<vmem>>
    %dma_wait3A_1062 = arith.constant 0 : i32
    %dma_wait3A_1063 = arith.constant 0 : i32
    %dma_wait3A_1064 = tpu.memref_slice %arg2[%dma_wait3A_1062, %dma_wait3A_1063] : memref<10000x128xf32, #tpu.memory_space<hbm>> -> memref<10000x128xf32, #tpu.memory_space<hbm>>
    tpu.wait_indirect_dma semaphore(%arg21 : memref<!tpu.dma_semaphore, #tpu.memory_space<semaphore_mem>>) src(%dma_wait3A_1064 : memref<10000x128xf32, #tpu.memory_space<hbm>>) dst(%arg13 : memref<80x128xf32, #tpu.memory_space<vmem>>)
    %add3A_1065 = arith.constant 3120 : i32
    %add3A_1066 = arith.addi %mul3A_2, %add3A_1065 : i32
    %dma_start3A_1067 = arith.constant 0 : i32
    %dma_start3A_1068 = tpu.memref_slice %arg4[%add3A_1066, %dma_start3A_1067] : memref<163840x128xf32, #tpu.memory_space<hbm>> -> memref<80x128xf32, #tpu.memory_space<hbm>>
    %dma_start3A_1069 = arith.constant 0 : i32
    %dma_start3A_1070 = tpu.memref_slice %arg4[%add3A_1066, %dma_start3A_1069] : memref<163840x128xf32, #tpu.memory_space<hbm>> -> memref<80x128xf32, #tpu.memory_space<hbm>>
    tpu.enqueue_dma source(%arg13 : memref<80x128xf32, #tpu.memory_space<vmem>>) target(%dma_start3A_1070 : memref<80x128xf32, #tpu.memory_space<hbm>>) target_semaphore(%arg29 : memref<!tpu.dma_semaphore, #tpu.memory_space<semaphore_mem>>)
    %add3A_1071 = arith.constant 3040 : i32
    %add3A_1072 = arith.addi %mul3A_2, %add3A_1071 : i32
    %dma_wait3A_1073 = arith.constant 0 : i32
    %dma_wait3A_1074 = tpu.memref_slice %arg4[%add3A_1072, %dma_wait3A_1073] : memref<163840x128xf32, #tpu.memory_space<hbm>> -> memref<80x128xf32, #tpu.memory_space<hbm>>
    %dma_wait3A_1075 = arith.constant 0 : i32
    %dma_wait3A_1076 = tpu.memref_slice %arg4[%add3A_1072, %dma_wait3A_1075] : memref<163840x128xf32, #tpu.memory_space<hbm>> -> memref<80x128xf32, #tpu.memory_space<hbm>>
    tpu.wait_dma2 semaphore(%arg28 : memref<!tpu.dma_semaphore, #tpu.memory_space<semaphore_mem>>) src(%arg12 : memref<80x128xf32, #tpu.memory_space<vmem>>) dst(%dma_wait3A_1076 : memref<80x128xf32, #tpu.memory_space<hbm>>)
    %dma_start3A_1077 = arith.constant 46 : i32
    %dma_start3A_1078 = arith.constant 0 : i32
    %dma_start3A_1079 = tpu.memref_slice %arg5[%dma_start3A_1077, %dma_start3A_1078] : memref<64x80xi32, #tpu.memory_space<vmem>> -> memref<1x80xi32, #tpu.memory_space<vmem>>
    %dma_start3A_1080 = tpu.memref_squeeze %dma_start3A_1079 : memref<1x80xi32, #tpu.memory_space<vmem>> -> memref<80xi32, #tpu.memory_space<vmem>>
    %dma_start3A_1081 = arith.constant 0 : i32
    %dma_start3A_1082 = arith.constant 0 : i32
    %dma_start3A_1083 = tpu.memref_slice %arg2[%dma_start3A_1081, %dma_start3A_1082] : memref<10000x128xf32, #tpu.memory_space<hbm>> -> memref<10000x128xf32, #tpu.memory_space<hbm>>
    tpu.enqueue_indirect_dma source(%dma_start3A_1083 : memref<10000x128xf32, #tpu.memory_space<hbm>>) target(%arg12 : memref<80x128xf32, #tpu.memory_space<vmem>>) offsets(%dma_start3A_1080 : memref<80xi32, #tpu.memory_space<vmem>>) semaphore(%arg20 : memref<!tpu.dma_semaphore, #tpu.memory_space<semaphore_mem>>)
    %dma_wait3A_1084 = arith.constant 40 : i32
    %dma_wait3A_1085 = arith.constant 0 : i32
    %dma_wait3A_1086 = tpu.memref_slice %arg5[%dma_wait3A_1084, %dma_wait3A_1085] : memref<64x80xi32, #tpu.memory_space<vmem>> -> memref<1x80xi32, #tpu.memory_space<vmem>>
    %dma_wait3A_1087 = tpu.memref_squeeze %dma_wait3A_1086 : memref<1x80xi32, #tpu.memory_space<vmem>> -> memref<80xi32, #tpu.memory_space<vmem>>
    %dma_wait3A_1088 = arith.constant 0 : i32
    %dma_wait3A_1089 = arith.constant 0 : i32
    %dma_wait3A_1090 = tpu.memref_slice %arg2[%dma_wait3A_1088, %dma_wait3A_1089] : memref<10000x128xf32, #tpu.memory_space<hbm>> -> memref<10000x128xf32, #tpu.memory_space<hbm>>
    tpu.wait_indirect_dma semaphore(%arg14 : memref<!tpu.dma_semaphore, #tpu.memory_space<semaphore_mem>>) src(%dma_wait3A_1090 : memref<10000x128xf32, #tpu.memory_space<hbm>>) dst(%arg6 : memref<80x128xf32, #tpu.memory_space<vmem>>)
    %add3A_1091 = arith.constant 3200 : i32
    %add3A_1092 = arith.addi %mul3A_2, %add3A_1091 : i32
    %dma_start3A_1093 = arith.constant 0 : i32
    %dma_start3A_1094 = tpu.memref_slice %arg4[%add3A_1092, %dma_start3A_1093] : memref<163840x128xf32, #tpu.memory_space<hbm>> -> memref<80x128xf32, #tpu.memory_space<hbm>>
    %dma_start3A_1095 = arith.constant 0 : i32
    %dma_start3A_1096 = tpu.memref_slice %arg4[%add3A_1092, %dma_start3A_1095] : memref<163840x128xf32, #tpu.memory_space<hbm>> -> memref<80x128xf32, #tpu.memory_space<hbm>>
    tpu.enqueue_dma source(%arg6 : memref<80x128xf32, #tpu.memory_space<vmem>>) target(%dma_start3A_1096 : memref<80x128xf32, #tpu.memory_space<hbm>>) target_semaphore(%arg22 : memref<!tpu.dma_semaphore, #tpu.memory_space<semaphore_mem>>)
    %add3A_1097 = arith.constant 3120 : i32
    %add3A_1098 = arith.addi %mul3A_2, %add3A_1097 : i32
    %dma_wait3A_1099 = arith.constant 0 : i32
    %dma_wait3A_1100 = tpu.memref_slice %arg4[%add3A_1098, %dma_wait3A_1099] : memref<163840x128xf32, #tpu.memory_space<hbm>> -> memref<80x128xf32, #tpu.memory_space<hbm>>
    %dma_wait3A_1101 = arith.constant 0 : i32
    %dma_wait3A_1102 = tpu.memref_slice %arg4[%add3A_1098, %dma_wait3A_1101] : memref<163840x128xf32, #tpu.memory_space<hbm>> -> memref<80x128xf32, #tpu.memory_space<hbm>>
    tpu.wait_dma2 semaphore(%arg29 : memref<!tpu.dma_semaphore, #tpu.memory_space<semaphore_mem>>) src(%arg13 : memref<80x128xf32, #tpu.memory_space<vmem>>) dst(%dma_wait3A_1102 : memref<80x128xf32, #tpu.memory_space<hbm>>)
    %dma_start3A_1103 = arith.constant 47 : i32
    %dma_start3A_1104 = arith.constant 0 : i32
    %dma_start3A_1105 = tpu.memref_slice %arg5[%dma_start3A_1103, %dma_start3A_1104] : memref<64x80xi32, #tpu.memory_space<vmem>> -> memref<1x80xi32, #tpu.memory_space<vmem>>
    %dma_start3A_1106 = tpu.memref_squeeze %dma_start3A_1105 : memref<1x80xi32, #tpu.memory_space<vmem>> -> memref<80xi32, #tpu.memory_space<vmem>>
    %dma_start3A_1107 = arith.constant 0 : i32
    %dma_start3A_1108 = arith.constant 0 : i32
    %dma_start3A_1109 = tpu.memref_slice %arg2[%dma_start3A_1107, %dma_start3A_1108] : memref<10000x128xf32, #tpu.memory_space<hbm>> -> memref<10000x128xf32, #tpu.memory_space<hbm>>
    tpu.enqueue_indirect_dma source(%dma_start3A_1109 : memref<10000x128xf32, #tpu.memory_space<hbm>>) target(%arg13 : memref<80x128xf32, #tpu.memory_space<vmem>>) offsets(%dma_start3A_1106 : memref<80xi32, #tpu.memory_space<vmem>>) semaphore(%arg21 : memref<!tpu.dma_semaphore, #tpu.memory_space<semaphore_mem>>)
    %dma_wait3A_1110 = arith.constant 41 : i32
    %dma_wait3A_1111 = arith.constant 0 : i32
    %dma_wait3A_1112 = tpu.memref_slice %arg5[%dma_wait3A_1110, %dma_wait3A_1111] : memref<64x80xi32, #tpu.memory_space<vmem>> -> memref<1x80xi32, #tpu.memory_space<vmem>>
    %dma_wait3A_1113 = tpu.memref_squeeze %dma_wait3A_1112 : memref<1x80xi32, #tpu.memory_space<vmem>> -> memref<80xi32, #tpu.memory_space<vmem>>
    %dma_wait3A_1114 = arith.constant 0 : i32
    %dma_wait3A_1115 = arith.constant 0 : i32
    %dma_wait3A_1116 = tpu.memref_slice %arg2[%dma_wait3A_1114, %dma_wait3A_1115] : memref<10000x128xf32, #tpu.memory_space<hbm>> -> memref<10000x128xf32, #tpu.memory_space<hbm>>
    tpu.wait_indirect_dma semaphore(%arg15 : memref<!tpu.dma_semaphore, #tpu.memory_space<semaphore_mem>>) src(%dma_wait3A_1116 : memref<10000x128xf32, #tpu.memory_space<hbm>>) dst(%arg7 : memref<80x128xf32, #tpu.memory_space<vmem>>)
    %add3A_1117 = arith.constant 3280 : i32
    %add3A_1118 = arith.addi %mul3A_2, %add3A_1117 : i32
    %dma_start3A_1119 = arith.constant 0 : i32
    %dma_start3A_1120 = tpu.memref_slice %arg4[%add3A_1118, %dma_start3A_1119] : memref<163840x128xf32, #tpu.memory_space<hbm>> -> memref<80x128xf32, #tpu.memory_space<hbm>>
    %dma_start3A_1121 = arith.constant 0 : i32
    %dma_start3A_1122 = tpu.memref_slice %arg4[%add3A_1118, %dma_start3A_1121] : memref<163840x128xf32, #tpu.memory_space<hbm>> -> memref<80x128xf32, #tpu.memory_space<hbm>>
    tpu.enqueue_dma source(%arg7 : memref<80x128xf32, #tpu.memory_space<vmem>>) target(%dma_start3A_1122 : memref<80x128xf32, #tpu.memory_space<hbm>>) target_semaphore(%arg23 : memref<!tpu.dma_semaphore, #tpu.memory_space<semaphore_mem>>)
    %add3A_1123 = arith.constant 3200 : i32
    %add3A_1124 = arith.addi %mul3A_2, %add3A_1123 : i32
    %dma_wait3A_1125 = arith.constant 0 : i32
    %dma_wait3A_1126 = tpu.memref_slice %arg4[%add3A_1124, %dma_wait3A_1125] : memref<163840x128xf32, #tpu.memory_space<hbm>> -> memref<80x128xf32, #tpu.memory_space<hbm>>
    %dma_wait3A_1127 = arith.constant 0 : i32
    %dma_wait3A_1128 = tpu.memref_slice %arg4[%add3A_1124, %dma_wait3A_1127] : memref<163840x128xf32, #tpu.memory_space<hbm>> -> memref<80x128xf32, #tpu.memory_space<hbm>>
    tpu.wait_dma2 semaphore(%arg22 : memref<!tpu.dma_semaphore, #tpu.memory_space<semaphore_mem>>) src(%arg6 : memref<80x128xf32, #tpu.memory_space<vmem>>) dst(%dma_wait3A_1128 : memref<80x128xf32, #tpu.memory_space<hbm>>)
    %dma_start3A_1129 = arith.constant 48 : i32
    %dma_start3A_1130 = arith.constant 0 : i32
    %dma_start3A_1131 = tpu.memref_slice %arg5[%dma_start3A_1129, %dma_start3A_1130] : memref<64x80xi32, #tpu.memory_space<vmem>> -> memref<1x80xi32, #tpu.memory_space<vmem>>
    %dma_start3A_1132 = tpu.memref_squeeze %dma_start3A_1131 : memref<1x80xi32, #tpu.memory_space<vmem>> -> memref<80xi32, #tpu.memory_space<vmem>>
    %dma_start3A_1133 = arith.constant 0 : i32
    %dma_start3A_1134 = arith.constant 0 : i32
    %dma_start3A_1135 = tpu.memref_slice %arg2[%dma_start3A_1133, %dma_start3A_1134] : memref<10000x128xf32, #tpu.memory_space<hbm>> -> memref<10000x128xf32, #tpu.memory_space<hbm>>
    tpu.enqueue_indirect_dma source(%dma_start3A_1135 : memref<10000x128xf32, #tpu.memory_space<hbm>>) target(%arg6 : memref<80x128xf32, #tpu.memory_space<vmem>>) offsets(%dma_start3A_1132 : memref<80xi32, #tpu.memory_space<vmem>>) semaphore(%arg14 : memref<!tpu.dma_semaphore, #tpu.memory_space<semaphore_mem>>)
    %dma_wait3A_1136 = arith.constant 42 : i32
    %dma_wait3A_1137 = arith.constant 0 : i32
    %dma_wait3A_1138 = tpu.memref_slice %arg5[%dma_wait3A_1136, %dma_wait3A_1137] : memref<64x80xi32, #tpu.memory_space<vmem>> -> memref<1x80xi32, #tpu.memory_space<vmem>>
    %dma_wait3A_1139 = tpu.memref_squeeze %dma_wait3A_1138 : memref<1x80xi32, #tpu.memory_space<vmem>> -> memref<80xi32, #tpu.memory_space<vmem>>
    %dma_wait3A_1140 = arith.constant 0 : i32
    %dma_wait3A_1141 = arith.constant 0 : i32
    %dma_wait3A_1142 = tpu.memref_slice %arg2[%dma_wait3A_1140, %dma_wait3A_1141] : memref<10000x128xf32, #tpu.memory_space<hbm>> -> memref<10000x128xf32, #tpu.memory_space<hbm>>
    tpu.wait_indirect_dma semaphore(%arg16 : memref<!tpu.dma_semaphore, #tpu.memory_space<semaphore_mem>>) src(%dma_wait3A_1142 : memref<10000x128xf32, #tpu.memory_space<hbm>>) dst(%arg8 : memref<80x128xf32, #tpu.memory_space<vmem>>)
    %add3A_1143 = arith.constant 3360 : i32
    %add3A_1144 = arith.addi %mul3A_2, %add3A_1143 : i32
    %dma_start3A_1145 = arith.constant 0 : i32
    %dma_start3A_1146 = tpu.memref_slice %arg4[%add3A_1144, %dma_start3A_1145] : memref<163840x128xf32, #tpu.memory_space<hbm>> -> memref<80x128xf32, #tpu.memory_space<hbm>>
    %dma_start3A_1147 = arith.constant 0 : i32
    %dma_start3A_1148 = tpu.memref_slice %arg4[%add3A_1144, %dma_start3A_1147] : memref<163840x128xf32, #tpu.memory_space<hbm>> -> memref<80x128xf32, #tpu.memory_space<hbm>>
    tpu.enqueue_dma source(%arg8 : memref<80x128xf32, #tpu.memory_space<vmem>>) target(%dma_start3A_1148 : memref<80x128xf32, #tpu.memory_space<hbm>>) target_semaphore(%arg24 : memref<!tpu.dma_semaphore, #tpu.memory_space<semaphore_mem>>)
    %add3A_1149 = arith.constant 3280 : i32
    %add3A_1150 = arith.addi %mul3A_2, %add3A_1149 : i32
    %dma_wait3A_1151 = arith.constant 0 : i32
    %dma_wait3A_1152 = tpu.memref_slice %arg4[%add3A_1150, %dma_wait3A_1151] : memref<163840x128xf32, #tpu.memory_space<hbm>> -> memref<80x128xf32, #tpu.memory_space<hbm>>
    %dma_wait3A_1153 = arith.constant 0 : i32
    %dma_wait3A_1154 = tpu.memref_slice %arg4[%add3A_1150, %dma_wait3A_1153] : memref<163840x128xf32, #tpu.memory_space<hbm>> -> memref<80x128xf32, #tpu.memory_space<hbm>>
    tpu.wait_dma2 semaphore(%arg23 : memref<!tpu.dma_semaphore, #tpu.memory_space<semaphore_mem>>) src(%arg7 : memref<80x128xf32, #tpu.memory_space<vmem>>) dst(%dma_wait3A_1154 : memref<80x128xf32, #tpu.memory_space<hbm>>)
    %dma_start3A_1155 = arith.constant 49 : i32
    %dma_start3A_1156 = arith.constant 0 : i32
    %dma_start3A_1157 = tpu.memref_slice %arg5[%dma_start3A_1155, %dma_start3A_1156] : memref<64x80xi32, #tpu.memory_space<vmem>> -> memref<1x80xi32, #tpu.memory_space<vmem>>
    %dma_start3A_1158 = tpu.memref_squeeze %dma_start3A_1157 : memref<1x80xi32, #tpu.memory_space<vmem>> -> memref<80xi32, #tpu.memory_space<vmem>>
    %dma_start3A_1159 = arith.constant 0 : i32
    %dma_start3A_1160 = arith.constant 0 : i32
    %dma_start3A_1161 = tpu.memref_slice %arg2[%dma_start3A_1159, %dma_start3A_1160] : memref<10000x128xf32, #tpu.memory_space<hbm>> -> memref<10000x128xf32, #tpu.memory_space<hbm>>
    tpu.enqueue_indirect_dma source(%dma_start3A_1161 : memref<10000x128xf32, #tpu.memory_space<hbm>>) target(%arg7 : memref<80x128xf32, #tpu.memory_space<vmem>>) offsets(%dma_start3A_1158 : memref<80xi32, #tpu.memory_space<vmem>>) semaphore(%arg15 : memref<!tpu.dma_semaphore, #tpu.memory_space<semaphore_mem>>)
    %dma_wait3A_1162 = arith.constant 43 : i32
    %dma_wait3A_1163 = arith.constant 0 : i32
    %dma_wait3A_1164 = tpu.memref_slice %arg5[%dma_wait3A_1162, %dma_wait3A_1163] : memref<64x80xi32, #tpu.memory_space<vmem>> -> memref<1x80xi32, #tpu.memory_space<vmem>>
    %dma_wait3A_1165 = tpu.memref_squeeze %dma_wait3A_1164 : memref<1x80xi32, #tpu.memory_space<vmem>> -> memref<80xi32, #tpu.memory_space<vmem>>
    %dma_wait3A_1166 = arith.constant 0 : i32
    %dma_wait3A_1167 = arith.constant 0 : i32
    %dma_wait3A_1168 = tpu.memref_slice %arg2[%dma_wait3A_1166, %dma_wait3A_1167] : memref<10000x128xf32, #tpu.memory_space<hbm>> -> memref<10000x128xf32, #tpu.memory_space<hbm>>
    tpu.wait_indirect_dma semaphore(%arg17 : memref<!tpu.dma_semaphore, #tpu.memory_space<semaphore_mem>>) src(%dma_wait3A_1168 : memref<10000x128xf32, #tpu.memory_space<hbm>>) dst(%arg9 : memref<80x128xf32, #tpu.memory_space<vmem>>)
    %add3A_1169 = arith.constant 3440 : i32
    %add3A_1170 = arith.addi %mul3A_2, %add3A_1169 : i32
    %dma_start3A_1171 = arith.constant 0 : i32
    %dma_start3A_1172 = tpu.memref_slice %arg4[%add3A_1170, %dma_start3A_1171] : memref<163840x128xf32, #tpu.memory_space<hbm>> -> memref<80x128xf32, #tpu.memory_space<hbm>>
    %dma_start3A_1173 = arith.constant 0 : i32
    %dma_start3A_1174 = tpu.memref_slice %arg4[%add3A_1170, %dma_start3A_1173] : memref<163840x128xf32, #tpu.memory_space<hbm>> -> memref<80x128xf32, #tpu.memory_space<hbm>>
    tpu.enqueue_dma source(%arg9 : memref<80x128xf32, #tpu.memory_space<vmem>>) target(%dma_start3A_1174 : memref<80x128xf32, #tpu.memory_space<hbm>>) target_semaphore(%arg25 : memref<!tpu.dma_semaphore, #tpu.memory_space<semaphore_mem>>)
    %add3A_1175 = arith.constant 3360 : i32
    %add3A_1176 = arith.addi %mul3A_2, %add3A_1175 : i32
    %dma_wait3A_1177 = arith.constant 0 : i32
    %dma_wait3A_1178 = tpu.memref_slice %arg4[%add3A_1176, %dma_wait3A_1177] : memref<163840x128xf32, #tpu.memory_space<hbm>> -> memref<80x128xf32, #tpu.memory_space<hbm>>
    %dma_wait3A_1179 = arith.constant 0 : i32
    %dma_wait3A_1180 = tpu.memref_slice %arg4[%add3A_1176, %dma_wait3A_1179] : memref<163840x128xf32, #tpu.memory_space<hbm>> -> memref<80x128xf32, #tpu.memory_space<hbm>>
    tpu.wait_dma2 semaphore(%arg24 : memref<!tpu.dma_semaphore, #tpu.memory_space<semaphore_mem>>) src(%arg8 : memref<80x128xf32, #tpu.memory_space<vmem>>) dst(%dma_wait3A_1180 : memref<80x128xf32, #tpu.memory_space<hbm>>)
    %dma_start3A_1181 = arith.constant 50 : i32
    %dma_start3A_1182 = arith.constant 0 : i32
    %dma_start3A_1183 = tpu.memref_slice %arg5[%dma_start3A_1181, %dma_start3A_1182] : memref<64x80xi32, #tpu.memory_space<vmem>> -> memref<1x80xi32, #tpu.memory_space<vmem>>
    %dma_start3A_1184 = tpu.memref_squeeze %dma_start3A_1183 : memref<1x80xi32, #tpu.memory_space<vmem>> -> memref<80xi32, #tpu.memory_space<vmem>>
    %dma_start3A_1185 = arith.constant 0 : i32
    %dma_start3A_1186 = arith.constant 0 : i32
    %dma_start3A_1187 = tpu.memref_slice %arg2[%dma_start3A_1185, %dma_start3A_1186] : memref<10000x128xf32, #tpu.memory_space<hbm>> -> memref<10000x128xf32, #tpu.memory_space<hbm>>
    tpu.enqueue_indirect_dma source(%dma_start3A_1187 : memref<10000x128xf32, #tpu.memory_space<hbm>>) target(%arg8 : memref<80x128xf32, #tpu.memory_space<vmem>>) offsets(%dma_start3A_1184 : memref<80xi32, #tpu.memory_space<vmem>>) semaphore(%arg16 : memref<!tpu.dma_semaphore, #tpu.memory_space<semaphore_mem>>)
    %dma_wait3A_1188 = arith.constant 44 : i32
    %dma_wait3A_1189 = arith.constant 0 : i32
    %dma_wait3A_1190 = tpu.memref_slice %arg5[%dma_wait3A_1188, %dma_wait3A_1189] : memref<64x80xi32, #tpu.memory_space<vmem>> -> memref<1x80xi32, #tpu.memory_space<vmem>>
    %dma_wait3A_1191 = tpu.memref_squeeze %dma_wait3A_1190 : memref<1x80xi32, #tpu.memory_space<vmem>> -> memref<80xi32, #tpu.memory_space<vmem>>
    %dma_wait3A_1192 = arith.constant 0 : i32
    %dma_wait3A_1193 = arith.constant 0 : i32
    %dma_wait3A_1194 = tpu.memref_slice %arg2[%dma_wait3A_1192, %dma_wait3A_1193] : memref<10000x128xf32, #tpu.memory_space<hbm>> -> memref<10000x128xf32, #tpu.memory_space<hbm>>
    tpu.wait_indirect_dma semaphore(%arg18 : memref<!tpu.dma_semaphore, #tpu.memory_space<semaphore_mem>>) src(%dma_wait3A_1194 : memref<10000x128xf32, #tpu.memory_space<hbm>>) dst(%arg10 : memref<80x128xf32, #tpu.memory_space<vmem>>)
    %add3A_1195 = arith.constant 3520 : i32
    %add3A_1196 = arith.addi %mul3A_2, %add3A_1195 : i32
    %dma_start3A_1197 = arith.constant 0 : i32
    %dma_start3A_1198 = tpu.memref_slice %arg4[%add3A_1196, %dma_start3A_1197] : memref<163840x128xf32, #tpu.memory_space<hbm>> -> memref<80x128xf32, #tpu.memory_space<hbm>>
    %dma_start3A_1199 = arith.constant 0 : i32
    %dma_start3A_1200 = tpu.memref_slice %arg4[%add3A_1196, %dma_start3A_1199] : memref<163840x128xf32, #tpu.memory_space<hbm>> -> memref<80x128xf32, #tpu.memory_space<hbm>>
    tpu.enqueue_dma source(%arg10 : memref<80x128xf32, #tpu.memory_space<vmem>>) target(%dma_start3A_1200 : memref<80x128xf32, #tpu.memory_space<hbm>>) target_semaphore(%arg26 : memref<!tpu.dma_semaphore, #tpu.memory_space<semaphore_mem>>)
    %add3A_1201 = arith.constant 3440 : i32
    %add3A_1202 = arith.addi %mul3A_2, %add3A_1201 : i32
    %dma_wait3A_1203 = arith.constant 0 : i32
    %dma_wait3A_1204 = tpu.memref_slice %arg4[%add3A_1202, %dma_wait3A_1203] : memref<163840x128xf32, #tpu.memory_space<hbm>> -> memref<80x128xf32, #tpu.memory_space<hbm>>
    %dma_wait3A_1205 = arith.constant 0 : i32
    %dma_wait3A_1206 = tpu.memref_slice %arg4[%add3A_1202, %dma_wait3A_1205] : memref<163840x128xf32, #tpu.memory_space<hbm>> -> memref<80x128xf32, #tpu.memory_space<hbm>>
    tpu.wait_dma2 semaphore(%arg25 : memref<!tpu.dma_semaphore, #tpu.memory_space<semaphore_mem>>) src(%arg9 : memref<80x128xf32, #tpu.memory_space<vmem>>) dst(%dma_wait3A_1206 : memref<80x128xf32, #tpu.memory_space<hbm>>)
    %dma_start3A_1207 = arith.constant 51 : i32
    %dma_start3A_1208 = arith.constant 0 : i32
    %dma_start3A_1209 = tpu.memref_slice %arg5[%dma_start3A_1207, %dma_start3A_1208] : memref<64x80xi32, #tpu.memory_space<vmem>> -> memref<1x80xi32, #tpu.memory_space<vmem>>
    %dma_start3A_1210 = tpu.memref_squeeze %dma_start3A_1209 : memref<1x80xi32, #tpu.memory_space<vmem>> -> memref<80xi32, #tpu.memory_space<vmem>>
    %dma_start3A_1211 = arith.constant 0 : i32
    %dma_start3A_1212 = arith.constant 0 : i32
    %dma_start3A_1213 = tpu.memref_slice %arg2[%dma_start3A_1211, %dma_start3A_1212] : memref<10000x128xf32, #tpu.memory_space<hbm>> -> memref<10000x128xf32, #tpu.memory_space<hbm>>
    tpu.enqueue_indirect_dma source(%dma_start3A_1213 : memref<10000x128xf32, #tpu.memory_space<hbm>>) target(%arg9 : memref<80x128xf32, #tpu.memory_space<vmem>>) offsets(%dma_start3A_1210 : memref<80xi32, #tpu.memory_space<vmem>>) semaphore(%arg17 : memref<!tpu.dma_semaphore, #tpu.memory_space<semaphore_mem>>)
    %dma_wait3A_1214 = arith.constant 45 : i32
    %dma_wait3A_1215 = arith.constant 0 : i32
    %dma_wait3A_1216 = tpu.memref_slice %arg5[%dma_wait3A_1214, %dma_wait3A_1215] : memref<64x80xi32, #tpu.memory_space<vmem>> -> memref<1x80xi32, #tpu.memory_space<vmem>>
    %dma_wait3A_1217 = tpu.memref_squeeze %dma_wait3A_1216 : memref<1x80xi32, #tpu.memory_space<vmem>> -> memref<80xi32, #tpu.memory_space<vmem>>
    %dma_wait3A_1218 = arith.constant 0 : i32
    %dma_wait3A_1219 = arith.constant 0 : i32
    %dma_wait3A_1220 = tpu.memref_slice %arg2[%dma_wait3A_1218, %dma_wait3A_1219] : memref<10000x128xf32, #tpu.memory_space<hbm>> -> memref<10000x128xf32, #tpu.memory_space<hbm>>
    tpu.wait_indirect_dma semaphore(%arg19 : memref<!tpu.dma_semaphore, #tpu.memory_space<semaphore_mem>>) src(%dma_wait3A_1220 : memref<10000x128xf32, #tpu.memory_space<hbm>>) dst(%arg11 : memref<80x128xf32, #tpu.memory_space<vmem>>)
    %add3A_1221 = arith.constant 3600 : i32
    %add3A_1222 = arith.addi %mul3A_2, %add3A_1221 : i32
    %dma_start3A_1223 = arith.constant 0 : i32
    %dma_start3A_1224 = tpu.memref_slice %arg4[%add3A_1222, %dma_start3A_1223] : memref<163840x128xf32, #tpu.memory_space<hbm>> -> memref<80x128xf32, #tpu.memory_space<hbm>>
    %dma_start3A_1225 = arith.constant 0 : i32
    %dma_start3A_1226 = tpu.memref_slice %arg4[%add3A_1222, %dma_start3A_1225] : memref<163840x128xf32, #tpu.memory_space<hbm>> -> memref<80x128xf32, #tpu.memory_space<hbm>>
    tpu.enqueue_dma source(%arg11 : memref<80x128xf32, #tpu.memory_space<vmem>>) target(%dma_start3A_1226 : memref<80x128xf32, #tpu.memory_space<hbm>>) target_semaphore(%arg27 : memref<!tpu.dma_semaphore, #tpu.memory_space<semaphore_mem>>)
    %add3A_1227 = arith.constant 3520 : i32
    %add3A_1228 = arith.addi %mul3A_2, %add3A_1227 : i32
    %dma_wait3A_1229 = arith.constant 0 : i32
    %dma_wait3A_1230 = tpu.memref_slice %arg4[%add3A_1228, %dma_wait3A_1229] : memref<163840x128xf32, #tpu.memory_space<hbm>> -> memref<80x128xf32, #tpu.memory_space<hbm>>
    %dma_wait3A_1231 = arith.constant 0 : i32
    %dma_wait3A_1232 = tpu.memref_slice %arg4[%add3A_1228, %dma_wait3A_1231] : memref<163840x128xf32, #tpu.memory_space<hbm>> -> memref<80x128xf32, #tpu.memory_space<hbm>>
    tpu.wait_dma2 semaphore(%arg26 : memref<!tpu.dma_semaphore, #tpu.memory_space<semaphore_mem>>) src(%arg10 : memref<80x128xf32, #tpu.memory_space<vmem>>) dst(%dma_wait3A_1232 : memref<80x128xf32, #tpu.memory_space<hbm>>)
    %dma_start3A_1233 = arith.constant 52 : i32
    %dma_start3A_1234 = arith.constant 0 : i32
    %dma_start3A_1235 = tpu.memref_slice %arg5[%dma_start3A_1233, %dma_start3A_1234] : memref<64x80xi32, #tpu.memory_space<vmem>> -> memref<1x80xi32, #tpu.memory_space<vmem>>
    %dma_start3A_1236 = tpu.memref_squeeze %dma_start3A_1235 : memref<1x80xi32, #tpu.memory_space<vmem>> -> memref<80xi32, #tpu.memory_space<vmem>>
    %dma_start3A_1237 = arith.constant 0 : i32
    %dma_start3A_1238 = arith.constant 0 : i32
    %dma_start3A_1239 = tpu.memref_slice %arg2[%dma_start3A_1237, %dma_start3A_1238] : memref<10000x128xf32, #tpu.memory_space<hbm>> -> memref<10000x128xf32, #tpu.memory_space<hbm>>
    tpu.enqueue_indirect_dma source(%dma_start3A_1239 : memref<10000x128xf32, #tpu.memory_space<hbm>>) target(%arg10 : memref<80x128xf32, #tpu.memory_space<vmem>>) offsets(%dma_start3A_1236 : memref<80xi32, #tpu.memory_space<vmem>>) semaphore(%arg18 : memref<!tpu.dma_semaphore, #tpu.memory_space<semaphore_mem>>)
    %dma_wait3A_1240 = arith.constant 46 : i32
    %dma_wait3A_1241 = arith.constant 0 : i32
    %dma_wait3A_1242 = tpu.memref_slice %arg5[%dma_wait3A_1240, %dma_wait3A_1241] : memref<64x80xi32, #tpu.memory_space<vmem>> -> memref<1x80xi32, #tpu.memory_space<vmem>>
    %dma_wait3A_1243 = tpu.memref_squeeze %dma_wait3A_1242 : memref<1x80xi32, #tpu.memory_space<vmem>> -> memref<80xi32, #tpu.memory_space<vmem>>
    %dma_wait3A_1244 = arith.constant 0 : i32
    %dma_wait3A_1245 = arith.constant 0 : i32
    %dma_wait3A_1246 = tpu.memref_slice %arg2[%dma_wait3A_1244, %dma_wait3A_1245] : memref<10000x128xf32, #tpu.memory_space<hbm>> -> memref<10000x128xf32, #tpu.memory_space<hbm>>
    tpu.wait_indirect_dma semaphore(%arg20 : memref<!tpu.dma_semaphore, #tpu.memory_space<semaphore_mem>>) src(%dma_wait3A_1246 : memref<10000x128xf32, #tpu.memory_space<hbm>>) dst(%arg12 : memref<80x128xf32, #tpu.memory_space<vmem>>)
    %add3A_1247 = arith.constant 3680 : i32
    %add3A_1248 = arith.addi %mul3A_2, %add3A_1247 : i32
    %dma_start3A_1249 = arith.constant 0 : i32
    %dma_start3A_1250 = tpu.memref_slice %arg4[%add3A_1248, %dma_start3A_1249] : memref<163840x128xf32, #tpu.memory_space<hbm>> -> memref<80x128xf32, #tpu.memory_space<hbm>>
    %dma_start3A_1251 = arith.constant 0 : i32
    %dma_start3A_1252 = tpu.memref_slice %arg4[%add3A_1248, %dma_start3A_1251] : memref<163840x128xf32, #tpu.memory_space<hbm>> -> memref<80x128xf32, #tpu.memory_space<hbm>>
    tpu.enqueue_dma source(%arg12 : memref<80x128xf32, #tpu.memory_space<vmem>>) target(%dma_start3A_1252 : memref<80x128xf32, #tpu.memory_space<hbm>>) target_semaphore(%arg28 : memref<!tpu.dma_semaphore, #tpu.memory_space<semaphore_mem>>)
    %add3A_1253 = arith.constant 3600 : i32
    %add3A_1254 = arith.addi %mul3A_2, %add3A_1253 : i32
    %dma_wait3A_1255 = arith.constant 0 : i32
    %dma_wait3A_1256 = tpu.memref_slice %arg4[%add3A_1254, %dma_wait3A_1255] : memref<163840x128xf32, #tpu.memory_space<hbm>> -> memref<80x128xf32, #tpu.memory_space<hbm>>
    %dma_wait3A_1257 = arith.constant 0 : i32
    %dma_wait3A_1258 = tpu.memref_slice %arg4[%add3A_1254, %dma_wait3A_1257] : memref<163840x128xf32, #tpu.memory_space<hbm>> -> memref<80x128xf32, #tpu.memory_space<hbm>>
    tpu.wait_dma2 semaphore(%arg27 : memref<!tpu.dma_semaphore, #tpu.memory_space<semaphore_mem>>) src(%arg11 : memref<80x128xf32, #tpu.memory_space<vmem>>) dst(%dma_wait3A_1258 : memref<80x128xf32, #tpu.memory_space<hbm>>)
    %dma_start3A_1259 = arith.constant 53 : i32
    %dma_start3A_1260 = arith.constant 0 : i32
    %dma_start3A_1261 = tpu.memref_slice %arg5[%dma_start3A_1259, %dma_start3A_1260] : memref<64x80xi32, #tpu.memory_space<vmem>> -> memref<1x80xi32, #tpu.memory_space<vmem>>
    %dma_start3A_1262 = tpu.memref_squeeze %dma_start3A_1261 : memref<1x80xi32, #tpu.memory_space<vmem>> -> memref<80xi32, #tpu.memory_space<vmem>>
    %dma_start3A_1263 = arith.constant 0 : i32
    %dma_start3A_1264 = arith.constant 0 : i32
    %dma_start3A_1265 = tpu.memref_slice %arg2[%dma_start3A_1263, %dma_start3A_1264] : memref<10000x128xf32, #tpu.memory_space<hbm>> -> memref<10000x128xf32, #tpu.memory_space<hbm>>
    tpu.enqueue_indirect_dma source(%dma_start3A_1265 : memref<10000x128xf32, #tpu.memory_space<hbm>>) target(%arg11 : memref<80x128xf32, #tpu.memory_space<vmem>>) offsets(%dma_start3A_1262 : memref<80xi32, #tpu.memory_space<vmem>>) semaphore(%arg19 : memref<!tpu.dma_semaphore, #tpu.memory_space<semaphore_mem>>)
    %dma_wait3A_1266 = arith.constant 47 : i32
    %dma_wait3A_1267 = arith.constant 0 : i32
    %dma_wait3A_1268 = tpu.memref_slice %arg5[%dma_wait3A_1266, %dma_wait3A_1267] : memref<64x80xi32, #tpu.memory_space<vmem>> -> memref<1x80xi32, #tpu.memory_space<vmem>>
    %dma_wait3A_1269 = tpu.memref_squeeze %dma_wait3A_1268 : memref<1x80xi32, #tpu.memory_space<vmem>> -> memref<80xi32, #tpu.memory_space<vmem>>
    %dma_wait3A_1270 = arith.constant 0 : i32
    %dma_wait3A_1271 = arith.constant 0 : i32
    %dma_wait3A_1272 = tpu.memref_slice %arg2[%dma_wait3A_1270, %dma_wait3A_1271] : memref<10000x128xf32, #tpu.memory_space<hbm>> -> memref<10000x128xf32, #tpu.memory_space<hbm>>
    tpu.wait_indirect_dma semaphore(%arg21 : memref<!tpu.dma_semaphore, #tpu.memory_space<semaphore_mem>>) src(%dma_wait3A_1272 : memref<10000x128xf32, #tpu.memory_space<hbm>>) dst(%arg13 : memref<80x128xf32, #tpu.memory_space<vmem>>)
    %add3A_1273 = arith.constant 3760 : i32
    %add3A_1274 = arith.addi %mul3A_2, %add3A_1273 : i32
    %dma_start3A_1275 = arith.constant 0 : i32
    %dma_start3A_1276 = tpu.memref_slice %arg4[%add3A_1274, %dma_start3A_1275] : memref<163840x128xf32, #tpu.memory_space<hbm>> -> memref<80x128xf32, #tpu.memory_space<hbm>>
    %dma_start3A_1277 = arith.constant 0 : i32
    %dma_start3A_1278 = tpu.memref_slice %arg4[%add3A_1274, %dma_start3A_1277] : memref<163840x128xf32, #tpu.memory_space<hbm>> -> memref<80x128xf32, #tpu.memory_space<hbm>>
    tpu.enqueue_dma source(%arg13 : memref<80x128xf32, #tpu.memory_space<vmem>>) target(%dma_start3A_1278 : memref<80x128xf32, #tpu.memory_space<hbm>>) target_semaphore(%arg29 : memref<!tpu.dma_semaphore, #tpu.memory_space<semaphore_mem>>)
    %add3A_1279 = arith.constant 3680 : i32
    %add3A_1280 = arith.addi %mul3A_2, %add3A_1279 : i32
    %dma_wait3A_1281 = arith.constant 0 : i32
    %dma_wait3A_1282 = tpu.memref_slice %arg4[%add3A_1280, %dma_wait3A_1281] : memref<163840x128xf32, #tpu.memory_space<hbm>> -> memref<80x128xf32, #tpu.memory_space<hbm>>
    %dma_wait3A_1283 = arith.constant 0 : i32
    %dma_wait3A_1284 = tpu.memref_slice %arg4[%add3A_1280, %dma_wait3A_1283] : memref<163840x128xf32, #tpu.memory_space<hbm>> -> memref<80x128xf32, #tpu.memory_space<hbm>>
    tpu.wait_dma2 semaphore(%arg28 : memref<!tpu.dma_semaphore, #tpu.memory_space<semaphore_mem>>) src(%arg12 : memref<80x128xf32, #tpu.memory_space<vmem>>) dst(%dma_wait3A_1284 : memref<80x128xf32, #tpu.memory_space<hbm>>)
    %dma_start3A_1285 = arith.constant 54 : i32
    %dma_start3A_1286 = arith.constant 0 : i32
    %dma_start3A_1287 = tpu.memref_slice %arg5[%dma_start3A_1285, %dma_start3A_1286] : memref<64x80xi32, #tpu.memory_space<vmem>> -> memref<1x80xi32, #tpu.memory_space<vmem>>
    %dma_start3A_1288 = tpu.memref_squeeze %dma_start3A_1287 : memref<1x80xi32, #tpu.memory_space<vmem>> -> memref<80xi32, #tpu.memory_space<vmem>>
    %dma_start3A_1289 = arith.constant 0 : i32
    %dma_start3A_1290 = arith.constant 0 : i32
    %dma_start3A_1291 = tpu.memref_slice %arg2[%dma_start3A_1289, %dma_start3A_1290] : memref<10000x128xf32, #tpu.memory_space<hbm>> -> memref<10000x128xf32, #tpu.memory_space<hbm>>
    tpu.enqueue_indirect_dma source(%dma_start3A_1291 : memref<10000x128xf32, #tpu.memory_space<hbm>>) target(%arg12 : memref<80x128xf32, #tpu.memory_space<vmem>>) offsets(%dma_start3A_1288 : memref<80xi32, #tpu.memory_space<vmem>>) semaphore(%arg20 : memref<!tpu.dma_semaphore, #tpu.memory_space<semaphore_mem>>)
    %dma_wait3A_1292 = arith.constant 48 : i32
    %dma_wait3A_1293 = arith.constant 0 : i32
    %dma_wait3A_1294 = tpu.memref_slice %arg5[%dma_wait3A_1292, %dma_wait3A_1293] : memref<64x80xi32, #tpu.memory_space<vmem>> -> memref<1x80xi32, #tpu.memory_space<vmem>>
    %dma_wait3A_1295 = tpu.memref_squeeze %dma_wait3A_1294 : memref<1x80xi32, #tpu.memory_space<vmem>> -> memref<80xi32, #tpu.memory_space<vmem>>
    %dma_wait3A_1296 = arith.constant 0 : i32
    %dma_wait3A_1297 = arith.constant 0 : i32
    %dma_wait3A_1298 = tpu.memref_slice %arg2[%dma_wait3A_1296, %dma_wait3A_1297] : memref<10000x128xf32, #tpu.memory_space<hbm>> -> memref<10000x128xf32, #tpu.memory_space<hbm>>
    tpu.wait_indirect_dma semaphore(%arg14 : memref<!tpu.dma_semaphore, #tpu.memory_space<semaphore_mem>>) src(%dma_wait3A_1298 : memref<10000x128xf32, #tpu.memory_space<hbm>>) dst(%arg6 : memref<80x128xf32, #tpu.memory_space<vmem>>)
    %add3A_1299 = arith.constant 3840 : i32
    %add3A_1300 = arith.addi %mul3A_2, %add3A_1299 : i32
    %dma_start3A_1301 = arith.constant 0 : i32
    %dma_start3A_1302 = tpu.memref_slice %arg4[%add3A_1300, %dma_start3A_1301] : memref<163840x128xf32, #tpu.memory_space<hbm>> -> memref<80x128xf32, #tpu.memory_space<hbm>>
    %dma_start3A_1303 = arith.constant 0 : i32
    %dma_start3A_1304 = tpu.memref_slice %arg4[%add3A_1300, %dma_start3A_1303] : memref<163840x128xf32, #tpu.memory_space<hbm>> -> memref<80x128xf32, #tpu.memory_space<hbm>>
    tpu.enqueue_dma source(%arg6 : memref<80x128xf32, #tpu.memory_space<vmem>>) target(%dma_start3A_1304 : memref<80x128xf32, #tpu.memory_space<hbm>>) target_semaphore(%arg22 : memref<!tpu.dma_semaphore, #tpu.memory_space<semaphore_mem>>)
    %add3A_1305 = arith.constant 3760 : i32
    %add3A_1306 = arith.addi %mul3A_2, %add3A_1305 : i32
    %dma_wait3A_1307 = arith.constant 0 : i32
    %dma_wait3A_1308 = tpu.memref_slice %arg4[%add3A_1306, %dma_wait3A_1307] : memref<163840x128xf32, #tpu.memory_space<hbm>> -> memref<80x128xf32, #tpu.memory_space<hbm>>
    %dma_wait3A_1309 = arith.constant 0 : i32
    %dma_wait3A_1310 = tpu.memref_slice %arg4[%add3A_1306, %dma_wait3A_1309] : memref<163840x128xf32, #tpu.memory_space<hbm>> -> memref<80x128xf32, #tpu.memory_space<hbm>>
    tpu.wait_dma2 semaphore(%arg29 : memref<!tpu.dma_semaphore, #tpu.memory_space<semaphore_mem>>) src(%arg13 : memref<80x128xf32, #tpu.memory_space<vmem>>) dst(%dma_wait3A_1310 : memref<80x128xf32, #tpu.memory_space<hbm>>)
    %dma_start3A_1311 = arith.constant 55 : i32
    %dma_start3A_1312 = arith.constant 0 : i32
    %dma_start3A_1313 = tpu.memref_slice %arg5[%dma_start3A_1311, %dma_start3A_1312] : memref<64x80xi32, #tpu.memory_space<vmem>> -> memref<1x80xi32, #tpu.memory_space<vmem>>
    %dma_start3A_1314 = tpu.memref_squeeze %dma_start3A_1313 : memref<1x80xi32, #tpu.memory_space<vmem>> -> memref<80xi32, #tpu.memory_space<vmem>>
    %dma_start3A_1315 = arith.constant 0 : i32
    %dma_start3A_1316 = arith.constant 0 : i32
    %dma_start3A_1317 = tpu.memref_slice %arg2[%dma_start3A_1315, %dma_start3A_1316] : memref<10000x128xf32, #tpu.memory_space<hbm>> -> memref<10000x128xf32, #tpu.memory_space<hbm>>
    tpu.enqueue_indirect_dma source(%dma_start3A_1317 : memref<10000x128xf32, #tpu.memory_space<hbm>>) target(%arg13 : memref<80x128xf32, #tpu.memory_space<vmem>>) offsets(%dma_start3A_1314 : memref<80xi32, #tpu.memory_space<vmem>>) semaphore(%arg21 : memref<!tpu.dma_semaphore, #tpu.memory_space<semaphore_mem>>)
    %dma_wait3A_1318 = arith.constant 49 : i32
    %dma_wait3A_1319 = arith.constant 0 : i32
    %dma_wait3A_1320 = tpu.memref_slice %arg5[%dma_wait3A_1318, %dma_wait3A_1319] : memref<64x80xi32, #tpu.memory_space<vmem>> -> memref<1x80xi32, #tpu.memory_space<vmem>>
    %dma_wait3A_1321 = tpu.memref_squeeze %dma_wait3A_1320 : memref<1x80xi32, #tpu.memory_space<vmem>> -> memref<80xi32, #tpu.memory_space<vmem>>
    %dma_wait3A_1322 = arith.constant 0 : i32
    %dma_wait3A_1323 = arith.constant 0 : i32
    %dma_wait3A_1324 = tpu.memref_slice %arg2[%dma_wait3A_1322, %dma_wait3A_1323] : memref<10000x128xf32, #tpu.memory_space<hbm>> -> memref<10000x128xf32, #tpu.memory_space<hbm>>
    tpu.wait_indirect_dma semaphore(%arg15 : memref<!tpu.dma_semaphore, #tpu.memory_space<semaphore_mem>>) src(%dma_wait3A_1324 : memref<10000x128xf32, #tpu.memory_space<hbm>>) dst(%arg7 : memref<80x128xf32, #tpu.memory_space<vmem>>)
    %add3A_1325 = arith.constant 3920 : i32
    %add3A_1326 = arith.addi %mul3A_2, %add3A_1325 : i32
    %dma_start3A_1327 = arith.constant 0 : i32
    %dma_start3A_1328 = tpu.memref_slice %arg4[%add3A_1326, %dma_start3A_1327] : memref<163840x128xf32, #tpu.memory_space<hbm>> -> memref<80x128xf32, #tpu.memory_space<hbm>>
    %dma_start3A_1329 = arith.constant 0 : i32
    %dma_start3A_1330 = tpu.memref_slice %arg4[%add3A_1326, %dma_start3A_1329] : memref<163840x128xf32, #tpu.memory_space<hbm>> -> memref<80x128xf32, #tpu.memory_space<hbm>>
    tpu.enqueue_dma source(%arg7 : memref<80x128xf32, #tpu.memory_space<vmem>>) target(%dma_start3A_1330 : memref<80x128xf32, #tpu.memory_space<hbm>>) target_semaphore(%arg23 : memref<!tpu.dma_semaphore, #tpu.memory_space<semaphore_mem>>)
    %add3A_1331 = arith.constant 3840 : i32
    %add3A_1332 = arith.addi %mul3A_2, %add3A_1331 : i32
    %dma_wait3A_1333 = arith.constant 0 : i32
    %dma_wait3A_1334 = tpu.memref_slice %arg4[%add3A_1332, %dma_wait3A_1333] : memref<163840x128xf32, #tpu.memory_space<hbm>> -> memref<80x128xf32, #tpu.memory_space<hbm>>
    %dma_wait3A_1335 = arith.constant 0 : i32
    %dma_wait3A_1336 = tpu.memref_slice %arg4[%add3A_1332, %dma_wait3A_1335] : memref<163840x128xf32, #tpu.memory_space<hbm>> -> memref<80x128xf32, #tpu.memory_space<hbm>>
    tpu.wait_dma2 semaphore(%arg22 : memref<!tpu.dma_semaphore, #tpu.memory_space<semaphore_mem>>) src(%arg6 : memref<80x128xf32, #tpu.memory_space<vmem>>) dst(%dma_wait3A_1336 : memref<80x128xf32, #tpu.memory_space<hbm>>)
    %dma_start3A_1337 = arith.constant 56 : i32
    %dma_start3A_1338 = arith.constant 0 : i32
    %dma_start3A_1339 = tpu.memref_slice %arg5[%dma_start3A_1337, %dma_start3A_1338] : memref<64x80xi32, #tpu.memory_space<vmem>> -> memref<1x80xi32, #tpu.memory_space<vmem>>
    %dma_start3A_1340 = tpu.memref_squeeze %dma_start3A_1339 : memref<1x80xi32, #tpu.memory_space<vmem>> -> memref<80xi32, #tpu.memory_space<vmem>>
    %dma_start3A_1341 = arith.constant 0 : i32
    %dma_start3A_1342 = arith.constant 0 : i32
    %dma_start3A_1343 = tpu.memref_slice %arg2[%dma_start3A_1341, %dma_start3A_1342] : memref<10000x128xf32, #tpu.memory_space<hbm>> -> memref<10000x128xf32, #tpu.memory_space<hbm>>
    tpu.enqueue_indirect_dma source(%dma_start3A_1343 : memref<10000x128xf32, #tpu.memory_space<hbm>>) target(%arg6 : memref<80x128xf32, #tpu.memory_space<vmem>>) offsets(%dma_start3A_1340 : memref<80xi32, #tpu.memory_space<vmem>>) semaphore(%arg14 : memref<!tpu.dma_semaphore, #tpu.memory_space<semaphore_mem>>)
    %dma_wait3A_1344 = arith.constant 50 : i32
    %dma_wait3A_1345 = arith.constant 0 : i32
    %dma_wait3A_1346 = tpu.memref_slice %arg5[%dma_wait3A_1344, %dma_wait3A_1345] : memref<64x80xi32, #tpu.memory_space<vmem>> -> memref<1x80xi32, #tpu.memory_space<vmem>>
    %dma_wait3A_1347 = tpu.memref_squeeze %dma_wait3A_1346 : memref<1x80xi32, #tpu.memory_space<vmem>> -> memref<80xi32, #tpu.memory_space<vmem>>
    %dma_wait3A_1348 = arith.constant 0 : i32
    %dma_wait3A_1349 = arith.constant 0 : i32
    %dma_wait3A_1350 = tpu.memref_slice %arg2[%dma_wait3A_1348, %dma_wait3A_1349] : memref<10000x128xf32, #tpu.memory_space<hbm>> -> memref<10000x128xf32, #tpu.memory_space<hbm>>
    tpu.wait_indirect_dma semaphore(%arg16 : memref<!tpu.dma_semaphore, #tpu.memory_space<semaphore_mem>>) src(%dma_wait3A_1350 : memref<10000x128xf32, #tpu.memory_space<hbm>>) dst(%arg8 : memref<80x128xf32, #tpu.memory_space<vmem>>)
    %add3A_1351 = arith.constant 4000 : i32
    %add3A_1352 = arith.addi %mul3A_2, %add3A_1351 : i32
    %dma_start3A_1353 = arith.constant 0 : i32
    %dma_start3A_1354 = tpu.memref_slice %arg4[%add3A_1352, %dma_start3A_1353] : memref<163840x128xf32, #tpu.memory_space<hbm>> -> memref<80x128xf32, #tpu.memory_space<hbm>>
    %dma_start3A_1355 = arith.constant 0 : i32
    %dma_start3A_1356 = tpu.memref_slice %arg4[%add3A_1352, %dma_start3A_1355] : memref<163840x128xf32, #tpu.memory_space<hbm>> -> memref<80x128xf32, #tpu.memory_space<hbm>>
    tpu.enqueue_dma source(%arg8 : memref<80x128xf32, #tpu.memory_space<vmem>>) target(%dma_start3A_1356 : memref<80x128xf32, #tpu.memory_space<hbm>>) target_semaphore(%arg24 : memref<!tpu.dma_semaphore, #tpu.memory_space<semaphore_mem>>)
    %add3A_1357 = arith.constant 3920 : i32
    %add3A_1358 = arith.addi %mul3A_2, %add3A_1357 : i32
    %dma_wait3A_1359 = arith.constant 0 : i32
    %dma_wait3A_1360 = tpu.memref_slice %arg4[%add3A_1358, %dma_wait3A_1359] : memref<163840x128xf32, #tpu.memory_space<hbm>> -> memref<80x128xf32, #tpu.memory_space<hbm>>
    %dma_wait3A_1361 = arith.constant 0 : i32
    %dma_wait3A_1362 = tpu.memref_slice %arg4[%add3A_1358, %dma_wait3A_1361] : memref<163840x128xf32, #tpu.memory_space<hbm>> -> memref<80x128xf32, #tpu.memory_space<hbm>>
    tpu.wait_dma2 semaphore(%arg23 : memref<!tpu.dma_semaphore, #tpu.memory_space<semaphore_mem>>) src(%arg7 : memref<80x128xf32, #tpu.memory_space<vmem>>) dst(%dma_wait3A_1362 : memref<80x128xf32, #tpu.memory_space<hbm>>)
    %dma_start3A_1363 = arith.constant 57 : i32
    %dma_start3A_1364 = arith.constant 0 : i32
    %dma_start3A_1365 = tpu.memref_slice %arg5[%dma_start3A_1363, %dma_start3A_1364] : memref<64x80xi32, #tpu.memory_space<vmem>> -> memref<1x80xi32, #tpu.memory_space<vmem>>
    %dma_start3A_1366 = tpu.memref_squeeze %dma_start3A_1365 : memref<1x80xi32, #tpu.memory_space<vmem>> -> memref<80xi32, #tpu.memory_space<vmem>>
    %dma_start3A_1367 = arith.constant 0 : i32
    %dma_start3A_1368 = arith.constant 0 : i32
    %dma_start3A_1369 = tpu.memref_slice %arg2[%dma_start3A_1367, %dma_start3A_1368] : memref<10000x128xf32, #tpu.memory_space<hbm>> -> memref<10000x128xf32, #tpu.memory_space<hbm>>
    tpu.enqueue_indirect_dma source(%dma_start3A_1369 : memref<10000x128xf32, #tpu.memory_space<hbm>>) target(%arg7 : memref<80x128xf32, #tpu.memory_space<vmem>>) offsets(%dma_start3A_1366 : memref<80xi32, #tpu.memory_space<vmem>>) semaphore(%arg15 : memref<!tpu.dma_semaphore, #tpu.memory_space<semaphore_mem>>)
    %dma_wait3A_1370 = arith.constant 51 : i32
    %dma_wait3A_1371 = arith.constant 0 : i32
    %dma_wait3A_1372 = tpu.memref_slice %arg5[%dma_wait3A_1370, %dma_wait3A_1371] : memref<64x80xi32, #tpu.memory_space<vmem>> -> memref<1x80xi32, #tpu.memory_space<vmem>>
    %dma_wait3A_1373 = tpu.memref_squeeze %dma_wait3A_1372 : memref<1x80xi32, #tpu.memory_space<vmem>> -> memref<80xi32, #tpu.memory_space<vmem>>
    %dma_wait3A_1374 = arith.constant 0 : i32
    %dma_wait3A_1375 = arith.constant 0 : i32
    %dma_wait3A_1376 = tpu.memref_slice %arg2[%dma_wait3A_1374, %dma_wait3A_1375] : memref<10000x128xf32, #tpu.memory_space<hbm>> -> memref<10000x128xf32, #tpu.memory_space<hbm>>
    tpu.wait_indirect_dma semaphore(%arg17 : memref<!tpu.dma_semaphore, #tpu.memory_space<semaphore_mem>>) src(%dma_wait3A_1376 : memref<10000x128xf32, #tpu.memory_space<hbm>>) dst(%arg9 : memref<80x128xf32, #tpu.memory_space<vmem>>)
    %add3A_1377 = arith.constant 4080 : i32
    %add3A_1378 = arith.addi %mul3A_2, %add3A_1377 : i32
    %dma_start3A_1379 = arith.constant 0 : i32
    %dma_start3A_1380 = tpu.memref_slice %arg4[%add3A_1378, %dma_start3A_1379] : memref<163840x128xf32, #tpu.memory_space<hbm>> -> memref<80x128xf32, #tpu.memory_space<hbm>>
    %dma_start3A_1381 = arith.constant 0 : i32
    %dma_start3A_1382 = tpu.memref_slice %arg4[%add3A_1378, %dma_start3A_1381] : memref<163840x128xf32, #tpu.memory_space<hbm>> -> memref<80x128xf32, #tpu.memory_space<hbm>>
    tpu.enqueue_dma source(%arg9 : memref<80x128xf32, #tpu.memory_space<vmem>>) target(%dma_start3A_1382 : memref<80x128xf32, #tpu.memory_space<hbm>>) target_semaphore(%arg25 : memref<!tpu.dma_semaphore, #tpu.memory_space<semaphore_mem>>)
    %add3A_1383 = arith.constant 4000 : i32
    %add3A_1384 = arith.addi %mul3A_2, %add3A_1383 : i32
    %dma_wait3A_1385 = arith.constant 0 : i32
    %dma_wait3A_1386 = tpu.memref_slice %arg4[%add3A_1384, %dma_wait3A_1385] : memref<163840x128xf32, #tpu.memory_space<hbm>> -> memref<80x128xf32, #tpu.memory_space<hbm>>
    %dma_wait3A_1387 = arith.constant 0 : i32
    %dma_wait3A_1388 = tpu.memref_slice %arg4[%add3A_1384, %dma_wait3A_1387] : memref<163840x128xf32, #tpu.memory_space<hbm>> -> memref<80x128xf32, #tpu.memory_space<hbm>>
    tpu.wait_dma2 semaphore(%arg24 : memref<!tpu.dma_semaphore, #tpu.memory_space<semaphore_mem>>) src(%arg8 : memref<80x128xf32, #tpu.memory_space<vmem>>) dst(%dma_wait3A_1388 : memref<80x128xf32, #tpu.memory_space<hbm>>)
    %dma_start3A_1389 = arith.constant 58 : i32
    %dma_start3A_1390 = arith.constant 0 : i32
    %dma_start3A_1391 = tpu.memref_slice %arg5[%dma_start3A_1389, %dma_start3A_1390] : memref<64x80xi32, #tpu.memory_space<vmem>> -> memref<1x80xi32, #tpu.memory_space<vmem>>
    %dma_start3A_1392 = tpu.memref_squeeze %dma_start3A_1391 : memref<1x80xi32, #tpu.memory_space<vmem>> -> memref<80xi32, #tpu.memory_space<vmem>>
    %dma_start3A_1393 = arith.constant 0 : i32
    %dma_start3A_1394 = arith.constant 0 : i32
    %dma_start3A_1395 = tpu.memref_slice %arg2[%dma_start3A_1393, %dma_start3A_1394] : memref<10000x128xf32, #tpu.memory_space<hbm>> -> memref<10000x128xf32, #tpu.memory_space<hbm>>
    tpu.enqueue_indirect_dma source(%dma_start3A_1395 : memref<10000x128xf32, #tpu.memory_space<hbm>>) target(%arg8 : memref<80x128xf32, #tpu.memory_space<vmem>>) offsets(%dma_start3A_1392 : memref<80xi32, #tpu.memory_space<vmem>>) semaphore(%arg16 : memref<!tpu.dma_semaphore, #tpu.memory_space<semaphore_mem>>)
    %dma_wait3A_1396 = arith.constant 52 : i32
    %dma_wait3A_1397 = arith.constant 0 : i32
    %dma_wait3A_1398 = tpu.memref_slice %arg5[%dma_wait3A_1396, %dma_wait3A_1397] : memref<64x80xi32, #tpu.memory_space<vmem>> -> memref<1x80xi32, #tpu.memory_space<vmem>>
    %dma_wait3A_1399 = tpu.memref_squeeze %dma_wait3A_1398 : memref<1x80xi32, #tpu.memory_space<vmem>> -> memref<80xi32, #tpu.memory_space<vmem>>
    %dma_wait3A_1400 = arith.constant 0 : i32
    %dma_wait3A_1401 = arith.constant 0 : i32
    %dma_wait3A_1402 = tpu.memref_slice %arg2[%dma_wait3A_1400, %dma_wait3A_1401] : memref<10000x128xf32, #tpu.memory_space<hbm>> -> memref<10000x128xf32, #tpu.memory_space<hbm>>
    tpu.wait_indirect_dma semaphore(%arg18 : memref<!tpu.dma_semaphore, #tpu.memory_space<semaphore_mem>>) src(%dma_wait3A_1402 : memref<10000x128xf32, #tpu.memory_space<hbm>>) dst(%arg10 : memref<80x128xf32, #tpu.memory_space<vmem>>)
    %add3A_1403 = arith.constant 4160 : i32
    %add3A_1404 = arith.addi %mul3A_2, %add3A_1403 : i32
    %dma_start3A_1405 = arith.constant 0 : i32
    %dma_start3A_1406 = tpu.memref_slice %arg4[%add3A_1404, %dma_start3A_1405] : memref<163840x128xf32, #tpu.memory_space<hbm>> -> memref<80x128xf32, #tpu.memory_space<hbm>>
    %dma_start3A_1407 = arith.constant 0 : i32
    %dma_start3A_1408 = tpu.memref_slice %arg4[%add3A_1404, %dma_start3A_1407] : memref<163840x128xf32, #tpu.memory_space<hbm>> -> memref<80x128xf32, #tpu.memory_space<hbm>>
    tpu.enqueue_dma source(%arg10 : memref<80x128xf32, #tpu.memory_space<vmem>>) target(%dma_start3A_1408 : memref<80x128xf32, #tpu.memory_space<hbm>>) target_semaphore(%arg26 : memref<!tpu.dma_semaphore, #tpu.memory_space<semaphore_mem>>)
    %add3A_1409 = arith.constant 4080 : i32
    %add3A_1410 = arith.addi %mul3A_2, %add3A_1409 : i32
    %dma_wait3A_1411 = arith.constant 0 : i32
    %dma_wait3A_1412 = tpu.memref_slice %arg4[%add3A_1410, %dma_wait3A_1411] : memref<163840x128xf32, #tpu.memory_space<hbm>> -> memref<80x128xf32, #tpu.memory_space<hbm>>
    %dma_wait3A_1413 = arith.constant 0 : i32
    %dma_wait3A_1414 = tpu.memref_slice %arg4[%add3A_1410, %dma_wait3A_1413] : memref<163840x128xf32, #tpu.memory_space<hbm>> -> memref<80x128xf32, #tpu.memory_space<hbm>>
    tpu.wait_dma2 semaphore(%arg25 : memref<!tpu.dma_semaphore, #tpu.memory_space<semaphore_mem>>) src(%arg9 : memref<80x128xf32, #tpu.memory_space<vmem>>) dst(%dma_wait3A_1414 : memref<80x128xf32, #tpu.memory_space<hbm>>)
    %dma_start3A_1415 = arith.constant 59 : i32
    %dma_start3A_1416 = arith.constant 0 : i32
    %dma_start3A_1417 = tpu.memref_slice %arg5[%dma_start3A_1415, %dma_start3A_1416] : memref<64x80xi32, #tpu.memory_space<vmem>> -> memref<1x80xi32, #tpu.memory_space<vmem>>
    %dma_start3A_1418 = tpu.memref_squeeze %dma_start3A_1417 : memref<1x80xi32, #tpu.memory_space<vmem>> -> memref<80xi32, #tpu.memory_space<vmem>>
    %dma_start3A_1419 = arith.constant 0 : i32
    %dma_start3A_1420 = arith.constant 0 : i32
    %dma_start3A_1421 = tpu.memref_slice %arg2[%dma_start3A_1419, %dma_start3A_1420] : memref<10000x128xf32, #tpu.memory_space<hbm>> -> memref<10000x128xf32, #tpu.memory_space<hbm>>
    tpu.enqueue_indirect_dma source(%dma_start3A_1421 : memref<10000x128xf32, #tpu.memory_space<hbm>>) target(%arg9 : memref<80x128xf32, #tpu.memory_space<vmem>>) offsets(%dma_start3A_1418 : memref<80xi32, #tpu.memory_space<vmem>>) semaphore(%arg17 : memref<!tpu.dma_semaphore, #tpu.memory_space<semaphore_mem>>)
    %dma_wait3A_1422 = arith.constant 53 : i32
    %dma_wait3A_1423 = arith.constant 0 : i32
    %dma_wait3A_1424 = tpu.memref_slice %arg5[%dma_wait3A_1422, %dma_wait3A_1423] : memref<64x80xi32, #tpu.memory_space<vmem>> -> memref<1x80xi32, #tpu.memory_space<vmem>>
    %dma_wait3A_1425 = tpu.memref_squeeze %dma_wait3A_1424 : memref<1x80xi32, #tpu.memory_space<vmem>> -> memref<80xi32, #tpu.memory_space<vmem>>
    %dma_wait3A_1426 = arith.constant 0 : i32
    %dma_wait3A_1427 = arith.constant 0 : i32
    %dma_wait3A_1428 = tpu.memref_slice %arg2[%dma_wait3A_1426, %dma_wait3A_1427] : memref<10000x128xf32, #tpu.memory_space<hbm>> -> memref<10000x128xf32, #tpu.memory_space<hbm>>
    tpu.wait_indirect_dma semaphore(%arg19 : memref<!tpu.dma_semaphore, #tpu.memory_space<semaphore_mem>>) src(%dma_wait3A_1428 : memref<10000x128xf32, #tpu.memory_space<hbm>>) dst(%arg11 : memref<80x128xf32, #tpu.memory_space<vmem>>)
    %add3A_1429 = arith.constant 4240 : i32
    %add3A_1430 = arith.addi %mul3A_2, %add3A_1429 : i32
    %dma_start3A_1431 = arith.constant 0 : i32
    %dma_start3A_1432 = tpu.memref_slice %arg4[%add3A_1430, %dma_start3A_1431] : memref<163840x128xf32, #tpu.memory_space<hbm>> -> memref<80x128xf32, #tpu.memory_space<hbm>>
    %dma_start3A_1433 = arith.constant 0 : i32
    %dma_start3A_1434 = tpu.memref_slice %arg4[%add3A_1430, %dma_start3A_1433] : memref<163840x128xf32, #tpu.memory_space<hbm>> -> memref<80x128xf32, #tpu.memory_space<hbm>>
    tpu.enqueue_dma source(%arg11 : memref<80x128xf32, #tpu.memory_space<vmem>>) target(%dma_start3A_1434 : memref<80x128xf32, #tpu.memory_space<hbm>>) target_semaphore(%arg27 : memref<!tpu.dma_semaphore, #tpu.memory_space<semaphore_mem>>)
    %add3A_1435 = arith.constant 4160 : i32
    %add3A_1436 = arith.addi %mul3A_2, %add3A_1435 : i32
    %dma_wait3A_1437 = arith.constant 0 : i32
    %dma_wait3A_1438 = tpu.memref_slice %arg4[%add3A_1436, %dma_wait3A_1437] : memref<163840x128xf32, #tpu.memory_space<hbm>> -> memref<80x128xf32, #tpu.memory_space<hbm>>
    %dma_wait3A_1439 = arith.constant 0 : i32
    %dma_wait3A_1440 = tpu.memref_slice %arg4[%add3A_1436, %dma_wait3A_1439] : memref<163840x128xf32, #tpu.memory_space<hbm>> -> memref<80x128xf32, #tpu.memory_space<hbm>>
    tpu.wait_dma2 semaphore(%arg26 : memref<!tpu.dma_semaphore, #tpu.memory_space<semaphore_mem>>) src(%arg10 : memref<80x128xf32, #tpu.memory_space<vmem>>) dst(%dma_wait3A_1440 : memref<80x128xf32, #tpu.memory_space<hbm>>)
    %dma_start3A_1441 = arith.constant 60 : i32
    %dma_start3A_1442 = arith.constant 0 : i32
    %dma_start3A_1443 = tpu.memref_slice %arg5[%dma_start3A_1441, %dma_start3A_1442] : memref<64x80xi32, #tpu.memory_space<vmem>> -> memref<1x80xi32, #tpu.memory_space<vmem>>
    %dma_start3A_1444 = tpu.memref_squeeze %dma_start3A_1443 : memref<1x80xi32, #tpu.memory_space<vmem>> -> memref<80xi32, #tpu.memory_space<vmem>>
    %dma_start3A_1445 = arith.constant 0 : i32
    %dma_start3A_1446 = arith.constant 0 : i32
    %dma_start3A_1447 = tpu.memref_slice %arg2[%dma_start3A_1445, %dma_start3A_1446] : memref<10000x128xf32, #tpu.memory_space<hbm>> -> memref<10000x128xf32, #tpu.memory_space<hbm>>
    tpu.enqueue_indirect_dma source(%dma_start3A_1447 : memref<10000x128xf32, #tpu.memory_space<hbm>>) target(%arg10 : memref<80x128xf32, #tpu.memory_space<vmem>>) offsets(%dma_start3A_1444 : memref<80xi32, #tpu.memory_space<vmem>>) semaphore(%arg18 : memref<!tpu.dma_semaphore, #tpu.memory_space<semaphore_mem>>)
    %dma_wait3A_1448 = arith.constant 54 : i32
    %dma_wait3A_1449 = arith.constant 0 : i32
    %dma_wait3A_1450 = tpu.memref_slice %arg5[%dma_wait3A_1448, %dma_wait3A_1449] : memref<64x80xi32, #tpu.memory_space<vmem>> -> memref<1x80xi32, #tpu.memory_space<vmem>>
    %dma_wait3A_1451 = tpu.memref_squeeze %dma_wait3A_1450 : memref<1x80xi32, #tpu.memory_space<vmem>> -> memref<80xi32, #tpu.memory_space<vmem>>
    %dma_wait3A_1452 = arith.constant 0 : i32
    %dma_wait3A_1453 = arith.constant 0 : i32
    %dma_wait3A_1454 = tpu.memref_slice %arg2[%dma_wait3A_1452, %dma_wait3A_1453] : memref<10000x128xf32, #tpu.memory_space<hbm>> -> memref<10000x128xf32, #tpu.memory_space<hbm>>
    tpu.wait_indirect_dma semaphore(%arg20 : memref<!tpu.dma_semaphore, #tpu.memory_space<semaphore_mem>>) src(%dma_wait3A_1454 : memref<10000x128xf32, #tpu.memory_space<hbm>>) dst(%arg12 : memref<80x128xf32, #tpu.memory_space<vmem>>)
    %add3A_1455 = arith.constant 4320 : i32
    %add3A_1456 = arith.addi %mul3A_2, %add3A_1455 : i32
    %dma_start3A_1457 = arith.constant 0 : i32
    %dma_start3A_1458 = tpu.memref_slice %arg4[%add3A_1456, %dma_start3A_1457] : memref<163840x128xf32, #tpu.memory_space<hbm>> -> memref<80x128xf32, #tpu.memory_space<hbm>>
    %dma_start3A_1459 = arith.constant 0 : i32
    %dma_start3A_1460 = tpu.memref_slice %arg4[%add3A_1456, %dma_start3A_1459] : memref<163840x128xf32, #tpu.memory_space<hbm>> -> memref<80x128xf32, #tpu.memory_space<hbm>>
    tpu.enqueue_dma source(%arg12 : memref<80x128xf32, #tpu.memory_space<vmem>>) target(%dma_start3A_1460 : memref<80x128xf32, #tpu.memory_space<hbm>>) target_semaphore(%arg28 : memref<!tpu.dma_semaphore, #tpu.memory_space<semaphore_mem>>)
    %add3A_1461 = arith.constant 4240 : i32
    %add3A_1462 = arith.addi %mul3A_2, %add3A_1461 : i32
    %dma_wait3A_1463 = arith.constant 0 : i32
    %dma_wait3A_1464 = tpu.memref_slice %arg4[%add3A_1462, %dma_wait3A_1463] : memref<163840x128xf32, #tpu.memory_space<hbm>> -> memref<80x128xf32, #tpu.memory_space<hbm>>
    %dma_wait3A_1465 = arith.constant 0 : i32
    %dma_wait3A_1466 = tpu.memref_slice %arg4[%add3A_1462, %dma_wait3A_1465] : memref<163840x128xf32, #tpu.memory_space<hbm>> -> memref<80x128xf32, #tpu.memory_space<hbm>>
    tpu.wait_dma2 semaphore(%arg27 : memref<!tpu.dma_semaphore, #tpu.memory_space<semaphore_mem>>) src(%arg11 : memref<80x128xf32, #tpu.memory_space<vmem>>) dst(%dma_wait3A_1466 : memref<80x128xf32, #tpu.memory_space<hbm>>)
    %dma_start3A_1467 = arith.constant 61 : i32
    %dma_start3A_1468 = arith.constant 0 : i32
    %dma_start3A_1469 = tpu.memref_slice %arg5[%dma_start3A_1467, %dma_start3A_1468] : memref<64x80xi32, #tpu.memory_space<vmem>> -> memref<1x80xi32, #tpu.memory_space<vmem>>
    %dma_start3A_1470 = tpu.memref_squeeze %dma_start3A_1469 : memref<1x80xi32, #tpu.memory_space<vmem>> -> memref<80xi32, #tpu.memory_space<vmem>>
    %dma_start3A_1471 = arith.constant 0 : i32
    %dma_start3A_1472 = arith.constant 0 : i32
    %dma_start3A_1473 = tpu.memref_slice %arg2[%dma_start3A_1471, %dma_start3A_1472] : memref<10000x128xf32, #tpu.memory_space<hbm>> -> memref<10000x128xf32, #tpu.memory_space<hbm>>
    tpu.enqueue_indirect_dma source(%dma_start3A_1473 : memref<10000x128xf32, #tpu.memory_space<hbm>>) target(%arg11 : memref<80x128xf32, #tpu.memory_space<vmem>>) offsets(%dma_start3A_1470 : memref<80xi32, #tpu.memory_space<vmem>>) semaphore(%arg19 : memref<!tpu.dma_semaphore, #tpu.memory_space<semaphore_mem>>)
    %dma_wait3A_1474 = arith.constant 55 : i32
    %dma_wait3A_1475 = arith.constant 0 : i32
    %dma_wait3A_1476 = tpu.memref_slice %arg5[%dma_wait3A_1474, %dma_wait3A_1475] : memref<64x80xi32, #tpu.memory_space<vmem>> -> memref<1x80xi32, #tpu.memory_space<vmem>>
    %dma_wait3A_1477 = tpu.memref_squeeze %dma_wait3A_1476 : memref<1x80xi32, #tpu.memory_space<vmem>> -> memref<80xi32, #tpu.memory_space<vmem>>
    %dma_wait3A_1478 = arith.constant 0 : i32
    %dma_wait3A_1479 = arith.constant 0 : i32
    %dma_wait3A_1480 = tpu.memref_slice %arg2[%dma_wait3A_1478, %dma_wait3A_1479] : memref<10000x128xf32, #tpu.memory_space<hbm>> -> memref<10000x128xf32, #tpu.memory_space<hbm>>
    tpu.wait_indirect_dma semaphore(%arg21 : memref<!tpu.dma_semaphore, #tpu.memory_space<semaphore_mem>>) src(%dma_wait3A_1480 : memref<10000x128xf32, #tpu.memory_space<hbm>>) dst(%arg13 : memref<80x128xf32, #tpu.memory_space<vmem>>)
    %add3A_1481 = arith.constant 4400 : i32
    %add3A_1482 = arith.addi %mul3A_2, %add3A_1481 : i32
    %dma_start3A_1483 = arith.constant 0 : i32
    %dma_start3A_1484 = tpu.memref_slice %arg4[%add3A_1482, %dma_start3A_1483] : memref<163840x128xf32, #tpu.memory_space<hbm>> -> memref<80x128xf32, #tpu.memory_space<hbm>>
    %dma_start3A_1485 = arith.constant 0 : i32
    %dma_start3A_1486 = tpu.memref_slice %arg4[%add3A_1482, %dma_start3A_1485] : memref<163840x128xf32, #tpu.memory_space<hbm>> -> memref<80x128xf32, #tpu.memory_space<hbm>>
    tpu.enqueue_dma source(%arg13 : memref<80x128xf32, #tpu.memory_space<vmem>>) target(%dma_start3A_1486 : memref<80x128xf32, #tpu.memory_space<hbm>>) target_semaphore(%arg29 : memref<!tpu.dma_semaphore, #tpu.memory_space<semaphore_mem>>)
    %add3A_1487 = arith.constant 4320 : i32
    %add3A_1488 = arith.addi %mul3A_2, %add3A_1487 : i32
    %dma_wait3A_1489 = arith.constant 0 : i32
    %dma_wait3A_1490 = tpu.memref_slice %arg4[%add3A_1488, %dma_wait3A_1489] : memref<163840x128xf32, #tpu.memory_space<hbm>> -> memref<80x128xf32, #tpu.memory_space<hbm>>
    %dma_wait3A_1491 = arith.constant 0 : i32
    %dma_wait3A_1492 = tpu.memref_slice %arg4[%add3A_1488, %dma_wait3A_1491] : memref<163840x128xf32, #tpu.memory_space<hbm>> -> memref<80x128xf32, #tpu.memory_space<hbm>>
    tpu.wait_dma2 semaphore(%arg28 : memref<!tpu.dma_semaphore, #tpu.memory_space<semaphore_mem>>) src(%arg12 : memref<80x128xf32, #tpu.memory_space<vmem>>) dst(%dma_wait3A_1492 : memref<80x128xf32, #tpu.memory_space<hbm>>)
    %dma_start3A_1493 = arith.constant 62 : i32
    %dma_start3A_1494 = arith.constant 0 : i32
    %dma_start3A_1495 = tpu.memref_slice %arg5[%dma_start3A_1493, %dma_start3A_1494] : memref<64x80xi32, #tpu.memory_space<vmem>> -> memref<1x80xi32, #tpu.memory_space<vmem>>
    %dma_start3A_1496 = tpu.memref_squeeze %dma_start3A_1495 : memref<1x80xi32, #tpu.memory_space<vmem>> -> memref<80xi32, #tpu.memory_space<vmem>>
    %dma_start3A_1497 = arith.constant 0 : i32
    %dma_start3A_1498 = arith.constant 0 : i32
    %dma_start3A_1499 = tpu.memref_slice %arg2[%dma_start3A_1497, %dma_start3A_1498] : memref<10000x128xf32, #tpu.memory_space<hbm>> -> memref<10000x128xf32, #tpu.memory_space<hbm>>
    tpu.enqueue_indirect_dma source(%dma_start3A_1499 : memref<10000x128xf32, #tpu.memory_space<hbm>>) target(%arg12 : memref<80x128xf32, #tpu.memory_space<vmem>>) offsets(%dma_start3A_1496 : memref<80xi32, #tpu.memory_space<vmem>>) semaphore(%arg20 : memref<!tpu.dma_semaphore, #tpu.memory_space<semaphore_mem>>)
    %dma_wait3A_1500 = arith.constant 56 : i32
    %dma_wait3A_1501 = arith.constant 0 : i32
    %dma_wait3A_1502 = tpu.memref_slice %arg5[%dma_wait3A_1500, %dma_wait3A_1501] : memref<64x80xi32, #tpu.memory_space<vmem>> -> memref<1x80xi32, #tpu.memory_space<vmem>>
    %dma_wait3A_1503 = tpu.memref_squeeze %dma_wait3A_1502 : memref<1x80xi32, #tpu.memory_space<vmem>> -> memref<80xi32, #tpu.memory_space<vmem>>
    %dma_wait3A_1504 = arith.constant 0 : i32
    %dma_wait3A_1505 = arith.constant 0 : i32
    %dma_wait3A_1506 = tpu.memref_slice %arg2[%dma_wait3A_1504, %dma_wait3A_1505] : memref<10000x128xf32, #tpu.memory_space<hbm>> -> memref<10000x128xf32, #tpu.memory_space<hbm>>
    tpu.wait_indirect_dma semaphore(%arg14 : memref<!tpu.dma_semaphore, #tpu.memory_space<semaphore_mem>>) src(%dma_wait3A_1506 : memref<10000x128xf32, #tpu.memory_space<hbm>>) dst(%arg6 : memref<80x128xf32, #tpu.memory_space<vmem>>)
    %add3A_1507 = arith.constant 4480 : i32
    %add3A_1508 = arith.addi %mul3A_2, %add3A_1507 : i32
    %dma_start3A_1509 = arith.constant 0 : i32
    %dma_start3A_1510 = tpu.memref_slice %arg4[%add3A_1508, %dma_start3A_1509] : memref<163840x128xf32, #tpu.memory_space<hbm>> -> memref<80x128xf32, #tpu.memory_space<hbm>>
    %dma_start3A_1511 = arith.constant 0 : i32
    %dma_start3A_1512 = tpu.memref_slice %arg4[%add3A_1508, %dma_start3A_1511] : memref<163840x128xf32, #tpu.memory_space<hbm>> -> memref<80x128xf32, #tpu.memory_space<hbm>>
    tpu.enqueue_dma source(%arg6 : memref<80x128xf32, #tpu.memory_space<vmem>>) target(%dma_start3A_1512 : memref<80x128xf32, #tpu.memory_space<hbm>>) target_semaphore(%arg22 : memref<!tpu.dma_semaphore, #tpu.memory_space<semaphore_mem>>)
    %add3A_1513 = arith.constant 4400 : i32
    %add3A_1514 = arith.addi %mul3A_2, %add3A_1513 : i32
    %dma_wait3A_1515 = arith.constant 0 : i32
    %dma_wait3A_1516 = tpu.memref_slice %arg4[%add3A_1514, %dma_wait3A_1515] : memref<163840x128xf32, #tpu.memory_space<hbm>> -> memref<80x128xf32, #tpu.memory_space<hbm>>
    %dma_wait3A_1517 = arith.constant 0 : i32
    %dma_wait3A_1518 = tpu.memref_slice %arg4[%add3A_1514, %dma_wait3A_1517] : memref<163840x128xf32, #tpu.memory_space<hbm>> -> memref<80x128xf32, #tpu.memory_space<hbm>>
    tpu.wait_dma2 semaphore(%arg29 : memref<!tpu.dma_semaphore, #tpu.memory_space<semaphore_mem>>) src(%arg13 : memref<80x128xf32, #tpu.memory_space<vmem>>) dst(%dma_wait3A_1518 : memref<80x128xf32, #tpu.memory_space<hbm>>)
    %dma_start3A_1519 = arith.constant 63 : i32
    %dma_start3A_1520 = arith.constant 0 : i32
    %dma_start3A_1521 = tpu.memref_slice %arg5[%dma_start3A_1519, %dma_start3A_1520] : memref<64x80xi32, #tpu.memory_space<vmem>> -> memref<1x80xi32, #tpu.memory_space<vmem>>
    %dma_start3A_1522 = tpu.memref_squeeze %dma_start3A_1521 : memref<1x80xi32, #tpu.memory_space<vmem>> -> memref<80xi32, #tpu.memory_space<vmem>>
    %dma_start3A_1523 = arith.constant 0 : i32
    %dma_start3A_1524 = arith.constant 0 : i32
    %dma_start3A_1525 = tpu.memref_slice %arg2[%dma_start3A_1523, %dma_start3A_1524] : memref<10000x128xf32, #tpu.memory_space<hbm>> -> memref<10000x128xf32, #tpu.memory_space<hbm>>
    tpu.enqueue_indirect_dma source(%dma_start3A_1525 : memref<10000x128xf32, #tpu.memory_space<hbm>>) target(%arg13 : memref<80x128xf32, #tpu.memory_space<vmem>>) offsets(%dma_start3A_1522 : memref<80xi32, #tpu.memory_space<vmem>>) semaphore(%arg21 : memref<!tpu.dma_semaphore, #tpu.memory_space<semaphore_mem>>)
    %dma_wait3A_1526 = arith.constant 57 : i32
    %dma_wait3A_1527 = arith.constant 0 : i32
    %dma_wait3A_1528 = tpu.memref_slice %arg5[%dma_wait3A_1526, %dma_wait3A_1527] : memref<64x80xi32, #tpu.memory_space<vmem>> -> memref<1x80xi32, #tpu.memory_space<vmem>>
    %dma_wait3A_1529 = tpu.memref_squeeze %dma_wait3A_1528 : memref<1x80xi32, #tpu.memory_space<vmem>> -> memref<80xi32, #tpu.memory_space<vmem>>
    %dma_wait3A_1530 = arith.constant 0 : i32
    %dma_wait3A_1531 = arith.constant 0 : i32
    %dma_wait3A_1532 = tpu.memref_slice %arg2[%dma_wait3A_1530, %dma_wait3A_1531] : memref<10000x128xf32, #tpu.memory_space<hbm>> -> memref<10000x128xf32, #tpu.memory_space<hbm>>
    tpu.wait_indirect_dma semaphore(%arg15 : memref<!tpu.dma_semaphore, #tpu.memory_space<semaphore_mem>>) src(%dma_wait3A_1532 : memref<10000x128xf32, #tpu.memory_space<hbm>>) dst(%arg7 : memref<80x128xf32, #tpu.memory_space<vmem>>)
    %add3A_1533 = arith.constant 4560 : i32
    %add3A_1534 = arith.addi %mul3A_2, %add3A_1533 : i32
    %dma_start3A_1535 = arith.constant 0 : i32
    %dma_start3A_1536 = tpu.memref_slice %arg4[%add3A_1534, %dma_start3A_1535] : memref<163840x128xf32, #tpu.memory_space<hbm>> -> memref<80x128xf32, #tpu.memory_space<hbm>>
    %dma_start3A_1537 = arith.constant 0 : i32
    %dma_start3A_1538 = tpu.memref_slice %arg4[%add3A_1534, %dma_start3A_1537] : memref<163840x128xf32, #tpu.memory_space<hbm>> -> memref<80x128xf32, #tpu.memory_space<hbm>>
    tpu.enqueue_dma source(%arg7 : memref<80x128xf32, #tpu.memory_space<vmem>>) target(%dma_start3A_1538 : memref<80x128xf32, #tpu.memory_space<hbm>>) target_semaphore(%arg23 : memref<!tpu.dma_semaphore, #tpu.memory_space<semaphore_mem>>)
    %dma_wait3A_1539 = arith.constant 58 : i32
    %dma_wait3A_1540 = arith.constant 0 : i32
    %dma_wait3A_1541 = tpu.memref_slice %arg5[%dma_wait3A_1539, %dma_wait3A_1540] : memref<64x80xi32, #tpu.memory_space<vmem>> -> memref<1x80xi32, #tpu.memory_space<vmem>>
    %dma_wait3A_1542 = tpu.memref_squeeze %dma_wait3A_1541 : memref<1x80xi32, #tpu.memory_space<vmem>> -> memref<80xi32, #tpu.memory_space<vmem>>
    %dma_wait3A_1543 = arith.constant 0 : i32
    %dma_wait3A_1544 = arith.constant 0 : i32
    %dma_wait3A_1545 = tpu.memref_slice %arg2[%dma_wait3A_1543, %dma_wait3A_1544] : memref<10000x128xf32, #tpu.memory_space<hbm>> -> memref<10000x128xf32, #tpu.memory_space<hbm>>
    tpu.wait_indirect_dma semaphore(%arg16 : memref<!tpu.dma_semaphore, #tpu.memory_space<semaphore_mem>>) src(%dma_wait3A_1545 : memref<10000x128xf32, #tpu.memory_space<hbm>>) dst(%arg8 : memref<80x128xf32, #tpu.memory_space<vmem>>)
    %add3A_1546 = arith.constant 4640 : i32
    %add3A_1547 = arith.addi %mul3A_2, %add3A_1546 : i32
    %dma_start3A_1548 = arith.constant 0 : i32
    %dma_start3A_1549 = tpu.memref_slice %arg4[%add3A_1547, %dma_start3A_1548] : memref<163840x128xf32, #tpu.memory_space<hbm>> -> memref<80x128xf32, #tpu.memory_space<hbm>>
    %dma_start3A_1550 = arith.constant 0 : i32
    %dma_start3A_1551 = tpu.memref_slice %arg4[%add3A_1547, %dma_start3A_1550] : memref<163840x128xf32, #tpu.memory_space<hbm>> -> memref<80x128xf32, #tpu.memory_space<hbm>>
    tpu.enqueue_dma source(%arg8 : memref<80x128xf32, #tpu.memory_space<vmem>>) target(%dma_start3A_1551 : memref<80x128xf32, #tpu.memory_space<hbm>>) target_semaphore(%arg24 : memref<!tpu.dma_semaphore, #tpu.memory_space<semaphore_mem>>)
    %dma_wait3A_1552 = arith.constant 59 : i32
    %dma_wait3A_1553 = arith.constant 0 : i32
    %dma_wait3A_1554 = tpu.memref_slice %arg5[%dma_wait3A_1552, %dma_wait3A_1553] : memref<64x80xi32, #tpu.memory_space<vmem>> -> memref<1x80xi32, #tpu.memory_space<vmem>>
    %dma_wait3A_1555 = tpu.memref_squeeze %dma_wait3A_1554 : memref<1x80xi32, #tpu.memory_space<vmem>> -> memref<80xi32, #tpu.memory_space<vmem>>
    %dma_wait3A_1556 = arith.constant 0 : i32
    %dma_wait3A_1557 = arith.constant 0 : i32
    %dma_wait3A_1558 = tpu.memref_slice %arg2[%dma_wait3A_1556, %dma_wait3A_1557] : memref<10000x128xf32, #tpu.memory_space<hbm>> -> memref<10000x128xf32, #tpu.memory_space<hbm>>
    tpu.wait_indirect_dma semaphore(%arg17 : memref<!tpu.dma_semaphore, #tpu.memory_space<semaphore_mem>>) src(%dma_wait3A_1558 : memref<10000x128xf32, #tpu.memory_space<hbm>>) dst(%arg9 : memref<80x128xf32, #tpu.memory_space<vmem>>)
    %add3A_1559 = arith.constant 4720 : i32
    %add3A_1560 = arith.addi %mul3A_2, %add3A_1559 : i32
    %dma_start3A_1561 = arith.constant 0 : i32
    %dma_start3A_1562 = tpu.memref_slice %arg4[%add3A_1560, %dma_start3A_1561] : memref<163840x128xf32, #tpu.memory_space<hbm>> -> memref<80x128xf32, #tpu.memory_space<hbm>>
    %dma_start3A_1563 = arith.constant 0 : i32
    %dma_start3A_1564 = tpu.memref_slice %arg4[%add3A_1560, %dma_start3A_1563] : memref<163840x128xf32, #tpu.memory_space<hbm>> -> memref<80x128xf32, #tpu.memory_space<hbm>>
    tpu.enqueue_dma source(%arg9 : memref<80x128xf32, #tpu.memory_space<vmem>>) target(%dma_start3A_1564 : memref<80x128xf32, #tpu.memory_space<hbm>>) target_semaphore(%arg25 : memref<!tpu.dma_semaphore, #tpu.memory_space<semaphore_mem>>)
    %dma_wait3A_1565 = arith.constant 60 : i32
    %dma_wait3A_1566 = arith.constant 0 : i32
    %dma_wait3A_1567 = tpu.memref_slice %arg5[%dma_wait3A_1565, %dma_wait3A_1566] : memref<64x80xi32, #tpu.memory_space<vmem>> -> memref<1x80xi32, #tpu.memory_space<vmem>>
    %dma_wait3A_1568 = tpu.memref_squeeze %dma_wait3A_1567 : memref<1x80xi32, #tpu.memory_space<vmem>> -> memref<80xi32, #tpu.memory_space<vmem>>
    %dma_wait3A_1569 = arith.constant 0 : i32
    %dma_wait3A_1570 = arith.constant 0 : i32
    %dma_wait3A_1571 = tpu.memref_slice %arg2[%dma_wait3A_1569, %dma_wait3A_1570] : memref<10000x128xf32, #tpu.memory_space<hbm>> -> memref<10000x128xf32, #tpu.memory_space<hbm>>
    tpu.wait_indirect_dma semaphore(%arg18 : memref<!tpu.dma_semaphore, #tpu.memory_space<semaphore_mem>>) src(%dma_wait3A_1571 : memref<10000x128xf32, #tpu.memory_space<hbm>>) dst(%arg10 : memref<80x128xf32, #tpu.memory_space<vmem>>)
    %add3A_1572 = arith.constant 4800 : i32
    %add3A_1573 = arith.addi %mul3A_2, %add3A_1572 : i32
    %dma_start3A_1574 = arith.constant 0 : i32
    %dma_start3A_1575 = tpu.memref_slice %arg4[%add3A_1573, %dma_start3A_1574] : memref<163840x128xf32, #tpu.memory_space<hbm>> -> memref<80x128xf32, #tpu.memory_space<hbm>>
    %dma_start3A_1576 = arith.constant 0 : i32
    %dma_start3A_1577 = tpu.memref_slice %arg4[%add3A_1573, %dma_start3A_1576] : memref<163840x128xf32, #tpu.memory_space<hbm>> -> memref<80x128xf32, #tpu.memory_space<hbm>>
    tpu.enqueue_dma source(%arg10 : memref<80x128xf32, #tpu.memory_space<vmem>>) target(%dma_start3A_1577 : memref<80x128xf32, #tpu.memory_space<hbm>>) target_semaphore(%arg26 : memref<!tpu.dma_semaphore, #tpu.memory_space<semaphore_mem>>)
    %dma_wait3A_1578 = arith.constant 61 : i32
    %dma_wait3A_1579 = arith.constant 0 : i32
    %dma_wait3A_1580 = tpu.memref_slice %arg5[%dma_wait3A_1578, %dma_wait3A_1579] : memref<64x80xi32, #tpu.memory_space<vmem>> -> memref<1x80xi32, #tpu.memory_space<vmem>>
    %dma_wait3A_1581 = tpu.memref_squeeze %dma_wait3A_1580 : memref<1x80xi32, #tpu.memory_space<vmem>> -> memref<80xi32, #tpu.memory_space<vmem>>
    %dma_wait3A_1582 = arith.constant 0 : i32
    %dma_wait3A_1583 = arith.constant 0 : i32
    %dma_wait3A_1584 = tpu.memref_slice %arg2[%dma_wait3A_1582, %dma_wait3A_1583] : memref<10000x128xf32, #tpu.memory_space<hbm>> -> memref<10000x128xf32, #tpu.memory_space<hbm>>
    tpu.wait_indirect_dma semaphore(%arg19 : memref<!tpu.dma_semaphore, #tpu.memory_space<semaphore_mem>>) src(%dma_wait3A_1584 : memref<10000x128xf32, #tpu.memory_space<hbm>>) dst(%arg11 : memref<80x128xf32, #tpu.memory_space<vmem>>)
    %add3A_1585 = arith.constant 4880 : i32
    %add3A_1586 = arith.addi %mul3A_2, %add3A_1585 : i32
    %dma_start3A_1587 = arith.constant 0 : i32
    %dma_start3A_1588 = tpu.memref_slice %arg4[%add3A_1586, %dma_start3A_1587] : memref<163840x128xf32, #tpu.memory_space<hbm>> -> memref<80x128xf32, #tpu.memory_space<hbm>>
    %dma_start3A_1589 = arith.constant 0 : i32
    %dma_start3A_1590 = tpu.memref_slice %arg4[%add3A_1586, %dma_start3A_1589] : memref<163840x128xf32, #tpu.memory_space<hbm>> -> memref<80x128xf32, #tpu.memory_space<hbm>>
    tpu.enqueue_dma source(%arg11 : memref<80x128xf32, #tpu.memory_space<vmem>>) target(%dma_start3A_1590 : memref<80x128xf32, #tpu.memory_space<hbm>>) target_semaphore(%arg27 : memref<!tpu.dma_semaphore, #tpu.memory_space<semaphore_mem>>)
    %dma_wait3A_1591 = arith.constant 62 : i32
    %dma_wait3A_1592 = arith.constant 0 : i32
    %dma_wait3A_1593 = tpu.memref_slice %arg5[%dma_wait3A_1591, %dma_wait3A_1592] : memref<64x80xi32, #tpu.memory_space<vmem>> -> memref<1x80xi32, #tpu.memory_space<vmem>>
    %dma_wait3A_1594 = tpu.memref_squeeze %dma_wait3A_1593 : memref<1x80xi32, #tpu.memory_space<vmem>> -> memref<80xi32, #tpu.memory_space<vmem>>
    %dma_wait3A_1595 = arith.constant 0 : i32
    %dma_wait3A_1596 = arith.constant 0 : i32
    %dma_wait3A_1597 = tpu.memref_slice %arg2[%dma_wait3A_1595, %dma_wait3A_1596] : memref<10000x128xf32, #tpu.memory_space<hbm>> -> memref<10000x128xf32, #tpu.memory_space<hbm>>
    tpu.wait_indirect_dma semaphore(%arg20 : memref<!tpu.dma_semaphore, #tpu.memory_space<semaphore_mem>>) src(%dma_wait3A_1597 : memref<10000x128xf32, #tpu.memory_space<hbm>>) dst(%arg12 : memref<80x128xf32, #tpu.memory_space<vmem>>)
    %add3A_1598 = arith.constant 4960 : i32
    %add3A_1599 = arith.addi %mul3A_2, %add3A_1598 : i32
    %dma_start3A_1600 = arith.constant 0 : i32
    %dma_start3A_1601 = tpu.memref_slice %arg4[%add3A_1599, %dma_start3A_1600] : memref<163840x128xf32, #tpu.memory_space<hbm>> -> memref<80x128xf32, #tpu.memory_space<hbm>>
    %dma_start3A_1602 = arith.constant 0 : i32
    %dma_start3A_1603 = tpu.memref_slice %arg4[%add3A_1599, %dma_start3A_1602] : memref<163840x128xf32, #tpu.memory_space<hbm>> -> memref<80x128xf32, #tpu.memory_space<hbm>>
    tpu.enqueue_dma source(%arg12 : memref<80x128xf32, #tpu.memory_space<vmem>>) target(%dma_start3A_1603 : memref<80x128xf32, #tpu.memory_space<hbm>>) target_semaphore(%arg28 : memref<!tpu.dma_semaphore, #tpu.memory_space<semaphore_mem>>)
    %dma_wait3A_1604 = arith.constant 63 : i32
    %dma_wait3A_1605 = arith.constant 0 : i32
    %dma_wait3A_1606 = tpu.memref_slice %arg5[%dma_wait3A_1604, %dma_wait3A_1605] : memref<64x80xi32, #tpu.memory_space<vmem>> -> memref<1x80xi32, #tpu.memory_space<vmem>>
    %dma_wait3A_1607 = tpu.memref_squeeze %dma_wait3A_1606 : memref<1x80xi32, #tpu.memory_space<vmem>> -> memref<80xi32, #tpu.memory_space<vmem>>
    %dma_wait3A_1608 = arith.constant 0 : i32
    %dma_wait3A_1609 = arith.constant 0 : i32
    %dma_wait3A_1610 = tpu.memref_slice %arg2[%dma_wait3A_1608, %dma_wait3A_1609] : memref<10000x128xf32, #tpu.memory_space<hbm>> -> memref<10000x128xf32, #tpu.memory_space<hbm>>
    tpu.wait_indirect_dma semaphore(%arg21 : memref<!tpu.dma_semaphore, #tpu.memory_space<semaphore_mem>>) src(%dma_wait3A_1610 : memref<10000x128xf32, #tpu.memory_space<hbm>>) dst(%arg13 : memref<80x128xf32, #tpu.memory_space<vmem>>)
    %add3A_1611 = arith.constant 5040 : i32
    %add3A_1612 = arith.addi %mul3A_2, %add3A_1611 : i32
    %dma_start3A_1613 = arith.constant 0 : i32
    %dma_start3A_1614 = tpu.memref_slice %arg4[%add3A_1612, %dma_start3A_1613] : memref<163840x128xf32, #tpu.memory_space<hbm>> -> memref<80x128xf32, #tpu.memory_space<hbm>>
    %dma_start3A_1615 = arith.constant 0 : i32
    %dma_start3A_1616 = tpu.memref_slice %arg4[%add3A_1612, %dma_start3A_1615] : memref<163840x128xf32, #tpu.memory_space<hbm>> -> memref<80x128xf32, #tpu.memory_space<hbm>>
    tpu.enqueue_dma source(%arg13 : memref<80x128xf32, #tpu.memory_space<vmem>>) target(%dma_start3A_1616 : memref<80x128xf32, #tpu.memory_space<hbm>>) target_semaphore(%arg29 : memref<!tpu.dma_semaphore, #tpu.memory_space<semaphore_mem>>)
    %add3A_1617 = arith.constant 4480 : i32
    %add3A_1618 = arith.addi %mul3A_2, %add3A_1617 : i32
    %dma_wait3A_1619 = arith.constant 0 : i32
    %dma_wait3A_1620 = tpu.memref_slice %arg4[%add3A_1618, %dma_wait3A_1619] : memref<163840x128xf32, #tpu.memory_space<hbm>> -> memref<80x128xf32, #tpu.memory_space<hbm>>
    %dma_wait3A_1621 = arith.constant 0 : i32
    %dma_wait3A_1622 = tpu.memref_slice %arg4[%add3A_1618, %dma_wait3A_1621] : memref<163840x128xf32, #tpu.memory_space<hbm>> -> memref<80x128xf32, #tpu.memory_space<hbm>>
    tpu.wait_dma2 semaphore(%arg22 : memref<!tpu.dma_semaphore, #tpu.memory_space<semaphore_mem>>) src(%arg6 : memref<80x128xf32, #tpu.memory_space<vmem>>) dst(%dma_wait3A_1622 : memref<80x128xf32, #tpu.memory_space<hbm>>)
    %add3A_1623 = arith.constant 4560 : i32
    %add3A_1624 = arith.addi %mul3A_2, %add3A_1623 : i32
    %dma_wait3A_1625 = arith.constant 0 : i32
    %dma_wait3A_1626 = tpu.memref_slice %arg4[%add3A_1624, %dma_wait3A_1625] : memref<163840x128xf32, #tpu.memory_space<hbm>> -> memref<80x128xf32, #tpu.memory_space<hbm>>
    %dma_wait3A_1627 = arith.constant 0 : i32
    %dma_wait3A_1628 = tpu.memref_slice %arg4[%add3A_1624, %dma_wait3A_1627] : memref<163840x128xf32, #tpu.memory_space<hbm>> -> memref<80x128xf32, #tpu.memory_space<hbm>>
    tpu.wait_dma2 semaphore(%arg23 : memref<!tpu.dma_semaphore, #tpu.memory_space<semaphore_mem>>) src(%arg7 : memref<80x128xf32, #tpu.memory_space<vmem>>) dst(%dma_wait3A_1628 : memref<80x128xf32, #tpu.memory_space<hbm>>)
    %add3A_1629 = arith.constant 4640 : i32
    %add3A_1630 = arith.addi %mul3A_2, %add3A_1629 : i32
    %dma_wait3A_1631 = arith.constant 0 : i32
    %dma_wait3A_1632 = tpu.memref_slice %arg4[%add3A_1630, %dma_wait3A_1631] : memref<163840x128xf32, #tpu.memory_space<hbm>> -> memref<80x128xf32, #tpu.memory_space<hbm>>
    %dma_wait3A_1633 = arith.constant 0 : i32
    %dma_wait3A_1634 = tpu.memref_slice %arg4[%add3A_1630, %dma_wait3A_1633] : memref<163840x128xf32, #tpu.memory_space<hbm>> -> memref<80x128xf32, #tpu.memory_space<hbm>>
    tpu.wait_dma2 semaphore(%arg24 : memref<!tpu.dma_semaphore, #tpu.memory_space<semaphore_mem>>) src(%arg8 : memref<80x128xf32, #tpu.memory_space<vmem>>) dst(%dma_wait3A_1634 : memref<80x128xf32, #tpu.memory_space<hbm>>)
    %add3A_1635 = arith.constant 4720 : i32
    %add3A_1636 = arith.addi %mul3A_2, %add3A_1635 : i32
    %dma_wait3A_1637 = arith.constant 0 : i32
    %dma_wait3A_1638 = tpu.memref_slice %arg4[%add3A_1636, %dma_wait3A_1637] : memref<163840x128xf32, #tpu.memory_space<hbm>> -> memref<80x128xf32, #tpu.memory_space<hbm>>
    %dma_wait3A_1639 = arith.constant 0 : i32
    %dma_wait3A_1640 = tpu.memref_slice %arg4[%add3A_1636, %dma_wait3A_1639] : memref<163840x128xf32, #tpu.memory_space<hbm>> -> memref<80x128xf32, #tpu.memory_space<hbm>>
    tpu.wait_dma2 semaphore(%arg25 : memref<!tpu.dma_semaphore, #tpu.memory_space<semaphore_mem>>) src(%arg9 : memref<80x128xf32, #tpu.memory_space<vmem>>) dst(%dma_wait3A_1640 : memref<80x128xf32, #tpu.memory_space<hbm>>)
    %add3A_1641 = arith.constant 4800 : i32
    %add3A_1642 = arith.addi %mul3A_2, %add3A_1641 : i32
    %dma_wait3A_1643 = arith.constant 0 : i32
    %dma_wait3A_1644 = tpu.memref_slice %arg4[%add3A_1642, %dma_wait3A_1643] : memref<163840x128xf32, #tpu.memory_space<hbm>> -> memref<80x128xf32, #tpu.memory_space<hbm>>
    %dma_wait3A_1645 = arith.constant 0 : i32
    %dma_wait3A_1646 = tpu.memref_slice %arg4[%add3A_1642, %dma_wait3A_1645] : memref<163840x128xf32, #tpu.memory_space<hbm>> -> memref<80x128xf32, #tpu.memory_space<hbm>>
    tpu.wait_dma2 semaphore(%arg26 : memref<!tpu.dma_semaphore, #tpu.memory_space<semaphore_mem>>) src(%arg10 : memref<80x128xf32, #tpu.memory_space<vmem>>) dst(%dma_wait3A_1646 : memref<80x128xf32, #tpu.memory_space<hbm>>)
    %add3A_1647 = arith.constant 4880 : i32
    %add3A_1648 = arith.addi %mul3A_2, %add3A_1647 : i32
    %dma_wait3A_1649 = arith.constant 0 : i32
    %dma_wait3A_1650 = tpu.memref_slice %arg4[%add3A_1648, %dma_wait3A_1649] : memref<163840x128xf32, #tpu.memory_space<hbm>> -> memref<80x128xf32, #tpu.memory_space<hbm>>
    %dma_wait3A_1651 = arith.constant 0 : i32
    %dma_wait3A_1652 = tpu.memref_slice %arg4[%add3A_1648, %dma_wait3A_1651] : memref<163840x128xf32, #tpu.memory_space<hbm>> -> memref<80x128xf32, #tpu.memory_space<hbm>>
    tpu.wait_dma2 semaphore(%arg27 : memref<!tpu.dma_semaphore, #tpu.memory_space<semaphore_mem>>) src(%arg11 : memref<80x128xf32, #tpu.memory_space<vmem>>) dst(%dma_wait3A_1652 : memref<80x128xf32, #tpu.memory_space<hbm>>)
    %add3A_1653 = arith.constant 4960 : i32
    %add3A_1654 = arith.addi %mul3A_2, %add3A_1653 : i32
    %dma_wait3A_1655 = arith.constant 0 : i32
    %dma_wait3A_1656 = tpu.memref_slice %arg4[%add3A_1654, %dma_wait3A_1655] : memref<163840x128xf32, #tpu.memory_space<hbm>> -> memref<80x128xf32, #tpu.memory_space<hbm>>
    %dma_wait3A_1657 = arith.constant 0 : i32
    %dma_wait3A_1658 = tpu.memref_slice %arg4[%add3A_1654, %dma_wait3A_1657] : memref<163840x128xf32, #tpu.memory_space<hbm>> -> memref<80x128xf32, #tpu.memory_space<hbm>>
    tpu.wait_dma2 semaphore(%arg28 : memref<!tpu.dma_semaphore, #tpu.memory_space<semaphore_mem>>) src(%arg12 : memref<80x128xf32, #tpu.memory_space<vmem>>) dst(%dma_wait3A_1658 : memref<80x128xf32, #tpu.memory_space<hbm>>)
    %add3A_1659 = arith.constant 5040 : i32
    %add3A_1660 = arith.addi %mul3A_2, %add3A_1659 : i32
    %dma_wait3A_1661 = arith.constant 0 : i32
    %dma_wait3A_1662 = tpu.memref_slice %arg4[%add3A_1660, %dma_wait3A_1661] : memref<163840x128xf32, #tpu.memory_space<hbm>> -> memref<80x128xf32, #tpu.memory_space<hbm>>
    %dma_wait3A_1663 = arith.constant 0 : i32
    %dma_wait3A_1664 = tpu.memref_slice %arg4[%add3A_1660, %dma_wait3A_1663] : memref<163840x128xf32, #tpu.memory_space<hbm>> -> memref<80x128xf32, #tpu.memory_space<hbm>>
    tpu.wait_dma2 semaphore(%arg29 : memref<!tpu.dma_semaphore, #tpu.memory_space<semaphore_mem>>) src(%arg13 : memref<80x128xf32, #tpu.memory_space<vmem>>) dst(%dma_wait3A_1664 : memref<80x128xf32, #tpu.memory_space<hbm>>)
    return
  }
}

module attributes {stable_mosaic.version = 14 : i64} {
  func.func @_sinkhorn_body(%arg0: i32, %arg1: memref<16x200x128xf32, #tpu.memory_space<vmem>>, %arg2: memref<200x128xf32, #tpu.memory_space<vmem>>, %arg3: memref<128x128xf32, #tpu.memory_space<vmem>>, %arg4: memref<200x128xf32, #tpu.memory_space<vmem>>) attributes {dimension_semantics = [#tpu.dimension_semantics<arbitrary>], iteration_bounds = array<i64: 50>, scalar_prefetch = 0 : i64, scratch_operands = 0 : i64, tpu.core_type = #tpu.core_type<tc>, window_params = [{transform_indices = @transform_0, window_bounds = array<i64: 16, 200, 128>}, {transform_indices = @transform_1, window_bounds = array<i64: 200, 128>}, {pipeline_mode = #tpu.pipeline_mode<synchronous>, transform_indices = @transform_2, window_bounds = array<i64: 128, 128>}, {transform_indices = @transform_3, window_bounds = array<i64: 200, 128>}]} {
    %get3A = arith.constant 0 : index
    %get3A_0 = arith.constant 0 : index
    %get3A_1 = arith.constant 0 : index
    %get3A_2 = vector.load %arg1[%get3A, %get3A_0, %get3A_1] : memref<16x200x128xf32, #tpu.memory_space<vmem>>, vector<16x200x128xf32>
    %reshape3A = vector.shape_cast %get3A_2 : vector<16x200x128xf32> to vector<3200x128xf32>
    %get3A_3 = arith.constant 0 : index
    %get3A_4 = arith.constant 0 : index
    %get3A_5 = vector.load %arg2[%get3A_3, %get3A_4] : memref<200x128xf32, #tpu.memory_space<vmem>>, vector<200x128xf32>
    %concatenate3A = tpu.concatenate %reshape3A, %get3A_5 in 0 : vector<3200x128xf32>, vector<200x128xf32> -> vector<3400x128xf32>
    %get3A_6 = arith.constant 0 : index
    %get3A_7 = arith.constant 0 : index
    %get3A_8 = vector.load %arg3[%get3A_6, %get3A_7] : memref<128x128xf32, #tpu.memory_space<vmem>>, vector<128x128xf32>
    %mul3A = arith.constant -2.000000e+01 : f32
    %mul3A_9 = vector.broadcast %mul3A : f32 to vector<128x128xf32>
    %mul3A_10 = arith.mulf %get3A_8, %mul3A_9 : vector<128x128xf32>
    %exp3A = math.exp %mul3A_10 : vector<128x128xf32>
    %reduce_sum3A = arith.constant dense<0.000000e+00> : vector<128xf32>
    %reduce_sum3A_11 = vector.multi_reduction <add>, %exp3A, %reduce_sum3A [1] : vector<128x128xf32> to vector<128xf32>
    %div3A = arith.constant 1.000000e+00 : f32
    %div3A_12 = vector.broadcast %div3A : f32 to vector<128xf32>
    %div3A_13 = arith.divf %div3A_12, %reduce_sum3A_11 : vector<128xf32>
    %broadcast_in_dim3A = vector.shape_cast %div3A_13 : vector<128xf32> to vector<128x1xf32>
    %mul3A_14 = vector.broadcast %broadcast_in_dim3A : vector<128x1xf32> to vector<128x128xf32>
    %mul3A_15 = arith.mulf %exp3A, %mul3A_14 : vector<128x128xf32>
    %dot_general3A = arith.constant dense<0.000000e+00> : vector<3400x128xf32>
    %dot_general3A_16 = tpu.matmul %concatenate3A, %mul3A_15, %dot_general3A {dimension_numbers = #tpu.dot_dimension_numbers<[1], [0], [0], [1], [0, 0, 1, 1], [], []>, transpose_lhs_hint = false} : vector<3400x128xf32>, vector<128x128xf32>, vector<3400x128xf32> -> vector<3400x128xf32>
    %max3A = arith.constant 1.000000e-30 : f32
    %max3A_17 = vector.broadcast %max3A : f32 to vector<3400x128xf32>
    %max3A_18 = arith.maximumf %dot_general3A_16, %max3A_17 : vector<3400x128xf32>
    %log3A = math.log %max3A_18 : vector<3400x128xf32>
    %reshape3A_19 = vector.shape_cast %log3A : vector<3400x128xf32> to vector<17x200x128xf32>
    %reduce_sum3A_20 = arith.constant dense<0.000000e+00> : vector<200x128xf32>
    %reduce_sum3A_21 = vector.multi_reduction <add>, %reshape3A_19, %reduce_sum3A_20 [0] : vector<17x200x128xf32> to vector<200x128xf32>
    %mul3A_22 = arith.constant 0.0588235296 : f32
    %mul3A_23 = vector.broadcast %mul3A_22 : f32 to vector<200x128xf32>
    %mul3A_24 = arith.mulf %reduce_sum3A_21, %mul3A_23 : vector<200x128xf32>
    %exp3A_25 = math.exp %mul3A_24 : vector<200x128xf32>
    %broadcast_in_dim3A_26 = vector.shape_cast %exp3A_25 : vector<200x128xf32> to vector<1x200x128xf32>
    %broadcast_in_dim3A_27 = vector.shape_cast %broadcast_in_dim3A_26 : vector<1x200x128xf32> to vector<1x200x128xf32>
    %broadcast_in_dim3A_28 = vector.broadcast %broadcast_in_dim3A_27 : vector<1x200x128xf32> to vector<17x200x128xf32>
    %reshape3A_29 = vector.shape_cast %broadcast_in_dim3A_28 : vector<17x200x128xf32> to vector<3400x128xf32>
    %div3A_30 = arith.divf %reshape3A_29, %max3A_18 : vector<3400x128xf32>
    %transpose3A = tpu.transpose %exp3A, [1, 0] : vector<128x128xf32> -> vector<128x128xf32>
    %dot_general3A_31 = arith.constant dense<0.000000e+00> : vector<3400x128xf32>
    %dot_general3A_32 = tpu.matmul %div3A_30, %transpose3A, %dot_general3A_31 {dimension_numbers = #tpu.dot_dimension_numbers<[1], [0], [0], [1], [0, 0, 1, 1], [], []>, transpose_lhs_hint = false} : vector<3400x128xf32>, vector<128x128xf32>, vector<3400x128xf32> -> vector<3400x128xf32>
    %max3A_33 = arith.constant 1.000000e-30 : f32
    %max3A_34 = vector.broadcast %max3A_33 : f32 to vector<3400x128xf32>
    %max3A_35 = arith.maximumf %dot_general3A_32, %max3A_34 : vector<3400x128xf32>
    %div3A_36 = arith.divf %concatenate3A, %max3A_35 : vector<3400x128xf32>
    %dot_general3A_37 = arith.constant dense<0.000000e+00> : vector<3400x128xf32>
    %dot_general3A_38 = tpu.matmul %div3A_36, %exp3A, %dot_general3A_37 {dimension_numbers = #tpu.dot_dimension_numbers<[1], [0], [0], [1], [0, 0, 1, 1], [], []>, transpose_lhs_hint = false} : vector<3400x128xf32>, vector<128x128xf32>, vector<3400x128xf32> -> vector<3400x128xf32>
    %max3A_39 = arith.constant 1.000000e-30 : f32
    %max3A_40 = vector.broadcast %max3A_39 : f32 to vector<3400x128xf32>
    %max3A_41 = arith.maximumf %dot_general3A_38, %max3A_40 : vector<3400x128xf32>
    %log3A_42 = math.log %max3A_41 : vector<3400x128xf32>
    %reshape3A_43 = vector.shape_cast %log3A_42 : vector<3400x128xf32> to vector<17x200x128xf32>
    %reduce_sum3A_44 = arith.constant dense<0.000000e+00> : vector<200x128xf32>
    %reduce_sum3A_45 = vector.multi_reduction <add>, %reshape3A_43, %reduce_sum3A_44 [0] : vector<17x200x128xf32> to vector<200x128xf32>
    %mul3A_46 = arith.constant 0.0588235296 : f32
    %mul3A_47 = vector.broadcast %mul3A_46 : f32 to vector<200x128xf32>
    %mul3A_48 = arith.mulf %reduce_sum3A_45, %mul3A_47 : vector<200x128xf32>
    %exp3A_49 = math.exp %mul3A_48 : vector<200x128xf32>
    %broadcast_in_dim3A_50 = vector.shape_cast %exp3A_49 : vector<200x128xf32> to vector<1x200x128xf32>
    %broadcast_in_dim3A_51 = vector.shape_cast %broadcast_in_dim3A_50 : vector<1x200x128xf32> to vector<1x200x128xf32>
    %broadcast_in_dim3A_52 = vector.broadcast %broadcast_in_dim3A_51 : vector<1x200x128xf32> to vector<17x200x128xf32>
    %reshape3A_53 = vector.shape_cast %broadcast_in_dim3A_52 : vector<17x200x128xf32> to vector<3400x128xf32>
    %div3A_54 = arith.divf %reshape3A_53, %max3A_41 : vector<3400x128xf32>
    %transpose3A_55 = tpu.transpose %exp3A, [1, 0] : vector<128x128xf32> -> vector<128x128xf32>
    %dot_general3A_56 = arith.constant dense<0.000000e+00> : vector<3400x128xf32>
    %dot_general3A_57 = tpu.matmul %div3A_54, %transpose3A_55, %dot_general3A_56 {dimension_numbers = #tpu.dot_dimension_numbers<[1], [0], [0], [1], [0, 0, 1, 1], [], []>, transpose_lhs_hint = false} : vector<3400x128xf32>, vector<128x128xf32>, vector<3400x128xf32> -> vector<3400x128xf32>
    %max3A_58 = arith.constant 1.000000e-30 : f32
    %max3A_59 = vector.broadcast %max3A_58 : f32 to vector<3400x128xf32>
    %max3A_60 = arith.maximumf %dot_general3A_57, %max3A_59 : vector<3400x128xf32>
    %div3A_61 = arith.divf %concatenate3A, %max3A_60 : vector<3400x128xf32>
    %dot_general3A_62 = arith.constant dense<0.000000e+00> : vector<3400x128xf32>
    %dot_general3A_63 = tpu.matmul %div3A_61, %exp3A, %dot_general3A_62 {dimension_numbers = #tpu.dot_dimension_numbers<[1], [0], [0], [1], [0, 0, 1, 1], [], []>, transpose_lhs_hint = false} : vector<3400x128xf32>, vector<128x128xf32>, vector<3400x128xf32> -> vector<3400x128xf32>
    %max3A_64 = arith.constant 1.000000e-30 : f32
    %max3A_65 = vector.broadcast %max3A_64 : f32 to vector<3400x128xf32>
    %max3A_66 = arith.maximumf %dot_general3A_63, %max3A_65 : vector<3400x128xf32>
    %log3A_67 = math.log %max3A_66 : vector<3400x128xf32>
    %reshape3A_68 = vector.shape_cast %log3A_67 : vector<3400x128xf32> to vector<17x200x128xf32>
    %reduce_sum3A_69 = arith.constant dense<0.000000e+00> : vector<200x128xf32>
    %reduce_sum3A_70 = vector.multi_reduction <add>, %reshape3A_68, %reduce_sum3A_69 [0] : vector<17x200x128xf32> to vector<200x128xf32>
    %mul3A_71 = arith.constant 0.0588235296 : f32
    %mul3A_72 = vector.broadcast %mul3A_71 : f32 to vector<200x128xf32>
    %mul3A_73 = arith.mulf %reduce_sum3A_70, %mul3A_72 : vector<200x128xf32>
    %exp3A_74 = math.exp %mul3A_73 : vector<200x128xf32>
    %reduce_sum3A_75 = arith.constant dense<0.000000e+00> : vector<200xf32>
    %reduce_sum3A_76 = vector.multi_reduction <add>, %exp3A_74, %reduce_sum3A_75 [1] : vector<200x128xf32> to vector<200xf32>
    %broadcast_in_dim3A_77 = vector.shape_cast %reduce_sum3A_76 : vector<200xf32> to vector<200x1xf32>
    %max3A_78 = arith.constant 1.000000e-30 : f32
    %max3A_79 = vector.broadcast %max3A_78 : f32 to vector<200x1xf32>
    %max3A_80 = arith.maximumf %broadcast_in_dim3A_77, %max3A_79 : vector<200x1xf32>
    %div3A_81 = vector.broadcast %max3A_80 : vector<200x1xf32> to vector<200x128xf32>
    %div3A_82 = arith.divf %exp3A_74, %div3A_81 : vector<200x128xf32>
    %swap3A = arith.constant 0 : index
    %swap3A_83 = arith.constant 0 : index
    %swap3A_84 = vector.load %arg4[%swap3A, %swap3A_83] : memref<200x128xf32, #tpu.memory_space<vmem>>, vector<200x128xf32>
    tpu.vector_store %arg4[%swap3A, %swap3A_83], %div3A_82 {strides = array<i32>} : memref<200x128xf32, #tpu.memory_space<vmem>>, vector<200x128xf32>,
    return
  }
  func.func @transform_0(%arg0: i32) -> (i32, i32, i32) {
    %c0_i32 = arith.constant 0 : i32
    %c0_i32_0 = arith.constant 0 : i32
    %c0_i32_1 = arith.constant 0 : i32
    return %c0_i32, %arg0, %c0_i32_0 : i32, i32, i32
  }
  func.func @transform_1(%arg0: i32) -> (i32, i32) {
    %c0_i32 = arith.constant 0 : i32
    %c0_i32_0 = arith.constant 0 : i32
    return %arg0, %c0_i32 : i32, i32
  }
  func.func @transform_2(%arg0: i32) -> (i32, i32) {
    %c0_i32 = arith.constant 0 : i32
    %c0_i32_0 = arith.constant 0 : i32
    %c0_i32_1 = arith.constant 0 : i32
    return %c0_i32, %c0_i32_0 : i32, i32
  }
  func.func @transform_3(%arg0: i32) -> (i32, i32) {
    %c0_i32 = arith.constant 0 : i32
    %c0_i32_0 = arith.constant 0 : i32
    return %arg0, %c0_i32 : i32, i32
  }
}

</mosaic_0001>

<sc_bundles>
// kernel: kernel.4.cloned.1.call-start
scs
__scs_entry_jumppad:
0x0: {  	(pc) =	sbr.rel $0x88, $3  }
0x1: {  	(tag) =	ssettag $0x0;
	lr =	simm.s32 $0x1  }
0x2: {  	[smem:$0x3F9E] =	sst lr;
	_ =	strace $0xD0000000  }
0x3: {  	_ = 	snop  }
0x4: {  	_ = 	snop  }
0x5: {  	_ = 	snop  }
0x6: {  	_ = 	snop  }
0x7: {  	_ = 	snop  }
__scs_overlays_trampoline_lowered:
0x8: {  	[smem:$0x3FAD] =	sst s0  }
0x9: {  	[smem:$0x3FAE] =	sst s1  }
0xa: {  	[smem:$0x3FAF] =	sst s2  }
0xb: {  	[smem:$0x3FB0] =	sst s3  }
0xc: {  	[smem:$0x3FB1] =	sst s4  }
0xd: {  	[smem:$0x3FB2] =	sst s5  }
0xe: {  	[smem:$0x3FB3] =	sst s6  }
0xf: {  	[smem:$0x3FB4] =	sst s7  }
0x10: {  	[smem:$0x3FB5] =	sst s8  }
0x11: {  	[smem:$0x3FB6] =	sst s9;
	s0 =	simm.s32 @!p0 $0x0  }
0x12: {  	s1 =	sld [smem:$0x3F9C];
	s0 =	simm.s32 @p0 $0x1  }
0x13: {  	[smem:$0x3FB7] =	sst s0;
	s0 =	simm.s32 @!p1 $0x0  }
0x14: {  	s2 =	sld [smem:$0x3F9B];
	s0 =	simm.s32 @p1 $0x1  }
0x15: {  	[smem:$0x3FB8] =	sst s0;
	s0 =	simm.s32 @!p2 $0x0  }
0x16: {  	s3 =	sld [smem:$0x3FDB];
	s0 =	simm.s32 @p2 $0x1  }
0x17: {  	s4 =	simm.s32 $0x1BF5;
	[smem:$0x3FBA] =	sst s0  }
0x18: {  	s0 =	sld [smem:$0x3F9D];
	_ =	swait.ge [sflag:s4], $0x0  }
0x19: {  	s7 =	sld [smem:$0x3F9E]  }
0x1a: {  	s8 =	sadd.s32 $0xFFFFE003, lr  }
0x1b: {  	s9 =	sadd.s32 $0xFFFFFEF7, lr;
	s5 =	simm.s32 $0xFFFFFFFF;
	p2 =	slt.u32 s8, $0xFFFFF086  }
0x1c: {  	p1 =	slt.u32 s9, $0xF7A;
	s5 =	simm.s32 @!p2 $0x0  }
0x1d: {  	s5 =	simm.s32 @p1 $0x1;
	p0 =	seq.s32 s7, s2  }
0x1e: {  	s7 =	smul.u32 @!p0 $0xF7A, s2;
	p2 =	seq.s32 @!p0 s5, $0x0  }
0x1f: {  	s9 =	smul.u32 $0xF7A, s1;
	s8 =	simm.s32 @!p0 $0x1BF5;
	p2 =	por !p2, p0  }
0x20: {  	[sflag:s8] =	ssyncset.s32 @!p0 $0xFFFFF086;
	s6 =	sadd.s32 @!p0 s3, s7;
	s7 =	simm.s32 @!p0 $0x108  }
0x21: {  	s3 =	sadd.s32 s3, s9;
	s6 =	sadd.s32 @!p0 $0x88, s6;
	s7 =	simm.s32 @p2 $0x1082  }
0x22: {  	[simem:s7], [sflag:s8] =	dma.local @!p0 [hbm:s6], $0xF7A  }
0x23: {  	s9 =	sor.u32 $0xD0000000, s2;
	s6 =	simm.s32 $0x108;
	_ =	swait.ge @!p0 [sflag:s8], $0x0  }
0x24: {  	s3 =	sadd.s32 $0x88, s3;
	s6 =	simm.s32 @!p1 $0x1082;
	[sflag:s4] =	ssyncset.s32 $0xFFFFF086  }
0x25: {  	[simem:s6], [sflag:s4] =	dma.local [hbm:s3], $0xF7A  }
0x26: {  	[smem:$0x3F9E] =	sst s1;
	(tag) =	ssettag s2;
	_ =	strace s9  }
0x27: {  	s1 =	sld [smem:$0x3FAE]  }
0x28: {  	s2 =	sld [smem:$0x3FAF]  }
0x29: {  	s4 =	sld [smem:$0x3FB1]  }
0x2a: {  	p0 =	seq.s32 s5, $0x0;
	s5 =	sld [smem:$0x3FB2]  }
0x2b: {  	s6 =	sld [smem:$0x3FB3]  }
0x2c: {  	s7 =	sld [smem:$0x3FB4]  }
0x2d: {  	s3 =	simm.s32 $0x108;
	s8 =	sld [smem:$0x3FB5]  }
0x2e: {  	s3 =	simm.s32 @!p0 $0x1082;
	s9 =	sld [smem:$0x3FB6]  }
0x2f: {  	lr =	sadd.s32 s0, s3;
	s0 =	sld [smem:$0x3FAD]  }
0x30: {  	s3 =	sld [smem:$0x3FB0]  }
0x31: {  	[smem:$0x3FB9] =	sst s10  }
0x32: {  	s10 =	sld [smem:$0x3FB7];
	_ =	sdelay $0x3  }
0x33: {  	p0 =	seq.s32 s10, $0x1;
	s10 =	sld [smem:$0x3FB9];
	_ =	sdelay $0x3  }
0x34: {  	[smem:$0x3FB9] =	sst s10  }
0x35: {  	s10 =	sld [smem:$0x3FB8];
	_ =	sdelay $0x3  }
0x36: {  	p1 =	seq.s32 s10, $0x1;
	s10 =	sld [smem:$0x3FB9];
	_ =	sdelay $0x3  }
0x37: {  	[smem:$0x3FB9] =	sst s10  }
0x38: {  	s10 =	sld [smem:$0x3FBA]  }
0x39: {  	_ = 	snop;
	(pc) =	sbr.ind lr, $3  }
0x3a: {  	_ = 	snop  }
0x3b: {  	_ = 	snop  }
0x3c: {  	p2 =	seq.s32 s10, $0x1;
	s10 =	sld [smem:$0x3FB9]  }
0x3d: {  	_ =	shalt  }
0x3e: {  	_ =	shalt  }
0x3f: {  	_ =	shalt  }
0x40: {  	_ =	shalt  }
0x41: {  	_ =	shalt  }
0x42: {  	_ =	shalt  }
0x43: {  	_ =	shalt  }
0x44: {  	_ =	shalt  }
0x45: {  	_ =	shalt  }
0x46: {  	_ =	shalt  }
0x47: {  	_ =	shalt  }
0x48: {  	_ =	shalt  }
0x49: {  	_ =	shalt  }
0x4a: {  	_ =	shalt  }
0x4b: {  	_ =	shalt  }
0x4c: {  	_ =	shalt  }
0x4d: {  	_ =	shalt  }
0x4e: {  	_ =	shalt  }
0x4f: {  	_ =	shalt  }
0x50: {  	_ =	shalt  }
0x51: {  	_ =	shalt  }
0x52: {  	_ =	shalt  }
0x53: {  	_ =	shalt  }
0x54: {  	_ =	shalt  }
0x55: {  	_ =	shalt  }
0x56: {  	_ =	shalt  }
0x57: {  	_ =	shalt  }
0x58: {  	_ =	shalt  }
0x59: {  	_ =	shalt  }
0x5a: {  	_ =	shalt  }
0x5b: {  	_ =	shalt  }
0x5c: {  	_ =	shalt  }
0x5d: {  	_ =	shalt  }
0x5e: {  	_ =	shalt  }
0x5f: {  	_ =	shalt  }
0x60: {  	_ =	shalt  }
0x61: {  	_ =	shalt  }
0x62: {  	_ =	shalt  }
0x63: {  	_ =	shalt  }
0x64: {  	_ =	shalt  }
0x65: {  	_ =	shalt  }
0x66: {  	_ =	shalt  }
0x67: {  	_ =	shalt  }
0x68: {  	_ =	shalt  }
0x69: {  	_ =	shalt  }
0x6a: {  	_ =	shalt  }
0x6b: {  	_ =	shalt  }
0x6c: {  	_ =	shalt  }
0x6d: {  	_ =	shalt  }
0x6e: {  	_ =	shalt  }
0x6f: {  	_ =	shalt  }
0x70: {  	_ =	shalt  }
0x71: {  	_ =	shalt  }
0x72: {  	_ =	shalt  }
0x73: {  	_ =	shalt  }
0x74: {  	_ =	shalt  }
0x75: {  	_ =	shalt  }
0x76: {  	_ =	shalt  }
0x77: {  	_ =	shalt  }
0x78: {  	_ =	shalt  }
0x79: {  	_ =	shalt  }
0x7a: {  	_ =	shalt  }
0x7b: {  	_ =	shalt  }
0x7c: {  	_ =	shalt  }
0x7d: {  	_ =	shalt  }
0x7e: {  	_ =	shalt  }
0x7f: {  	_ =	shalt  }
0x80: {  	_ =	shalt  }
0x81: {  	_ =	shalt  }
0x82: {  	_ =	shalt  }
0x83: {  	_ =	shalt  }
0x84: {  	_ =	shalt  }
0x85: {  	_ =	shalt  }
0x86: {  	_ =	shalt  }
0x87: {  	_ =	shalt  }
.Lfunc_end0:
.L_simem_size_0:
called_computation_lowered:
.L_overlay_start_0:
0x88: {  	s2 =	sld [smem:$0x3FD9]  }
0x89: {  	s3 =	sld [smem:$0x3FFE];
	_ =	sdelay $0x1  }
0x8a: {  	s1 =	srdreg.scid  }
0x8b: {  	s0 =	sand.u32 $0x1, s1  }
0x8c: {  	s17 =	sshll.u32 s0, $0xA;
	s2 =	sadd.s32 s3, s2  }
0x8d: {  	s2 =	sadd.s32 s2, s17  }
0x8e: {  	[smem:$0x3FC5] =	sst s2  }
0x8f: {  	_ = 	snop  }
0x90: {  	s2 =	sld [smem:$0x3FC9]  }
0x91: {  	s18 =	sld [smem:$0x3FD0];
	(tm) =	ssettm $0x1  }
0x92: {  	s4 =	sld [smem:$0x3FFB];
	_ =	sdelay $0x3  }
0x93: {  	_ =	strace s4  }
0x94: {  	s4 =	sld [smem:$0x3FFC];
	_ =	sdelay $0x3  }
0x95: {  	_ =	strace s4  }
0x96: {  	s4 =	sld [smem:$0x3FFD];
	_ =	sdelay $0x3  }
0x97: {  	_ =	strace s4  }
0x98: {  	_ =	strace $0x8FFFFFFF  }
0x99: {  	s19 =	sld [smem:$0x3FDB];
	_ =	sdelay $0x1  }
0x9a: {  	s5 =	simm.s32 $_scs_section_size  }
0x9b: {  	s6 =	simm.s32 $_size__tile_overlayer_lowered;
	s7 =	simm.s32 $_tile_overlayer_lowered  }
0x9c: {  	s22 =	simm.s32 $0x1BFF;
	s21 =	sshll.u32 s7, $0x1;
	s4 =	sadd.s32 s5, s19  }
0x9d: {  	s8 =	simm.s32 $0x0;
	s20 =	sshll.u32 s6, $0x1;
	s6 =	sadd.s32 s21, s4  }
0x9e: {  	[timem:s8], [sflag:s22] =	dma.local [hbm:s6], s20  }
0x9f: {  	_ =	swait.ge [sflag:s22], s20  }
0xa0: {  	s5 =	ssub.s32 $0x0, s20;
	[sflag:s22] =	ssyncset.done $0x0  }
0xa1: {  	[sflag:s22] =	ssyncadd.s32 s5;
	_ =	sdelay $0x1  }
0xa2: {  	s23 =	simm.s32 $0x1B8B  }
0xa3: {  	_ =	swait.ge [sflag:s23], $0x1  }
0xa4: {  	[sflag:s23] =	ssyncset.done $0x0  }
0xa5: {  	s25 =	simm.s32 $0x1B8E;
	s24 =	sld [smem:$0x3FFE];
	[sflag:s23] =	ssyncadd.s32 $0xFFFFFFFF  }
0xa6: {  	s26 =	simm.s32 $execute0_lowered;
	[smem:$0x3FD2] =	sst s25  }
0xa7: {  	s6 =	sshll.u32 s26, $0x1;
	_ =	strace $0x80000046;
	[dreg:$0x1] =	wrdreg $0xFFFFFFFF  }
0xa8: {  	s28 =	simm.s32 $_size_execute0_lowered;
	s4 =	sadd.s32 s4, s6;
	[dreg:$0x0] =	wrdreg $0x0  }
0xa9: {  	s6 =	sshll.u32 s28, $0x1;
	[dreg:$0x2] =	wrdreg s4  }
0xaa: {  	[dreg:$0x3] =	wrdreg s6  }
0xab: {  	[dreg:$0x4] =	wrdreg $0xC0  }
0xac: {  	_ =	task [dreg:s8], $0x5FFFF  }
0xad: {  	[dreg:$0x1] =	wrdreg $0xFFFFFFFF  }
0xae: {  	[dreg:$0x0] =	wrdreg $0x60  }
0xaf: {  	[dreg:$0x2] =	wrdreg s2  }
0xb0: {  	[dreg:$0x3] =	wrdreg s18  }
0xb1: {  	[dreg:$0x4] =	wrdreg s24  }
0xb2: {  	[dreg:$0x5] =	wrdreg $0x9  }
0xb3: {  	_ =	task.clear_ibuf [dreg:s8], $0x6FFFF;
	_ =	strace $0x90000046  }
0xb4: {  	s29 =	simm.s32 $0x9;
	_ =	strace $0x80000048  }
0xb5: {  	_ =	swait.ge [sflag:s29], $0x1  }
0xb6: {  	[sflag:s29] =	ssyncadd.s32 $0xFFFFFFFF  }
0xb7: {  	_ =	strace $0x90000048  }
0xb8: {  	_ =	sfence  }
0xb9: {  	s30 =	sld [smem:$0x0];
	_ =	sdelay $0x2  }
0xba: {  	s31 =	sshll.u32 s1, $0xD;
	s1 =	sshrl.u32 s1, $0x2  }
0xbb: {  	s3 =	sand.u32 $0x4000, s31;
	s1 =	sadd.s32 s1, s30  }
0xbc: {  	s0 =	sor.u32 s3, s0;
	s1 =	sshll.u32 s1, $0x11  }
0xbd: {  	s0 =	sor.u32 s1, s0  }
0xbe: {  	s0 =	sadd.s32 $0x8F2B, s0  }
0xbf: {  	[sflag:s0] =	ssyncadd.remote.s32 $0x1  }
0xc0: {  	_ =	sfence.sel $0xFFFF  }
0xc1: {  	[dreg:$0x0] =	wrdreg $0xFFFFFFFF;
	(pc) =	sbr.abs _section_cstart, $3  }
0xc2: {  	[dreg:$0x1] =	wrdreg $0xFFFFFFFF  }
0xc3: {  	_ =	task.clear_ibuf [dreg:s8], $0x2FFFF;
	_ =	strace $0x9FFFFFFF  }
0xc4: {  	(tm) =	ssettm $0x7FFFFFFF  }
0xc5: {  	_ =	shalt  }
tec
execute0_lowered:
.L_overlay_start_1:
0x0: {  	(tag) =	ssettag $0x1  }
0x1: {  	s0 =	srdreg.scid  }
0x2: {  	s3 =	rddreg [dreg:$0x0];
	s1 =	sand.u32 $0x1, s0  }
0x3: {  	s19 =	rddreg [dreg:$0x1];
	s5 =	stileid.u32;
	s2 =	sshll.u32 s1, $0x4  }
0x4: {  	s4 =	rddreg [dreg:$0x2];
	s5 =	sor.u32 s5, s2  }
0x5: {  	s2 =	simm.s32 $0x0;
	s6 =	smul.u32 $0x14000, s5;
	s7 =	sshll.u32 s5, $0xA  }
0x6: {  	s4 =	sadd.s32 $0x800, s4;
	[smem:$0x7FF] =	sst s2;
	s0 =	sadd.s32 s19, s7  }
0x7: {  	_ =	strace $0x80000047;
	s6 =	sadd.s32 s4, s6;
	[dreg:$0x4] =	wrdreg s0  }
0x8: {  	[smem:$0x79A] =	sst s6  }
0x9: {  	s20 =	sadd.s32 $0x500, s6;
	s0 =	rddreg [dreg:$0x4]  }
0xa: {  	s21 =	sadd.s32 $0xA00, s6;
	[dreg:$0x5] =	wrdreg s20  }
0xb: {  	s22 =	sadd.s32 $0xF00, s6;
	[dreg:$0x6] =	wrdreg s21  }
0xc: {  	s23 =	sadd.s32 $0x1400, s6;
	[dreg:$0x7] =	wrdreg s22  }
0xd: {  	s24 =	sadd.s32 $0x1900, s6;
	[dreg:$0x8] =	wrdreg s23  }
0xe: {  	s25 =	sadd.s32 $0x1E00, s6;
	[dreg:$0x9] =	wrdreg s24  }
0xf: {  	s26 =	sadd.s32 $0x2300, s6;
	[dreg:$0xa] =	wrdreg s25  }
0x10: {  	s7 =	sadd.s32 $0x2800, s6;
	[dreg:$0xb] =	wrdreg s26  }
0x11: {  	s5 =	smul.u32 $0xA0000, s5;
	s8 =	sadd.s32 $0x2D00, s6;
	[dreg:$0xc] =	wrdreg s7  }
0x12: {  	s9 =	sadd.s32 $0x3200, s6;
	[dreg:$0xd] =	wrdreg s8  }
0x13: {  	s5 =	sshrl.u32 s5, $0x3;
	s10 =	sadd.s32 $0x3700, s6;
	[dreg:$0xe] =	wrdreg s9  }
0x14: {  	s11 =	sadd.s32 $0x3C00, s6;
	s4 =	sadd.s32 s4, s5;
	[dreg:$0xf] =	wrdreg s10  }
0x15: {  	[dreg:$0x10] =	wrdreg s11;
	s12 =	sadd.s32 $0x4100, s4  }
0x16: {  	s13 =	sadd.s32 $0x4600, s4;
	[dreg:$0x11] =	wrdreg s12  }
0x17: {  	s14 =	sadd.s32 $0x4B00, s4;
	[dreg:$0x12] =	wrdreg s13  }
0x18: {  	s15 =	sadd.s32 $0x5000, s4;
	[dreg:$0x13] =	wrdreg s14  }
0x19: {  	s16 =	sadd.s32 $0x5500, s4;
	[dreg:$0x14] =	wrdreg s15  }
0x1a: {  	s17 =	sadd.s32 $0x5A00, s4;
	[dreg:$0x15] =	wrdreg s16  }
0x1b: {  	s18 =	sadd.s32 $0x5F00, s4;
	[dreg:$0x16] =	wrdreg s17  }
0x1c: {  	s19 =	sadd.s32 $0x6400, s4;
	[dreg:$0x17] =	wrdreg s18  }
0x1d: {  	s20 =	sadd.s32 $0x6900, s4;
	[dreg:$0x18] =	wrdreg s19  }
0x1e: {  	s21 =	sadd.s32 $0x6E00, s4;
	[dreg:$0x19] =	wrdreg s20  }
0x1f: {  	s22 =	sadd.s32 $0x7300, s4;
	[dreg:$0x1a] =	wrdreg s21  }
0x20: {  	s23 =	sadd.s32 $0x7800, s4;
	[dreg:$0x1b] =	wrdreg s22  }
0x21: {  	s24 =	sadd.s32 $0x7D00, s4;
	[dreg:$0x1c] =	wrdreg s23  }
0x22: {  	s25 =	sadd.s32 $0x8200, s4;
	[dreg:$0x1d] =	wrdreg s24  }
0x23: {  	s26 =	sadd.s32 $0x8700, s4;
	[dreg:$0x1e] =	wrdreg s25  }
0x24: {  	s5 =	sadd.s32 $0x8C00, s4;
	[dreg:$0x1f] =	wrdreg s26  }
0x25: {  	s6 =	sadd.s32 $0x9100, s4;
	[smem:$0x79B] =	sst s5  }
0x26: {  	s7 =	sadd.s32 $0x9600, s4;
	[smem:$0x79C] =	sst s6  }
0x27: {  	s8 =	sadd.s32 $0x9B00, s4;
	[smem:$0x79D] =	sst s7  }
0x28: {  	s9 =	sadd.s32 $0xA000, s4;
	[smem:$0x79E] =	sst s8  }
0x29: {  	s10 =	sadd.s32 $0xA500, s4;
	[smem:$0x79F] =	sst s9  }
0x2a: {  	s11 =	sadd.s32 $0xAA00, s4;
	[smem:$0x7A0] =	sst s10  }
0x2b: {  	[smem:$0x7A1] =	sst s11;
	s12 =	sadd.s32 $0xAF00, s4  }
0x2c: {  	s13 =	sadd.s32 $0xB400, s4;
	[smem:$0x7A2] =	sst s12  }
0x2d: {  	s14 =	sadd.s32 $0xB900, s4;
	[smem:$0x7A3] =	sst s13  }
0x2e: {  	s15 =	sadd.s32 $0xBE00, s4;
	[smem:$0x7A4] =	sst s14  }
0x2f: {  	s16 =	sadd.s32 $0xC300, s4;
	[smem:$0x7A5] =	sst s15  }
0x30: {  	s17 =	sadd.s32 $0xC800, s4;
	[smem:$0x7A6] =	sst s16  }
0x31: {  	s18 =	sadd.s32 $0xCD00, s4;
	[smem:$0x7A7] =	sst s17  }
0x32: {  	s19 =	sadd.s32 $0xD200, s4;
	[smem:$0x7A8] =	sst s18  }
0x33: {  	s20 =	sadd.s32 $0xD700, s4;
	[smem:$0x7A9] =	sst s19  }
0x34: {  	s21 =	sadd.s32 $0xDC00, s4;
	[smem:$0x7AA] =	sst s20  }
0x35: {  	s22 =	sadd.s32 $0xE100, s4;
	[smem:$0x7AB] =	sst s21  }
0x36: {  	s23 =	sadd.s32 $0xE600, s4;
	[smem:$0x7AC] =	sst s22  }
0x37: {  	s24 =	sadd.s32 $0xEB00, s4;
	[smem:$0x7AD] =	sst s23  }
0x38: {  	s25 =	sadd.s32 $0xF000, s4;
	[smem:$0x7AE] =	sst s24  }
0x39: {  	s26 =	sadd.s32 $0xF500, s4;
	[smem:$0x7AF] =	sst s25  }
0x3a: {  	s5 =	sadd.s32 $0xFA00, s4;
	[smem:$0x7B0] =	sst s26  }
0x3b: {  	s6 =	sadd.s32 $0xFF00, s4;
	[smem:$0x7B1] =	sst s5  }
0x3c: {  	s7 =	sadd.s32 $0x10400, s4;
	[smem:$0x7B2] =	sst s6  }
0x3d: {  	s8 =	sadd.s32 $0x10900, s4;
	[smem:$0x7B3] =	sst s7  }
0x3e: {  	s9 =	sadd.s32 $0x10E00, s4;
	[smem:$0x7B4] =	sst s8  }
0x3f: {  	s10 =	sadd.s32 $0x11300, s4;
	[smem:$0x7B5] =	sst s9  }
0x40: {  	s11 =	sadd.s32 $0x11800, s4;
	[smem:$0x7B6] =	sst s10  }
0x41: {  	[smem:$0x7B7] =	sst s11;
	s12 =	sadd.s32 $0x11D00, s4  }
0x42: {  	s13 =	sadd.s32 $0x12200, s4;
	[smem:$0x7B8] =	sst s12  }
0x43: {  	s14 =	sadd.s32 $0x12700, s4;
	[smem:$0x7B9] =	sst s13  }
0x44: {  	s15 =	sadd.s32 $0x12C00, s4;
	[smem:$0x7BA] =	sst s14  }
0x45: {  	s16 =	sadd.s32 $0x13100, s4;
	[smem:$0x7BB] =	sst s15  }
0x46: {  	s17 =	sadd.s32 $0x13600, s4;
	[smem:$0x7BC] =	sst s16  }
0x47: {  	s18 =	sadd.s32 $0x13B00, s4;
	[smem:$0x7BD] =	sst s17  }
0x48: {  	s19 =	simm.s32 $0x80;
	[smem:$0x7BE] =	sst s18  }
0x49: {  	s20 =	simm.s32 $0x100;
	[smem:$0x7BF] =	sst s19  }
0x4a: {  	s21 =	simm.s32 $0x180;
	[smem:$0x7C0] =	sst s20  }
0x4b: {  	s22 =	simm.s32 $0x200;
	[smem:$0x7C1] =	sst s21  }
0x4c: {  	s23 =	simm.s32 $0x280;
	[smem:$0x7C2] =	sst s22  }
0x4d: {  	s24 =	simm.s32 $0x300;
	[smem:$0x7C3] =	sst s23  }
0x4e: {  	s25 =	simm.s32 $0x380;
	[smem:$0x7C4] =	sst s24  }
0x4f: {  	s26 =	simm.s32 $0x400;
	[smem:$0x7C5] =	sst s25  }
0x50: {  	s4 =	simm.s32 $0x480;
	[smem:$0x7C6] =	sst s26  }
0x51: {  	s5 =	simm.s32 $0x500;
	[smem:$0x7C7] =	sst s4  }
0x52: {  	s6 =	simm.s32 $0x580;
	[smem:$0x7C8] =	sst s5  }
0x53: {  	s7 =	simm.s32 $0x600;
	[smem:$0x7C9] =	sst s6  }
0x54: {  	s8 =	simm.s32 $0x680;
	[smem:$0x7CA] =	sst s7  }
0x55: {  	s9 =	simm.s32 $0x700;
	[smem:$0x7CB] =	sst s8  }
0x56: {  	s10 =	simm.s32 $0x780;
	[smem:$0x7CC] =	sst s9  }
0x57: {  	s11 =	simm.s32 $0x800;
	[smem:$0x7CD] =	sst s10  }
0x58: {  	[smem:$0x7CE] =	sst s11;
	s12 =	simm.s32 $0x880  }
0x59: {  	s13 =	simm.s32 $0x900;
	[smem:$0x7CF] =	sst s12  }
0x5a: {  	s14 =	simm.s32 $0x980;
	[smem:$0x7D0] =	sst s13  }
0x5b: {  	s15 =	simm.s32 $0xA00;
	[smem:$0x7D1] =	sst s14  }
0x5c: {  	s16 =	simm.s32 $0xA80;
	[smem:$0x7D2] =	sst s15  }
0x5d: {  	s17 =	simm.s32 $0xB00;
	[smem:$0x7D3] =	sst s16  }
0x5e: {  	s18 =	simm.s32 $0xB80;
	[smem:$0x7D4] =	sst s17  }
0x5f: {  	s19 =	simm.s32 $0xC00;
	[smem:$0x7D5] =	sst s18  }
0x60: {  	s20 =	simm.s32 $0xC80;
	[smem:$0x7D6] =	sst s19  }
0x61: {  	s21 =	simm.s32 $0xD00;
	[smem:$0x7D7] =	sst s20  }
0x62: {  	s22 =	simm.s32 $0xD80;
	[smem:$0x7D8] =	sst s21  }
0x63: {  	s23 =	simm.s32 $0xE00;
	[smem:$0x7D9] =	sst s22  }
0x64: {  	s24 =	simm.s32 $0xE80;
	[smem:$0x7DA] =	sst s23  }
0x65: {  	s25 =	simm.s32 $0xF00;
	[smem:$0x7DB] =	sst s24  }
0x66: {  	s26 =	simm.s32 $0xF80;
	[smem:$0x7DC] =	sst s25  }
0x67: {  	s4 =	simm.s32 $0x1000;
	[smem:$0x7DD] =	sst s26  }
0x68: {  	s5 =	simm.s32 $0x1080;
	[smem:$0x7DE] =	sst s4  }
0x69: {  	s6 =	simm.s32 $0x1100;
	[smem:$0x7DF] =	sst s5  }
0x6a: {  	s7 =	simm.s32 $0x1180;
	[smem:$0x7E0] =	sst s6  }
0x6b: {  	s8 =	simm.s32 $0x1200;
	[smem:$0x7E1] =	sst s7  }
0x6c: {  	s9 =	simm.s32 $0x1280;
	[smem:$0x7E2] =	sst s8  }
0x6d: {  	s10 =	simm.s32 $0x1300;
	[smem:$0x7E3] =	sst s9  }
0x6e: {  	s11 =	simm.s32 $0x1380;
	[smem:$0x7E4] =	sst s10  }
0x6f: {  	[smem:$0x7E5] =	sst s11;
	s12 =	simm.s32 $0x1400  }
0x70: {  	s31 =	simm.s32 $0x11;
	s13 =	simm.s32 $0x1480;
	[smem:$0x7E6] =	sst s12  }
0x71: {  	s29 =	simm.s32 $0x1;
	s15 =	simm.s32 $0x1500;
	[smem:$0x7E7] =	sst s13  }
0x72: {  	p0 =	por $0x0, $0x0;
	s16 =	simm.s32 $0x1580;
	[smem:$0x7E8] =	sst s15  }
0x73: {  	s28 =	simm.s32 $0x7;
	s17 =	simm.s32 $0x1600;
	[smem:$0x7E9] =	sst s16  }
0x74: {  	s1 =	ssub.s32 $0x2, s1;
	s18 =	simm.s32 $0x1680;
	[smem:$0x7EA] =	sst s17  }
0x75: {  	s14 =	sshrl.u32 s1, $0x1;
	s19 =	simm.s32 $0x1700;
	[smem:$0x7EB] =	sst s18  }
0x76: {  	s20 =	simm.s32 $0x1780;
	s21 =	simm.s32 $0x1800;
	[smem:$0x7EC] =	sst s19  }
0x77: {  	s11 =	simm.s32 $0x7000;
	s22 =	simm.s32 $0x1880;
	[smem:$0x7ED] =	sst s20  }
0x78: {  	s9 =	simm.s32 $0x9800;
	s23 =	simm.s32 $0x1900;
	[smem:$0x7EE] =	sst s21  }
0x79: {  	s7 =	simm.s32 $0xC000;
	s24 =	simm.s32 $0x1980;
	[smem:$0x7EF] =	sst s22  }
0x7a: {  	s6 =	simm.s32 $0xE800;
	s25 =	simm.s32 $0x1A00;
	[smem:$0x7F0] =	sst s23  }
0x7b: {  	s5 =	simm.s32 $0x11000;
	s26 =	simm.s32 $0x1A80;
	[smem:$0x7F1] =	sst s24  }
0x7c: {  	s4 =	simm.s32 $0x13800;
	s8 =	simm.s32 $0x1B00;
	[smem:$0x7F2] =	sst s25  }
0x7d: {  	s10 =	simm.s32 $0x1B80;
	s1 =	ssub.s32 s1, s14;
	[smem:$0x7F3] =	sst s26  }
0x7e: {  	s12 =	simm.s32 $0x50;
	s18 =	simm.s32 $0x2000;
	[smem:$0x7F4] =	sst s8  }
0x7f: {  	s13 =	simm.s32 $0x4800;
	s21 =	simm.s32 $0x2;
	[smem:$0x7F5] =	sst s10  }
0x80: {  	s14 =	simm.s32 $0x1C00;
	s8 =	simm.s32 $0x9;
	s15 =	simm.s32 $0x1C80  }
0x81: {  	s22 =	simm.s32 $0x3;
	s16 =	simm.s32 $0x1D00;
	[smem:$0x7F6] =	sst s14  }
0x82: {  	s10 =	simm.s32 $0xA;
	s17 =	simm.s32 $0x1D80;
	[smem:$0x7F7] =	sst s15  }
0x83: {  	s23 =	simm.s32 $0x4;
	s19 =	simm.s32 $0x1E00;
	[smem:$0x7F8] =	sst s16  }
0x84: {  	s20 =	simm.s32 $0x1E80;
	s1 =	smax.u32 s1, $0x1;
	[smem:$0x7F9] =	sst s17  }
0x85: {  	s25 =	simm.s32 $0x5;
	[smem:$0x7FA] =	sst s19;
	p1 =	sne.s32 s1, $0x1  }
.Ltmp0:
0x86: {  	s24 =	simm.s32 $0x1F00;
	[smem:$0x7FB] =	sst s20;
	(pc) =	sbr.rel @!p1 .LBB2_1-.Ltmp0, $4  }
0x87: {  	s26 =	simm.s32 $0x1F80;
	s14 =	simm.s32 $0xB;
	[smem:$0x7FC] =	sst s24  }
0x88: {  	s15 =	simm.s32 $0xC;
	[smem:$0x7FD] =	sst s26;
	s26 =	simm.s32 $0x6  }
0x89: {  	s20 =	simm.s32 $0xD;
	s19 =	simm.s32 $0xE;
	s24 =	simm.s32 $0x8  }
0x8a: {  	s17 =	simm.s32 $0xF;
	s16 =	simm.s32 $0x10;
	s30 =	sadd.s32 $0xFFFFFFFF, s1  }
0x8b: {  	[tilespmem:s2], [sflag:$0x11] =	stream.linear.gather [hbm4b:s0+s2], $0x2000, $0x38;
	[tilespmem:$0x16000] =	vst v63  }
0x8c: {  	_ =	swait.ge [sflag:s31], $0x2000  }
0x8d: {  	[sflag:s31] =	ssyncset.done $0x0  }
0x8e: {  	s0 =	sld [smem:$0x7BF];
	[sflag:s31] =	ssyncadd.s32 $0xFFFFE000  }
0x8f: {  	[tilespmem:s18], [sflag:$0x1] =	stream.indirect.gather [hbm4b:s3+s12], $0x80, s2, s12, $0xb8;
	[tilespmem:$0x16000] =	vst v63  }
0x90: {  	s1 =	sld [smem:$0x7C0]  }
0x91: {  	[tilespmem:s13], [sflag:$0x2] =	stream.indirect.gather [hbm4b:s3+s12], $0x80, s0, s12, $0xb8;
	[tilespmem:$0x16000] =	vst v63  }
0x92: {  	s0 =	sld [smem:$0x7C1]  }
0x93: {  	[tilespmem:s11], [sflag:$0x3] =	stream.indirect.gather [hbm4b:s3+s12], $0x80, s1, s12, $0xb8;
	[tilespmem:$0x16000] =	vst v63  }
0x94: {  	s1 =	sld [smem:$0x7C2]  }
0x95: {  	[tilespmem:s9], [sflag:$0x4] =	stream.indirect.gather [hbm4b:s3+s12], $0x80, s0, s12, $0xb8;
	[tilespmem:$0x16000] =	vst v63  }
0x96: {  	s0 =	sld [smem:$0x7C3]  }
0x97: {  	[tilespmem:s7], [sflag:$0x5] =	stream.indirect.gather [hbm4b:s3+s12], $0x80, s1, s12, $0xb8;
	[tilespmem:$0x16000] =	vst v63  }
0x98: {  	_ = 	snop  }
0x99: {  	[tilespmem:s6], [sflag:$0x6] =	stream.indirect.gather [hbm4b:s3+s12], $0x80, s0, s12, $0xb8;
	[tilespmem:$0x16000] =	vst v63  }
0x9a: {  	s0 =	sld [smem:$0x7C4];
	_ =	sdelay $0x1  }
0x9b: {  	s1 =	sld [smem:$0x7C5]  }
0x9c: {  	[tilespmem:s5], [sflag:$0x7] =	stream.indirect.gather [hbm4b:s3+s12], $0x80, s0, s12, $0xb8;
	[tilespmem:$0x16000] =	vst v63  }
0x9d: {  	_ = 	snop  }
0x9e: {  	[tilespmem:s4], [sflag:$0x8] =	stream.indirect.gather [hbm4b:s3+s12], $0x80, s1, s12, $0xb8;
	[tilespmem:$0x16000] =	vst v63  }
0x9f: {  	_ =	swait.ge [sflag:s29], $0x2800  }
0xa0: {  	s1 =	sld [smem:$0x79A]  }
0xa1: {  	[sflag:s29] =	ssyncset.done $0x0  }
0xa2: {  	[sflag:s29] =	ssyncadd.s32 $0xFFFFD800  }
0xa3: {  	[hbm4b:s1+s2] =	stream.linear.scatter [tilespmem:s18], [sflag:$0x9], $0x2800, $0x38;
	[tilespmem:$0x16000] =	vst v63  }
0xa4: {  	_ =	swait.ge [sflag:s21], $0x2800  }
0xa5: {  	[sflag:s21] =	ssyncset.done $0x0  }
0xa6: {  	s1 =	rddreg [dreg:$0x5];
	[sflag:s21] =	ssyncadd.s32 $0xFFFFD800  }
0xa7: {  	[hbm4b:s1+s2] =	stream.linear.scatter [tilespmem:s13], [sflag:$0xA], $0x2800, $0x38;
	[tilespmem:$0x16000] =	vst v63  }
0xa8: {  	_ =	swait.ge [sflag:s8], $0x2800  }
0xa9: {  	s1 =	sld [smem:$0x7C6]  }
0xaa: {  	[sflag:s8] =	ssyncset.done $0x0  }
0xab: {  	[sflag:s8] =	ssyncadd.s32 $0xFFFFD800  }
0xac: {  	[tilespmem:s18], [sflag:$0x1] =	stream.indirect.gather [hbm4b:s3+s12], $0x80, s1, s12, $0xb8;
	[tilespmem:$0x16000] =	vst v63  }
0xad: {  	_ =	swait.ge [sflag:s22], $0x2800  }
0xae: {  	[sflag:s22] =	ssyncset.done $0x0  }
0xaf: {  	s1 =	rddreg [dreg:$0x6];
	[sflag:s22] =	ssyncadd.s32 $0xFFFFD800  }
0xb0: {  	[hbm4b:s1+s2] =	stream.linear.scatter [tilespmem:s11], [sflag:$0xB], $0x2800, $0x38;
	[tilespmem:$0x16000] =	vst v63  }
0xb1: {  	_ =	swait.ge [sflag:s10], $0x2800  }
0xb2: {  	s1 =	sld [smem:$0x7C7]  }
0xb3: {  	[sflag:s10] =	ssyncset.done $0x0  }
0xb4: {  	[sflag:s10] =	ssyncadd.s32 $0xFFFFD800  }
0xb5: {  	[tilespmem:s13], [sflag:$0x2] =	stream.indirect.gather [hbm4b:s3+s12], $0x80, s1, s12, $0xb8;
	[tilespmem:$0x16000] =	vst v63  }
0xb6: {  	_ =	swait.ge [sflag:s23], $0x2800  }
0xb7: {  	[sflag:s23] =	ssyncset.done $0x0  }
0xb8: {  	s1 =	rddreg [dreg:$0x7];
	[sflag:s23] =	ssyncadd.s32 $0xFFFFD800  }
0xb9: {  	[hbm4b:s1+s2] =	stream.linear.scatter [tilespmem:s9], [sflag:$0xC], $0x2800, $0x38;
	[tilespmem:$0x16000] =	vst v63  }
0xba: {  	_ =	swait.ge [sflag:s14], $0x2800  }
0xbb: {  	s1 =	sld [smem:$0x7C8]  }
0xbc: {  	[sflag:s14] =	ssyncset.done $0x0  }
0xbd: {  	[sflag:s14] =	ssyncadd.s32 $0xFFFFD800  }
0xbe: {  	[tilespmem:s11], [sflag:$0x3] =	stream.indirect.gather [hbm4b:s3+s12], $0x80, s1, s12, $0xb8;
	[tilespmem:$0x16000] =	vst v63  }
0xbf: {  	_ =	swait.ge [sflag:s25], $0x2800  }
0xc0: {  	[sflag:s25] =	ssyncset.done $0x0  }
0xc1: {  	s1 =	rddreg [dreg:$0x8];
	[sflag:s25] =	ssyncadd.s32 $0xFFFFD800  }
0xc2: {  	[hbm4b:s1+s2] =	stream.linear.scatter [tilespmem:s7], [sflag:$0xD], $0x2800, $0x38;
	[tilespmem:$0x16000] =	vst v63  }
0xc3: {  	_ =	swait.ge [sflag:s15], $0x2800  }
0xc4: {  	s1 =	sld [smem:$0x7C9]  }
0xc5: {  	[sflag:s15] =	ssyncset.done $0x0  }
0xc6: {  	[sflag:s15] =	ssyncadd.s32 $0xFFFFD800  }
0xc7: {  	[tilespmem:s9], [sflag:$0x4] =	stream.indirect.gather [hbm4b:s3+s12], $0x80, s1, s12, $0xb8;
	[tilespmem:$0x16000] =	vst v63  }
0xc8: {  	_ =	swait.ge [sflag:s26], $0x2800  }
0xc9: {  	[sflag:s26] =	ssyncset.done $0x0  }
0xca: {  	s1 =	rddreg [dreg:$0x9];
	[sflag:s26] =	ssyncadd.s32 $0xFFFFD800  }
0xcb: {  	[hbm4b:s1+s2] =	stream.linear.scatter [tilespmem:s6], [sflag:$0xE], $0x2800, $0x38;
	[tilespmem:$0x16000] =	vst v63  }
0xcc: {  	_ =	swait.ge [sflag:s20], $0x2800  }
0xcd: {  	s1 =	sld [smem:$0x7CA]  }
0xce: {  	[sflag:s20] =	ssyncset.done $0x0  }
0xcf: {  	[sflag:s20] =	ssyncadd.s32 $0xFFFFD800  }
0xd0: {  	[tilespmem:s7], [sflag:$0x5] =	stream.indirect.gather [hbm4b:s3+s12], $0x80, s1, s12, $0xb8;
	[tilespmem:$0x16000] =	vst v63  }
0xd1: {  	_ =	swait.ge [sflag:s28], $0x2800  }
0xd2: {  	[sflag:s28] =	ssyncset.done $0x0  }
0xd3: {  	s1 =	rddreg [dreg:$0xa];
	[sflag:s28] =	ssyncadd.s32 $0xFFFFD800  }
0xd4: {  	[hbm4b:s1+s2] =	stream.linear.scatter [tilespmem:s5], [sflag:$0xF], $0x2800, $0x38;
	[tilespmem:$0x16000] =	vst v63  }
0xd5: {  	_ =	swait.ge [sflag:s19], $0x2800  }
0xd6: {  	s1 =	sld [smem:$0x7CB]  }
0xd7: {  	[sflag:s19] =	ssyncset.done $0x0  }
0xd8: {  	[sflag:s19] =	ssyncadd.s32 $0xFFFFD800  }
0xd9: {  	[tilespmem:s6], [sflag:$0x6] =	stream.indirect.gather [hbm4b:s3+s12], $0x80, s1, s12, $0xb8;
	[tilespmem:$0x16000] =	vst v63  }
0xda: {  	_ =	swait.ge [sflag:s24], $0x2800  }
0xdb: {  	[sflag:s24] =	ssyncset.done $0x0  }
0xdc: {  	s1 =	rddreg [dreg:$0xb];
	[sflag:s24] =	ssyncadd.s32 $0xFFFFD800  }
0xdd: {  	[hbm4b:s1+s2] =	stream.linear.scatter [tilespmem:s4], [sflag:$0x10], $0x2800, $0x38;
	[tilespmem:$0x16000] =	vst v63  }
0xde: {  	_ =	swait.ge [sflag:s17], $0x2800  }
0xdf: {  	s1 =	sld [smem:$0x7CC]  }
0xe0: {  	[sflag:s17] =	ssyncset.done $0x0  }
0xe1: {  	[sflag:s17] =	ssyncadd.s32 $0xFFFFD800  }
0xe2: {  	[tilespmem:s5], [sflag:$0x7] =	stream.indirect.gather [hbm4b:s3+s12], $0x80, s1, s12, $0xb8;
	[tilespmem:$0x16000] =	vst v63  }
0xe3: {  	_ =	swait.ge [sflag:s29], $0x2800  }
0xe4: {  	[sflag:s29] =	ssyncset.done $0x0  }
0xe5: {  	s1 =	rddreg [dreg:$0xc];
	[sflag:s29] =	ssyncadd.s32 $0xFFFFD800  }
0xe6: {  	[hbm4b:s1+s2] =	stream.linear.scatter [tilespmem:s18], [sflag:$0x9], $0x2800, $0x38;
	[tilespmem:$0x16000] =	vst v63  }
0xe7: {  	_ =	swait.ge [sflag:s16], $0x2800  }
0xe8: {  	s1 =	sld [smem:$0x7CD]  }
0xe9: {  	[sflag:s16] =	ssyncset.done $0x0  }
0xea: {  	[sflag:s16] =	ssyncadd.s32 $0xFFFFD800  }
0xeb: {  	[tilespmem:s4], [sflag:$0x8] =	stream.indirect.gather [hbm4b:s3+s12], $0x80, s1, s12, $0xb8;
	[tilespmem:$0x16000] =	vst v63  }
0xec: {  	_ =	swait.ge [sflag:s21], $0x2800  }
0xed: {  	[sflag:s21] =	ssyncset.done $0x0  }
0xee: {  	s1 =	rddreg [dreg:$0xd];
	[sflag:s21] =	ssyncadd.s32 $0xFFFFD800  }
0xef: {  	[hbm4b:s1+s2] =	stream.linear.scatter [tilespmem:s13], [sflag:$0xA], $0x2800, $0x38;
	[tilespmem:$0x16000] =	vst v63  }
0xf0: {  	_ =	swait.ge [sflag:s8], $0x2800  }
0xf1: {  	s1 =	sld [smem:$0x7CE]  }
0xf2: {  	[sflag:s8] =	ssyncset.done $0x0  }
0xf3: {  	[sflag:s8] =	ssyncadd.s32 $0xFFFFD800  }
0xf4: {  	[tilespmem:s18], [sflag:$0x1] =	stream.indirect.gather [hbm4b:s3+s12], $0x80, s1, s12, $0xb8;
	[tilespmem:$0x16000] =	vst v63  }
0xf5: {  	_ =	swait.ge [sflag:s22], $0x2800  }
0xf6: {  	[sflag:s22] =	ssyncset.done $0x0  }
0xf7: {  	s1 =	rddreg [dreg:$0xe];
	[sflag:s22] =	ssyncadd.s32 $0xFFFFD800  }
0xf8: {  	[hbm4b:s1+s2] =	stream.linear.scatter [tilespmem:s11], [sflag:$0xB], $0x2800, $0x38;
	[tilespmem:$0x16000] =	vst v63  }
0xf9: {  	_ =	swait.ge [sflag:s10], $0x2800  }
0xfa: {  	s1 =	sld [smem:$0x7CF]  }
0xfb: {  	[sflag:s10] =	ssyncset.done $0x0  }
0xfc: {  	[sflag:s10] =	ssyncadd.s32 $0xFFFFD800  }
0xfd: {  	[tilespmem:s13], [sflag:$0x2] =	stream.indirect.gather [hbm4b:s3+s12], $0x80, s1, s12, $0xb8;
	[tilespmem:$0x16000] =	vst v63  }
0xfe: {  	_ =	swait.ge [sflag:s23], $0x2800  }
0xff: {  	[sflag:s23] =	ssyncset.done $0x0  }
0x100: {  	s1 =	rddreg [dreg:$0xf];
	[sflag:s23] =	ssyncadd.s32 $0xFFFFD800  }
0x101: {  	[hbm4b:s1+s2] =	stream.linear.scatter [tilespmem:s9], [sflag:$0xC], $0x2800, $0x38;
	[tilespmem:$0x16000] =	vst v63  }
0x102: {  	_ =	swait.ge [sflag:s14], $0x2800  }
0x103: {  	s1 =	sld [smem:$0x7D0]  }
0x104: {  	[sflag:s14] =	ssyncset.done $0x0  }
0x105: {  	[sflag:s14] =	ssyncadd.s32 $0xFFFFD800  }
0x106: {  	[tilespmem:s11], [sflag:$0x3] =	stream.indirect.gather [hbm4b:s3+s12], $0x80, s1, s12, $0xb8;
	[tilespmem:$0x16000] =	vst v63  }
0x107: {  	_ =	swait.ge [sflag:s25], $0x2800  }
0x108: {  	[sflag:s25] =	ssyncset.done $0x0  }
0x109: {  	s1 =	rddreg [dreg:$0x10];
	[sflag:s25] =	ssyncadd.s32 $0xFFFFD800  }
0x10a: {  	[hbm4b:s1+s2] =	stream.linear.scatter [tilespmem:s7], [sflag:$0xD], $0x2800, $0x38;
	[tilespmem:$0x16000] =	vst v63  }
0x10b: {  	_ =	swait.ge [sflag:s15], $0x2800  }
0x10c: {  	s1 =	sld [smem:$0x7D1]  }
0x10d: {  	[sflag:s15] =	ssyncset.done $0x0  }
0x10e: {  	[sflag:s15] =	ssyncadd.s32 $0xFFFFD800  }
0x10f: {  	[tilespmem:s9], [sflag:$0x4] =	stream.indirect.gather [hbm4b:s3+s12], $0x80, s1, s12, $0xb8;
	[tilespmem:$0x16000] =	vst v63  }
0x110: {  	_ =	swait.ge [sflag:s26], $0x2800  }
0x111: {  	[sflag:s26] =	ssyncset.done $0x0  }
0x112: {  	s1 =	rddreg [dreg:$0x11];
	[sflag:s26] =	ssyncadd.s32 $0xFFFFD800  }
0x113: {  	[hbm4b:s1+s2] =	stream.linear.scatter [tilespmem:s6], [sflag:$0xE], $0x2800, $0x38;
	[tilespmem:$0x16000] =	vst v63  }
0x114: {  	_ =	swait.ge [sflag:s20], $0x2800  }
0x115: {  	s1 =	sld [smem:$0x7D2]  }
0x116: {  	[sflag:s20] =	ssyncset.done $0x0  }
0x117: {  	[sflag:s20] =	ssyncadd.s32 $0xFFFFD800  }
0x118: {  	[tilespmem:s7], [sflag:$0x5] =	stream.indirect.gather [hbm4b:s3+s12], $0x80, s1, s12, $0xb8;
	[tilespmem:$0x16000] =	vst v63  }
0x119: {  	_ =	swait.ge [sflag:s28], $0x2800  }
0x11a: {  	[sflag:s28] =	ssyncset.done $0x0  }
0x11b: {  	s1 =	rddreg [dreg:$0x12];
	[sflag:s28] =	ssyncadd.s32 $0xFFFFD800  }
0x11c: {  	[hbm4b:s1+s2] =	stream.linear.scatter [tilespmem:s5], [sflag:$0xF], $0x2800, $0x38;
	[tilespmem:$0x16000] =	vst v63  }
0x11d: {  	_ =	swait.ge [sflag:s19], $0x2800  }
0x11e: {  	s1 =	sld [smem:$0x7D3]  }
0x11f: {  	[sflag:s19] =	ssyncset.done $0x0  }
0x120: {  	[sflag:s19] =	ssyncadd.s32 $0xFFFFD800  }
0x121: {  	[tilespmem:s6], [sflag:$0x6] =	stream.indirect.gather [hbm4b:s3+s12], $0x80, s1, s12, $0xb8;
	[tilespmem:$0x16000] =	vst v63  }
0x122: {  	_ =	swait.ge [sflag:s24], $0x2800  }
0x123: {  	[sflag:s24] =	ssyncset.done $0x0  }
0x124: {  	s1 =	rddreg [dreg:$0x13];
	[sflag:s24] =	ssyncadd.s32 $0xFFFFD800  }
0x125: {  	[hbm4b:s1+s2] =	stream.linear.scatter [tilespmem:s4], [sflag:$0x10], $0x2800, $0x38;
	[tilespmem:$0x16000] =	vst v63  }
0x126: {  	_ =	swait.ge [sflag:s17], $0x2800  }
0x127: {  	s1 =	sld [smem:$0x7D4]  }
0x128: {  	[sflag:s17] =	ssyncset.done $0x0  }
0x129: {  	[sflag:s17] =	ssyncadd.s32 $0xFFFFD800  }
0x12a: {  	[tilespmem:s5], [sflag:$0x7] =	stream.indirect.gather [hbm4b:s3+s12], $0x80, s1, s12, $0xb8;
	[tilespmem:$0x16000] =	vst v63  }
0x12b: {  	_ =	swait.ge [sflag:s29], $0x2800  }
0x12c: {  	[sflag:s29] =	ssyncset.done $0x0  }
0x12d: {  	s1 =	rddreg [dreg:$0x14];
	[sflag:s29] =	ssyncadd.s32 $0xFFFFD800  }
0x12e: {  	[hbm4b:s1+s2] =	stream.linear.scatter [tilespmem:s18], [sflag:$0x9], $0x2800, $0x38;
	[tilespmem:$0x16000] =	vst v63  }
0x12f: {  	_ =	swait.ge [sflag:s16], $0x2800  }
0x130: {  	s1 =	sld [smem:$0x7D5]  }
0x131: {  	[sflag:s16] =	ssyncset.done $0x0  }
0x132: {  	[sflag:s16] =	ssyncadd.s32 $0xFFFFD800  }
0x133: {  	[tilespmem:s4], [sflag:$0x8] =	stream.indirect.gather [hbm4b:s3+s12], $0x80, s1, s12, $0xb8;
	[tilespmem:$0x16000] =	vst v63  }
0x134: {  	_ =	swait.ge [sflag:s21], $0x2800  }
0x135: {  	[sflag:s21] =	ssyncset.done $0x0  }
0x136: {  	s1 =	rddreg [dreg:$0x15];
	[sflag:s21] =	ssyncadd.s32 $0xFFFFD800  }
0x137: {  	[hbm4b:s1+s2] =	stream.linear.scatter [tilespmem:s13], [sflag:$0xA], $0x2800, $0x38;
	[tilespmem:$0x16000] =	vst v63  }
0x138: {  	_ =	swait.ge [sflag:s8], $0x2800  }
0x139: {  	s1 =	sld [smem:$0x7D6]  }
0x13a: {  	[sflag:s8] =	ssyncset.done $0x0  }
0x13b: {  	[sflag:s8] =	ssyncadd.s32 $0xFFFFD800  }
0x13c: {  	[tilespmem:s18], [sflag:$0x1] =	stream.indirect.gather [hbm4b:s3+s12], $0x80, s1, s12, $0xb8;
	[tilespmem:$0x16000] =	vst v63  }
0x13d: {  	_ =	swait.ge [sflag:s22], $0x2800  }
0x13e: {  	[sflag:s22] =	ssyncset.done $0x0  }
0x13f: {  	s1 =	rddreg [dreg:$0x16];
	[sflag:s22] =	ssyncadd.s32 $0xFFFFD800  }
0x140: {  	[hbm4b:s1+s2] =	stream.linear.scatter [tilespmem:s11], [sflag:$0xB], $0x2800, $0x38;
	[tilespmem:$0x16000] =	vst v63  }
0x141: {  	_ =	swait.ge [sflag:s10], $0x2800  }
0x142: {  	s1 =	sld [smem:$0x7D7]  }
0x143: {  	[sflag:s10] =	ssyncset.done $0x0  }
0x144: {  	[sflag:s10] =	ssyncadd.s32 $0xFFFFD800  }
0x145: {  	[tilespmem:s13], [sflag:$0x2] =	stream.indirect.gather [hbm4b:s3+s12], $0x80, s1, s12, $0xb8;
	[tilespmem:$0x16000] =	vst v63  }
0x146: {  	_ =	swait.ge [sflag:s23], $0x2800  }
0x147: {  	[sflag:s23] =	ssyncset.done $0x0  }
0x148: {  	s1 =	rddreg [dreg:$0x17];
	[sflag:s23] =	ssyncadd.s32 $0xFFFFD800  }
0x149: {  	[hbm4b:s1+s2] =	stream.linear.scatter [tilespmem:s9], [sflag:$0xC], $0x2800, $0x38;
	[tilespmem:$0x16000] =	vst v63  }
0x14a: {  	_ =	swait.ge [sflag:s14], $0x2800  }
0x14b: {  	s1 =	sld [smem:$0x7D8]  }
0x14c: {  	[sflag:s14] =	ssyncset.done $0x0  }
0x14d: {  	[sflag:s14] =	ssyncadd.s32 $0xFFFFD800  }
0x14e: {  	[tilespmem:s11], [sflag:$0x3] =	stream.indirect.gather [hbm4b:s3+s12], $0x80, s1, s12, $0xb8;
	[tilespmem:$0x16000] =	vst v63  }
0x14f: {  	_ =	swait.ge [sflag:s25], $0x2800  }
0x150: {  	[sflag:s25] =	ssyncset.done $0x0  }
0x151: {  	s1 =	rddreg [dreg:$0x18];
	[sflag:s25] =	ssyncadd.s32 $0xFFFFD800  }
0x152: {  	[hbm4b:s1+s2] =	stream.linear.scatter [tilespmem:s7], [sflag:$0xD], $0x2800, $0x38;
	[tilespmem:$0x16000] =	vst v63  }
0x153: {  	_ =	swait.ge [sflag:s15], $0x2800  }
0x154: {  	s1 =	sld [smem:$0x7D9]  }
0x155: {  	[sflag:s15] =	ssyncset.done $0x0  }
0x156: {  	[sflag:s15] =	ssyncadd.s32 $0xFFFFD800  }
0x157: {  	[tilespmem:s9], [sflag:$0x4] =	stream.indirect.gather [hbm4b:s3+s12], $0x80, s1, s12, $0xb8;
	[tilespmem:$0x16000] =	vst v63  }
0x158: {  	_ =	swait.ge [sflag:s26], $0x2800  }
0x159: {  	[sflag:s26] =	ssyncset.done $0x0  }
0x15a: {  	s1 =	rddreg [dreg:$0x19];
	[sflag:s26] =	ssyncadd.s32 $0xFFFFD800  }
0x15b: {  	[hbm4b:s1+s2] =	stream.linear.scatter [tilespmem:s6], [sflag:$0xE], $0x2800, $0x38;
	[tilespmem:$0x16000] =	vst v63  }
0x15c: {  	_ =	swait.ge [sflag:s20], $0x2800  }
0x15d: {  	s1 =	sld [smem:$0x7DA]  }
0x15e: {  	[sflag:s20] =	ssyncset.done $0x0  }
0x15f: {  	[sflag:s20] =	ssyncadd.s32 $0xFFFFD800  }
0x160: {  	[tilespmem:s7], [sflag:$0x5] =	stream.indirect.gather [hbm4b:s3+s12], $0x80, s1, s12, $0xb8;
	[tilespmem:$0x16000] =	vst v63  }
0x161: {  	_ =	swait.ge [sflag:s28], $0x2800  }
0x162: {  	[sflag:s28] =	ssyncset.done $0x0  }
0x163: {  	s1 =	rddreg [dreg:$0x1a];
	[sflag:s28] =	ssyncadd.s32 $0xFFFFD800  }
0x164: {  	[hbm4b:s1+s2] =	stream.linear.scatter [tilespmem:s5], [sflag:$0xF], $0x2800, $0x38;
	[tilespmem:$0x16000] =	vst v63  }
0x165: {  	_ =	swait.ge [sflag:s19], $0x2800  }
0x166: {  	s1 =	sld [smem:$0x7DB]  }
0x167: {  	[sflag:s19] =	ssyncset.done $0x0  }
0x168: {  	[sflag:s19] =	ssyncadd.s32 $0xFFFFD800  }
0x169: {  	[tilespmem:s6], [sflag:$0x6] =	stream.indirect.gather [hbm4b:s3+s12], $0x80, s1, s12, $0xb8;
	[tilespmem:$0x16000] =	vst v63  }
0x16a: {  	_ =	swait.ge [sflag:s24], $0x2800  }
0x16b: {  	[sflag:s24] =	ssyncset.done $0x0  }
0x16c: {  	s1 =	rddreg [dreg:$0x1b];
	[sflag:s24] =	ssyncadd.s32 $0xFFFFD800  }
0x16d: {  	[hbm4b:s1+s2] =	stream.linear.scatter [tilespmem:s4], [sflag:$0x10], $0x2800, $0x38;
	[tilespmem:$0x16000] =	vst v63  }
0x16e: {  	_ =	swait.ge [sflag:s17], $0x2800  }
0x16f: {  	s1 =	sld [smem:$0x7DC]  }
0x170: {  	[sflag:s17] =	ssyncset.done $0x0  }
0x171: {  	[sflag:s17] =	ssyncadd.s32 $0xFFFFD800  }
0x172: {  	[tilespmem:s5], [sflag:$0x7] =	stream.indirect.gather [hbm4b:s3+s12], $0x80, s1, s12, $0xb8;
	[tilespmem:$0x16000] =	vst v63  }
0x173: {  	_ =	swait.ge [sflag:s29], $0x2800  }
0x174: {  	[sflag:s29] =	ssyncset.done $0x0  }
0x175: {  	s1 =	rddreg [dreg:$0x1c];
	[sflag:s29] =	ssyncadd.s32 $0xFFFFD800  }
0x176: {  	[hbm4b:s1+s2] =	stream.linear.scatter [tilespmem:s18], [sflag:$0x9], $0x2800, $0x38;
	[tilespmem:$0x16000] =	vst v63  }
0x177: {  	_ =	swait.ge [sflag:s16], $0x2800  }
0x178: {  	s1 =	sld [smem:$0x7DD]  }
0x179: {  	[sflag:s16] =	ssyncset.done $0x0  }
0x17a: {  	[sflag:s16] =	ssyncadd.s32 $0xFFFFD800  }
0x17b: {  	[tilespmem:s4], [sflag:$0x8] =	stream.indirect.gather [hbm4b:s3+s12], $0x80, s1, s12, $0xb8;
	[tilespmem:$0x16000] =	vst v63  }
0x17c: {  	_ =	swait.ge [sflag:s21], $0x2800  }
0x17d: {  	[sflag:s21] =	ssyncset.done $0x0  }
0x17e: {  	s1 =	rddreg [dreg:$0x1d];
	[sflag:s21] =	ssyncadd.s32 $0xFFFFD800  }
0x17f: {  	[hbm4b:s1+s2] =	stream.linear.scatter [tilespmem:s13], [sflag:$0xA], $0x2800, $0x38;
	[tilespmem:$0x16000] =	vst v63  }
0x180: {  	_ =	swait.ge [sflag:s8], $0x2800  }
0x181: {  	s1 =	sld [smem:$0x7DE]  }
0x182: {  	[sflag:s8] =	ssyncset.done $0x0  }
0x183: {  	[sflag:s8] =	ssyncadd.s32 $0xFFFFD800  }
0x184: {  	[tilespmem:s18], [sflag:$0x1] =	stream.indirect.gather [hbm4b:s3+s12], $0x80, s1, s12, $0xb8;
	[tilespmem:$0x16000] =	vst v63  }
0x185: {  	_ =	swait.ge [sflag:s22], $0x2800  }
0x186: {  	[sflag:s22] =	ssyncset.done $0x0  }
0x187: {  	s1 =	rddreg [dreg:$0x1e];
	[sflag:s22] =	ssyncadd.s32 $0xFFFFD800  }
0x188: {  	[hbm4b:s1+s2] =	stream.linear.scatter [tilespmem:s11], [sflag:$0xB], $0x2800, $0x38;
	[tilespmem:$0x16000] =	vst v63  }
0x189: {  	_ =	swait.ge [sflag:s10], $0x2800  }
0x18a: {  	s1 =	sld [smem:$0x7DF]  }
0x18b: {  	[sflag:s10] =	ssyncset.done $0x0  }
0x18c: {  	[sflag:s10] =	ssyncadd.s32 $0xFFFFD800  }
0x18d: {  	[tilespmem:s13], [sflag:$0x2] =	stream.indirect.gather [hbm4b:s3+s12], $0x80, s1, s12, $0xb8;
	[tilespmem:$0x16000] =	vst v63  }
0x18e: {  	_ =	swait.ge [sflag:s23], $0x2800  }
0x18f: {  	[sflag:s23] =	ssyncset.done $0x0  }
0x190: {  	s1 =	rddreg [dreg:$0x1f];
	[sflag:s23] =	ssyncadd.s32 $0xFFFFD800  }
0x191: {  	[hbm4b:s1+s2] =	stream.linear.scatter [tilespmem:s9], [sflag:$0xC], $0x2800, $0x38;
	[tilespmem:$0x16000] =	vst v63  }
0x192: {  	_ =	swait.ge [sflag:s14], $0x2800  }
0x193: {  	s1 =	sld [smem:$0x7E0]  }
0x194: {  	[sflag:s14] =	ssyncset.done $0x0  }
0x195: {  	[sflag:s14] =	ssyncadd.s32 $0xFFFFD800  }
0x196: {  	[tilespmem:s11], [sflag:$0x3] =	stream.indirect.gather [hbm4b:s3+s12], $0x80, s1, s12, $0xb8;
	[tilespmem:$0x16000] =	vst v63  }
0x197: {  	_ =	swait.ge [sflag:s25], $0x2800  }
0x198: {  	s1 =	sld [smem:$0x79B]  }
0x199: {  	[sflag:s25] =	ssyncset.done $0x0  }
0x19a: {  	[sflag:s25] =	ssyncadd.s32 $0xFFFFD800  }
0x19b: {  	[hbm4b:s1+s2] =	stream.linear.scatter [tilespmem:s7], [sflag:$0xD], $0x2800, $0x38;
	[tilespmem:$0x16000] =	vst v63  }
0x19c: {  	_ =	swait.ge [sflag:s15], $0x2800  }
0x19d: {  	s1 =	sld [smem:$0x7E1]  }
0x19e: {  	[sflag:s15] =	ssyncset.done $0x0  }
0x19f: {  	[sflag:s15] =	ssyncadd.s32 $0xFFFFD800  }
0x1a0: {  	[tilespmem:s9], [sflag:$0x4] =	stream.indirect.gather [hbm4b:s3+s12], $0x80, s1, s12, $0xb8;
	[tilespmem:$0x16000] =	vst v63  }
0x1a1: {  	_ =	swait.ge [sflag:s26], $0x2800  }
0x1a2: {  	s1 =	sld [smem:$0x79C]  }
0x1a3: {  	[sflag:s26] =	ssyncset.done $0x0  }
0x1a4: {  	[sflag:s26] =	ssyncadd.s32 $0xFFFFD800  }
0x1a5: {  	[hbm4b:s1+s2] =	stream.linear.scatter [tilespmem:s6], [sflag:$0xE], $0x2800, $0x38;
	[tilespmem:$0x16000] =	vst v63  }
0x1a6: {  	_ =	swait.ge [sflag:s20], $0x2800  }
0x1a7: {  	s1 =	sld [smem:$0x7E2]  }
0x1a8: {  	[sflag:s20] =	ssyncset.done $0x0  }
0x1a9: {  	[sflag:s20] =	ssyncadd.s32 $0xFFFFD800  }
0x1aa: {  	[tilespmem:s7], [sflag:$0x5] =	stream.indirect.gather [hbm4b:s3+s12], $0x80, s1, s12, $0xb8;
	[tilespmem:$0x16000] =	vst v63  }
0x1ab: {  	_ =	swait.ge [sflag:s28], $0x2800  }
0x1ac: {  	s1 =	sld [smem:$0x79D]  }
0x1ad: {  	[sflag:s28] =	ssyncset.done $0x0  }
0x1ae: {  	[sflag:s28] =	ssyncadd.s32 $0xFFFFD800  }
0x1af: {  	[hbm4b:s1+s2] =	stream.linear.scatter [tilespmem:s5], [sflag:$0xF], $0x2800, $0x38;
	[tilespmem:$0x16000] =	vst v63  }
0x1b0: {  	_ =	swait.ge [sflag:s19], $0x2800  }
0x1b1: {  	s1 =	sld [smem:$0x7E3]  }
0x1b2: {  	[sflag:s19] =	ssyncset.done $0x0  }
0x1b3: {  	[sflag:s19] =	ssyncadd.s32 $0xFFFFD800  }
0x1b4: {  	[tilespmem:s6], [sflag:$0x6] =	stream.indirect.gather [hbm4b:s3+s12], $0x80, s1, s12, $0xb8;
	[tilespmem:$0x16000] =	vst v63  }
0x1b5: {  	_ =	swait.ge [sflag:s24], $0x2800  }
0x1b6: {  	s1 =	sld [smem:$0x79E]  }
0x1b7: {  	[sflag:s24] =	ssyncset.done $0x0  }
0x1b8: {  	[sflag:s24] =	ssyncadd.s32 $0xFFFFD800  }
0x1b9: {  	[hbm4b:s1+s2] =	stream.linear.scatter [tilespmem:s4], [sflag:$0x10], $0x2800, $0x38;
	[tilespmem:$0x16000] =	vst v63  }
0x1ba: {  	_ =	swait.ge [sflag:s17], $0x2800  }
0x1bb: {  	s1 =	sld [smem:$0x7E4]  }
0x1bc: {  	[sflag:s17] =	ssyncset.done $0x0  }
0x1bd: {  	[sflag:s17] =	ssyncadd.s32 $0xFFFFD800  }
0x1be: {  	[tilespmem:s5], [sflag:$0x7] =	stream.indirect.gather [hbm4b:s3+s12], $0x80, s1, s12, $0xb8;
	[tilespmem:$0x16000] =	vst v63  }
0x1bf: {  	_ =	swait.ge [sflag:s29], $0x2800  }
0x1c0: {  	s1 =	sld [smem:$0x79F]  }
0x1c1: {  	[sflag:s29] =	ssyncset.done $0x0  }
0x1c2: {  	[sflag:s29] =	ssyncadd.s32 $0xFFFFD800  }
0x1c3: {  	[hbm4b:s1+s2] =	stream.linear.scatter [tilespmem:s18], [sflag:$0x9], $0x2800, $0x38;
	[tilespmem:$0x16000] =	vst v63  }
0x1c4: {  	_ =	swait.ge [sflag:s16], $0x2800  }
0x1c5: {  	s1 =	sld [smem:$0x7E5]  }
0x1c6: {  	[sflag:s16] =	ssyncset.done $0x0  }
0x1c7: {  	[sflag:s16] =	ssyncadd.s32 $0xFFFFD800  }
0x1c8: {  	[tilespmem:s4], [sflag:$0x8] =	stream.indirect.gather [hbm4b:s3+s12], $0x80, s1, s12, $0xb8;
	[tilespmem:$0x16000] =	vst v63  }
0x1c9: {  	_ =	swait.ge [sflag:s21], $0x2800  }
0x1ca: {  	s1 =	sld [smem:$0x7A0]  }
0x1cb: {  	[sflag:s21] =	ssyncset.done $0x0  }
0x1cc: {  	[sflag:s21] =	ssyncadd.s32 $0xFFFFD800  }
0x1cd: {  	[hbm4b:s1+s2] =	stream.linear.scatter [tilespmem:s13], [sflag:$0xA], $0x2800, $0x38;
	[tilespmem:$0x16000] =	vst v63  }
0x1ce: {  	_ =	swait.ge [sflag:s8], $0x2800  }
0x1cf: {  	s1 =	sld [smem:$0x7E6]  }
0x1d0: {  	[sflag:s8] =	ssyncset.done $0x0  }
0x1d1: {  	[sflag:s8] =	ssyncadd.s32 $0xFFFFD800  }
0x1d2: {  	[tilespmem:s18], [sflag:$0x1] =	stream.indirect.gather [hbm4b:s3+s12], $0x80, s1, s12, $0xb8;
	[tilespmem:$0x16000] =	vst v63  }
0x1d3: {  	_ =	swait.ge [sflag:s22], $0x2800  }
0x1d4: {  	s1 =	sld [smem:$0x7A1]  }
0x1d5: {  	[sflag:s22] =	ssyncset.done $0x0  }
0x1d6: {  	[sflag:s22] =	ssyncadd.s32 $0xFFFFD800  }
0x1d7: {  	[hbm4b:s1+s2] =	stream.linear.scatter [tilespmem:s11], [sflag:$0xB], $0x2800, $0x38;
	[tilespmem:$0x16000] =	vst v63  }
0x1d8: {  	_ =	swait.ge [sflag:s10], $0x2800  }
0x1d9: {  	s1 =	sld [smem:$0x7E7]  }
0x1da: {  	[sflag:s10] =	ssyncset.done $0x0  }
0x1db: {  	[sflag:s10] =	ssyncadd.s32 $0xFFFFD800  }
0x1dc: {  	[tilespmem:s13], [sflag:$0x2] =	stream.indirect.gather [hbm4b:s3+s12], $0x80, s1, s12, $0xb8;
	[tilespmem:$0x16000] =	vst v63  }
0x1dd: {  	_ =	swait.ge [sflag:s23], $0x2800  }
0x1de: {  	s1 =	sld [smem:$0x7A2]  }
0x1df: {  	[sflag:s23] =	ssyncset.done $0x0  }
0x1e0: {  	[sflag:s23] =	ssyncadd.s32 $0xFFFFD800  }
0x1e1: {  	[hbm4b:s1+s2] =	stream.linear.scatter [tilespmem:s9], [sflag:$0xC], $0x2800, $0x38;
	[tilespmem:$0x16000] =	vst v63  }
0x1e2: {  	_ =	swait.ge [sflag:s14], $0x2800  }
0x1e3: {  	s1 =	sld [smem:$0x7E8]  }
0x1e4: {  	[sflag:s14] =	ssyncset.done $0x0  }
0x1e5: {  	[sflag:s14] =	ssyncadd.s32 $0xFFFFD800  }
0x1e6: {  	[tilespmem:s11], [sflag:$0x3] =	stream.indirect.gather [hbm4b:s3+s12], $0x80, s1, s12, $0xb8;
	[tilespmem:$0x16000] =	vst v63  }
0x1e7: {  	_ =	swait.ge [sflag:s25], $0x2800  }
0x1e8: {  	s1 =	sld [smem:$0x7A3]  }
0x1e9: {  	[sflag:s25] =	ssyncset.done $0x0  }
0x1ea: {  	[sflag:s25] =	ssyncadd.s32 $0xFFFFD800  }
0x1eb: {  	[hbm4b:s1+s2] =	stream.linear.scatter [tilespmem:s7], [sflag:$0xD], $0x2800, $0x38;
	[tilespmem:$0x16000] =	vst v63  }
0x1ec: {  	_ =	swait.ge [sflag:s15], $0x2800  }
0x1ed: {  	s1 =	sld [smem:$0x7E9]  }
0x1ee: {  	[sflag:s15] =	ssyncset.done $0x0  }
0x1ef: {  	[sflag:s15] =	ssyncadd.s32 $0xFFFFD800  }
0x1f0: {  	[tilespmem:s9], [sflag:$0x4] =	stream.indirect.gather [hbm4b:s3+s12], $0x80, s1, s12, $0xb8;
	[tilespmem:$0x16000] =	vst v63  }
0x1f1: {  	_ =	swait.ge [sflag:s26], $0x2800  }
0x1f2: {  	s1 =	sld [smem:$0x7A4]  }
0x1f3: {  	[sflag:s26] =	ssyncset.done $0x0  }
0x1f4: {  	[sflag:s26] =	ssyncadd.s32 $0xFFFFD800  }
0x1f5: {  	[hbm4b:s1+s2] =	stream.linear.scatter [tilespmem:s6], [sflag:$0xE], $0x2800, $0x38;
	[tilespmem:$0x16000] =	vst v63  }
0x1f6: {  	_ =	swait.ge [sflag:s20], $0x2800  }
0x1f7: {  	s1 =	sld [smem:$0x7EA]  }
0x1f8: {  	[sflag:s20] =	ssyncset.done $0x0  }
0x1f9: {  	[sflag:s20] =	ssyncadd.s32 $0xFFFFD800  }
0x1fa: {  	[tilespmem:s7], [sflag:$0x5] =	stream.indirect.gather [hbm4b:s3+s12], $0x80, s1, s12, $0xb8;
	[tilespmem:$0x16000] =	vst v63  }
0x1fb: {  	_ =	swait.ge [sflag:s28], $0x2800  }
0x1fc: {  	s1 =	sld [smem:$0x7A5]  }
0x1fd: {  	[sflag:s28] =	ssyncset.done $0x0  }
0x1fe: {  	[sflag:s28] =	ssyncadd.s32 $0xFFFFD800  }
0x1ff: {  	[hbm4b:s1+s2] =	stream.linear.scatter [tilespmem:s5], [sflag:$0xF], $0x2800, $0x38;
	[tilespmem:$0x16000] =	vst v63  }
0x200: {  	_ =	swait.ge [sflag:s19], $0x2800  }
0x201: {  	s1 =	sld [smem:$0x7EB]  }
0x202: {  	[sflag:s19] =	ssyncset.done $0x0  }
0x203: {  	[sflag:s19] =	ssyncadd.s32 $0xFFFFD800  }
0x204: {  	[tilespmem:s6], [sflag:$0x6] =	stream.indirect.gather [hbm4b:s3+s12], $0x80, s1, s12, $0xb8;
	[tilespmem:$0x16000] =	vst v63  }
0x205: {  	_ =	swait.ge [sflag:s24], $0x2800  }
0x206: {  	s1 =	sld [smem:$0x7A6]  }
0x207: {  	[sflag:s24] =	ssyncset.done $0x0  }
0x208: {  	[sflag:s24] =	ssyncadd.s32 $0xFFFFD800  }
0x209: {  	[hbm4b:s1+s2] =	stream.linear.scatter [tilespmem:s4], [sflag:$0x10], $0x2800, $0x38;
	[tilespmem:$0x16000] =	vst v63  }
0x20a: {  	_ =	swait.ge [sflag:s17], $0x2800  }
0x20b: {  	s1 =	sld [smem:$0x7EC]  }
0x20c: {  	[sflag:s17] =	ssyncset.done $0x0  }
0x20d: {  	[sflag:s17] =	ssyncadd.s32 $0xFFFFD800  }
0x20e: {  	[tilespmem:s5], [sflag:$0x7] =	stream.indirect.gather [hbm4b:s3+s12], $0x80, s1, s12, $0xb8;
	[tilespmem:$0x16000] =	vst v63  }
0x20f: {  	_ =	swait.ge [sflag:s29], $0x2800  }
0x210: {  	s1 =	sld [smem:$0x7A7]  }
0x211: {  	[sflag:s29] =	ssyncset.done $0x0  }
0x212: {  	[sflag:s29] =	ssyncadd.s32 $0xFFFFD800  }
0x213: {  	[hbm4b:s1+s2] =	stream.linear.scatter [tilespmem:s18], [sflag:$0x9], $0x2800, $0x38;
	[tilespmem:$0x16000] =	vst v63  }
0x214: {  	_ =	swait.ge [sflag:s16], $0x2800  }
0x215: {  	s1 =	sld [smem:$0x7ED]  }
0x216: {  	[sflag:s16] =	ssyncset.done $0x0  }
0x217: {  	[sflag:s16] =	ssyncadd.s32 $0xFFFFD800  }
0x218: {  	[tilespmem:s4], [sflag:$0x8] =	stream.indirect.gather [hbm4b:s3+s12], $0x80, s1, s12, $0xb8;
	[tilespmem:$0x16000] =	vst v63  }
0x219: {  	_ =	swait.ge [sflag:s21], $0x2800  }
0x21a: {  	s1 =	sld [smem:$0x7A8]  }
0x21b: {  	[sflag:s21] =	ssyncset.done $0x0  }
0x21c: {  	[sflag:s21] =	ssyncadd.s32 $0xFFFFD800  }
0x21d: {  	[hbm4b:s1+s2] =	stream.linear.scatter [tilespmem:s13], [sflag:$0xA], $0x2800, $0x38;
	[tilespmem:$0x16000] =	vst v63  }
0x21e: {  	_ =	swait.ge [sflag:s8], $0x2800  }
0x21f: {  	s1 =	sld [smem:$0x7EE]  }
0x220: {  	[sflag:s8] =	ssyncset.done $0x0  }
0x221: {  	[sflag:s8] =	ssyncadd.s32 $0xFFFFD800  }
0x222: {  	[tilespmem:s18], [sflag:$0x1] =	stream.indirect.gather [hbm4b:s3+s12], $0x80, s1, s12, $0xb8;
	[tilespmem:$0x16000] =	vst v63  }
0x223: {  	_ =	swait.ge [sflag:s22], $0x2800  }
0x224: {  	s1 =	sld [smem:$0x7A9]  }
0x225: {  	[sflag:s22] =	ssyncset.done $0x0  }
0x226: {  	[sflag:s22] =	ssyncadd.s32 $0xFFFFD800  }
0x227: {  	[hbm4b:s1+s2] =	stream.linear.scatter [tilespmem:s11], [sflag:$0xB], $0x2800, $0x38;
	[tilespmem:$0x16000] =	vst v63  }
0x228: {  	_ =	swait.ge [sflag:s10], $0x2800  }
0x229: {  	s1 =	sld [smem:$0x7EF]  }
0x22a: {  	[sflag:s10] =	ssyncset.done $0x0  }
0x22b: {  	[sflag:s10] =	ssyncadd.s32 $0xFFFFD800  }
0x22c: {  	[tilespmem:s13], [sflag:$0x2] =	stream.indirect.gather [hbm4b:s3+s12], $0x80, s1, s12, $0xb8;
	[tilespmem:$0x16000] =	vst v63  }
0x22d: {  	_ =	swait.ge [sflag:s23], $0x2800  }
0x22e: {  	s1 =	sld [smem:$0x7AA]  }
0x22f: {  	[sflag:s23] =	ssyncset.done $0x0  }
0x230: {  	[sflag:s23] =	ssyncadd.s32 $0xFFFFD800  }
0x231: {  	[hbm4b:s1+s2] =	stream.linear.scatter [tilespmem:s9], [sflag:$0xC], $0x2800, $0x38;
	[tilespmem:$0x16000] =	vst v63  }
0x232: {  	_ =	swait.ge [sflag:s14], $0x2800  }
0x233: {  	s1 =	sld [smem:$0x7F0]  }
0x234: {  	[sflag:s14] =	ssyncset.done $0x0  }
0x235: {  	[sflag:s14] =	ssyncadd.s32 $0xFFFFD800  }
0x236: {  	[tilespmem:s11], [sflag:$0x3] =	stream.indirect.gather [hbm4b:s3+s12], $0x80, s1, s12, $0xb8;
	[tilespmem:$0x16000] =	vst v63  }
0x237: {  	_ =	swait.ge [sflag:s25], $0x2800  }
0x238: {  	s1 =	sld [smem:$0x7AB]  }
0x239: {  	[sflag:s25] =	ssyncset.done $0x0  }
0x23a: {  	[sflag:s25] =	ssyncadd.s32 $0xFFFFD800  }
0x23b: {  	[hbm4b:s1+s2] =	stream.linear.scatter [tilespmem:s7], [sflag:$0xD], $0x2800, $0x38;
	[tilespmem:$0x16000] =	vst v63  }
0x23c: {  	_ =	swait.ge [sflag:s15], $0x2800  }
0x23d: {  	s1 =	sld [smem:$0x7F1]  }
0x23e: {  	[sflag:s15] =	ssyncset.done $0x0  }
0x23f: {  	[sflag:s15] =	ssyncadd.s32 $0xFFFFD800  }
0x240: {  	[tilespmem:s9], [sflag:$0x4] =	stream.indirect.gather [hbm4b:s3+s12], $0x80, s1, s12, $0xb8;
	[tilespmem:$0x16000] =	vst v63  }
0x241: {  	_ =	swait.ge [sflag:s26], $0x2800  }
0x242: {  	s1 =	sld [smem:$0x7AC]  }
0x243: {  	[sflag:s26] =	ssyncset.done $0x0  }
0x244: {  	[sflag:s26] =	ssyncadd.s32 $0xFFFFD800  }
0x245: {  	[hbm4b:s1+s2] =	stream.linear.scatter [tilespmem:s6], [sflag:$0xE], $0x2800, $0x38;
	[tilespmem:$0x16000] =	vst v63  }
0x246: {  	_ =	swait.ge [sflag:s20], $0x2800  }
0x247: {  	s1 =	sld [smem:$0x7F2]  }
0x248: {  	[sflag:s20] =	ssyncset.done $0x0  }
0x249: {  	[sflag:s20] =	ssyncadd.s32 $0xFFFFD800  }
0x24a: {  	[tilespmem:s7], [sflag:$0x5] =	stream.indirect.gather [hbm4b:s3+s12], $0x80, s1, s12, $0xb8;
	[tilespmem:$0x16000] =	vst v63  }
0x24b: {  	_ =	swait.ge [sflag:s28], $0x2800  }
0x24c: {  	s1 =	sld [smem:$0x7AD]  }
0x24d: {  	[sflag:s28] =	ssyncset.done $0x0  }
0x24e: {  	[sflag:s28] =	ssyncadd.s32 $0xFFFFD800  }
0x24f: {  	[hbm4b:s1+s2] =	stream.linear.scatter [tilespmem:s5], [sflag:$0xF], $0x2800, $0x38;
	[tilespmem:$0x16000] =	vst v63  }
0x250: {  	_ =	swait.ge [sflag:s19], $0x2800  }
0x251: {  	s1 =	sld [smem:$0x7F3]  }
0x252: {  	[sflag:s19] =	ssyncset.done $0x0  }
0x253: {  	[sflag:s19] =	ssyncadd.s32 $0xFFFFD800  }
0x254: {  	[tilespmem:s6], [sflag:$0x6] =	stream.indirect.gather [hbm4b:s3+s12], $0x80, s1, s12, $0xb8;
	[tilespmem:$0x16000] =	vst v63  }
0x255: {  	_ =	swait.ge [sflag:s24], $0x2800  }
0x256: {  	s1 =	sld [smem:$0x7AE]  }
0x257: {  	[sflag:s24] =	ssyncset.done $0x0  }
0x258: {  	[sflag:s24] =	ssyncadd.s32 $0xFFFFD800  }
0x259: {  	[hbm4b:s1+s2] =	stream.linear.scatter [tilespmem:s4], [sflag:$0x10], $0x2800, $0x38;
	[tilespmem:$0x16000] =	vst v63  }
0x25a: {  	_ =	swait.ge [sflag:s17], $0x2800  }
0x25b: {  	s1 =	sld [smem:$0x7F4]  }
0x25c: {  	[sflag:s17] =	ssyncset.done $0x0  }
0x25d: {  	[sflag:s17] =	ssyncadd.s32 $0xFFFFD800  }
0x25e: {  	[tilespmem:s5], [sflag:$0x7] =	stream.indirect.gather [hbm4b:s3+s12], $0x80, s1, s12, $0xb8;
	[tilespmem:$0x16000] =	vst v63  }
0x25f: {  	_ =	swait.ge [sflag:s29], $0x2800  }
0x260: {  	s1 =	sld [smem:$0x7AF]  }
0x261: {  	[sflag:s29] =	ssyncset.done $0x0  }
0x262: {  	[sflag:s29] =	ssyncadd.s32 $0xFFFFD800  }
0x263: {  	[hbm4b:s1+s2] =	stream.linear.scatter [tilespmem:s18], [sflag:$0x9], $0x2800, $0x38;
	[tilespmem:$0x16000] =	vst v63  }
0x264: {  	_ =	swait.ge [sflag:s16], $0x2800  }
0x265: {  	s1 =	sld [smem:$0x7F5]  }
0x266: {  	[sflag:s16] =	ssyncset.done $0x0  }
0x267: {  	[sflag:s16] =	ssyncadd.s32 $0xFFFFD800  }
0x268: {  	[tilespmem:s4], [sflag:$0x8] =	stream.indirect.gather [hbm4b:s3+s12], $0x80, s1, s12, $0xb8;
	[tilespmem:$0x16000] =	vst v63  }
0x269: {  	_ =	swait.ge [sflag:s21], $0x2800  }
0x26a: {  	s1 =	sld [smem:$0x7B0]  }
0x26b: {  	[sflag:s21] =	ssyncset.done $0x0  }
0x26c: {  	[sflag:s21] =	ssyncadd.s32 $0xFFFFD800  }
0x26d: {  	[hbm4b:s1+s2] =	stream.linear.scatter [tilespmem:s13], [sflag:$0xA], $0x2800, $0x38;
	[tilespmem:$0x16000] =	vst v63  }
0x26e: {  	_ =	swait.ge [sflag:s8], $0x2800  }
0x26f: {  	s1 =	sld [smem:$0x7F6]  }
0x270: {  	[sflag:s8] =	ssyncset.done $0x0  }
0x271: {  	[sflag:s8] =	ssyncadd.s32 $0xFFFFD800  }
0x272: {  	[tilespmem:s18], [sflag:$0x1] =	stream.indirect.gather [hbm4b:s3+s12], $0x80, s1, s12, $0xb8;
	[tilespmem:$0x16000] =	vst v63  }
0x273: {  	_ =	swait.ge [sflag:s22], $0x2800  }
0x274: {  	s1 =	sld [smem:$0x7B1]  }
0x275: {  	[sflag:s22] =	ssyncset.done $0x0  }
0x276: {  	[sflag:s22] =	ssyncadd.s32 $0xFFFFD800  }
0x277: {  	[hbm4b:s1+s2] =	stream.linear.scatter [tilespmem:s11], [sflag:$0xB], $0x2800, $0x38;
	[tilespmem:$0x16000] =	vst v63  }
0x278: {  	_ =	swait.ge [sflag:s10], $0x2800  }
0x279: {  	s1 =	sld [smem:$0x7F7]  }
0x27a: {  	[sflag:s10] =	ssyncset.done $0x0  }
0x27b: {  	[sflag:s10] =	ssyncadd.s32 $0xFFFFD800  }
0x27c: {  	[tilespmem:s13], [sflag:$0x2] =	stream.indirect.gather [hbm4b:s3+s12], $0x80, s1, s12, $0xb8;
	[tilespmem:$0x16000] =	vst v63  }
0x27d: {  	_ =	swait.ge [sflag:s23], $0x2800  }
0x27e: {  	s1 =	sld [smem:$0x7B2]  }
0x27f: {  	[sflag:s23] =	ssyncset.done $0x0  }
0x280: {  	[sflag:s23] =	ssyncadd.s32 $0xFFFFD800  }
0x281: {  	[hbm4b:s1+s2] =	stream.linear.scatter [tilespmem:s9], [sflag:$0xC], $0x2800, $0x38;
	[tilespmem:$0x16000] =	vst v63  }
0x282: {  	_ =	swait.ge [sflag:s14], $0x2800  }
0x283: {  	s1 =	sld [smem:$0x7F8]  }
0x284: {  	[sflag:s14] =	ssyncset.done $0x0  }
0x285: {  	[sflag:s14] =	ssyncadd.s32 $0xFFFFD800  }
0x286: {  	[tilespmem:s11], [sflag:$0x3] =	stream.indirect.gather [hbm4b:s3+s12], $0x80, s1, s12, $0xb8;
	[tilespmem:$0x16000] =	vst v63  }
0x287: {  	_ =	swait.ge [sflag:s25], $0x2800  }
0x288: {  	s1 =	sld [smem:$0x7B3]  }
0x289: {  	[sflag:s25] =	ssyncset.done $0x0  }
0x28a: {  	[sflag:s25] =	ssyncadd.s32 $0xFFFFD800  }
0x28b: {  	[hbm4b:s1+s2] =	stream.linear.scatter [tilespmem:s7], [sflag:$0xD], $0x2800, $0x38;
	[tilespmem:$0x16000] =	vst v63  }
0x28c: {  	_ =	swait.ge [sflag:s15], $0x2800  }
0x28d: {  	s1 =	sld [smem:$0x7F9]  }
0x28e: {  	[sflag:s15] =	ssyncset.done $0x0  }
0x28f: {  	[sflag:s15] =	ssyncadd.s32 $0xFFFFD800  }
0x290: {  	[tilespmem:s9], [sflag:$0x4] =	stream.indirect.gather [hbm4b:s3+s12], $0x80, s1, s12, $0xb8;
	[tilespmem:$0x16000] =	vst v63  }
0x291: {  	_ =	swait.ge [sflag:s26], $0x2800  }
0x292: {  	s1 =	sld [smem:$0x7B4]  }
0x293: {  	[sflag:s26] =	ssyncset.done $0x0  }
0x294: {  	[sflag:s26] =	ssyncadd.s32 $0xFFFFD800  }
0x295: {  	[hbm4b:s1+s2] =	stream.linear.scatter [tilespmem:s6], [sflag:$0xE], $0x2800, $0x38;
	[tilespmem:$0x16000] =	vst v63  }
0x296: {  	_ =	swait.ge [sflag:s20], $0x2800  }
0x297: {  	s1 =	sld [smem:$0x7FA]  }
0x298: {  	[sflag:s20] =	ssyncset.done $0x0  }
0x299: {  	[sflag:s20] =	ssyncadd.s32 $0xFFFFD800  }
0x29a: {  	[tilespmem:s7], [sflag:$0x5] =	stream.indirect.gather [hbm4b:s3+s12], $0x80, s1, s12, $0xb8;
	[tilespmem:$0x16000] =	vst v63  }
0x29b: {  	_ =	swait.ge [sflag:s28], $0x2800  }
0x29c: {  	s1 =	sld [smem:$0x7B5]  }
0x29d: {  	[sflag:s28] =	ssyncset.done $0x0  }
0x29e: {  	[sflag:s28] =	ssyncadd.s32 $0xFFFFD800  }
0x29f: {  	[hbm4b:s1+s2] =	stream.linear.scatter [tilespmem:s5], [sflag:$0xF], $0x2800, $0x38;
	[tilespmem:$0x16000] =	vst v63  }
0x2a0: {  	_ =	swait.ge [sflag:s19], $0x2800  }
0x2a1: {  	s1 =	sld [smem:$0x7FB]  }
0x2a2: {  	[sflag:s19] =	ssyncset.done $0x0  }
0x2a3: {  	[sflag:s19] =	ssyncadd.s32 $0xFFFFD800  }
0x2a4: {  	[tilespmem:s6], [sflag:$0x6] =	stream.indirect.gather [hbm4b:s3+s12], $0x80, s1, s12, $0xb8;
	[tilespmem:$0x16000] =	vst v63  }
0x2a5: {  	_ =	swait.ge [sflag:s24], $0x2800  }
0x2a6: {  	s1 =	sld [smem:$0x7B6]  }
0x2a7: {  	[sflag:s24] =	ssyncset.done $0x0  }
0x2a8: {  	[sflag:s24] =	ssyncadd.s32 $0xFFFFD800  }
0x2a9: {  	[hbm4b:s1+s2] =	stream.linear.scatter [tilespmem:s4], [sflag:$0x10], $0x2800, $0x38;
	[tilespmem:$0x16000] =	vst v63  }
0x2aa: {  	_ =	swait.ge [sflag:s17], $0x2800  }
0x2ab: {  	s1 =	sld [smem:$0x7FC]  }
0x2ac: {  	[sflag:s17] =	ssyncset.done $0x0  }
0x2ad: {  	[sflag:s17] =	ssyncadd.s32 $0xFFFFD800  }
0x2ae: {  	[tilespmem:s5], [sflag:$0x7] =	stream.indirect.gather [hbm4b:s3+s12], $0x80, s1, s12, $0xb8;
	[tilespmem:$0x16000] =	vst v63  }
0x2af: {  	_ =	swait.ge [sflag:s29], $0x2800  }
0x2b0: {  	s1 =	sld [smem:$0x7B7]  }
0x2b1: {  	[sflag:s29] =	ssyncset.done $0x0  }
0x2b2: {  	[sflag:s29] =	ssyncadd.s32 $0xFFFFD800  }
0x2b3: {  	[hbm4b:s1+s2] =	stream.linear.scatter [tilespmem:s18], [sflag:$0x9], $0x2800, $0x38;
	[tilespmem:$0x16000] =	vst v63  }
0x2b4: {  	_ =	swait.ge [sflag:s16], $0x2800  }
0x2b5: {  	s1 =	sld [smem:$0x7FD]  }
0x2b6: {  	[sflag:s16] =	ssyncset.done $0x0  }
0x2b7: {  	[sflag:s16] =	ssyncadd.s32 $0xFFFFD800  }
0x2b8: {  	[tilespmem:s4], [sflag:$0x8] =	stream.indirect.gather [hbm4b:s3+s12], $0x80, s1, s12, $0xb8;
	[tilespmem:$0x16000] =	vst v63  }
0x2b9: {  	_ =	swait.ge [sflag:s21], $0x2800  }
0x2ba: {  	s1 =	sld [smem:$0x7B8]  }
0x2bb: {  	[sflag:s21] =	ssyncset.done $0x0  }
0x2bc: {  	[sflag:s21] =	ssyncadd.s32 $0xFFFFD800  }
0x2bd: {  	[hbm4b:s1+s2] =	stream.linear.scatter [tilespmem:s13], [sflag:$0xA], $0x2800, $0x38;
	[tilespmem:$0x16000] =	vst v63  }
0x2be: {  	_ =	swait.ge [sflag:s22], $0x2800  }
0x2bf: {  	s1 =	sld [smem:$0x7B9]  }
0x2c0: {  	[sflag:s22] =	ssyncset.done $0x0  }
0x2c1: {  	[sflag:s22] =	ssyncadd.s32 $0xFFFFD800  }
0x2c2: {  	[hbm4b:s1+s2] =	stream.linear.scatter [tilespmem:s11], [sflag:$0xB], $0x2800, $0x38;
	[tilespmem:$0x16000] =	vst v63  }
0x2c3: {  	_ =	swait.ge [sflag:s23], $0x2800  }
0x2c4: {  	s1 =	sld [smem:$0x7BA]  }
0x2c5: {  	[sflag:s23] =	ssyncset.done $0x0  }
0x2c6: {  	[sflag:s23] =	ssyncadd.s32 $0xFFFFD800  }
0x2c7: {  	[hbm4b:s1+s2] =	stream.linear.scatter [tilespmem:s9], [sflag:$0xC], $0x2800, $0x38;
	[tilespmem:$0x16000] =	vst v63  }
0x2c8: {  	_ =	swait.ge [sflag:s25], $0x2800  }
0x2c9: {  	s1 =	sld [smem:$0x7BB]  }
0x2ca: {  	[sflag:s25] =	ssyncset.done $0x0  }
0x2cb: {  	[sflag:s25] =	ssyncadd.s32 $0xFFFFD800  }
0x2cc: {  	[hbm4b:s1+s2] =	stream.linear.scatter [tilespmem:s7], [sflag:$0xD], $0x2800, $0x38;
	[tilespmem:$0x16000] =	vst v63  }
0x2cd: {  	_ =	swait.ge [sflag:s26], $0x2800  }
0x2ce: {  	s1 =	sld [smem:$0x7BC]  }
0x2cf: {  	[sflag:s26] =	ssyncset.done $0x0  }
0x2d0: {  	[sflag:s26] =	ssyncadd.s32 $0xFFFFD800  }
0x2d1: {  	[hbm4b:s1+s2] =	stream.linear.scatter [tilespmem:s6], [sflag:$0xE], $0x2800, $0x38;
	[tilespmem:$0x16000] =	vst v63  }
0x2d2: {  	_ =	swait.ge [sflag:s28], $0x2800  }
0x2d3: {  	s1 =	sld [smem:$0x7BD]  }
0x2d4: {  	[sflag:s28] =	ssyncset.done $0x0  }
0x2d5: {  	[sflag:s28] =	ssyncadd.s32 $0xFFFFD800  }
0x2d6: {  	[hbm4b:s1+s2] =	stream.linear.scatter [tilespmem:s5], [sflag:$0xF], $0x2800, $0x38;
	[tilespmem:$0x16000] =	vst v63  }
0x2d7: {  	_ =	swait.ge [sflag:s24], $0x2800  }
0x2d8: {  	s1 =	sld [smem:$0x7BE]  }
0x2d9: {  	[sflag:s24] =	ssyncset.done $0x0  }
0x2da: {  	[sflag:s24] =	ssyncadd.s32 $0xFFFFD800  }
0x2db: {  	[hbm4b:s1+s2] =	stream.linear.scatter [tilespmem:s4], [sflag:$0x10], $0x2800, $0x38;
	[tilespmem:$0x16000] =	vst v63  }
0x2dc: {  	_ =	swait.ge [sflag:s8], $0x2800  }
0x2dd: {  	[sflag:s8] =	ssyncset.done $0x0  }
0x2de: {  	[sflag:s8] =	ssyncadd.s32 $0xFFFFD800  }
0x2df: {  	_ =	swait.ge [sflag:s10], $0x2800  }
0x2e0: {  	[sflag:s10] =	ssyncset.done $0x0  }
0x2e1: {  	[sflag:s10] =	ssyncadd.s32 $0xFFFFD800  }
0x2e2: {  	_ =	swait.ge [sflag:s14], $0x2800  }
0x2e3: {  	[sflag:s14] =	ssyncset.done $0x0  }
0x2e4: {  	[sflag:s14] =	ssyncadd.s32 $0xFFFFD800  }
0x2e5: {  	_ =	swait.ge [sflag:s15], $0x2800  }
0x2e6: {  	[sflag:s15] =	ssyncset.done $0x0  }
0x2e7: {  	[sflag:s15] =	ssyncadd.s32 $0xFFFFD800  }
0x2e8: {  	_ =	swait.ge [sflag:s20], $0x2800  }
0x2e9: {  	[sflag:s20] =	ssyncset.done $0x0  }
0x2ea: {  	[sflag:s20] =	ssyncadd.s32 $0xFFFFD800  }
0x2eb: {  	_ =	swait.ge [sflag:s19], $0x2800  }
0x2ec: {  	[sflag:s19] =	ssyncset.done $0x0  }
0x2ed: {  	p1 =	sne.s32 s30, $0x1;
	[sflag:s19] =	ssyncadd.s32 $0xFFFFD800  }
.Ltmp1:
0x2ee: {  	_ =	swait.ge [sflag:s17], $0x2800;
	(pc) =	sbr.rel @!p1 .LBB2_3-.Ltmp1, $4  }
0x2ef: {  	[sflag:s17] =	ssyncset.done $0x0  }
0x2f0: {  	[sflag:s17] =	ssyncadd.s32 $0xFFFFD800  }
0x2f1: {  	p0 =	por $0x1, $0x1;
	_ =	swait.ge [sflag:s16], $0x2800  }
0x2f2: {  	s1 =	sadd.s32 $0xFFFFFFFF, s30;
	s0 =	rddreg [dreg:$0x4];
	[sflag:s16] =	ssyncset.done $0x0  }
.LBB2_4:
0x2f3: {  	[sflag:s16] =	ssyncadd.s32 $0xFFFFD800  }
0x2f4: {  	[tilespmem:s2], [sflag:$0x11] =	stream.linear.gather [hbm4b:s0+s2], $0x2000, $0x38;
	[tilespmem:$0x16000] =	vst v63  }
0x2f5: {  	_ =	swait.ge [sflag:s31], $0x2000  }
0x2f6: {  	[sflag:s31] =	ssyncset.done $0x0  }
0x2f7: {  	s0 =	sld [smem:$0x7BF];
	[sflag:s31] =	ssyncadd.s32 $0xFFFFE000  }
0x2f8: {  	[tilespmem:s18], [sflag:$0x1] =	stream.indirect.gather [hbm4b:s3+s12], $0x80, s2, s12, $0xb8;
	[tilespmem:$0x16000] =	vst v63  }
0x2f9: {  	s30 =	sld [smem:$0x7C0]  }
0x2fa: {  	[tilespmem:s13], [sflag:$0x2] =	stream.indirect.gather [hbm4b:s3+s12], $0x80, s0, s12, $0xb8;
	[tilespmem:$0x16000] =	vst v63  }
0x2fb: {  	s0 =	sld [smem:$0x7C1]  }
0x2fc: {  	[tilespmem:s11], [sflag:$0x3] =	stream.indirect.gather [hbm4b:s3+s12], $0x80, s30, s12, $0xb8;
	[tilespmem:$0x16000] =	vst v63  }
0x2fd: {  	s30 =	sld [smem:$0x7C2]  }
0x2fe: {  	[tilespmem:s9], [sflag:$0x4] =	stream.indirect.gather [hbm4b:s3+s12], $0x80, s0, s12, $0xb8;
	[tilespmem:$0x16000] =	vst v63  }
0x2ff: {  	s0 =	sld [smem:$0x7C3]  }
0x300: {  	[tilespmem:s7], [sflag:$0x5] =	stream.indirect.gather [hbm4b:s3+s12], $0x80, s30, s12, $0xb8;
	[tilespmem:$0x16000] =	vst v63  }
0x301: {  	_ = 	snop  }
0x302: {  	[tilespmem:s6], [sflag:$0x6] =	stream.indirect.gather [hbm4b:s3+s12], $0x80, s0, s12, $0xb8;
	[tilespmem:$0x16000] =	vst v63  }
0x303: {  	s0 =	sld [smem:$0x7C4];
	_ =	sdelay $0x1  }
0x304: {  	s30 =	sld [smem:$0x7C5]  }
0x305: {  	[tilespmem:s5], [sflag:$0x7] =	stream.indirect.gather [hbm4b:s3+s12], $0x80, s0, s12, $0xb8;
	[tilespmem:$0x16000] =	vst v63  }
0x306: {  	_ = 	snop  }
0x307: {  	[tilespmem:s4], [sflag:$0x8] =	stream.indirect.gather [hbm4b:s3+s12], $0x80, s30, s12, $0xb8;
	[tilespmem:$0x16000] =	vst v63  }
0x308: {  	_ =	swait.ge [sflag:s29], $0x2800  }
0x309: {  	s30 =	sld [smem:$0x79A]  }
0x30a: {  	[sflag:s29] =	ssyncset.done $0x0  }
0x30b: {  	[sflag:s29] =	ssyncadd.s32 $0xFFFFD800  }
0x30c: {  	[hbm4b:s30+s2] =	stream.linear.scatter [tilespmem:s18], [sflag:$0x9], $0x2800, $0x38;
	[tilespmem:$0x16000] =	vst v63  }
0x30d: {  	_ =	swait.ge [sflag:s21], $0x2800  }
0x30e: {  	[sflag:s21] =	ssyncset.done $0x0  }
0x30f: {  	s30 =	rddreg [dreg:$0x5];
	[sflag:s21] =	ssyncadd.s32 $0xFFFFD800  }
0x310: {  	[hbm4b:s30+s2] =	stream.linear.scatter [tilespmem:s13], [sflag:$0xA], $0x2800, $0x38;
	[tilespmem:$0x16000] =	vst v63  }
0x311: {  	_ =	swait.ge [sflag:s8], $0x2800  }
0x312: {  	s30 =	sld [smem:$0x7C6]  }
0x313: {  	[sflag:s8] =	ssyncset.done $0x0  }
0x314: {  	[sflag:s8] =	ssyncadd.s32 $0xFFFFD800  }
0x315: {  	[tilespmem:s18], [sflag:$0x1] =	stream.indirect.gather [hbm4b:s3+s12], $0x80, s30, s12, $0xb8;
	[tilespmem:$0x16000] =	vst v63  }
0x316: {  	_ =	swait.ge [sflag:s22], $0x2800  }
0x317: {  	[sflag:s22] =	ssyncset.done $0x0  }
0x318: {  	s30 =	rddreg [dreg:$0x6];
	[sflag:s22] =	ssyncadd.s32 $0xFFFFD800  }
0x319: {  	[hbm4b:s30+s2] =	stream.linear.scatter [tilespmem:s11], [sflag:$0xB], $0x2800, $0x38;
	[tilespmem:$0x16000] =	vst v63  }
0x31a: {  	_ =	swait.ge [sflag:s10], $0x2800  }
0x31b: {  	s30 =	sld [smem:$0x7C7]  }
0x31c: {  	[sflag:s10] =	ssyncset.done $0x0  }
0x31d: {  	[sflag:s10] =	ssyncadd.s32 $0xFFFFD800  }
0x31e: {  	[tilespmem:s13], [sflag:$0x2] =	stream.indirect.gather [hbm4b:s3+s12], $0x80, s30, s12, $0xb8;
	[tilespmem:$0x16000] =	vst v63  }
0x31f: {  	_ =	swait.ge [sflag:s23], $0x2800  }
0x320: {  	[sflag:s23] =	ssyncset.done $0x0  }
0x321: {  	s30 =	rddreg [dreg:$0x7];
	[sflag:s23] =	ssyncadd.s32 $0xFFFFD800  }
0x322: {  	[hbm4b:s30+s2] =	stream.linear.scatter [tilespmem:s9], [sflag:$0xC], $0x2800, $0x38;
	[tilespmem:$0x16000] =	vst v63  }
0x323: {  	_ =	swait.ge [sflag:s14], $0x2800  }
0x324: {  	s30 =	sld [smem:$0x7C8]  }
0x325: {  	[sflag:s14] =	ssyncset.done $0x0  }
0x326: {  	[sflag:s14] =	ssyncadd.s32 $0xFFFFD800  }
0x327: {  	[tilespmem:s11], [sflag:$0x3] =	stream.indirect.gather [hbm4b:s3+s12], $0x80, s30, s12, $0xb8;
	[tilespmem:$0x16000] =	vst v63  }
0x328: {  	_ =	swait.ge [sflag:s25], $0x2800  }
0x329: {  	[sflag:s25] =	ssyncset.done $0x0  }
0x32a: {  	s30 =	rddreg [dreg:$0x8];
	[sflag:s25] =	ssyncadd.s32 $0xFFFFD800  }
0x32b: {  	[hbm4b:s30+s2] =	stream.linear.scatter [tilespmem:s7], [sflag:$0xD], $0x2800, $0x38;
	[tilespmem:$0x16000] =	vst v63  }
0x32c: {  	_ =	swait.ge [sflag:s15], $0x2800  }
0x32d: {  	s30 =	sld [smem:$0x7C9]  }
0x32e: {  	[sflag:s15] =	ssyncset.done $0x0  }
0x32f: {  	[sflag:s15] =	ssyncadd.s32 $0xFFFFD800  }
0x330: {  	[tilespmem:s9], [sflag:$0x4] =	stream.indirect.gather [hbm4b:s3+s12], $0x80, s30, s12, $0xb8;
	[tilespmem:$0x16000] =	vst v63  }
0x331: {  	_ =	swait.ge [sflag:s26], $0x2800  }
0x332: {  	[sflag:s26] =	ssyncset.done $0x0  }
0x333: {  	s30 =	rddreg [dreg:$0x9];
	[sflag:s26] =	ssyncadd.s32 $0xFFFFD800  }
0x334: {  	[hbm4b:s30+s2] =	stream.linear.scatter [tilespmem:s6], [sflag:$0xE], $0x2800, $0x38;
	[tilespmem:$0x16000] =	vst v63  }
0x335: {  	_ =	swait.ge [sflag:s20], $0x2800  }
0x336: {  	s30 =	sld [smem:$0x7CA]  }
0x337: {  	[sflag:s20] =	ssyncset.done $0x0  }
0x338: {  	[sflag:s20] =	ssyncadd.s32 $0xFFFFD800  }
0x339: {  	[tilespmem:s7], [sflag:$0x5] =	stream.indirect.gather [hbm4b:s3+s12], $0x80, s30, s12, $0xb8;
	[tilespmem:$0x16000] =	vst v63  }
0x33a: {  	_ =	swait.ge [sflag:s28], $0x2800  }
0x33b: {  	[sflag:s28] =	ssyncset.done $0x0  }
0x33c: {  	s30 =	rddreg [dreg:$0xa];
	[sflag:s28] =	ssyncadd.s32 $0xFFFFD800  }
0x33d: {  	[hbm4b:s30+s2] =	stream.linear.scatter [tilespmem:s5], [sflag:$0xF], $0x2800, $0x38;
	[tilespmem:$0x16000] =	vst v63  }
0x33e: {  	_ =	swait.ge [sflag:s19], $0x2800  }
0x33f: {  	s30 =	sld [smem:$0x7CB]  }
0x340: {  	[sflag:s19] =	ssyncset.done $0x0  }
0x341: {  	[sflag:s19] =	ssyncadd.s32 $0xFFFFD800  }
0x342: {  	[tilespmem:s6], [sflag:$0x6] =	stream.indirect.gather [hbm4b:s3+s12], $0x80, s30, s12, $0xb8;
	[tilespmem:$0x16000] =	vst v63  }
0x343: {  	_ =	swait.ge [sflag:s24], $0x2800  }
0x344: {  	[sflag:s24] =	ssyncset.done $0x0  }
0x345: {  	s30 =	rddreg [dreg:$0xb];
	[sflag:s24] =	ssyncadd.s32 $0xFFFFD800  }
0x346: {  	[hbm4b:s30+s2] =	stream.linear.scatter [tilespmem:s4], [sflag:$0x10], $0x2800, $0x38;
	[tilespmem:$0x16000] =	vst v63  }
0x347: {  	_ =	swait.ge [sflag:s17], $0x2800  }
0x348: {  	s30 =	sld [smem:$0x7CC]  }
0x349: {  	[sflag:s17] =	ssyncset.done $0x0  }
0x34a: {  	[sflag:s17] =	ssyncadd.s32 $0xFFFFD800  }
0x34b: {  	[tilespmem:s5], [sflag:$0x7] =	stream.indirect.gather [hbm4b:s3+s12], $0x80, s30, s12, $0xb8;
	[tilespmem:$0x16000] =	vst v63  }
0x34c: {  	_ =	swait.ge [sflag:s29], $0x2800  }
0x34d: {  	[sflag:s29] =	ssyncset.done $0x0  }
0x34e: {  	s30 =	rddreg [dreg:$0xc];
	[sflag:s29] =	ssyncadd.s32 $0xFFFFD800  }
0x34f: {  	[hbm4b:s30+s2] =	stream.linear.scatter [tilespmem:s18], [sflag:$0x9], $0x2800, $0x38;
	[tilespmem:$0x16000] =	vst v63  }
0x350: {  	_ =	swait.ge [sflag:s16], $0x2800  }
0x351: {  	s30 =	sld [smem:$0x7CD]  }
0x352: {  	[sflag:s16] =	ssyncset.done $0x0  }
0x353: {  	[sflag:s16] =	ssyncadd.s32 $0xFFFFD800  }
0x354: {  	[tilespmem:s4], [sflag:$0x8] =	stream.indirect.gather [hbm4b:s3+s12], $0x80, s30, s12, $0xb8;
	[tilespmem:$0x16000] =	vst v63  }
0x355: {  	_ =	swait.ge [sflag:s21], $0x2800  }
0x356: {  	[sflag:s21] =	ssyncset.done $0x0  }
0x357: {  	s30 =	rddreg [dreg:$0xd];
	[sflag:s21] =	ssyncadd.s32 $0xFFFFD800  }
0x358: {  	[hbm4b:s30+s2] =	stream.linear.scatter [tilespmem:s13], [sflag:$0xA], $0x2800, $0x38;
	[tilespmem:$0x16000] =	vst v63  }
0x359: {  	_ =	swait.ge [sflag:s8], $0x2800  }
0x35a: {  	s30 =	sld [smem:$0x7CE]  }
0x35b: {  	[sflag:s8] =	ssyncset.done $0x0  }
0x35c: {  	[sflag:s8] =	ssyncadd.s32 $0xFFFFD800  }
0x35d: {  	[tilespmem:s18], [sflag:$0x1] =	stream.indirect.gather [hbm4b:s3+s12], $0x80, s30, s12, $0xb8;
	[tilespmem:$0x16000] =	vst v63  }
0x35e: {  	_ =	swait.ge [sflag:s22], $0x2800  }
0x35f: {  	[sflag:s22] =	ssyncset.done $0x0  }
0x360: {  	s30 =	rddreg [dreg:$0xe];
	[sflag:s22] =	ssyncadd.s32 $0xFFFFD800  }
0x361: {  	[hbm4b:s30+s2] =	stream.linear.scatter [tilespmem:s11], [sflag:$0xB], $0x2800, $0x38;
	[tilespmem:$0x16000] =	vst v63  }
0x362: {  	_ =	swait.ge [sflag:s10], $0x2800  }
0x363: {  	s30 =	sld [smem:$0x7CF]  }
0x364: {  	[sflag:s10] =	ssyncset.done $0x0  }
0x365: {  	[sflag:s10] =	ssyncadd.s32 $0xFFFFD800  }
0x366: {  	[tilespmem:s13], [sflag:$0x2] =	stream.indirect.gather [hbm4b:s3+s12], $0x80, s30, s12, $0xb8;
	[tilespmem:$0x16000] =	vst v63  }
0x367: {  	_ =	swait.ge [sflag:s23], $0x2800  }
0x368: {  	[sflag:s23] =	ssyncset.done $0x0  }
0x369: {  	s30 =	rddreg [dreg:$0xf];
	[sflag:s23] =	ssyncadd.s32 $0xFFFFD800  }
0x36a: {  	[hbm4b:s30+s2] =	stream.linear.scatter [tilespmem:s9], [sflag:$0xC], $0x2800, $0x38;
	[tilespmem:$0x16000] =	vst v63  }
0x36b: {  	_ =	swait.ge [sflag:s14], $0x2800  }
0x36c: {  	s30 =	sld [smem:$0x7D0]  }
0x36d: {  	[sflag:s14] =	ssyncset.done $0x0  }
0x36e: {  	[sflag:s14] =	ssyncadd.s32 $0xFFFFD800  }
0x36f: {  	[tilespmem:s11], [sflag:$0x3] =	stream.indirect.gather [hbm4b:s3+s12], $0x80, s30, s12, $0xb8;
	[tilespmem:$0x16000] =	vst v63  }
0x370: {  	_ =	swait.ge [sflag:s25], $0x2800  }
0x371: {  	[sflag:s25] =	ssyncset.done $0x0  }
0x372: {  	s30 =	rddreg [dreg:$0x10];
	[sflag:s25] =	ssyncadd.s32 $0xFFFFD800  }
0x373: {  	[hbm4b:s30+s2] =	stream.linear.scatter [tilespmem:s7], [sflag:$0xD], $0x2800, $0x38;
	[tilespmem:$0x16000] =	vst v63  }
0x374: {  	_ =	swait.ge [sflag:s15], $0x2800  }
0x375: {  	s30 =	sld [smem:$0x7D1]  }
0x376: {  	[sflag:s15] =	ssyncset.done $0x0  }
0x377: {  	[sflag:s15] =	ssyncadd.s32 $0xFFFFD800  }
0x378: {  	[tilespmem:s9], [sflag:$0x4] =	stream.indirect.gather [hbm4b:s3+s12], $0x80, s30, s12, $0xb8;
	[tilespmem:$0x16000] =	vst v63  }
0x379: {  	_ =	swait.ge [sflag:s26], $0x2800  }
0x37a: {  	[sflag:s26] =	ssyncset.done $0x0  }
0x37b: {  	s30 =	rddreg [dreg:$0x11];
	[sflag:s26] =	ssyncadd.s32 $0xFFFFD800  }
0x37c: {  	[hbm4b:s30+s2] =	stream.linear.scatter [tilespmem:s6], [sflag:$0xE], $0x2800, $0x38;
	[tilespmem:$0x16000] =	vst v63  }
0x37d: {  	_ =	swait.ge [sflag:s20], $0x2800  }
0x37e: {  	s30 =	sld [smem:$0x7D2]  }
0x37f: {  	[sflag:s20] =	ssyncset.done $0x0  }
0x380: {  	[sflag:s20] =	ssyncadd.s32 $0xFFFFD800  }
0x381: {  	[tilespmem:s7], [sflag:$0x5] =	stream.indirect.gather [hbm4b:s3+s12], $0x80, s30, s12, $0xb8;
	[tilespmem:$0x16000] =	vst v63  }
0x382: {  	_ =	swait.ge [sflag:s28], $0x2800  }
0x383: {  	[sflag:s28] =	ssyncset.done $0x0  }
0x384: {  	s30 =	rddreg [dreg:$0x12];
	[sflag:s28] =	ssyncadd.s32 $0xFFFFD800  }
0x385: {  	[hbm4b:s30+s2] =	stream.linear.scatter [tilespmem:s5], [sflag:$0xF], $0x2800, $0x38;
	[tilespmem:$0x16000] =	vst v63  }
0x386: {  	_ =	swait.ge [sflag:s19], $0x2800  }
0x387: {  	s30 =	sld [smem:$0x7D3]  }
0x388: {  	[sflag:s19] =	ssyncset.done $0x0  }
0x389: {  	[sflag:s19] =	ssyncadd.s32 $0xFFFFD800  }
0x38a: {  	[tilespmem:s6], [sflag:$0x6] =	stream.indirect.gather [hbm4b:s3+s12], $0x80, s30, s12, $0xb8;
	[tilespmem:$0x16000] =	vst v63  }
0x38b: {  	_ =	swait.ge [sflag:s24], $0x2800  }
0x38c: {  	[sflag:s24] =	ssyncset.done $0x0  }
0x38d: {  	s30 =	rddreg [dreg:$0x13];
	[sflag:s24] =	ssyncadd.s32 $0xFFFFD800  }
0x38e: {  	[hbm4b:s30+s2] =	stream.linear.scatter [tilespmem:s4], [sflag:$0x10], $0x2800, $0x38;
	[tilespmem:$0x16000] =	vst v63  }
0x38f: {  	_ =	swait.ge [sflag:s17], $0x2800  }
0x390: {  	s30 =	sld [smem:$0x7D4]  }
0x391: {  	[sflag:s17] =	ssyncset.done $0x0  }
0x392: {  	[sflag:s17] =	ssyncadd.s32 $0xFFFFD800  }
0x393: {  	[tilespmem:s5], [sflag:$0x7] =	stream.indirect.gather [hbm4b:s3+s12], $0x80, s30, s12, $0xb8;
	[tilespmem:$0x16000] =	vst v63  }
0x394: {  	_ =	swait.ge [sflag:s29], $0x2800  }
0x395: {  	[sflag:s29] =	ssyncset.done $0x0  }
0x396: {  	s30 =	rddreg [dreg:$0x14];
	[sflag:s29] =	ssyncadd.s32 $0xFFFFD800  }
0x397: {  	[hbm4b:s30+s2] =	stream.linear.scatter [tilespmem:s18], [sflag:$0x9], $0x2800, $0x38;
	[tilespmem:$0x16000] =	vst v63  }
0x398: {  	_ =	swait.ge [sflag:s16], $0x2800  }
0x399: {  	s30 =	sld [smem:$0x7D5]  }
0x39a: {  	[sflag:s16] =	ssyncset.done $0x0  }
0x39b: {  	[sflag:s16] =	ssyncadd.s32 $0xFFFFD800  }
0x39c: {  	[tilespmem:s4], [sflag:$0x8] =	stream.indirect.gather [hbm4b:s3+s12], $0x80, s30, s12, $0xb8;
	[tilespmem:$0x16000] =	vst v63  }
0x39d: {  	_ =	swait.ge [sflag:s21], $0x2800  }
0x39e: {  	[sflag:s21] =	ssyncset.done $0x0  }
0x39f: {  	s30 =	rddreg [dreg:$0x15];
	[sflag:s21] =	ssyncadd.s32 $0xFFFFD800  }
0x3a0: {  	[hbm4b:s30+s2] =	stream.linear.scatter [tilespmem:s13], [sflag:$0xA], $0x2800, $0x38;
	[tilespmem:$0x16000] =	vst v63  }
0x3a1: {  	_ =	swait.ge [sflag:s8], $0x2800  }
0x3a2: {  	s30 =	sld [smem:$0x7D6]  }
0x3a3: {  	[sflag:s8] =	ssyncset.done $0x0  }
0x3a4: {  	[sflag:s8] =	ssyncadd.s32 $0xFFFFD800  }
0x3a5: {  	[tilespmem:s18], [sflag:$0x1] =	stream.indirect.gather [hbm4b:s3+s12], $0x80, s30, s12, $0xb8;
	[tilespmem:$0x16000] =	vst v63  }
0x3a6: {  	_ =	swait.ge [sflag:s22], $0x2800  }
0x3a7: {  	[sflag:s22] =	ssyncset.done $0x0  }
0x3a8: {  	s30 =	rddreg [dreg:$0x16];
	[sflag:s22] =	ssyncadd.s32 $0xFFFFD800  }
0x3a9: {  	[hbm4b:s30+s2] =	stream.linear.scatter [tilespmem:s11], [sflag:$0xB], $0x2800, $0x38;
	[tilespmem:$0x16000] =	vst v63  }
0x3aa: {  	_ =	swait.ge [sflag:s10], $0x2800  }
0x3ab: {  	s30 =	sld [smem:$0x7D7]  }
0x3ac: {  	[sflag:s10] =	ssyncset.done $0x0  }
0x3ad: {  	[sflag:s10] =	ssyncadd.s32 $0xFFFFD800  }
0x3ae: {  	[tilespmem:s13], [sflag:$0x2] =	stream.indirect.gather [hbm4b:s3+s12], $0x80, s30, s12, $0xb8;
	[tilespmem:$0x16000] =	vst v63  }
0x3af: {  	_ =	swait.ge [sflag:s23], $0x2800  }
0x3b0: {  	[sflag:s23] =	ssyncset.done $0x0  }
0x3b1: {  	s30 =	rddreg [dreg:$0x17];
	[sflag:s23] =	ssyncadd.s32 $0xFFFFD800  }
0x3b2: {  	[hbm4b:s30+s2] =	stream.linear.scatter [tilespmem:s9], [sflag:$0xC], $0x2800, $0x38;
	[tilespmem:$0x16000] =	vst v63  }
0x3b3: {  	_ =	swait.ge [sflag:s14], $0x2800  }
0x3b4: {  	s30 =	sld [smem:$0x7D8]  }
0x3b5: {  	[sflag:s14] =	ssyncset.done $0x0  }
0x3b6: {  	[sflag:s14] =	ssyncadd.s32 $0xFFFFD800  }
0x3b7: {  	[tilespmem:s11], [sflag:$0x3] =	stream.indirect.gather [hbm4b:s3+s12], $0x80, s30, s12, $0xb8;
	[tilespmem:$0x16000] =	vst v63  }
0x3b8: {  	_ =	swait.ge [sflag:s25], $0x2800  }
0x3b9: {  	[sflag:s25] =	ssyncset.done $0x0  }
0x3ba: {  	s30 =	rddreg [dreg:$0x18];
	[sflag:s25] =	ssyncadd.s32 $0xFFFFD800  }
0x3bb: {  	[hbm4b:s30+s2] =	stream.linear.scatter [tilespmem:s7], [sflag:$0xD], $0x2800, $0x38;
	[tilespmem:$0x16000] =	vst v63  }
0x3bc: {  	_ =	swait.ge [sflag:s15], $0x2800  }
0x3bd: {  	s30 =	sld [smem:$0x7D9]  }
0x3be: {  	[sflag:s15] =	ssyncset.done $0x0  }
0x3bf: {  	[sflag:s15] =	ssyncadd.s32 $0xFFFFD800  }
0x3c0: {  	[tilespmem:s9], [sflag:$0x4] =	stream.indirect.gather [hbm4b:s3+s12], $0x80, s30, s12, $0xb8;
	[tilespmem:$0x16000] =	vst v63  }
0x3c1: {  	_ =	swait.ge [sflag:s26], $0x2800  }
0x3c2: {  	[sflag:s26] =	ssyncset.done $0x0  }
0x3c3: {  	s30 =	rddreg [dreg:$0x19];
	[sflag:s26] =	ssyncadd.s32 $0xFFFFD800  }
0x3c4: {  	[hbm4b:s30+s2] =	stream.linear.scatter [tilespmem:s6], [sflag:$0xE], $0x2800, $0x38;
	[tilespmem:$0x16000] =	vst v63  }
0x3c5: {  	_ =	swait.ge [sflag:s20], $0x2800  }
0x3c6: {  	s30 =	sld [smem:$0x7DA]  }
0x3c7: {  	[sflag:s20] =	ssyncset.done $0x0  }
0x3c8: {  	[sflag:s20] =	ssyncadd.s32 $0xFFFFD800  }
0x3c9: {  	[tilespmem:s7], [sflag:$0x5] =	stream.indirect.gather [hbm4b:s3+s12], $0x80, s30, s12, $0xb8;
	[tilespmem:$0x16000] =	vst v63  }
0x3ca: {  	_ =	swait.ge [sflag:s28], $0x2800  }
0x3cb: {  	[sflag:s28] =	ssyncset.done $0x0  }
0x3cc: {  	s30 =	rddreg [dreg:$0x1a];
	[sflag:s28] =	ssyncadd.s32 $0xFFFFD800  }
0x3cd: {  	[hbm4b:s30+s2] =	stream.linear.scatter [tilespmem:s5], [sflag:$0xF], $0x2800, $0x38;
	[tilespmem:$0x16000] =	vst v63  }
0x3ce: {  	_ =	swait.ge [sflag:s19], $0x2800  }
0x3cf: {  	s30 =	sld [smem:$0x7DB]  }
0x3d0: {  	[sflag:s19] =	ssyncset.done $0x0  }
0x3d1: {  	[sflag:s19] =	ssyncadd.s32 $0xFFFFD800  }
0x3d2: {  	[tilespmem:s6], [sflag:$0x6] =	stream.indirect.gather [hbm4b:s3+s12], $0x80, s30, s12, $0xb8;
	[tilespmem:$0x16000] =	vst v63  }
0x3d3: {  	_ =	swait.ge [sflag:s24], $0x2800  }
0x3d4: {  	[sflag:s24] =	ssyncset.done $0x0  }
0x3d5: {  	s30 =	rddreg [dreg:$0x1b];
	[sflag:s24] =	ssyncadd.s32 $0xFFFFD800  }
0x3d6: {  	[hbm4b:s30+s2] =	stream.linear.scatter [tilespmem:s4], [sflag:$0x10], $0x2800, $0x38;
	[tilespmem:$0x16000] =	vst v63  }
0x3d7: {  	_ =	swait.ge [sflag:s17], $0x2800  }
0x3d8: {  	s30 =	sld [smem:$0x7DC]  }
0x3d9: {  	[sflag:s17] =	ssyncset.done $0x0  }
0x3da: {  	[sflag:s17] =	ssyncadd.s32 $0xFFFFD800  }
0x3db: {  	[tilespmem:s5], [sflag:$0x7] =	stream.indirect.gather [hbm4b:s3+s12], $0x80, s30, s12, $0xb8;
	[tilespmem:$0x16000] =	vst v63  }
0x3dc: {  	_ =	swait.ge [sflag:s29], $0x2800  }
0x3dd: {  	[sflag:s29] =	ssyncset.done $0x0  }
0x3de: {  	s30 =	rddreg [dreg:$0x1c];
	[sflag:s29] =	ssyncadd.s32 $0xFFFFD800  }
0x3df: {  	[hbm4b:s30+s2] =	stream.linear.scatter [tilespmem:s18], [sflag:$0x9], $0x2800, $0x38;
	[tilespmem:$0x16000] =	vst v63  }
0x3e0: {  	_ =	swait.ge [sflag:s16], $0x2800  }
0x3e1: {  	s30 =	sld [smem:$0x7DD]  }
0x3e2: {  	[sflag:s16] =	ssyncset.done $0x0  }
0x3e3: {  	[sflag:s16] =	ssyncadd.s32 $0xFFFFD800  }
0x3e4: {  	[tilespmem:s4], [sflag:$0x8] =	stream.indirect.gather [hbm4b:s3+s12], $0x80, s30, s12, $0xb8;
	[tilespmem:$0x16000] =	vst v63  }
0x3e5: {  	_ =	swait.ge [sflag:s21], $0x2800  }
0x3e6: {  	[sflag:s21] =	ssyncset.done $0x0  }
0x3e7: {  	s30 =	rddreg [dreg:$0x1d];
	[sflag:s21] =	ssyncadd.s32 $0xFFFFD800  }
0x3e8: {  	[hbm4b:s30+s2] =	stream.linear.scatter [tilespmem:s13], [sflag:$0xA], $0x2800, $0x38;
	[tilespmem:$0x16000] =	vst v63  }
0x3e9: {  	_ =	swait.ge [sflag:s8], $0x2800  }
0x3ea: {  	s30 =	sld [smem:$0x7DE]  }
0x3eb: {  	[sflag:s8] =	ssyncset.done $0x0  }
0x3ec: {  	[sflag:s8] =	ssyncadd.s32 $0xFFFFD800  }
0x3ed: {  	[tilespmem:s18], [sflag:$0x1] =	stream.indirect.gather [hbm4b:s3+s12], $0x80, s30, s12, $0xb8;
	[tilespmem:$0x16000] =	vst v63  }
0x3ee: {  	_ =	swait.ge [sflag:s22], $0x2800  }
0x3ef: {  	[sflag:s22] =	ssyncset.done $0x0  }
0x3f0: {  	s30 =	rddreg [dreg:$0x1e];
	[sflag:s22] =	ssyncadd.s32 $0xFFFFD800  }
0x3f1: {  	[hbm4b:s30+s2] =	stream.linear.scatter [tilespmem:s11], [sflag:$0xB], $0x2800, $0x38;
	[tilespmem:$0x16000] =	vst v63  }
0x3f2: {  	_ =	swait.ge [sflag:s10], $0x2800  }
0x3f3: {  	s30 =	sld [smem:$0x7DF]  }
0x3f4: {  	[sflag:s10] =	ssyncset.done $0x0  }
0x3f5: {  	[sflag:s10] =	ssyncadd.s32 $0xFFFFD800  }
0x3f6: {  	[tilespmem:s13], [sflag:$0x2] =	stream.indirect.gather [hbm4b:s3+s12], $0x80, s30, s12, $0xb8;
	[tilespmem:$0x16000] =	vst v63  }
0x3f7: {  	_ =	swait.ge [sflag:s23], $0x2800  }
0x3f8: {  	[sflag:s23] =	ssyncset.done $0x0  }
0x3f9: {  	s30 =	rddreg [dreg:$0x1f];
	[sflag:s23] =	ssyncadd.s32 $0xFFFFD800  }
0x3fa: {  	[hbm4b:s30+s2] =	stream.linear.scatter [tilespmem:s9], [sflag:$0xC], $0x2800, $0x38;
	[tilespmem:$0x16000] =	vst v63  }
0x3fb: {  	_ =	swait.ge [sflag:s14], $0x2800  }
0x3fc: {  	s30 =	sld [smem:$0x7E0]  }
0x3fd: {  	[sflag:s14] =	ssyncset.done $0x0  }
0x3fe: {  	[sflag:s14] =	ssyncadd.s32 $0xFFFFD800  }
0x3ff: {  	[tilespmem:s11], [sflag:$0x3] =	stream.indirect.gather [hbm4b:s3+s12], $0x80, s30, s12, $0xb8;
	[tilespmem:$0x16000] =	vst v63  }
0x400: {  	_ =	swait.ge [sflag:s25], $0x2800  }
0x401: {  	s30 =	sld [smem:$0x79B]  }
0x402: {  	[sflag:s25] =	ssyncset.done $0x0  }
0x403: {  	[sflag:s25] =	ssyncadd.s32 $0xFFFFD800  }
0x404: {  	[hbm4b:s30+s2] =	stream.linear.scatter [tilespmem:s7], [sflag:$0xD], $0x2800, $0x38;
	[tilespmem:$0x16000] =	vst v63  }
0x405: {  	_ =	swait.ge [sflag:s15], $0x2800  }
0x406: {  	s30 =	sld [smem:$0x7E1]  }
0x407: {  	[sflag:s15] =	ssyncset.done $0x0  }
0x408: {  	[sflag:s15] =	ssyncadd.s32 $0xFFFFD800  }
0x409: {  	[tilespmem:s9], [sflag:$0x4] =	stream.indirect.gather [hbm4b:s3+s12], $0x80, s30, s12, $0xb8;
	[tilespmem:$0x16000] =	vst v63  }
0x40a: {  	_ =	swait.ge [sflag:s26], $0x2800  }
0x40b: {  	s30 =	sld [smem:$0x79C]  }
0x40c: {  	[sflag:s26] =	ssyncset.done $0x0  }
0x40d: {  	[sflag:s26] =	ssyncadd.s32 $0xFFFFD800  }
0x40e: {  	[hbm4b:s30+s2] =	stream.linear.scatter [tilespmem:s6], [sflag:$0xE], $0x2800, $0x38;
	[tilespmem:$0x16000] =	vst v63  }
0x40f: {  	_ =	swait.ge [sflag:s20], $0x2800  }
0x410: {  	s30 =	sld [smem:$0x7E2]  }
0x411: {  	[sflag:s20] =	ssyncset.done $0x0  }
0x412: {  	[sflag:s20] =	ssyncadd.s32 $0xFFFFD800  }
0x413: {  	[tilespmem:s7], [sflag:$0x5] =	stream.indirect.gather [hbm4b:s3+s12], $0x80, s30, s12, $0xb8;
	[tilespmem:$0x16000] =	vst v63  }
0x414: {  	_ =	swait.ge [sflag:s28], $0x2800  }
0x415: {  	s30 =	sld [smem:$0x79D]  }
0x416: {  	[sflag:s28] =	ssyncset.done $0x0  }
0x417: {  	[sflag:s28] =	ssyncadd.s32 $0xFFFFD800  }
0x418: {  	[hbm4b:s30+s2] =	stream.linear.scatter [tilespmem:s5], [sflag:$0xF], $0x2800, $0x38;
	[tilespmem:$0x16000] =	vst v63  }
0x419: {  	_ =	swait.ge [sflag:s19], $0x2800  }
0x41a: {  	s30 =	sld [smem:$0x7E3]  }
0x41b: {  	[sflag:s19] =	ssyncset.done $0x0  }
0x41c: {  	[sflag:s19] =	ssyncadd.s32 $0xFFFFD800  }
0x41d: {  	[tilespmem:s6], [sflag:$0x6] =	stream.indirect.gather [hbm4b:s3+s12], $0x80, s30, s12, $0xb8;
	[tilespmem:$0x16000] =	vst v63  }
0x41e: {  	_ =	swait.ge [sflag:s24], $0x2800  }
0x41f: {  	s30 =	sld [smem:$0x79E]  }
0x420: {  	[sflag:s24] =	ssyncset.done $0x0  }
0x421: {  	[sflag:s24] =	ssyncadd.s32 $0xFFFFD800  }
0x422: {  	[hbm4b:s30+s2] =	stream.linear.scatter [tilespmem:s4], [sflag:$0x10], $0x2800, $0x38;
	[tilespmem:$0x16000] =	vst v63  }
0x423: {  	_ =	swait.ge [sflag:s17], $0x2800  }
0x424: {  	s30 =	sld [smem:$0x7E4]  }
0x425: {  	[sflag:s17] =	ssyncset.done $0x0  }
0x426: {  	[sflag:s17] =	ssyncadd.s32 $0xFFFFD800  }
0x427: {  	[tilespmem:s5], [sflag:$0x7] =	stream.indirect.gather [hbm4b:s3+s12], $0x80, s30, s12, $0xb8;
	[tilespmem:$0x16000] =	vst v63  }
0x428: {  	_ =	swait.ge [sflag:s29], $0x2800  }
0x429: {  	s30 =	sld [smem:$0x79F]  }
0x42a: {  	[sflag:s29] =	ssyncset.done $0x0  }
0x42b: {  	[sflag:s29] =	ssyncadd.s32 $0xFFFFD800  }
0x42c: {  	[hbm4b:s30+s2] =	stream.linear.scatter [tilespmem:s18], [sflag:$0x9], $0x2800, $0x38;
	[tilespmem:$0x16000] =	vst v63  }
0x42d: {  	_ =	swait.ge [sflag:s16], $0x2800  }
0x42e: {  	s30 =	sld [smem:$0x7E5]  }
0x42f: {  	[sflag:s16] =	ssyncset.done $0x0  }
0x430: {  	[sflag:s16] =	ssyncadd.s32 $0xFFFFD800  }
0x431: {  	[tilespmem:s4], [sflag:$0x8] =	stream.indirect.gather [hbm4b:s3+s12], $0x80, s30, s12, $0xb8;
	[tilespmem:$0x16000] =	vst v63  }
0x432: {  	_ =	swait.ge [sflag:s21], $0x2800  }
0x433: {  	s30 =	sld [smem:$0x7A0]  }
0x434: {  	[sflag:s21] =	ssyncset.done $0x0  }
0x435: {  	[sflag:s21] =	ssyncadd.s32 $0xFFFFD800  }
0x436: {  	[hbm4b:s30+s2] =	stream.linear.scatter [tilespmem:s13], [sflag:$0xA], $0x2800, $0x38;
	[tilespmem:$0x16000] =	vst v63  }
0x437: {  	_ =	swait.ge [sflag:s8], $0x2800  }
0x438: {  	s30 =	sld [smem:$0x7E6]  }
0x439: {  	[sflag:s8] =	ssyncset.done $0x0  }
0x43a: {  	[sflag:s8] =	ssyncadd.s32 $0xFFFFD800  }
0x43b: {  	[tilespmem:s18], [sflag:$0x1] =	stream.indirect.gather [hbm4b:s3+s12], $0x80, s30, s12, $0xb8;
	[tilespmem:$0x16000] =	vst v63  }
0x43c: {  	_ =	swait.ge [sflag:s22], $0x2800  }
0x43d: {  	s30 =	sld [smem:$0x7A1]  }
0x43e: {  	[sflag:s22] =	ssyncset.done $0x0  }
0x43f: {  	[sflag:s22] =	ssyncadd.s32 $0xFFFFD800  }
0x440: {  	[hbm4b:s30+s2] =	stream.linear.scatter [tilespmem:s11], [sflag:$0xB], $0x2800, $0x38;
	[tilespmem:$0x16000] =	vst v63  }
0x441: {  	_ =	swait.ge [sflag:s10], $0x2800  }
0x442: {  	s30 =	sld [smem:$0x7E7]  }
0x443: {  	[sflag:s10] =	ssyncset.done $0x0  }
0x444: {  	[sflag:s10] =	ssyncadd.s32 $0xFFFFD800  }
0x445: {  	[tilespmem:s13], [sflag:$0x2] =	stream.indirect.gather [hbm4b:s3+s12], $0x80, s30, s12, $0xb8;
	[tilespmem:$0x16000] =	vst v63  }
0x446: {  	_ =	swait.ge [sflag:s23], $0x2800  }
0x447: {  	s30 =	sld [smem:$0x7A2]  }
0x448: {  	[sflag:s23] =	ssyncset.done $0x0  }
0x449: {  	[sflag:s23] =	ssyncadd.s32 $0xFFFFD800  }
0x44a: {  	[hbm4b:s30+s2] =	stream.linear.scatter [tilespmem:s9], [sflag:$0xC], $0x2800, $0x38;
	[tilespmem:$0x16000] =	vst v63  }
0x44b: {  	_ =	swait.ge [sflag:s14], $0x2800  }
0x44c: {  	s30 =	sld [smem:$0x7E8]  }
0x44d: {  	[sflag:s14] =	ssyncset.done $0x0  }
0x44e: {  	[sflag:s14] =	ssyncadd.s32 $0xFFFFD800  }
0x44f: {  	[tilespmem:s11], [sflag:$0x3] =	stream.indirect.gather [hbm4b:s3+s12], $0x80, s30, s12, $0xb8;
	[tilespmem:$0x16000] =	vst v63  }
0x450: {  	_ =	swait.ge [sflag:s25], $0x2800  }
0x451: {  	s30 =	sld [smem:$0x7A3]  }
0x452: {  	[sflag:s25] =	ssyncset.done $0x0  }
0x453: {  	[sflag:s25] =	ssyncadd.s32 $0xFFFFD800  }
0x454: {  	[hbm4b:s30+s2] =	stream.linear.scatter [tilespmem:s7], [sflag:$0xD], $0x2800, $0x38;
	[tilespmem:$0x16000] =	vst v63  }
0x455: {  	_ =	swait.ge [sflag:s15], $0x2800  }
0x456: {  	s30 =	sld [smem:$0x7E9]  }
0x457: {  	[sflag:s15] =	ssyncset.done $0x0  }
0x458: {  	[sflag:s15] =	ssyncadd.s32 $0xFFFFD800  }
0x459: {  	[tilespmem:s9], [sflag:$0x4] =	stream.indirect.gather [hbm4b:s3+s12], $0x80, s30, s12, $0xb8;
	[tilespmem:$0x16000] =	vst v63  }
0x45a: {  	_ =	swait.ge [sflag:s26], $0x2800  }
0x45b: {  	s30 =	sld [smem:$0x7A4]  }
0x45c: {  	[sflag:s26] =	ssyncset.done $0x0  }
0x45d: {  	[sflag:s26] =	ssyncadd.s32 $0xFFFFD800  }
0x45e: {  	[hbm4b:s30+s2] =	stream.linear.scatter [tilespmem:s6], [sflag:$0xE], $0x2800, $0x38;
	[tilespmem:$0x16000] =	vst v63  }
0x45f: {  	_ =	swait.ge [sflag:s20], $0x2800  }
0x460: {  	s30 =	sld [smem:$0x7EA]  }
0x461: {  	[sflag:s20] =	ssyncset.done $0x0  }
0x462: {  	[sflag:s20] =	ssyncadd.s32 $0xFFFFD800  }
0x463: {  	[tilespmem:s7], [sflag:$0x5] =	stream.indirect.gather [hbm4b:s3+s12], $0x80, s30, s12, $0xb8;
	[tilespmem:$0x16000] =	vst v63  }
0x464: {  	_ =	swait.ge [sflag:s28], $0x2800  }
0x465: {  	s30 =	sld [smem:$0x7A5]  }
0x466: {  	[sflag:s28] =	ssyncset.done $0x0  }
0x467: {  	[sflag:s28] =	ssyncadd.s32 $0xFFFFD800  }
0x468: {  	[hbm4b:s30+s2] =	stream.linear.scatter [tilespmem:s5], [sflag:$0xF], $0x2800, $0x38;
	[tilespmem:$0x16000] =	vst v63  }
0x469: {  	_ =	swait.ge [sflag:s19], $0x2800  }
0x46a: {  	s30 =	sld [smem:$0x7EB]  }
0x46b: {  	[sflag:s19] =	ssyncset.done $0x0  }
0x46c: {  	[sflag:s19] =	ssyncadd.s32 $0xFFFFD800  }
0x46d: {  	[tilespmem:s6], [sflag:$0x6] =	stream.indirect.gather [hbm4b:s3+s12], $0x80, s30, s12, $0xb8;
	[tilespmem:$0x16000] =	vst v63  }
0x46e: {  	_ =	swait.ge [sflag:s24], $0x2800  }
0x46f: {  	s30 =	sld [smem:$0x7A6]  }
0x470: {  	[sflag:s24] =	ssyncset.done $0x0  }
0x471: {  	[sflag:s24] =	ssyncadd.s32 $0xFFFFD800  }
0x472: {  	[hbm4b:s30+s2] =	stream.linear.scatter [tilespmem:s4], [sflag:$0x10], $0x2800, $0x38;
	[tilespmem:$0x16000] =	vst v63  }
0x473: {  	_ =	swait.ge [sflag:s17], $0x2800  }
0x474: {  	s30 =	sld [smem:$0x7EC]  }
0x475: {  	[sflag:s17] =	ssyncset.done $0x0  }
0x476: {  	[sflag:s17] =	ssyncadd.s32 $0xFFFFD800  }
0x477: {  	[tilespmem:s5], [sflag:$0x7] =	stream.indirect.gather [hbm4b:s3+s12], $0x80, s30, s12, $0xb8;
	[tilespmem:$0x16000] =	vst v63  }
0x478: {  	_ =	swait.ge [sflag:s29], $0x2800  }
0x479: {  	s30 =	sld [smem:$0x7A7]  }
0x47a: {  	[sflag:s29] =	ssyncset.done $0x0  }
0x47b: {  	[sflag:s29] =	ssyncadd.s32 $0xFFFFD800  }
0x47c: {  	[hbm4b:s30+s2] =	stream.linear.scatter [tilespmem:s18], [sflag:$0x9], $0x2800, $0x38;
	[tilespmem:$0x16000] =	vst v63  }
0x47d: {  	_ =	swait.ge [sflag:s16], $0x2800  }
0x47e: {  	s30 =	sld [smem:$0x7ED]  }
0x47f: {  	[sflag:s16] =	ssyncset.done $0x0  }
0x480: {  	[sflag:s16] =	ssyncadd.s32 $0xFFFFD800  }
0x481: {  	[tilespmem:s4], [sflag:$0x8] =	stream.indirect.gather [hbm4b:s3+s12], $0x80, s30, s12, $0xb8;
	[tilespmem:$0x16000] =	vst v63  }
0x482: {  	_ =	swait.ge [sflag:s21], $0x2800  }
0x483: {  	s30 =	sld [smem:$0x7A8]  }
0x484: {  	[sflag:s21] =	ssyncset.done $0x0  }
0x485: {  	[sflag:s21] =	ssyncadd.s32 $0xFFFFD800  }
0x486: {  	[hbm4b:s30+s2] =	stream.linear.scatter [tilespmem:s13], [sflag:$0xA], $0x2800, $0x38;
	[tilespmem:$0x16000] =	vst v63  }
0x487: {  	_ =	swait.ge [sflag:s8], $0x2800  }
0x488: {  	s30 =	sld [smem:$0x7EE]  }
0x489: {  	[sflag:s8] =	ssyncset.done $0x0  }
0x48a: {  	[sflag:s8] =	ssyncadd.s32 $0xFFFFD800  }
0x48b: {  	[tilespmem:s18], [sflag:$0x1] =	stream.indirect.gather [hbm4b:s3+s12], $0x80, s30, s12, $0xb8;
	[tilespmem:$0x16000] =	vst v63  }
0x48c: {  	_ =	swait.ge [sflag:s22], $0x2800  }
0x48d: {  	s30 =	sld [smem:$0x7A9]  }
0x48e: {  	[sflag:s22] =	ssyncset.done $0x0  }
0x48f: {  	[sflag:s22] =	ssyncadd.s32 $0xFFFFD800  }
0x490: {  	[hbm4b:s30+s2] =	stream.linear.scatter [tilespmem:s11], [sflag:$0xB], $0x2800, $0x38;
	[tilespmem:$0x16000] =	vst v63  }
0x491: {  	_ =	swait.ge [sflag:s10], $0x2800  }
0x492: {  	s30 =	sld [smem:$0x7EF]  }
0x493: {  	[sflag:s10] =	ssyncset.done $0x0  }
0x494: {  	[sflag:s10] =	ssyncadd.s32 $0xFFFFD800  }
0x495: {  	[tilespmem:s13], [sflag:$0x2] =	stream.indirect.gather [hbm4b:s3+s12], $0x80, s30, s12, $0xb8;
	[tilespmem:$0x16000] =	vst v63  }
0x496: {  	_ =	swait.ge [sflag:s23], $0x2800  }
0x497: {  	s30 =	sld [smem:$0x7AA]  }
0x498: {  	[sflag:s23] =	ssyncset.done $0x0  }
0x499: {  	[sflag:s23] =	ssyncadd.s32 $0xFFFFD800  }
0x49a: {  	[hbm4b:s30+s2] =	stream.linear.scatter [tilespmem:s9], [sflag:$0xC], $0x2800, $0x38;
	[tilespmem:$0x16000] =	vst v63  }
0x49b: {  	_ =	swait.ge [sflag:s14], $0x2800  }
0x49c: {  	s30 =	sld [smem:$0x7F0]  }
0x49d: {  	[sflag:s14] =	ssyncset.done $0x0  }
0x49e: {  	[sflag:s14] =	ssyncadd.s32 $0xFFFFD800  }
0x49f: {  	[tilespmem:s11], [sflag:$0x3] =	stream.indirect.gather [hbm4b:s3+s12], $0x80, s30, s12, $0xb8;
	[tilespmem:$0x16000] =	vst v63  }
0x4a0: {  	_ =	swait.ge [sflag:s25], $0x2800  }
0x4a1: {  	s30 =	sld [smem:$0x7AB]  }
0x4a2: {  	[sflag:s25] =	ssyncset.done $0x0  }
0x4a3: {  	[sflag:s25] =	ssyncadd.s32 $0xFFFFD800  }
0x4a4: {  	[hbm4b:s30+s2] =	stream.linear.scatter [tilespmem:s7], [sflag:$0xD], $0x2800, $0x38;
	[tilespmem:$0x16000] =	vst v63  }
0x4a5: {  	_ =	swait.ge [sflag:s15], $0x2800  }
0x4a6: {  	s30 =	sld [smem:$0x7F1]  }
0x4a7: {  	[sflag:s15] =	ssyncset.done $0x0  }
0x4a8: {  	[sflag:s15] =	ssyncadd.s32 $0xFFFFD800  }
0x4a9: {  	[tilespmem:s9], [sflag:$0x4] =	stream.indirect.gather [hbm4b:s3+s12], $0x80, s30, s12, $0xb8;
	[tilespmem:$0x16000] =	vst v63  }
0x4aa: {  	_ =	swait.ge [sflag:s26], $0x2800  }
0x4ab: {  	s30 =	sld [smem:$0x7AC]  }
0x4ac: {  	[sflag:s26] =	ssyncset.done $0x0  }
0x4ad: {  	[sflag:s26] =	ssyncadd.s32 $0xFFFFD800  }
0x4ae: {  	[hbm4b:s30+s2] =	stream.linear.scatter [tilespmem:s6], [sflag:$0xE], $0x2800, $0x38;
	[tilespmem:$0x16000] =	vst v63  }
0x4af: {  	_ =	swait.ge [sflag:s20], $0x2800  }
0x4b0: {  	s30 =	sld [smem:$0x7F2]  }
0x4b1: {  	[sflag:s20] =	ssyncset.done $0x0  }
0x4b2: {  	[sflag:s20] =	ssyncadd.s32 $0xFFFFD800  }
0x4b3: {  	[tilespmem:s7], [sflag:$0x5] =	stream.indirect.gather [hbm4b:s3+s12], $0x80, s30, s12, $0xb8;
	[tilespmem:$0x16000] =	vst v63  }
0x4b4: {  	_ =	swait.ge [sflag:s28], $0x2800  }
0x4b5: {  	s30 =	sld [smem:$0x7AD]  }
0x4b6: {  	[sflag:s28] =	ssyncset.done $0x0  }
0x4b7: {  	[sflag:s28] =	ssyncadd.s32 $0xFFFFD800  }
0x4b8: {  	[hbm4b:s30+s2] =	stream.linear.scatter [tilespmem:s5], [sflag:$0xF], $0x2800, $0x38;
	[tilespmem:$0x16000] =	vst v63  }
0x4b9: {  	_ =	swait.ge [sflag:s19], $0x2800  }
0x4ba: {  	s30 =	sld [smem:$0x7F3]  }
0x4bb: {  	[sflag:s19] =	ssyncset.done $0x0  }
0x4bc: {  	[sflag:s19] =	ssyncadd.s32 $0xFFFFD800  }
0x4bd: {  	[tilespmem:s6], [sflag:$0x6] =	stream.indirect.gather [hbm4b:s3+s12], $0x80, s30, s12, $0xb8;
	[tilespmem:$0x16000] =	vst v63  }
0x4be: {  	_ =	swait.ge [sflag:s24], $0x2800  }
0x4bf: {  	s30 =	sld [smem:$0x7AE]  }
0x4c0: {  	[sflag:s24] =	ssyncset.done $0x0  }
0x4c1: {  	[sflag:s24] =	ssyncadd.s32 $0xFFFFD800  }
0x4c2: {  	[hbm4b:s30+s2] =	stream.linear.scatter [tilespmem:s4], [sflag:$0x10], $0x2800, $0x38;
	[tilespmem:$0x16000] =	vst v63  }
0x4c3: {  	_ =	swait.ge [sflag:s17], $0x2800  }
0x4c4: {  	s30 =	sld [smem:$0x7F4]  }
0x4c5: {  	[sflag:s17] =	ssyncset.done $0x0  }
0x4c6: {  	[sflag:s17] =	ssyncadd.s32 $0xFFFFD800  }
0x4c7: {  	[tilespmem:s5], [sflag:$0x7] =	stream.indirect.gather [hbm4b:s3+s12], $0x80, s30, s12, $0xb8;
	[tilespmem:$0x16000] =	vst v63  }
0x4c8: {  	_ =	swait.ge [sflag:s29], $0x2800  }
0x4c9: {  	s30 =	sld [smem:$0x7AF]  }
0x4ca: {  	[sflag:s29] =	ssyncset.done $0x0  }
0x4cb: {  	[sflag:s29] =	ssyncadd.s32 $0xFFFFD800  }
0x4cc: {  	[hbm4b:s30+s2] =	stream.linear.scatter [tilespmem:s18], [sflag:$0x9], $0x2800, $0x38;
	[tilespmem:$0x16000] =	vst v63  }
0x4cd: {  	_ =	swait.ge [sflag:s16], $0x2800  }
0x4ce: {  	s30 =	sld [smem:$0x7F5]  }
0x4cf: {  	[sflag:s16] =	ssyncset.done $0x0  }
0x4d0: {  	[sflag:s16] =	ssyncadd.s32 $0xFFFFD800  }
0x4d1: {  	[tilespmem:s4], [sflag:$0x8] =	stream.indirect.gather [hbm4b:s3+s12], $0x80, s30, s12, $0xb8;
	[tilespmem:$0x16000] =	vst v63  }
0x4d2: {  	_ =	swait.ge [sflag:s21], $0x2800  }
0x4d3: {  	s30 =	sld [smem:$0x7B0]  }
0x4d4: {  	[sflag:s21] =	ssyncset.done $0x0  }
0x4d5: {  	[sflag:s21] =	ssyncadd.s32 $0xFFFFD800  }
0x4d6: {  	[hbm4b:s30+s2] =	stream.linear.scatter [tilespmem:s13], [sflag:$0xA], $0x2800, $0x38;
	[tilespmem:$0x16000] =	vst v63  }
0x4d7: {  	_ =	swait.ge [sflag:s8], $0x2800  }
0x4d8: {  	s30 =	sld [smem:$0x7F6]  }
0x4d9: {  	[sflag:s8] =	ssyncset.done $0x0  }
0x4da: {  	[sflag:s8] =	ssyncadd.s32 $0xFFFFD800  }
0x4db: {  	[tilespmem:s18], [sflag:$0x1] =	stream.indirect.gather [hbm4b:s3+s12], $0x80, s30, s12, $0xb8;
	[tilespmem:$0x16000] =	vst v63  }
0x4dc: {  	_ =	swait.ge [sflag:s22], $0x2800  }
0x4dd: {  	s30 =	sld [smem:$0x7B1]  }
0x4de: {  	[sflag:s22] =	ssyncset.done $0x0  }
0x4df: {  	[sflag:s22] =	ssyncadd.s32 $0xFFFFD800  }
0x4e0: {  	[hbm4b:s30+s2] =	stream.linear.scatter [tilespmem:s11], [sflag:$0xB], $0x2800, $0x38;
	[tilespmem:$0x16000] =	vst v63  }
0x4e1: {  	_ =	swait.ge [sflag:s10], $0x2800  }
0x4e2: {  	s30 =	sld [smem:$0x7F7]  }
0x4e3: {  	[sflag:s10] =	ssyncset.done $0x0  }
0x4e4: {  	[sflag:s10] =	ssyncadd.s32 $0xFFFFD800  }
0x4e5: {  	[tilespmem:s13], [sflag:$0x2] =	stream.indirect.gather [hbm4b:s3+s12], $0x80, s30, s12, $0xb8;
	[tilespmem:$0x16000] =	vst v63  }
0x4e6: {  	_ =	swait.ge [sflag:s23], $0x2800  }
0x4e7: {  	s30 =	sld [smem:$0x7B2]  }
0x4e8: {  	[sflag:s23] =	ssyncset.done $0x0  }
0x4e9: {  	[sflag:s23] =	ssyncadd.s32 $0xFFFFD800  }
0x4ea: {  	[hbm4b:s30+s2] =	stream.linear.scatter [tilespmem:s9], [sflag:$0xC], $0x2800, $0x38;
	[tilespmem:$0x16000] =	vst v63  }
0x4eb: {  	_ =	swait.ge [sflag:s14], $0x2800  }
0x4ec: {  	s30 =	sld [smem:$0x7F8]  }
0x4ed: {  	[sflag:s14] =	ssyncset.done $0x0  }
0x4ee: {  	[sflag:s14] =	ssyncadd.s32 $0xFFFFD800  }
0x4ef: {  	[tilespmem:s11], [sflag:$0x3] =	stream.indirect.gather [hbm4b:s3+s12], $0x80, s30, s12, $0xb8;
	[tilespmem:$0x16000] =	vst v63  }
0x4f0: {  	_ =	swait.ge [sflag:s25], $0x2800  }
0x4f1: {  	s30 =	sld [smem:$0x7B3]  }
0x4f2: {  	[sflag:s25] =	ssyncset.done $0x0  }
0x4f3: {  	[sflag:s25] =	ssyncadd.s32 $0xFFFFD800  }
0x4f4: {  	[hbm4b:s30+s2] =	stream.linear.scatter [tilespmem:s7], [sflag:$0xD], $0x2800, $0x38;
	[tilespmem:$0x16000] =	vst v63  }
0x4f5: {  	_ =	swait.ge [sflag:s15], $0x2800  }
0x4f6: {  	s30 =	sld [smem:$0x7F9]  }
0x4f7: {  	[sflag:s15] =	ssyncset.done $0x0  }
0x4f8: {  	[sflag:s15] =	ssyncadd.s32 $0xFFFFD800  }
0x4f9: {  	[tilespmem:s9], [sflag:$0x4] =	stream.indirect.gather [hbm4b:s3+s12], $0x80, s30, s12, $0xb8;
	[tilespmem:$0x16000] =	vst v63  }
0x4fa: {  	_ =	swait.ge [sflag:s26], $0x2800  }
0x4fb: {  	s30 =	sld [smem:$0x7B4]  }
0x4fc: {  	[sflag:s26] =	ssyncset.done $0x0  }
0x4fd: {  	[sflag:s26] =	ssyncadd.s32 $0xFFFFD800  }
0x4fe: {  	[hbm4b:s30+s2] =	stream.linear.scatter [tilespmem:s6], [sflag:$0xE], $0x2800, $0x38;
	[tilespmem:$0x16000] =	vst v63  }
0x4ff: {  	_ =	swait.ge [sflag:s20], $0x2800  }
0x500: {  	s30 =	sld [smem:$0x7FA]  }
0x501: {  	[sflag:s20] =	ssyncset.done $0x0  }
0x502: {  	[sflag:s20] =	ssyncadd.s32 $0xFFFFD800  }
0x503: {  	[tilespmem:s7], [sflag:$0x5] =	stream.indirect.gather [hbm4b:s3+s12], $0x80, s30, s12, $0xb8;
	[tilespmem:$0x16000] =	vst v63  }
0x504: {  	_ =	swait.ge [sflag:s28], $0x2800  }
0x505: {  	s30 =	sld [smem:$0x7B5]  }
0x506: {  	[sflag:s28] =	ssyncset.done $0x0  }
0x507: {  	[sflag:s28] =	ssyncadd.s32 $0xFFFFD800  }
0x508: {  	[hbm4b:s30+s2] =	stream.linear.scatter [tilespmem:s5], [sflag:$0xF], $0x2800, $0x38;
	[tilespmem:$0x16000] =	vst v63  }
0x509: {  	_ =	swait.ge [sflag:s19], $0x2800  }
0x50a: {  	s30 =	sld [smem:$0x7FB]  }
0x50b: {  	[sflag:s19] =	ssyncset.done $0x0  }
0x50c: {  	[sflag:s19] =	ssyncadd.s32 $0xFFFFD800  }
0x50d: {  	[tilespmem:s6], [sflag:$0x6] =	stream.indirect.gather [hbm4b:s3+s12], $0x80, s30, s12, $0xb8;
	[tilespmem:$0x16000] =	vst v63  }
0x50e: {  	_ =	swait.ge [sflag:s24], $0x2800  }
0x50f: {  	s30 =	sld [smem:$0x7B6]  }
0x510: {  	[sflag:s24] =	ssyncset.done $0x0  }
0x511: {  	[sflag:s24] =	ssyncadd.s32 $0xFFFFD800  }
0x512: {  	[hbm4b:s30+s2] =	stream.linear.scatter [tilespmem:s4], [sflag:$0x10], $0x2800, $0x38;
	[tilespmem:$0x16000] =	vst v63  }
0x513: {  	_ =	swait.ge [sflag:s17], $0x2800  }
0x514: {  	s30 =	sld [smem:$0x7FC]  }
0x515: {  	[sflag:s17] =	ssyncset.done $0x0  }
0x516: {  	[sflag:s17] =	ssyncadd.s32 $0xFFFFD800  }
0x517: {  	[tilespmem:s5], [sflag:$0x7] =	stream.indirect.gather [hbm4b:s3+s12], $0x80, s30, s12, $0xb8;
	[tilespmem:$0x16000] =	vst v63  }
0x518: {  	_ =	swait.ge [sflag:s29], $0x2800  }
0x519: {  	s30 =	sld [smem:$0x7B7]  }
0x51a: {  	[sflag:s29] =	ssyncset.done $0x0  }
0x51b: {  	[sflag:s29] =	ssyncadd.s32 $0xFFFFD800  }
0x51c: {  	[hbm4b:s30+s2] =	stream.linear.scatter [tilespmem:s18], [sflag:$0x9], $0x2800, $0x38;
	[tilespmem:$0x16000] =	vst v63  }
0x51d: {  	_ =	swait.ge [sflag:s16], $0x2800  }
0x51e: {  	s30 =	sld [smem:$0x7FD]  }
0x51f: {  	[sflag:s16] =	ssyncset.done $0x0  }
0x520: {  	[sflag:s16] =	ssyncadd.s32 $0xFFFFD800  }
0x521: {  	[tilespmem:s4], [sflag:$0x8] =	stream.indirect.gather [hbm4b:s3+s12], $0x80, s30, s12, $0xb8;
	[tilespmem:$0x16000] =	vst v63  }
0x522: {  	_ =	swait.ge [sflag:s21], $0x2800  }
0x523: {  	s30 =	sld [smem:$0x7B8]  }
0x524: {  	[sflag:s21] =	ssyncset.done $0x0  }
0x525: {  	[sflag:s21] =	ssyncadd.s32 $0xFFFFD800  }
0x526: {  	[hbm4b:s30+s2] =	stream.linear.scatter [tilespmem:s13], [sflag:$0xA], $0x2800, $0x38;
	[tilespmem:$0x16000] =	vst v63  }
0x527: {  	_ =	swait.ge [sflag:s22], $0x2800  }
0x528: {  	s30 =	sld [smem:$0x7B9]  }
0x529: {  	[sflag:s22] =	ssyncset.done $0x0  }
0x52a: {  	[sflag:s22] =	ssyncadd.s32 $0xFFFFD800  }
0x52b: {  	[hbm4b:s30+s2] =	stream.linear.scatter [tilespmem:s11], [sflag:$0xB], $0x2800, $0x38;
	[tilespmem:$0x16000] =	vst v63  }
0x52c: {  	_ =	swait.ge [sflag:s23], $0x2800  }
0x52d: {  	s30 =	sld [smem:$0x7BA]  }
0x52e: {  	[sflag:s23] =	ssyncset.done $0x0  }
0x52f: {  	[sflag:s23] =	ssyncadd.s32 $0xFFFFD800  }
0x530: {  	[hbm4b:s30+s2] =	stream.linear.scatter [tilespmem:s9], [sflag:$0xC], $0x2800, $0x38;
	[tilespmem:$0x16000] =	vst v63  }
0x531: {  	_ =	swait.ge [sflag:s25], $0x2800  }
0x532: {  	s30 =	sld [smem:$0x7BB]  }
0x533: {  	[sflag:s25] =	ssyncset.done $0x0  }
0x534: {  	[sflag:s25] =	ssyncadd.s32 $0xFFFFD800  }
0x535: {  	[hbm4b:s30+s2] =	stream.linear.scatter [tilespmem:s7], [sflag:$0xD], $0x2800, $0x38;
	[tilespmem:$0x16000] =	vst v63  }
0x536: {  	_ =	swait.ge [sflag:s26], $0x2800  }
0x537: {  	s30 =	sld [smem:$0x7BC]  }
0x538: {  	[sflag:s26] =	ssyncset.done $0x0  }
0x539: {  	[sflag:s26] =	ssyncadd.s32 $0xFFFFD800  }
0x53a: {  	[hbm4b:s30+s2] =	stream.linear.scatter [tilespmem:s6], [sflag:$0xE], $0x2800, $0x38;
	[tilespmem:$0x16000] =	vst v63  }
0x53b: {  	_ =	swait.ge [sflag:s28], $0x2800  }
0x53c: {  	s30 =	sld [smem:$0x7BD]  }
0x53d: {  	[sflag:s28] =	ssyncset.done $0x0  }
0x53e: {  	[sflag:s28] =	ssyncadd.s32 $0xFFFFD800  }
0x53f: {  	[hbm4b:s30+s2] =	stream.linear.scatter [tilespmem:s5], [sflag:$0xF], $0x2800, $0x38;
	[tilespmem:$0x16000] =	vst v63  }
0x540: {  	_ =	swait.ge [sflag:s24], $0x2800  }
0x541: {  	s30 =	sld [smem:$0x7BE]  }
0x542: {  	[sflag:s24] =	ssyncset.done $0x0  }
0x543: {  	[sflag:s24] =	ssyncadd.s32 $0xFFFFD800  }
0x544: {  	[hbm4b:s30+s2] =	stream.linear.scatter [tilespmem:s4], [sflag:$0x10], $0x2800, $0x38;
	[tilespmem:$0x16000] =	vst v63  }
0x545: {  	_ =	swait.ge [sflag:s8], $0x2800  }
0x546: {  	[sflag:s8] =	ssyncset.done $0x0  }
0x547: {  	[sflag:s8] =	ssyncadd.s32 $0xFFFFD800  }
0x548: {  	_ =	swait.ge [sflag:s10], $0x2800  }
0x549: {  	[sflag:s10] =	ssyncset.done $0x0  }
0x54a: {  	[sflag:s10] =	ssyncadd.s32 $0xFFFFD800  }
0x54b: {  	_ =	swait.ge [sflag:s14], $0x2800  }
0x54c: {  	[sflag:s14] =	ssyncset.done $0x0  }
0x54d: {  	[sflag:s14] =	ssyncadd.s32 $0xFFFFD800  }
0x54e: {  	_ =	swait.ge [sflag:s15], $0x2800  }
0x54f: {  	[sflag:s15] =	ssyncset.done $0x0  }
0x550: {  	[sflag:s15] =	ssyncadd.s32 $0xFFFFD800  }
0x551: {  	_ =	swait.ge [sflag:s20], $0x2800  }
0x552: {  	[sflag:s20] =	ssyncset.done $0x0  }
0x553: {  	[sflag:s20] =	ssyncadd.s32 $0xFFFFD800  }
0x554: {  	_ =	swait.ge [sflag:s19], $0x2800  }
0x555: {  	[sflag:s19] =	ssyncset.done $0x0  }
0x556: {  	p1 =	sne.s32 s1, $0x1;
	[sflag:s19] =	ssyncadd.s32 $0xFFFFD800  }
.Ltmp2:
0x557: {  	_ =	swait.ge [sflag:s17], $0x2800;
	(pc) =	sbr.rel @p1 .LBB2_4-.Ltmp2, $4  }
0x558: {  	[sflag:s17] =	ssyncset.done $0x0  }
0x559: {  	[sflag:s17] =	ssyncadd.s32 $0xFFFFD800  }
0x55a: {  	_ =	swait.ge [sflag:s16], $0x2800  }
0x55b: {  	s1 =	sadd.s32 $0xFFFFFFFF, s1;
	s0 =	rddreg [dreg:$0x4];
	[sflag:s16] =	ssyncset.done $0x0  }
0x55c: {  	s30 =	sld [smem:$0x79A]  }
.LBB2_6:
0x55d: {  	[sflag:s16] =	ssyncadd.s32 @p0 $0xFFFFD800  }
0x55e: {  	[tilespmem:s2], [sflag:$0x11] =	stream.linear.gather [hbm4b:s0+s2], $0x2000, $0x38;
	[tilespmem:$0x16000] =	vst v63  }
0x55f: {  	_ =	swait.ge [sflag:s31], $0x2000  }
0x560: {  	[sflag:s31] =	ssyncset.done $0x0  }
0x561: {  	[sflag:s31] =	ssyncadd.s32 $0xFFFFE000;
	s31 =	sld [smem:$0x7BF]  }
0x562: {  	[tilespmem:s18], [sflag:$0x1] =	stream.indirect.gather [hbm4b:s3+s12], $0x80, s2, s12, $0xb8;
	[tilespmem:$0x16000] =	vst v63  }
0x563: {  	s1 =	sld [smem:$0x7C0]  }
0x564: {  	[tilespmem:s13], [sflag:$0x2] =	stream.indirect.gather [hbm4b:s3+s12], $0x80, s31, s12, $0xb8;
	[tilespmem:$0x16000] =	vst v63  }
0x565: {  	s31 =	sld [smem:$0x7C1]  }
0x566: {  	[tilespmem:s11], [sflag:$0x3] =	stream.indirect.gather [hbm4b:s3+s12], $0x80, s1, s12, $0xb8;
	[tilespmem:$0x16000] =	vst v63  }
0x567: {  	s1 =	sld [smem:$0x7C2]  }
0x568: {  	[tilespmem:s9], [sflag:$0x4] =	stream.indirect.gather [hbm4b:s3+s12], $0x80, s31, s12, $0xb8;
	[tilespmem:$0x16000] =	vst v63  }
0x569: {  	s31 =	sld [smem:$0x7C3]  }
0x56a: {  	[tilespmem:s7], [sflag:$0x5] =	stream.indirect.gather [hbm4b:s3+s12], $0x80, s1, s12, $0xb8;
	[tilespmem:$0x16000] =	vst v63  }
0x56b: {  	_ = 	snop  }
0x56c: {  	[tilespmem:s6], [sflag:$0x6] =	stream.indirect.gather [hbm4b:s3+s12], $0x80, s31, s12, $0xb8;
	[tilespmem:$0x16000] =	vst v63  }
0x56d: {  	s31 =	sld [smem:$0x7C4];
	_ =	sdelay $0x1  }
0x56e: {  	s1 =	sld [smem:$0x7C5]  }
0x56f: {  	[tilespmem:s5], [sflag:$0x7] =	stream.indirect.gather [hbm4b:s3+s12], $0x80, s31, s12, $0xb8;
	[tilespmem:$0x16000] =	vst v63  }
0x570: {  	_ = 	snop  }
0x571: {  	[tilespmem:s4], [sflag:$0x8] =	stream.indirect.gather [hbm4b:s3+s12], $0x80, s1, s12, $0xb8;
	[tilespmem:$0x16000] =	vst v63  }
0x572: {  	_ =	swait.ge [sflag:s29], $0x2800  }
0x573: {  	[sflag:s29] =	ssyncset.done $0x0  }
0x574: {  	[sflag:s29] =	ssyncadd.s32 $0xFFFFD800  }
0x575: {  	[hbm4b:s30+s2] =	stream.linear.scatter [tilespmem:s18], [sflag:$0x9], $0x2800, $0x38;
	[tilespmem:$0x16000] =	vst v63  }
0x576: {  	_ =	swait.ge [sflag:s21], $0x2800  }
0x577: {  	[sflag:s21] =	ssyncset.done $0x0  }
0x578: {  	s1 =	rddreg [dreg:$0x5];
	[sflag:s21] =	ssyncadd.s32 $0xFFFFD800  }
0x579: {  	[hbm4b:s1+s2] =	stream.linear.scatter [tilespmem:s13], [sflag:$0xA], $0x2800, $0x38;
	[tilespmem:$0x16000] =	vst v63  }
0x57a: {  	_ =	swait.ge [sflag:s8], $0x2800  }
0x57b: {  	s30 =	sld [smem:$0x7C6]  }
0x57c: {  	[sflag:s8] =	ssyncset.done $0x0  }
0x57d: {  	[sflag:s8] =	ssyncadd.s32 $0xFFFFD800  }
0x57e: {  	[tilespmem:s18], [sflag:$0x1] =	stream.indirect.gather [hbm4b:s3+s12], $0x80, s30, s12, $0xb8;
	[tilespmem:$0x16000] =	vst v63  }
0x57f: {  	_ =	swait.ge [sflag:s22], $0x2800  }
0x580: {  	[sflag:s22] =	ssyncset.done $0x0  }
0x581: {  	s31 =	rddreg [dreg:$0x6];
	[sflag:s22] =	ssyncadd.s32 $0xFFFFD800  }
0x582: {  	[hbm4b:s31+s2] =	stream.linear.scatter [tilespmem:s11], [sflag:$0xB], $0x2800, $0x38;
	[tilespmem:$0x16000] =	vst v63  }
0x583: {  	_ =	swait.ge [sflag:s10], $0x2800  }
0x584: {  	s1 =	sld [smem:$0x7C7]  }
0x585: {  	[sflag:s10] =	ssyncset.done $0x0  }
0x586: {  	[sflag:s10] =	ssyncadd.s32 $0xFFFFD800  }
0x587: {  	[tilespmem:s13], [sflag:$0x2] =	stream.indirect.gather [hbm4b:s3+s12], $0x80, s1, s12, $0xb8;
	[tilespmem:$0x16000] =	vst v63  }
0x588: {  	_ =	swait.ge [sflag:s23], $0x2800  }
0x589: {  	[sflag:s23] =	ssyncset.done $0x0  }
0x58a: {  	s30 =	rddreg [dreg:$0x7];
	[sflag:s23] =	ssyncadd.s32 $0xFFFFD800  }
0x58b: {  	[hbm4b:s30+s2] =	stream.linear.scatter [tilespmem:s9], [sflag:$0xC], $0x2800, $0x38;
	[tilespmem:$0x16000] =	vst v63  }
0x58c: {  	_ =	swait.ge [sflag:s14], $0x2800  }
0x58d: {  	s31 =	sld [smem:$0x7C8]  }
0x58e: {  	[sflag:s14] =	ssyncset.done $0x0  }
0x58f: {  	[sflag:s14] =	ssyncadd.s32 $0xFFFFD800  }
0x590: {  	[tilespmem:s11], [sflag:$0x3] =	stream.indirect.gather [hbm4b:s3+s12], $0x80, s31, s12, $0xb8;
	[tilespmem:$0x16000] =	vst v63  }
0x591: {  	_ =	swait.ge [sflag:s25], $0x2800  }
0x592: {  	[sflag:s25] =	ssyncset.done $0x0  }
0x593: {  	s1 =	rddreg [dreg:$0x8];
	[sflag:s25] =	ssyncadd.s32 $0xFFFFD800  }
0x594: {  	[hbm4b:s1+s2] =	stream.linear.scatter [tilespmem:s7], [sflag:$0xD], $0x2800, $0x38;
	[tilespmem:$0x16000] =	vst v63  }
0x595: {  	_ =	swait.ge [sflag:s15], $0x2800  }
0x596: {  	s30 =	sld [smem:$0x7C9]  }
0x597: {  	[sflag:s15] =	ssyncset.done $0x0  }
0x598: {  	[sflag:s15] =	ssyncadd.s32 $0xFFFFD800  }
0x599: {  	[tilespmem:s9], [sflag:$0x4] =	stream.indirect.gather [hbm4b:s3+s12], $0x80, s30, s12, $0xb8;
	[tilespmem:$0x16000] =	vst v63  }
0x59a: {  	_ =	swait.ge [sflag:s26], $0x2800  }
0x59b: {  	[sflag:s26] =	ssyncset.done $0x0  }
0x59c: {  	s31 =	rddreg [dreg:$0x9];
	[sflag:s26] =	ssyncadd.s32 $0xFFFFD800  }
0x59d: {  	[hbm4b:s31+s2] =	stream.linear.scatter [tilespmem:s6], [sflag:$0xE], $0x2800, $0x38;
	[tilespmem:$0x16000] =	vst v63  }
0x59e: {  	_ =	swait.ge [sflag:s20], $0x2800  }
0x59f: {  	s1 =	sld [smem:$0x7CA]  }
0x5a0: {  	[sflag:s20] =	ssyncset.done $0x0  }
0x5a1: {  	[sflag:s20] =	ssyncadd.s32 $0xFFFFD800  }
0x5a2: {  	[tilespmem:s7], [sflag:$0x5] =	stream.indirect.gather [hbm4b:s3+s12], $0x80, s1, s12, $0xb8;
	[tilespmem:$0x16000] =	vst v63  }
0x5a3: {  	_ =	swait.ge [sflag:s28], $0x2800  }
0x5a4: {  	[sflag:s28] =	ssyncset.done $0x0  }
0x5a5: {  	s30 =	rddreg [dreg:$0xa];
	[sflag:s28] =	ssyncadd.s32 $0xFFFFD800  }
0x5a6: {  	[hbm4b:s30+s2] =	stream.linear.scatter [tilespmem:s5], [sflag:$0xF], $0x2800, $0x38;
	[tilespmem:$0x16000] =	vst v63  }
0x5a7: {  	_ =	swait.ge [sflag:s19], $0x2800  }
0x5a8: {  	s31 =	sld [smem:$0x7CB]  }
0x5a9: {  	[sflag:s19] =	ssyncset.done $0x0  }
0x5aa: {  	[sflag:s19] =	ssyncadd.s32 $0xFFFFD800  }
0x5ab: {  	[tilespmem:s6], [sflag:$0x6] =	stream.indirect.gather [hbm4b:s3+s12], $0x80, s31, s12, $0xb8;
	[tilespmem:$0x16000] =	vst v63  }
0x5ac: {  	_ =	swait.ge [sflag:s24], $0x2800  }
0x5ad: {  	[sflag:s24] =	ssyncset.done $0x0  }
0x5ae: {  	s1 =	rddreg [dreg:$0xb];
	[sflag:s24] =	ssyncadd.s32 $0xFFFFD800  }
0x5af: {  	[hbm4b:s1+s2] =	stream.linear.scatter [tilespmem:s4], [sflag:$0x10], $0x2800, $0x38;
	[tilespmem:$0x16000] =	vst v63  }
0x5b0: {  	_ =	swait.ge [sflag:s17], $0x2800  }
0x5b1: {  	s30 =	sld [smem:$0x7CC]  }
0x5b2: {  	[sflag:s17] =	ssyncset.done $0x0  }
0x5b3: {  	[sflag:s17] =	ssyncadd.s32 $0xFFFFD800  }
0x5b4: {  	[tilespmem:s5], [sflag:$0x7] =	stream.indirect.gather [hbm4b:s3+s12], $0x80, s30, s12, $0xb8;
	[tilespmem:$0x16000] =	vst v63  }
0x5b5: {  	_ =	swait.ge [sflag:s29], $0x2800  }
0x5b6: {  	[sflag:s29] =	ssyncset.done $0x0  }
0x5b7: {  	s31 =	rddreg [dreg:$0xc];
	[sflag:s29] =	ssyncadd.s32 $0xFFFFD800  }
0x5b8: {  	[hbm4b:s31+s2] =	stream.linear.scatter [tilespmem:s18], [sflag:$0x9], $0x2800, $0x38;
	[tilespmem:$0x16000] =	vst v63  }
0x5b9: {  	_ =	swait.ge [sflag:s16], $0x2800  }
0x5ba: {  	s1 =	sld [smem:$0x7CD]  }
0x5bb: {  	[sflag:s16] =	ssyncset.done $0x0  }
0x5bc: {  	[sflag:s16] =	ssyncadd.s32 $0xFFFFD800  }
0x5bd: {  	[tilespmem:s4], [sflag:$0x8] =	stream.indirect.gather [hbm4b:s3+s12], $0x80, s1, s12, $0xb8;
	[tilespmem:$0x16000] =	vst v63  }
0x5be: {  	_ =	swait.ge [sflag:s21], $0x2800  }
0x5bf: {  	[sflag:s21] =	ssyncset.done $0x0  }
0x5c0: {  	s30 =	rddreg [dreg:$0xd];
	[sflag:s21] =	ssyncadd.s32 $0xFFFFD800  }
0x5c1: {  	[hbm4b:s30+s2] =	stream.linear.scatter [tilespmem:s13], [sflag:$0xA], $0x2800, $0x38;
	[tilespmem:$0x16000] =	vst v63  }
0x5c2: {  	_ =	swait.ge [sflag:s8], $0x2800  }
0x5c3: {  	s31 =	sld [smem:$0x7CE]  }
0x5c4: {  	[sflag:s8] =	ssyncset.done $0x0  }
0x5c5: {  	[sflag:s8] =	ssyncadd.s32 $0xFFFFD800  }
0x5c6: {  	[tilespmem:s18], [sflag:$0x1] =	stream.indirect.gather [hbm4b:s3+s12], $0x80, s31, s12, $0xb8;
	[tilespmem:$0x16000] =	vst v63  }
0x5c7: {  	_ =	swait.ge [sflag:s22], $0x2800  }
0x5c8: {  	[sflag:s22] =	ssyncset.done $0x0  }
0x5c9: {  	s1 =	rddreg [dreg:$0xe];
	[sflag:s22] =	ssyncadd.s32 $0xFFFFD800  }
0x5ca: {  	[hbm4b:s1+s2] =	stream.linear.scatter [tilespmem:s11], [sflag:$0xB], $0x2800, $0x38;
	[tilespmem:$0x16000] =	vst v63  }
0x5cb: {  	_ =	swait.ge [sflag:s10], $0x2800  }
0x5cc: {  	s30 =	sld [smem:$0x7CF]  }
0x5cd: {  	[sflag:s10] =	ssyncset.done $0x0  }
0x5ce: {  	[sflag:s10] =	ssyncadd.s32 $0xFFFFD800  }
0x5cf: {  	[tilespmem:s13], [sflag:$0x2] =	stream.indirect.gather [hbm4b:s3+s12], $0x80, s30, s12, $0xb8;
	[tilespmem:$0x16000] =	vst v63  }
0x5d0: {  	_ =	swait.ge [sflag:s23], $0x2800  }
0x5d1: {  	[sflag:s23] =	ssyncset.done $0x0  }
0x5d2: {  	s31 =	rddreg [dreg:$0xf];
	[sflag:s23] =	ssyncadd.s32 $0xFFFFD800  }
0x5d3: {  	[hbm4b:s31+s2] =	stream.linear.scatter [tilespmem:s9], [sflag:$0xC], $0x2800, $0x38;
	[tilespmem:$0x16000] =	vst v63  }
0x5d4: {  	_ =	swait.ge [sflag:s14], $0x2800  }
0x5d5: {  	s1 =	sld [smem:$0x7D0]  }
0x5d6: {  	[sflag:s14] =	ssyncset.done $0x0  }
0x5d7: {  	[sflag:s14] =	ssyncadd.s32 $0xFFFFD800  }
0x5d8: {  	[tilespmem:s11], [sflag:$0x3] =	stream.indirect.gather [hbm4b:s3+s12], $0x80, s1, s12, $0xb8;
	[tilespmem:$0x16000] =	vst v63  }
0x5d9: {  	_ =	swait.ge [sflag:s25], $0x2800  }
0x5da: {  	[sflag:s25] =	ssyncset.done $0x0  }
0x5db: {  	s30 =	rddreg [dreg:$0x10];
	[sflag:s25] =	ssyncadd.s32 $0xFFFFD800  }
0x5dc: {  	[hbm4b:s30+s2] =	stream.linear.scatter [tilespmem:s7], [sflag:$0xD], $0x2800, $0x38;
	[tilespmem:$0x16000] =	vst v63  }
0x5dd: {  	_ =	swait.ge [sflag:s15], $0x2800  }
0x5de: {  	s31 =	sld [smem:$0x7D1]  }
0x5df: {  	[sflag:s15] =	ssyncset.done $0x0  }
0x5e0: {  	[sflag:s15] =	ssyncadd.s32 $0xFFFFD800  }
0x5e1: {  	[tilespmem:s9], [sflag:$0x4] =	stream.indirect.gather [hbm4b:s3+s12], $0x80, s31, s12, $0xb8;
	[tilespmem:$0x16000] =	vst v63  }
0x5e2: {  	_ =	swait.ge [sflag:s26], $0x2800  }
0x5e3: {  	[sflag:s26] =	ssyncset.done $0x0  }
0x5e4: {  	s1 =	rddreg [dreg:$0x11];
	[sflag:s26] =	ssyncadd.s32 $0xFFFFD800  }
0x5e5: {  	[hbm4b:s1+s2] =	stream.linear.scatter [tilespmem:s6], [sflag:$0xE], $0x2800, $0x38;
	[tilespmem:$0x16000] =	vst v63  }
0x5e6: {  	_ =	swait.ge [sflag:s20], $0x2800  }
0x5e7: {  	s30 =	sld [smem:$0x7D2]  }
0x5e8: {  	[sflag:s20] =	ssyncset.done $0x0  }
0x5e9: {  	[sflag:s20] =	ssyncadd.s32 $0xFFFFD800  }
0x5ea: {  	[tilespmem:s7], [sflag:$0x5] =	stream.indirect.gather [hbm4b:s3+s12], $0x80, s30, s12, $0xb8;
	[tilespmem:$0x16000] =	vst v63  }
0x5eb: {  	_ =	swait.ge [sflag:s28], $0x2800  }
0x5ec: {  	[sflag:s28] =	ssyncset.done $0x0  }
0x5ed: {  	s31 =	rddreg [dreg:$0x12];
	[sflag:s28] =	ssyncadd.s32 $0xFFFFD800  }
0x5ee: {  	[hbm4b:s31+s2] =	stream.linear.scatter [tilespmem:s5], [sflag:$0xF], $0x2800, $0x38;
	[tilespmem:$0x16000] =	vst v63  }
0x5ef: {  	_ =	swait.ge [sflag:s19], $0x2800  }
0x5f0: {  	s1 =	sld [smem:$0x7D3]  }
0x5f1: {  	[sflag:s19] =	ssyncset.done $0x0  }
0x5f2: {  	[sflag:s19] =	ssyncadd.s32 $0xFFFFD800  }
0x5f3: {  	[tilespmem:s6], [sflag:$0x6] =	stream.indirect.gather [hbm4b:s3+s12], $0x80, s1, s12, $0xb8;
	[tilespmem:$0x16000] =	vst v63  }
0x5f4: {  	_ =	swait.ge [sflag:s24], $0x2800  }
0x5f5: {  	[sflag:s24] =	ssyncset.done $0x0  }
0x5f6: {  	s30 =	rddreg [dreg:$0x13];
	[sflag:s24] =	ssyncadd.s32 $0xFFFFD800  }
0x5f7: {  	[hbm4b:s30+s2] =	stream.linear.scatter [tilespmem:s4], [sflag:$0x10], $0x2800, $0x38;
	[tilespmem:$0x16000] =	vst v63  }
0x5f8: {  	_ =	swait.ge [sflag:s17], $0x2800  }
0x5f9: {  	s31 =	sld [smem:$0x7D4]  }
0x5fa: {  	[sflag:s17] =	ssyncset.done $0x0  }
0x5fb: {  	[sflag:s17] =	ssyncadd.s32 $0xFFFFD800  }
0x5fc: {  	[tilespmem:s5], [sflag:$0x7] =	stream.indirect.gather [hbm4b:s3+s12], $0x80, s31, s12, $0xb8;
	[tilespmem:$0x16000] =	vst v63  }
0x5fd: {  	_ =	swait.ge [sflag:s29], $0x2800  }
0x5fe: {  	[sflag:s29] =	ssyncset.done $0x0  }
0x5ff: {  	s1 =	rddreg [dreg:$0x14];
	[sflag:s29] =	ssyncadd.s32 $0xFFFFD800  }
0x600: {  	[hbm4b:s1+s2] =	stream.linear.scatter [tilespmem:s18], [sflag:$0x9], $0x2800, $0x38;
	[tilespmem:$0x16000] =	vst v63  }
0x601: {  	_ =	swait.ge [sflag:s16], $0x2800  }
0x602: {  	s30 =	sld [smem:$0x7D5]  }
0x603: {  	[sflag:s16] =	ssyncset.done $0x0  }
0x604: {  	[sflag:s16] =	ssyncadd.s32 $0xFFFFD800  }
0x605: {  	[tilespmem:s4], [sflag:$0x8] =	stream.indirect.gather [hbm4b:s3+s12], $0x80, s30, s12, $0xb8;
	[tilespmem:$0x16000] =	vst v63  }
0x606: {  	_ =	swait.ge [sflag:s21], $0x2800  }
0x607: {  	[sflag:s21] =	ssyncset.done $0x0  }
0x608: {  	s31 =	rddreg [dreg:$0x15];
	[sflag:s21] =	ssyncadd.s32 $0xFFFFD800  }
0x609: {  	[hbm4b:s31+s2] =	stream.linear.scatter [tilespmem:s13], [sflag:$0xA], $0x2800, $0x38;
	[tilespmem:$0x16000] =	vst v63  }
0x60a: {  	_ =	swait.ge [sflag:s8], $0x2800  }
0x60b: {  	s1 =	sld [smem:$0x7D6]  }
0x60c: {  	[sflag:s8] =	ssyncset.done $0x0  }
0x60d: {  	[sflag:s8] =	ssyncadd.s32 $0xFFFFD800  }
0x60e: {  	[tilespmem:s18], [sflag:$0x1] =	stream.indirect.gather [hbm4b:s3+s12], $0x80, s1, s12, $0xb8;
	[tilespmem:$0x16000] =	vst v63  }
0x60f: {  	_ =	swait.ge [sflag:s22], $0x2800  }
0x610: {  	[sflag:s22] =	ssyncset.done $0x0  }
0x611: {  	s30 =	rddreg [dreg:$0x16];
	[sflag:s22] =	ssyncadd.s32 $0xFFFFD800  }
0x612: {  	[hbm4b:s30+s2] =	stream.linear.scatter [tilespmem:s11], [sflag:$0xB], $0x2800, $0x38;
	[tilespmem:$0x16000] =	vst v63  }
0x613: {  	_ =	swait.ge [sflag:s10], $0x2800  }
0x614: {  	s31 =	sld [smem:$0x7D7]  }
0x615: {  	[sflag:s10] =	ssyncset.done $0x0  }
0x616: {  	[sflag:s10] =	ssyncadd.s32 $0xFFFFD800  }
0x617: {  	[tilespmem:s13], [sflag:$0x2] =	stream.indirect.gather [hbm4b:s3+s12], $0x80, s31, s12, $0xb8;
	[tilespmem:$0x16000] =	vst v63  }
0x618: {  	_ =	swait.ge [sflag:s23], $0x2800  }
0x619: {  	[sflag:s23] =	ssyncset.done $0x0  }
0x61a: {  	s1 =	rddreg [dreg:$0x17];
	[sflag:s23] =	ssyncadd.s32 $0xFFFFD800  }
0x61b: {  	[hbm4b:s1+s2] =	stream.linear.scatter [tilespmem:s9], [sflag:$0xC], $0x2800, $0x38;
	[tilespmem:$0x16000] =	vst v63  }
0x61c: {  	_ =	swait.ge [sflag:s14], $0x2800  }
0x61d: {  	s30 =	sld [smem:$0x7D8]  }
0x61e: {  	[sflag:s14] =	ssyncset.done $0x0  }
0x61f: {  	[sflag:s14] =	ssyncadd.s32 $0xFFFFD800  }
0x620: {  	[tilespmem:s11], [sflag:$0x3] =	stream.indirect.gather [hbm4b:s3+s12], $0x80, s30, s12, $0xb8;
	[tilespmem:$0x16000] =	vst v63  }
0x621: {  	_ =	swait.ge [sflag:s25], $0x2800  }
0x622: {  	[sflag:s25] =	ssyncset.done $0x0  }
0x623: {  	s31 =	rddreg [dreg:$0x18];
	[sflag:s25] =	ssyncadd.s32 $0xFFFFD800  }
0x624: {  	[hbm4b:s31+s2] =	stream.linear.scatter [tilespmem:s7], [sflag:$0xD], $0x2800, $0x38;
	[tilespmem:$0x16000] =	vst v63  }
0x625: {  	_ =	swait.ge [sflag:s15], $0x2800  }
0x626: {  	s1 =	sld [smem:$0x7D9]  }
0x627: {  	[sflag:s15] =	ssyncset.done $0x0  }
0x628: {  	[sflag:s15] =	ssyncadd.s32 $0xFFFFD800  }
0x629: {  	[tilespmem:s9], [sflag:$0x4] =	stream.indirect.gather [hbm4b:s3+s12], $0x80, s1, s12, $0xb8;
	[tilespmem:$0x16000] =	vst v63  }
0x62a: {  	_ =	swait.ge [sflag:s26], $0x2800  }
0x62b: {  	[sflag:s26] =	ssyncset.done $0x0  }
0x62c: {  	s30 =	rddreg [dreg:$0x19];
	[sflag:s26] =	ssyncadd.s32 $0xFFFFD800  }
0x62d: {  	[hbm4b:s30+s2] =	stream.linear.scatter [tilespmem:s6], [sflag:$0xE], $0x2800, $0x38;
	[tilespmem:$0x16000] =	vst v63  }
0x62e: {  	_ =	swait.ge [sflag:s20], $0x2800  }
0x62f: {  	s31 =	sld [smem:$0x7DA]  }
0x630: {  	[sflag:s20] =	ssyncset.done $0x0  }
0x631: {  	[sflag:s20] =	ssyncadd.s32 $0xFFFFD800  }
0x632: {  	[tilespmem:s7], [sflag:$0x5] =	stream.indirect.gather [hbm4b:s3+s12], $0x80, s31, s12, $0xb8;
	[tilespmem:$0x16000] =	vst v63  }
0x633: {  	_ =	swait.ge [sflag:s28], $0x2800  }
0x634: {  	[sflag:s28] =	ssyncset.done $0x0  }
0x635: {  	s1 =	rddreg [dreg:$0x1a];
	[sflag:s28] =	ssyncadd.s32 $0xFFFFD800  }
0x636: {  	[hbm4b:s1+s2] =	stream.linear.scatter [tilespmem:s5], [sflag:$0xF], $0x2800, $0x38;
	[tilespmem:$0x16000] =	vst v63  }
0x637: {  	_ =	swait.ge [sflag:s19], $0x2800  }
0x638: {  	s30 =	sld [smem:$0x7DB]  }
0x639: {  	[sflag:s19] =	ssyncset.done $0x0  }
0x63a: {  	[sflag:s19] =	ssyncadd.s32 $0xFFFFD800  }
0x63b: {  	[tilespmem:s6], [sflag:$0x6] =	stream.indirect.gather [hbm4b:s3+s12], $0x80, s30, s12, $0xb8;
	[tilespmem:$0x16000] =	vst v63  }
0x63c: {  	_ =	swait.ge [sflag:s24], $0x2800  }
0x63d: {  	[sflag:s24] =	ssyncset.done $0x0  }
0x63e: {  	s31 =	rddreg [dreg:$0x1b];
	[sflag:s24] =	ssyncadd.s32 $0xFFFFD800  }
0x63f: {  	[hbm4b:s31+s2] =	stream.linear.scatter [tilespmem:s4], [sflag:$0x10], $0x2800, $0x38;
	[tilespmem:$0x16000] =	vst v63  }
0x640: {  	_ =	swait.ge [sflag:s17], $0x2800  }
0x641: {  	s1 =	sld [smem:$0x7DC]  }
0x642: {  	[sflag:s17] =	ssyncset.done $0x0  }
0x643: {  	[sflag:s17] =	ssyncadd.s32 $0xFFFFD800  }
0x644: {  	[tilespmem:s5], [sflag:$0x7] =	stream.indirect.gather [hbm4b:s3+s12], $0x80, s1, s12, $0xb8;
	[tilespmem:$0x16000] =	vst v63  }
0x645: {  	_ =	swait.ge [sflag:s29], $0x2800  }
0x646: {  	[sflag:s29] =	ssyncset.done $0x0  }
0x647: {  	s30 =	rddreg [dreg:$0x1c];
	[sflag:s29] =	ssyncadd.s32 $0xFFFFD800  }
0x648: {  	[hbm4b:s30+s2] =	stream.linear.scatter [tilespmem:s18], [sflag:$0x9], $0x2800, $0x38;
	[tilespmem:$0x16000] =	vst v63  }
0x649: {  	_ =	swait.ge [sflag:s16], $0x2800  }
0x64a: {  	s31 =	sld [smem:$0x7DD]  }
0x64b: {  	[sflag:s16] =	ssyncset.done $0x0  }
0x64c: {  	[sflag:s16] =	ssyncadd.s32 $0xFFFFD800  }
0x64d: {  	[tilespmem:s4], [sflag:$0x8] =	stream.indirect.gather [hbm4b:s3+s12], $0x80, s31, s12, $0xb8;
	[tilespmem:$0x16000] =	vst v63  }
0x64e: {  	_ =	swait.ge [sflag:s21], $0x2800  }
0x64f: {  	[sflag:s21] =	ssyncset.done $0x0  }
0x650: {  	s1 =	rddreg [dreg:$0x1d];
	[sflag:s21] =	ssyncadd.s32 $0xFFFFD800  }
0x651: {  	[hbm4b:s1+s2] =	stream.linear.scatter [tilespmem:s13], [sflag:$0xA], $0x2800, $0x38;
	[tilespmem:$0x16000] =	vst v63  }
0x652: {  	_ =	swait.ge [sflag:s8], $0x2800  }
0x653: {  	s30 =	sld [smem:$0x7DE]  }
0x654: {  	[sflag:s8] =	ssyncset.done $0x0  }
0x655: {  	[sflag:s8] =	ssyncadd.s32 $0xFFFFD800  }
0x656: {  	[tilespmem:s18], [sflag:$0x1] =	stream.indirect.gather [hbm4b:s3+s12], $0x80, s30, s12, $0xb8;
	[tilespmem:$0x16000] =	vst v63  }
0x657: {  	_ =	swait.ge [sflag:s22], $0x2800  }
0x658: {  	[sflag:s22] =	ssyncset.done $0x0  }
0x659: {  	s31 =	rddreg [dreg:$0x1e];
	[sflag:s22] =	ssyncadd.s32 $0xFFFFD800  }
0x65a: {  	[hbm4b:s31+s2] =	stream.linear.scatter [tilespmem:s11], [sflag:$0xB], $0x2800, $0x38;
	[tilespmem:$0x16000] =	vst v63  }
0x65b: {  	_ =	swait.ge [sflag:s10], $0x2800  }
0x65c: {  	s1 =	sld [smem:$0x7DF]  }
0x65d: {  	[sflag:s10] =	ssyncset.done $0x0  }
0x65e: {  	[sflag:s10] =	ssyncadd.s32 $0xFFFFD800  }
0x65f: {  	[tilespmem:s13], [sflag:$0x2] =	stream.indirect.gather [hbm4b:s3+s12], $0x80, s1, s12, $0xb8;
	[tilespmem:$0x16000] =	vst v63  }
0x660: {  	_ =	swait.ge [sflag:s23], $0x2800  }
0x661: {  	[sflag:s23] =	ssyncset.done $0x0  }
0x662: {  	s30 =	rddreg [dreg:$0x1f];
	[sflag:s23] =	ssyncadd.s32 $0xFFFFD800  }
0x663: {  	[hbm4b:s30+s2] =	stream.linear.scatter [tilespmem:s9], [sflag:$0xC], $0x2800, $0x38;
	[tilespmem:$0x16000] =	vst v63  }
0x664: {  	_ =	swait.ge [sflag:s14], $0x2800  }
0x665: {  	s31 =	sld [smem:$0x7E0]  }
0x666: {  	[sflag:s14] =	ssyncset.done $0x0  }
0x667: {  	[sflag:s14] =	ssyncadd.s32 $0xFFFFD800  }
0x668: {  	[tilespmem:s11], [sflag:$0x3] =	stream.indirect.gather [hbm4b:s3+s12], $0x80, s31, s12, $0xb8;
	[tilespmem:$0x16000] =	vst v63  }
0x669: {  	_ =	swait.ge [sflag:s25], $0x2800  }
0x66a: {  	s1 =	sld [smem:$0x79B]  }
0x66b: {  	[sflag:s25] =	ssyncset.done $0x0  }
0x66c: {  	[sflag:s25] =	ssyncadd.s32 $0xFFFFD800  }
0x66d: {  	[hbm4b:s1+s2] =	stream.linear.scatter [tilespmem:s7], [sflag:$0xD], $0x2800, $0x38;
	[tilespmem:$0x16000] =	vst v63  }
0x66e: {  	_ =	swait.ge [sflag:s15], $0x2800  }
0x66f: {  	s30 =	sld [smem:$0x7E1]  }
0x670: {  	[sflag:s15] =	ssyncset.done $0x0  }
0x671: {  	[sflag:s15] =	ssyncadd.s32 $0xFFFFD800  }
0x672: {  	[tilespmem:s9], [sflag:$0x4] =	stream.indirect.gather [hbm4b:s3+s12], $0x80, s30, s12, $0xb8;
	[tilespmem:$0x16000] =	vst v63  }
0x673: {  	_ =	swait.ge [sflag:s26], $0x2800  }
0x674: {  	s31 =	sld [smem:$0x79C]  }
0x675: {  	[sflag:s26] =	ssyncset.done $0x0  }
0x676: {  	[sflag:s26] =	ssyncadd.s32 $0xFFFFD800  }
0x677: {  	[hbm4b:s31+s2] =	stream.linear.scatter [tilespmem:s6], [sflag:$0xE], $0x2800, $0x38;
	[tilespmem:$0x16000] =	vst v63  }
0x678: {  	_ =	swait.ge [sflag:s20], $0x2800  }
0x679: {  	s1 =	sld [smem:$0x7E2]  }
0x67a: {  	[sflag:s20] =	ssyncset.done $0x0  }
0x67b: {  	[sflag:s20] =	ssyncadd.s32 $0xFFFFD800  }
0x67c: {  	[tilespmem:s7], [sflag:$0x5] =	stream.indirect.gather [hbm4b:s3+s12], $0x80, s1, s12, $0xb8;
	[tilespmem:$0x16000] =	vst v63  }
0x67d: {  	_ =	swait.ge [sflag:s28], $0x2800  }
0x67e: {  	s30 =	sld [smem:$0x79D]  }
0x67f: {  	[sflag:s28] =	ssyncset.done $0x0  }
0x680: {  	[sflag:s28] =	ssyncadd.s32 $0xFFFFD800  }
0x681: {  	[hbm4b:s30+s2] =	stream.linear.scatter [tilespmem:s5], [sflag:$0xF], $0x2800, $0x38;
	[tilespmem:$0x16000] =	vst v63  }
0x682: {  	_ =	swait.ge [sflag:s19], $0x2800  }
0x683: {  	s31 =	sld [smem:$0x7E3]  }
0x684: {  	[sflag:s19] =	ssyncset.done $0x0  }
0x685: {  	[sflag:s19] =	ssyncadd.s32 $0xFFFFD800  }
0x686: {  	[tilespmem:s6], [sflag:$0x6] =	stream.indirect.gather [hbm4b:s3+s12], $0x80, s31, s12, $0xb8;
	[tilespmem:$0x16000] =	vst v63  }
0x687: {  	_ =	swait.ge [sflag:s24], $0x2800  }
0x688: {  	s1 =	sld [smem:$0x79E]  }
0x689: {  	[sflag:s24] =	ssyncset.done $0x0  }
0x68a: {  	[sflag:s24] =	ssyncadd.s32 $0xFFFFD800  }
0x68b: {  	[hbm4b:s1+s2] =	stream.linear.scatter [tilespmem:s4], [sflag:$0x10], $0x2800, $0x38;
	[tilespmem:$0x16000] =	vst v63  }
0x68c: {  	_ =	swait.ge [sflag:s17], $0x2800  }
0x68d: {  	s30 =	sld [smem:$0x7E4]  }
0x68e: {  	[sflag:s17] =	ssyncset.done $0x0  }
0x68f: {  	[sflag:s17] =	ssyncadd.s32 $0xFFFFD800  }
0x690: {  	[tilespmem:s5], [sflag:$0x7] =	stream.indirect.gather [hbm4b:s3+s12], $0x80, s30, s12, $0xb8;
	[tilespmem:$0x16000] =	vst v63  }
0x691: {  	_ =	swait.ge [sflag:s29], $0x2800  }
0x692: {  	s31 =	sld [smem:$0x79F]  }
0x693: {  	[sflag:s29] =	ssyncset.done $0x0  }
0x694: {  	[sflag:s29] =	ssyncadd.s32 $0xFFFFD800  }
0x695: {  	[hbm4b:s31+s2] =	stream.linear.scatter [tilespmem:s18], [sflag:$0x9], $0x2800, $0x38;
	[tilespmem:$0x16000] =	vst v63  }
0x696: {  	_ =	swait.ge [sflag:s16], $0x2800  }
0x697: {  	s1 =	sld [smem:$0x7E5]  }
0x698: {  	[sflag:s16] =	ssyncset.done $0x0  }
0x699: {  	[sflag:s16] =	ssyncadd.s32 $0xFFFFD800  }
0x69a: {  	[tilespmem:s4], [sflag:$0x8] =	stream.indirect.gather [hbm4b:s3+s12], $0x80, s1, s12, $0xb8;
	[tilespmem:$0x16000] =	vst v63  }
0x69b: {  	_ =	swait.ge [sflag:s21], $0x2800  }
0x69c: {  	s30 =	sld [smem:$0x7A0]  }
0x69d: {  	[sflag:s21] =	ssyncset.done $0x0  }
0x69e: {  	[sflag:s21] =	ssyncadd.s32 $0xFFFFD800  }
0x69f: {  	[hbm4b:s30+s2] =	stream.linear.scatter [tilespmem:s13], [sflag:$0xA], $0x2800, $0x38;
	[tilespmem:$0x16000] =	vst v63  }
0x6a0: {  	_ =	swait.ge [sflag:s8], $0x2800  }
0x6a1: {  	s31 =	sld [smem:$0x7E6]  }
0x6a2: {  	[sflag:s8] =	ssyncset.done $0x0  }
0x6a3: {  	[sflag:s8] =	ssyncadd.s32 $0xFFFFD800  }
0x6a4: {  	[tilespmem:s18], [sflag:$0x1] =	stream.indirect.gather [hbm4b:s3+s12], $0x80, s31, s12, $0xb8;
	[tilespmem:$0x16000] =	vst v63  }
0x6a5: {  	_ =	swait.ge [sflag:s22], $0x2800  }
0x6a6: {  	s1 =	sld [smem:$0x7A1]  }
0x6a7: {  	[sflag:s22] =	ssyncset.done $0x0  }
0x6a8: {  	[sflag:s22] =	ssyncadd.s32 $0xFFFFD800  }
0x6a9: {  	[hbm4b:s1+s2] =	stream.linear.scatter [tilespmem:s11], [sflag:$0xB], $0x2800, $0x38;
	[tilespmem:$0x16000] =	vst v63  }
0x6aa: {  	_ =	swait.ge [sflag:s10], $0x2800  }
0x6ab: {  	s30 =	sld [smem:$0x7E7]  }
0x6ac: {  	[sflag:s10] =	ssyncset.done $0x0  }
0x6ad: {  	[sflag:s10] =	ssyncadd.s32 $0xFFFFD800  }
0x6ae: {  	[tilespmem:s13], [sflag:$0x2] =	stream.indirect.gather [hbm4b:s3+s12], $0x80, s30, s12, $0xb8;
	[tilespmem:$0x16000] =	vst v63  }
0x6af: {  	_ =	swait.ge [sflag:s23], $0x2800  }
0x6b0: {  	s31 =	sld [smem:$0x7A2]  }
0x6b1: {  	[sflag:s23] =	ssyncset.done $0x0  }
0x6b2: {  	[sflag:s23] =	ssyncadd.s32 $0xFFFFD800  }
0x6b3: {  	[hbm4b:s31+s2] =	stream.linear.scatter [tilespmem:s9], [sflag:$0xC], $0x2800, $0x38;
	[tilespmem:$0x16000] =	vst v63  }
0x6b4: {  	_ =	swait.ge [sflag:s14], $0x2800  }
0x6b5: {  	s1 =	sld [smem:$0x7E8]  }
0x6b6: {  	[sflag:s14] =	ssyncset.done $0x0  }
0x6b7: {  	[sflag:s14] =	ssyncadd.s32 $0xFFFFD800  }
0x6b8: {  	[tilespmem:s11], [sflag:$0x3] =	stream.indirect.gather [hbm4b:s3+s12], $0x80, s1, s12, $0xb8;
	[tilespmem:$0x16000] =	vst v63  }
0x6b9: {  	_ =	swait.ge [sflag:s25], $0x2800  }
0x6ba: {  	s30 =	sld [smem:$0x7A3]  }
0x6bb: {  	[sflag:s25] =	ssyncset.done $0x0  }
0x6bc: {  	[sflag:s25] =	ssyncadd.s32 $0xFFFFD800  }
0x6bd: {  	[hbm4b:s30+s2] =	stream.linear.scatter [tilespmem:s7], [sflag:$0xD], $0x2800, $0x38;
	[tilespmem:$0x16000] =	vst v63  }
0x6be: {  	_ =	swait.ge [sflag:s15], $0x2800  }
0x6bf: {  	s31 =	sld [smem:$0x7E9]  }
0x6c0: {  	[sflag:s15] =	ssyncset.done $0x0  }
0x6c1: {  	[sflag:s15] =	ssyncadd.s32 $0xFFFFD800  }
0x6c2: {  	[tilespmem:s9], [sflag:$0x4] =	stream.indirect.gather [hbm4b:s3+s12], $0x80, s31, s12, $0xb8;
	[tilespmem:$0x16000] =	vst v63  }
0x6c3: {  	_ =	swait.ge [sflag:s26], $0x2800  }
0x6c4: {  	s1 =	sld [smem:$0x7A4]  }
0x6c5: {  	[sflag:s26] =	ssyncset.done $0x0  }
0x6c6: {  	[sflag:s26] =	ssyncadd.s32 $0xFFFFD800  }
0x6c7: {  	[hbm4b:s1+s2] =	stream.linear.scatter [tilespmem:s6], [sflag:$0xE], $0x2800, $0x38;
	[tilespmem:$0x16000] =	vst v63  }
0x6c8: {  	_ =	swait.ge [sflag:s20], $0x2800  }
0x6c9: {  	s30 =	sld [smem:$0x7EA]  }
0x6ca: {  	[sflag:s20] =	ssyncset.done $0x0  }
0x6cb: {  	[sflag:s20] =	ssyncadd.s32 $0xFFFFD800  }
0x6cc: {  	[tilespmem:s7], [sflag:$0x5] =	stream.indirect.gather [hbm4b:s3+s12], $0x80, s30, s12, $0xb8;
	[tilespmem:$0x16000] =	vst v63  }
0x6cd: {  	_ =	swait.ge [sflag:s28], $0x2800  }
0x6ce: {  	s31 =	sld [smem:$0x7A5]  }
0x6cf: {  	[sflag:s28] =	ssyncset.done $0x0  }
0x6d0: {  	[sflag:s28] =	ssyncadd.s32 $0xFFFFD800  }
0x6d1: {  	[hbm4b:s31+s2] =	stream.linear.scatter [tilespmem:s5], [sflag:$0xF], $0x2800, $0x38;
	[tilespmem:$0x16000] =	vst v63  }
0x6d2: {  	_ =	swait.ge [sflag:s19], $0x2800  }
0x6d3: {  	s1 =	sld [smem:$0x7EB]  }
0x6d4: {  	[sflag:s19] =	ssyncset.done $0x0  }
0x6d5: {  	[sflag:s19] =	ssyncadd.s32 $0xFFFFD800  }
0x6d6: {  	[tilespmem:s6], [sflag:$0x6] =	stream.indirect.gather [hbm4b:s3+s12], $0x80, s1, s12, $0xb8;
	[tilespmem:$0x16000] =	vst v63  }
0x6d7: {  	_ =	swait.ge [sflag:s24], $0x2800  }
0x6d8: {  	s30 =	sld [smem:$0x7A6]  }
0x6d9: {  	[sflag:s24] =	ssyncset.done $0x0  }
0x6da: {  	[sflag:s24] =	ssyncadd.s32 $0xFFFFD800  }
0x6db: {  	[hbm4b:s30+s2] =	stream.linear.scatter [tilespmem:s4], [sflag:$0x10], $0x2800, $0x38;
	[tilespmem:$0x16000] =	vst v63  }
0x6dc: {  	_ =	swait.ge [sflag:s17], $0x2800  }
0x6dd: {  	s31 =	sld [smem:$0x7EC]  }
0x6de: {  	[sflag:s17] =	ssyncset.done $0x0  }
0x6df: {  	[sflag:s17] =	ssyncadd.s32 $0xFFFFD800  }
0x6e0: {  	[tilespmem:s5], [sflag:$0x7] =	stream.indirect.gather [hbm4b:s3+s12], $0x80, s31, s12, $0xb8;
	[tilespmem:$0x16000] =	vst v63  }
0x6e1: {  	_ =	swait.ge [sflag:s29], $0x2800  }
0x6e2: {  	s1 =	sld [smem:$0x7A7]  }
0x6e3: {  	[sflag:s29] =	ssyncset.done $0x0  }
0x6e4: {  	[sflag:s29] =	ssyncadd.s32 $0xFFFFD800  }
0x6e5: {  	[hbm4b:s1+s2] =	stream.linear.scatter [tilespmem:s18], [sflag:$0x9], $0x2800, $0x38;
	[tilespmem:$0x16000] =	vst v63  }
0x6e6: {  	_ =	swait.ge [sflag:s16], $0x2800  }
0x6e7: {  	s30 =	sld [smem:$0x7ED]  }
0x6e8: {  	[sflag:s16] =	ssyncset.done $0x0  }
0x6e9: {  	[sflag:s16] =	ssyncadd.s32 $0xFFFFD800  }
0x6ea: {  	[tilespmem:s4], [sflag:$0x8] =	stream.indirect.gather [hbm4b:s3+s12], $0x80, s30, s12, $0xb8;
	[tilespmem:$0x16000] =	vst v63  }
0x6eb: {  	_ =	swait.ge [sflag:s21], $0x2800  }
0x6ec: {  	s31 =	sld [smem:$0x7A8]  }
0x6ed: {  	[sflag:s21] =	ssyncset.done $0x0  }
0x6ee: {  	[sflag:s21] =	ssyncadd.s32 $0xFFFFD800  }
0x6ef: {  	[hbm4b:s31+s2] =	stream.linear.scatter [tilespmem:s13], [sflag:$0xA], $0x2800, $0x38;
	[tilespmem:$0x16000] =	vst v63  }
0x6f0: {  	_ =	swait.ge [sflag:s8], $0x2800  }
0x6f1: {  	s1 =	sld [smem:$0x7EE]  }
0x6f2: {  	[sflag:s8] =	ssyncset.done $0x0  }
0x6f3: {  	[sflag:s8] =	ssyncadd.s32 $0xFFFFD800  }
0x6f4: {  	[tilespmem:s18], [sflag:$0x1] =	stream.indirect.gather [hbm4b:s3+s12], $0x80, s1, s12, $0xb8;
	[tilespmem:$0x16000] =	vst v63  }
0x6f5: {  	_ =	swait.ge [sflag:s22], $0x2800  }
0x6f6: {  	s30 =	sld [smem:$0x7A9]  }
0x6f7: {  	[sflag:s22] =	ssyncset.done $0x0  }
0x6f8: {  	[sflag:s22] =	ssyncadd.s32 $0xFFFFD800  }
0x6f9: {  	[hbm4b:s30+s2] =	stream.linear.scatter [tilespmem:s11], [sflag:$0xB], $0x2800, $0x38;
	[tilespmem:$0x16000] =	vst v63  }
0x6fa: {  	_ =	swait.ge [sflag:s10], $0x2800  }
0x6fb: {  	s31 =	sld [smem:$0x7EF]  }
0x6fc: {  	[sflag:s10] =	ssyncset.done $0x0  }
0x6fd: {  	[sflag:s10] =	ssyncadd.s32 $0xFFFFD800  }
0x6fe: {  	[tilespmem:s13], [sflag:$0x2] =	stream.indirect.gather [hbm4b:s3+s12], $0x80, s31, s12, $0xb8;
	[tilespmem:$0x16000] =	vst v63  }
0x6ff: {  	_ =	swait.ge [sflag:s23], $0x2800  }
0x700: {  	s1 =	sld [smem:$0x7AA]  }
0x701: {  	[sflag:s23] =	ssyncset.done $0x0  }
0x702: {  	[sflag:s23] =	ssyncadd.s32 $0xFFFFD800  }
0x703: {  	[hbm4b:s1+s2] =	stream.linear.scatter [tilespmem:s9], [sflag:$0xC], $0x2800, $0x38;
	[tilespmem:$0x16000] =	vst v63  }
0x704: {  	_ =	swait.ge [sflag:s14], $0x2800  }
0x705: {  	s30 =	sld [smem:$0x7F0]  }
0x706: {  	[sflag:s14] =	ssyncset.done $0x0  }
0x707: {  	[sflag:s14] =	ssyncadd.s32 $0xFFFFD800  }
0x708: {  	[tilespmem:s11], [sflag:$0x3] =	stream.indirect.gather [hbm4b:s3+s12], $0x80, s30, s12, $0xb8;
	[tilespmem:$0x16000] =	vst v63  }
0x709: {  	_ =	swait.ge [sflag:s25], $0x2800  }
0x70a: {  	s31 =	sld [smem:$0x7AB]  }
0x70b: {  	[sflag:s25] =	ssyncset.done $0x0  }
0x70c: {  	[sflag:s25] =	ssyncadd.s32 $0xFFFFD800  }
0x70d: {  	[hbm4b:s31+s2] =	stream.linear.scatter [tilespmem:s7], [sflag:$0xD], $0x2800, $0x38;
	[tilespmem:$0x16000] =	vst v63  }
0x70e: {  	_ =	swait.ge [sflag:s15], $0x2800  }
0x70f: {  	s1 =	sld [smem:$0x7F1]  }
0x710: {  	[sflag:s15] =	ssyncset.done $0x0  }
0x711: {  	[sflag:s15] =	ssyncadd.s32 $0xFFFFD800  }
0x712: {  	[tilespmem:s9], [sflag:$0x4] =	stream.indirect.gather [hbm4b:s3+s12], $0x80, s1, s12, $0xb8;
	[tilespmem:$0x16000] =	vst v63  }
0x713: {  	_ =	swait.ge [sflag:s26], $0x2800  }
0x714: {  	s30 =	sld [smem:$0x7AC]  }
0x715: {  	[sflag:s26] =	ssyncset.done $0x0  }
0x716: {  	[sflag:s26] =	ssyncadd.s32 $0xFFFFD800  }
0x717: {  	[hbm4b:s30+s2] =	stream.linear.scatter [tilespmem:s6], [sflag:$0xE], $0x2800, $0x38;
	[tilespmem:$0x16000] =	vst v63  }
0x718: {  	_ =	swait.ge [sflag:s20], $0x2800  }
0x719: {  	s31 =	sld [smem:$0x7F2]  }
0x71a: {  	[sflag:s20] =	ssyncset.done $0x0  }
0x71b: {  	[sflag:s20] =	ssyncadd.s32 $0xFFFFD800  }
0x71c: {  	[tilespmem:s7], [sflag:$0x5] =	stream.indirect.gather [hbm4b:s3+s12], $0x80, s31, s12, $0xb8;
	[tilespmem:$0x16000] =	vst v63  }
0x71d: {  	_ =	swait.ge [sflag:s28], $0x2800  }
0x71e: {  	s1 =	sld [smem:$0x7AD]  }
0x71f: {  	[sflag:s28] =	ssyncset.done $0x0  }
0x720: {  	[sflag:s28] =	ssyncadd.s32 $0xFFFFD800  }
0x721: {  	[hbm4b:s1+s2] =	stream.linear.scatter [tilespmem:s5], [sflag:$0xF], $0x2800, $0x38;
	[tilespmem:$0x16000] =	vst v63  }
0x722: {  	_ =	swait.ge [sflag:s19], $0x2800  }
0x723: {  	s30 =	sld [smem:$0x7F3]  }
0x724: {  	[sflag:s19] =	ssyncset.done $0x0  }
0x725: {  	[sflag:s19] =	ssyncadd.s32 $0xFFFFD800  }
0x726: {  	[tilespmem:s6], [sflag:$0x6] =	stream.indirect.gather [hbm4b:s3+s12], $0x80, s30, s12, $0xb8;
	[tilespmem:$0x16000] =	vst v63  }
0x727: {  	_ =	swait.ge [sflag:s24], $0x2800  }
0x728: {  	s31 =	sld [smem:$0x7AE]  }
0x729: {  	[sflag:s24] =	ssyncset.done $0x0  }
0x72a: {  	[sflag:s24] =	ssyncadd.s32 $0xFFFFD800  }
0x72b: {  	[hbm4b:s31+s2] =	stream.linear.scatter [tilespmem:s4], [sflag:$0x10], $0x2800, $0x38;
	[tilespmem:$0x16000] =	vst v63  }
0x72c: {  	_ =	swait.ge [sflag:s17], $0x2800  }
0x72d: {  	s1 =	sld [smem:$0x7F4]  }
0x72e: {  	[sflag:s17] =	ssyncset.done $0x0  }
0x72f: {  	[sflag:s17] =	ssyncadd.s32 $0xFFFFD800  }
0x730: {  	[tilespmem:s5], [sflag:$0x7] =	stream.indirect.gather [hbm4b:s3+s12], $0x80, s1, s12, $0xb8;
	[tilespmem:$0x16000] =	vst v63  }
0x731: {  	_ =	swait.ge [sflag:s29], $0x2800  }
0x732: {  	s30 =	sld [smem:$0x7AF]  }
0x733: {  	[sflag:s29] =	ssyncset.done $0x0  }
0x734: {  	[sflag:s29] =	ssyncadd.s32 $0xFFFFD800  }
0x735: {  	[hbm4b:s30+s2] =	stream.linear.scatter [tilespmem:s18], [sflag:$0x9], $0x2800, $0x38;
	[tilespmem:$0x16000] =	vst v63  }
0x736: {  	_ =	swait.ge [sflag:s16], $0x2800  }
0x737: {  	s31 =	sld [smem:$0x7F5]  }
0x738: {  	[sflag:s16] =	ssyncset.done $0x0  }
0x739: {  	[sflag:s16] =	ssyncadd.s32 $0xFFFFD800  }
0x73a: {  	[tilespmem:s4], [sflag:$0x8] =	stream.indirect.gather [hbm4b:s3+s12], $0x80, s31, s12, $0xb8;
	[tilespmem:$0x16000] =	vst v63  }
0x73b: {  	_ =	swait.ge [sflag:s21], $0x2800  }
0x73c: {  	s1 =	sld [smem:$0x7B0]  }
0x73d: {  	[sflag:s21] =	ssyncset.done $0x0  }
0x73e: {  	[sflag:s21] =	ssyncadd.s32 $0xFFFFD800  }
0x73f: {  	[hbm4b:s1+s2] =	stream.linear.scatter [tilespmem:s13], [sflag:$0xA], $0x2800, $0x38;
	[tilespmem:$0x16000] =	vst v63  }
0x740: {  	_ =	swait.ge [sflag:s8], $0x2800  }
0x741: {  	s30 =	sld [smem:$0x7F6]  }
0x742: {  	[sflag:s8] =	ssyncset.done $0x0  }
0x743: {  	[sflag:s8] =	ssyncadd.s32 $0xFFFFD800  }
0x744: {  	[tilespmem:s18], [sflag:$0x1] =	stream.indirect.gather [hbm4b:s3+s12], $0x80, s30, s12, $0xb8;
	[tilespmem:$0x16000] =	vst v63  }
0x745: {  	_ =	swait.ge [sflag:s22], $0x2800  }
0x746: {  	s31 =	sld [smem:$0x7B1]  }
0x747: {  	[sflag:s22] =	ssyncset.done $0x0  }
0x748: {  	[sflag:s22] =	ssyncadd.s32 $0xFFFFD800  }
0x749: {  	[hbm4b:s31+s2] =	stream.linear.scatter [tilespmem:s11], [sflag:$0xB], $0x2800, $0x38;
	[tilespmem:$0x16000] =	vst v63  }
0x74a: {  	_ =	swait.ge [sflag:s10], $0x2800  }
0x74b: {  	s1 =	sld [smem:$0x7F7]  }
0x74c: {  	[sflag:s10] =	ssyncset.done $0x0  }
0x74d: {  	[sflag:s10] =	ssyncadd.s32 $0xFFFFD800  }
0x74e: {  	[tilespmem:s13], [sflag:$0x2] =	stream.indirect.gather [hbm4b:s3+s12], $0x80, s1, s12, $0xb8;
	[tilespmem:$0x16000] =	vst v63  }
0x74f: {  	_ =	swait.ge [sflag:s23], $0x2800  }
0x750: {  	s30 =	sld [smem:$0x7B2]  }
0x751: {  	[sflag:s23] =	ssyncset.done $0x0  }
0x752: {  	[sflag:s23] =	ssyncadd.s32 $0xFFFFD800  }
0x753: {  	[hbm4b:s30+s2] =	stream.linear.scatter [tilespmem:s9], [sflag:$0xC], $0x2800, $0x38;
	[tilespmem:$0x16000] =	vst v63  }
0x754: {  	_ =	swait.ge [sflag:s14], $0x2800  }
0x755: {  	s31 =	sld [smem:$0x7F8]  }
0x756: {  	[sflag:s14] =	ssyncset.done $0x0  }
0x757: {  	[sflag:s14] =	ssyncadd.s32 $0xFFFFD800  }
0x758: {  	[tilespmem:s11], [sflag:$0x3] =	stream.indirect.gather [hbm4b:s3+s12], $0x80, s31, s12, $0xb8;
	[tilespmem:$0x16000] =	vst v63  }
0x759: {  	_ =	swait.ge [sflag:s25], $0x2800  }
0x75a: {  	s1 =	sld [smem:$0x7B3]  }
0x75b: {  	[sflag:s25] =	ssyncset.done $0x0  }
0x75c: {  	[sflag:s25] =	ssyncadd.s32 $0xFFFFD800  }
0x75d: {  	[hbm4b:s1+s2] =	stream.linear.scatter [tilespmem:s7], [sflag:$0xD], $0x2800, $0x38;
	[tilespmem:$0x16000] =	vst v63  }
0x75e: {  	_ =	swait.ge [sflag:s15], $0x2800  }
0x75f: {  	s30 =	sld [smem:$0x7F9]  }
0x760: {  	[sflag:s15] =	ssyncset.done $0x0  }
0x761: {  	[sflag:s15] =	ssyncadd.s32 $0xFFFFD800  }
0x762: {  	[tilespmem:s9], [sflag:$0x4] =	stream.indirect.gather [hbm4b:s3+s12], $0x80, s30, s12, $0xb8;
	[tilespmem:$0x16000] =	vst v63  }
0x763: {  	_ =	swait.ge [sflag:s26], $0x2800  }
0x764: {  	s31 =	sld [smem:$0x7B4]  }
0x765: {  	[sflag:s26] =	ssyncset.done $0x0  }
0x766: {  	[sflag:s26] =	ssyncadd.s32 $0xFFFFD800  }
0x767: {  	[hbm4b:s31+s2] =	stream.linear.scatter [tilespmem:s6], [sflag:$0xE], $0x2800, $0x38;
	[tilespmem:$0x16000] =	vst v63  }
0x768: {  	_ =	swait.ge [sflag:s20], $0x2800  }
0x769: {  	s1 =	sld [smem:$0x7FA]  }
0x76a: {  	[sflag:s20] =	ssyncset.done $0x0  }
0x76b: {  	[sflag:s20] =	ssyncadd.s32 $0xFFFFD800  }
0x76c: {  	[tilespmem:s7], [sflag:$0x5] =	stream.indirect.gather [hbm4b:s3+s12], $0x80, s1, s12, $0xb8;
	[tilespmem:$0x16000] =	vst v63  }
0x76d: {  	_ =	swait.ge [sflag:s28], $0x2800  }
0x76e: {  	s30 =	sld [smem:$0x7B5]  }
0x76f: {  	[sflag:s28] =	ssyncset.done $0x0  }
0x770: {  	[sflag:s28] =	ssyncadd.s32 $0xFFFFD800  }
0x771: {  	[hbm4b:s30+s2] =	stream.linear.scatter [tilespmem:s5], [sflag:$0xF], $0x2800, $0x38;
	[tilespmem:$0x16000] =	vst v63  }
0x772: {  	_ =	swait.ge [sflag:s19], $0x2800  }
0x773: {  	s31 =	sld [smem:$0x7FB]  }
0x774: {  	[sflag:s19] =	ssyncset.done $0x0  }
0x775: {  	[sflag:s19] =	ssyncadd.s32 $0xFFFFD800  }
0x776: {  	[tilespmem:s6], [sflag:$0x6] =	stream.indirect.gather [hbm4b:s3+s12], $0x80, s31, s12, $0xb8;
	[tilespmem:$0x16000] =	vst v63  }
0x777: {  	_ =	swait.ge [sflag:s24], $0x2800  }
0x778: {  	s1 =	sld [smem:$0x7B6]  }
0x779: {  	[sflag:s24] =	ssyncset.done $0x0  }
0x77a: {  	[sflag:s24] =	ssyncadd.s32 $0xFFFFD800  }
0x77b: {  	[hbm4b:s1+s2] =	stream.linear.scatter [tilespmem:s4], [sflag:$0x10], $0x2800, $0x38;
	[tilespmem:$0x16000] =	vst v63  }
0x77c: {  	_ =	swait.ge [sflag:s17], $0x2800  }
0x77d: {  	s30 =	sld [smem:$0x7FC]  }
0x77e: {  	[sflag:s17] =	ssyncset.done $0x0  }
0x77f: {  	[sflag:s17] =	ssyncadd.s32 $0xFFFFD800  }
0x780: {  	[tilespmem:s5], [sflag:$0x7] =	stream.indirect.gather [hbm4b:s3+s12], $0x80, s30, s12, $0xb8;
	[tilespmem:$0x16000] =	vst v63  }
0x781: {  	_ =	swait.ge [sflag:s29], $0x2800  }
0x782: {  	s31 =	sld [smem:$0x7B7]  }
0x783: {  	[sflag:s29] =	ssyncset.done $0x0  }
0x784: {  	[sflag:s29] =	ssyncadd.s32 $0xFFFFD800  }
0x785: {  	[hbm4b:s31+s2] =	stream.linear.scatter [tilespmem:s18], [sflag:$0x9], $0x2800, $0x38;
	[tilespmem:$0x16000] =	vst v63  }
0x786: {  	_ =	swait.ge [sflag:s16], $0x2800  }
0x787: {  	s1 =	sld [smem:$0x7FD]  }
0x788: {  	[sflag:s16] =	ssyncset.done $0x0  }
0x789: {  	[sflag:s16] =	ssyncadd.s32 $0xFFFFD800  }
0x78a: {  	[tilespmem:s4], [sflag:$0x8] =	stream.indirect.gather [hbm4b:s3+s12], $0x80, s1, s12, $0xb8;
	[tilespmem:$0x16000] =	vst v63  }
0x78b: {  	_ =	swait.ge [sflag:s21], $0x2800  }
0x78c: {  	s18 =	sld [smem:$0x7B8]  }
0x78d: {  	[sflag:s21] =	ssyncset.done $0x0  }
0x78e: {  	[sflag:s21] =	ssyncadd.s32 $0xFFFFD800  }
0x78f: {  	[hbm4b:s18+s2] =	stream.linear.scatter [tilespmem:s13], [sflag:$0xA], $0x2800, $0x38;
	[tilespmem:$0x16000] =	vst v63  }
0x790: {  	_ =	swait.ge [sflag:s22], $0x2800  }
0x791: {  	s21 =	sld [smem:$0x7B9]  }
0x792: {  	[sflag:s22] =	ssyncset.done $0x0  }
0x793: {  	[sflag:s22] =	ssyncadd.s32 $0xFFFFD800  }
0x794: {  	[hbm4b:s21+s2] =	stream.linear.scatter [tilespmem:s11], [sflag:$0xB], $0x2800, $0x38;
	[tilespmem:$0x16000] =	vst v63  }
0x795: {  	_ =	swait.ge [sflag:s23], $0x2800  }
0x796: {  	s22 =	sld [smem:$0x7BA]  }
0x797: {  	[sflag:s23] =	ssyncset.done $0x0  }
0x798: {  	[sflag:s23] =	ssyncadd.s32 $0xFFFFD800  }
0x799: {  	[hbm4b:s22+s2] =	stream.linear.scatter [tilespmem:s9], [sflag:$0xC], $0x2800, $0x38;
	[tilespmem:$0x16000] =	vst v63  }
0x79a: {  	_ =	swait.ge [sflag:s25], $0x2800  }
0x79b: {  	s23 =	sld [smem:$0x7BB]  }
0x79c: {  	[sflag:s25] =	ssyncset.done $0x0  }
0x79d: {  	[sflag:s25] =	ssyncadd.s32 $0xFFFFD800  }
0x79e: {  	[hbm4b:s23+s2] =	stream.linear.scatter [tilespmem:s7], [sflag:$0xD], $0x2800, $0x38;
	[tilespmem:$0x16000] =	vst v63  }
0x79f: {  	_ =	swait.ge [sflag:s26], $0x2800  }
0x7a0: {  	s25 =	sld [smem:$0x7BC]  }
0x7a1: {  	[sflag:s26] =	ssyncset.done $0x0  }
0x7a2: {  	[sflag:s26] =	ssyncadd.s32 $0xFFFFD800  }
0x7a3: {  	[hbm4b:s25+s2] =	stream.linear.scatter [tilespmem:s6], [sflag:$0xE], $0x2800, $0x38;
	[tilespmem:$0x16000] =	vst v63  }
0x7a4: {  	_ =	swait.ge [sflag:s28], $0x2800  }
0x7a5: {  	s29 =	sld [smem:$0x7BD]  }
0x7a6: {  	[sflag:s28] =	ssyncset.done $0x0  }
0x7a7: {  	[sflag:s28] =	ssyncadd.s32 $0xFFFFD800  }
0x7a8: {  	[hbm4b:s29+s2] =	stream.linear.scatter [tilespmem:s5], [sflag:$0xF], $0x2800, $0x38;
	[tilespmem:$0x16000] =	vst v63  }
0x7a9: {  	_ =	swait.ge [sflag:s24], $0x2800  }
0x7aa: {  	s30 =	sld [smem:$0x7BE]  }
0x7ab: {  	[sflag:s24] =	ssyncset.done $0x0  }
0x7ac: {  	[sflag:s24] =	ssyncadd.s32 $0xFFFFD800  }
0x7ad: {  	[hbm4b:s30+s2] =	stream.linear.scatter [tilespmem:s4], [sflag:$0x10], $0x2800, $0x38;
	[tilespmem:$0x16000] =	vst v63  }
0x7ae: {  	_ =	swait.ge [sflag:s8], $0x2800  }
0x7af: {  	[sflag:s8] =	ssyncset.done $0x0  }
0x7b0: {  	[sflag:s8] =	ssyncadd.s32 $0xFFFFD800  }
0x7b1: {  	_ =	swait.ge [sflag:s10], $0x2800  }
0x7b2: {  	[sflag:s10] =	ssyncset.done $0x0  }
0x7b3: {  	[sflag:s10] =	ssyncadd.s32 $0xFFFFD800  }
0x7b4: {  	_ =	swait.ge [sflag:s14], $0x2800  }
0x7b5: {  	[sflag:s14] =	ssyncset.done $0x0  }
0x7b6: {  	[sflag:s14] =	ssyncadd.s32 $0xFFFFD800  }
0x7b7: {  	_ =	swait.ge [sflag:s15], $0x2800  }
0x7b8: {  	[sflag:s15] =	ssyncset.done $0x0  }
0x7b9: {  	[sflag:s15] =	ssyncadd.s32 $0xFFFFD800  }
0x7ba: {  	_ =	swait.ge [sflag:s20], $0x2800  }
0x7bb: {  	[sflag:s20] =	ssyncset.done $0x0  }
0x7bc: {  	[sflag:s20] =	ssyncadd.s32 $0xFFFFD800  }
0x7bd: {  	_ =	swait.ge [sflag:s19], $0x2800  }
0x7be: {  	[sflag:s19] =	ssyncset.done $0x0  }
0x7bf: {  	[sflag:s19] =	ssyncadd.s32 $0xFFFFD800  }
0x7c0: {  	_ =	swait.ge [sflag:s17], $0x2800  }
0x7c1: {  	[sflag:s17] =	ssyncset.done $0x0  }
0x7c2: {  	[sflag:s17] =	ssyncadd.s32 $0xFFFFD800  }
0x7c3: {  	_ =	swait.ge [sflag:s16], $0x2800  }
0x7c4: {  	[sflag:s16] =	ssyncset.done $0x0  }
0x7c5: {  	[sflag:s16] =	ssyncadd.s32 $0xFFFFD800  }
0x7c6: {  	_ =	sfence.sel $0x180000  }
0x7c7: {  	[bflag:$0x0] =	sbarrier.arrive $0xFFFF  }
0x7c8: {  	_ =	strace $0x90000047  }
0x7c9: {  	s31 =	stileid.u32;
	[bflag:$0x2] =	sbarrier.arrive $0xFFFF  }
0x7ca: {  	p0 =	sne.s32 s31, $0x0;
	s0 =	rddreg [dreg:$0x3]  }
0x7cb: {  	s0 =	sadd.s32 @!p0 $0x100000, s0  }
0x7cc: {  	[sflag:s0] =	ssyncadd.tile.s32 @!p0 $0x1;
	_ =	shalt  }
.LBB2_1:
.Ltmp3:
0x7cd: {  	(pc) =	sbr.rel .LBB2_6-.Ltmp3, $2  }
0x7ce: {  	_ =	sdelay $0x2  }
0x7cf: {  	s30 =	sld [smem:$0x79A]  }
.LBB2_3:
.Ltmp4:
0x7d0: {  	(pc) =	sbr.rel .LBB2_6-.Ltmp4, $2  }
0x7d1: {  	_ =	sdelay $0x2  }
0x7d2: {  	s30 =	sld [smem:$0x79A]  }
.Lfunc_end2:
_tile_overlayer_lowered:
.L_overlay_start_2:
0x7d3: {  	(tag) =	ssettag $0x2  }
0x7d4: {  	s0 =	rddreg [dreg:$0x0];
	s2 =	stileid.u32  }
0x7d5: {  	s1 =	rddreg [dreg:$0x1];
	p0 =	sne.s32 s2, $0x0  }
0x7d6: {  	s3 =	rddreg [dreg:$0x2];
	[bflag:$0x3] =	sbarrier.arrive $0xFFFF;
	s2 =	simm.s32 @!p0 $0x1C11  }
0x7d7: {  	[timem:s3], [sflag:s2] =	dma.local @!p0 [hbm:s0], s1  }
0x7d8: {  	s0 =	simm.s32 @!p0 $0x11  }
0x7d9: {  	_ =	swait.ge @!p0 [sflag:s0], s1  }
0x7da: {  	s1 =	ssub.s32 @!p0 $0x0, s1;
	[sflag:s0] =	ssyncset.done @!p0 $0x0  }
0x7db: {  	[sflag:s0] =	ssyncadd.s32 @!p0 s1  }
0x7dc: {  	[bflag:$0x3] =	sbarrier.arrive $0xFFFF  }
0x7dd: {  	_ =	shalt  }

</sc_bundles>
